<compile_context>
chip_gen: v7x
topology: tpu7x:2x2x1
jax: 0.10.2.dev20260603
libtpu: 0.0.44.dev20260713+nightly
codegen_flags: <defaults>
</compile_context>

<pallas_src>
import functools

import jax
import jax.numpy as jnp
from jax import lax
from jax.experimental import pallas as pl
from jax.experimental.pallas import tpu as pltpu
from jax.experimental.pallas import tpu_sc as plsc

N = 10000
E = 160000
F_IN = 128
DIM = 32
EA = 16
B = 64

NC = 2
NS = 16
NW = NC * NS
PER_W = E // NW
CH = 1000
NCH = PER_W // CH


EH_A = 80640
EH_B = E - EH_A
PW_A = EH_A // NW
PW_B = EH_B // NW


def _make_gather_body(off, per_w):
    def body(feat_hbm, src_hbm, xj_hbm, idx_v, rows_v, sem):
        wid = lax.axis_index("s") * NC + lax.axis_index("c")
        pltpu.sync_copy(src_hbm.at[pl.ds(off + wid * per_w, per_w)], idx_v)
        pltpu.async_copy(feat_hbm.at[idx_v], rows_v, sem).wait()
        pltpu.sync_copy(rows_v, xj_hbm.at[pl.ds(wid * per_w, per_w)])
    return body


def _make_scatter_body(off, per_w, with_deg):
    def body(*refs):
        if with_deg:
            (msg_hbm, dst_hbm, ones_hbm, zero_hbm, zeron_hbm, part_hbm,
             degp_hbm, idx_v, rows_v, ones_v, acc_sh, deg_sh, sem) = refs
        else:
            (msg_hbm, dst_hbm, zero_hbm, part_hbm,
             idx_v, rows_v, acc_sh, sem) = refs
        c = lax.axis_index("c")
        s = lax.axis_index("s")

        @pl.when(s == 0)
        def _():
            pltpu.sync_copy(zero_hbm, acc_sh)

        if with_deg:
            pltpu.sync_copy(ones_hbm, ones_v)

            @pl.when(s == 0)
            def _():
                pltpu.sync_copy(zeron_hbm, deg_sh)

        wid = lax.axis_index("s") * NC + lax.axis_index("c")
        di = pltpu.async_copy(dst_hbm.at[pl.ds(off + wid * per_w, per_w)],
                              idx_v, sem)
        dr = pltpu.async_copy(msg_hbm.at[pl.ds(wid * per_w, per_w)],
                              rows_v, sem)
        plsc.subcore_barrier()
        di.wait()
        dr.wait()
        pltpu.sync_copy(rows_v, acc_sh.at[idx_v], add=True)
        if with_deg:
            pltpu.sync_copy(ones_v, deg_sh.at[idx_v], add=True)
        plsc.subcore_barrier()

        @pl.when(s == 0)
        def _():
            pltpu.sync_copy(acc_sh, part_hbm.at[c])

        if with_deg:
            @pl.when(s == 0)
            def _():
                pltpu.sync_copy(deg_sh, degp_hbm.at[c])
    return body


@functools.cache
def _sc_kernels():
    mesh = plsc.VectorSubcoreMesh(core_axis_name="c", subcore_axis_name="s")
    params = pltpu.CompilerParams(use_tc_tiling_on_sc=False)
    ks = {}
    for half, (off, per_w, eh) in {"a": (0, PW_A, EH_A),
                                   "b": (EH_A, PW_B, EH_B)}.items():
        ks["gather_" + half] = pl.kernel(
            _make_gather_body(off, per_w),
            out_type=jax.ShapeDtypeStruct((eh, DIM), jnp.float32),
            mesh=mesh,
            compiler_params=params,
            scratch_types=[
                pltpu.VMEM((per_w,), jnp.int32),
                pltpu.VMEM((per_w, DIM), jnp.float32),
                pltpu.SemaphoreType.DMA,
            ],
        )
        bufs = [
            pltpu.VMEM((per_w,), jnp.int32),
            pltpu.VMEM((per_w, DIM), jnp.float32),
        ]
        ks["scatter_" + half] = pl.kernel(
            _make_scatter_body(off, per_w, False),
            out_type=jax.ShapeDtypeStruct((NC, N, DIM), jnp.float32),
            mesh=mesh,
            compiler_params=params,
            scratch_types=bufs + [
                pltpu.VMEM_SHARED((N, DIM), jnp.float32),
                pltpu.SemaphoreType.DMA,
            ],
        )
        ks["scatter_deg_" + half] = pl.kernel(
            _make_scatter_body(off, per_w, True),
            out_type=[jax.ShapeDtypeStruct((NC, N, DIM), jnp.float32),
                      jax.ShapeDtypeStruct((NC, N), jnp.float32)],
            mesh=mesh,
            compiler_params=params,
            scratch_types=bufs + [
                pltpu.VMEM((per_w,), jnp.float32),
                pltpu.VMEM_SHARED((N, DIM), jnp.float32),
                pltpu.VMEM_SHARED((N,), jnp.float32),
                pltpu.SemaphoreType.DMA,
            ],
        )
    return ks


def _gather_call(half, feat, src):
    return _sc_kernels()["gather_" + half](feat, src)


def _scatter_call(half, msg, dst, zeros_nd):
    return _sc_kernels()["scatter_" + half](msg, dst, zeros_nd)


def _scatter_deg_call(half, msg, dst, ones_w, zeros_nd, zeros_n):
    return _sc_kernels()["scatter_deg_" + half](msg, dst, ones_w, zeros_nd,
                                                zeros_n)



TN_PROJ = 2000


def _proj_body(x_ref, w_ref, b_ref, o_ref):
    o_ref[...] = jax.nn.relu(
        jnp.dot(x_ref[...], w_ref[...], preferred_element_type=jnp.float32)
        + b_ref[...]
    )


def _proj(x, w0t, b0r):
    return pl.pallas_call(
        _proj_body,
        grid=(N // TN_PROJ,),
        in_specs=[
            pl.BlockSpec((TN_PROJ, F_IN), lambda i: (i, 0)),
            pl.BlockSpec((F_IN, DIM), lambda i: (0, 0)),
            pl.BlockSpec((1, DIM), lambda i: (0, 0)),
        ],
        out_specs=pl.BlockSpec((TN_PROJ, DIM), lambda i: (i, 0)),
        out_shape=jax.ShapeDtypeStruct((N, DIM), jnp.float32),
    )(x, w0t, b0r)


TE = 1280


def _msg_body(ea_ref, xj_ref, w1_ref, b1_ref, w2_ref, b2_ref, r_ref, o_ref):
    hid = jax.nn.relu(
        jnp.dot(ea_ref[...], w1_ref[...], preferred_element_type=jnp.float32)
        + b1_ref[...]
    )
    wm = jnp.dot(hid.astype(jnp.bfloat16), w2_ref[...],
                 preferred_element_type=jnp.float32).astype(jnp.bfloat16)
    wm = wm + b2_ref[...]
    xjr = jnp.dot(xj_ref[...].astype(jnp.bfloat16), r_ref[...],
                  preferred_element_type=jnp.float32).astype(jnp.bfloat16)
    p = wm * xjr
    w = DIM * DIM
    while w > DIM:
        w //= 2
        p = p[:, :w] + p[:, w:]
    o_ref[...] = p.astype(jnp.float32)


def _msg(half, edge_attr, xj, w1t, b1r, w2t, b2r, rmat):
    eh = EH_A if half == "a" else EH_B
    off = 0 if half == "a" else EH_A // TE
    return pl.pallas_call(
        _msg_body,
        grid=(eh // TE,),
        in_specs=[
            pl.BlockSpec((TE, EA), lambda i: (i + off, 0)),
            pl.BlockSpec((TE, DIM), lambda i: (i, 0)),
            pl.BlockSpec((EA, F_IN), lambda i: (0, 0)),
            pl.BlockSpec((1, F_IN), lambda i: (0, 0)),
            pl.BlockSpec((F_IN, DIM * DIM), lambda i: (0, 0)),
            pl.BlockSpec((1, DIM * DIM), lambda i: (0, 0)),
            pl.BlockSpec((DIM, DIM * DIM), lambda i: (0, 0)),
        ],
        out_specs=pl.BlockSpec((TE, DIM), lambda i: (i, 0)),
        out_shape=jax.ShapeDtypeStruct((eh, DIM), jnp.float32),
    )(edge_attr, xj, w1t, b1r, w2t, b2r, rmat)


TN_GRU = 2000


def _gru_body(p0_ref, p1_ref, p2_ref, p3_ref, d0_ref, d1_ref, d2_ref,
              d3_ref, h_ref, bc_ref, wi_ref, bi_ref, wh_ref, bh_ref, o_ref):
    deg = jnp.maximum(
        d0_ref[...] + d1_ref[...] + d2_ref[...] + d3_ref[...], 1.0)
    agg = (p0_ref[...] + p1_ref[...] + p2_ref[...] + p3_ref[...]) / deg \
        + bc_ref[...]
    m = jax.nn.relu(agg)
    h = h_ref[...]
    gi = (
        jnp.dot(m, wi_ref[...], preferred_element_type=jnp.float32)
        + bi_ref[...]
    )
    gh = (
        jnp.dot(h, wh_ref[...], preferred_element_type=jnp.float32)
        + bh_ref[...]
    )
    r = jax.nn.sigmoid(gi[:, :DIM] + gh[:, :DIM])
    z = jax.nn.sigmoid(gi[:, DIM:2 * DIM] + gh[:, DIM:2 * DIM])
    n = jnp.tanh(gi[:, 2 * DIM:] + r * gh[:, 2 * DIM:])
    o_ref[...] = (1.0 - z) * n + z * h


def _gru(p0, p1, p2, p3, d0, d1, d2, d3, h, bcr, wit, bir, wht, bhr):
    return pl.pallas_call(
        _gru_body,
        grid=(N // TN_GRU,),
        in_specs=[
            pl.BlockSpec((TN_GRU, DIM), lambda i: (i, 0)),
            pl.BlockSpec((TN_GRU, DIM), lambda i: (i, 0)),
            pl.BlockSpec((TN_GRU, DIM), lambda i: (i, 0)),
            pl.BlockSpec((TN_GRU, DIM), lambda i: (i, 0)),
            pl.BlockSpec((TN_GRU, 1), lambda i: (i, 0)),
            pl.BlockSpec((TN_GRU, 1), lambda i: (i, 0)),
            pl.BlockSpec((TN_GRU, 1), lambda i: (i, 0)),
            pl.BlockSpec((TN_GRU, 1), lambda i: (i, 0)),
            pl.BlockSpec((TN_GRU, DIM), lambda i: (i, 0)),
            pl.BlockSpec((1, DIM), lambda i: (0, 0)),
            pl.BlockSpec((DIM, 3 * DIM), lambda i: (0, 0)),
            pl.BlockSpec((1, 3 * DIM), lambda i: (0, 0)),
            pl.BlockSpec((DIM, 3 * DIM), lambda i: (0, 0)),
            pl.BlockSpec((1, 3 * DIM), lambda i: (0, 0)),
        ],
        out_specs=pl.BlockSpec((TN_GRU, DIM), lambda i: (i, 0)),
        out_shape=jax.ShapeDtypeStruct((N, DIM), jnp.float32),
    )(p0, p1, p2, p3, d0, d1, d2, d3, h, bcr, wit, bir, wht, bhr)


def _s2s_body(h_ref, b_ref, wi_ref, wh_ref, bi_ref, bh_ref, o_ref):
    h = h_ref[...]
    seg = lax.broadcasted_iota(jnp.int32, (1, B), 1)
    onehot = b_ref[...] == seg
    ohf = onehot.astype(jnp.float32)
    neg_inf = jnp.float32(float("-inf"))

    q_star = jnp.zeros((B, 2 * DIM), jnp.float32)
    hl = jnp.zeros((B, DIM), jnp.float32)
    cl = jnp.zeros((B, DIM), jnp.float32)
    for _ in range(3):
        gates = (
            jnp.dot(q_star, wi_ref[...], preferred_element_type=jnp.float32)
            + bi_ref[...]
            + jnp.dot(hl, wh_ref[...], preferred_element_type=jnp.float32)
            + bh_ref[...]
        )
        ig = jax.nn.sigmoid(gates[:, :DIM])
        fg = jax.nn.sigmoid(gates[:, DIM:2 * DIM])
        gg = jnp.tanh(gates[:, 2 * DIM:3 * DIM])
        og = jax.nn.sigmoid(gates[:, 3 * DIM:])
        cl = fg * cl + ig * gg
        hl = og * jnp.tanh(cl)
        q = hl
        qb = jnp.dot(ohf, q, preferred_element_type=jnp.float32)
        e = jnp.sum(h * qb, axis=1, keepdims=True)
        em = jnp.max(jnp.where(onehot, e, neg_inf), axis=0, keepdims=True)
        em = jnp.where(em > neg_inf, em, 0.0)
        emb = jnp.sum(ohf * em, axis=1, keepdims=True)
        ex = jnp.exp(e - emb)
        es = jnp.sum(ohf * ex, axis=0, keepdims=True)
        esb = jnp.sum(ohf * es, axis=1, keepdims=True)
        a = ex / jnp.maximum(esb, 1e-16)
        rr = lax.dot_general(
            ohf, a * h, (((0,), (0,)), ((), ())),
            preferred_element_type=jnp.float32,
        )
        q_star = jnp.concatenate([q, rr], axis=1)
    o_ref[...] = q_star


def _s2s(h, batch2, wit, wht, bir, bhr):
    return pl.pallas_call(
        _s2s_body,
        grid=(1,),
        in_specs=[
            pl.BlockSpec((N, DIM), lambda i: (0, 0)),
            pl.BlockSpec((N, 1), lambda i: (0, 0)),
            pl.BlockSpec((2 * DIM, 4 * DIM), lambda i: (0, 0)),
            pl.BlockSpec((DIM, 4 * DIM), lambda i: (0, 0)),
            pl.BlockSpec((1, 4 * DIM), lambda i: (0, 0)),
            pl.BlockSpec((1, 4 * DIM), lambda i: (0, 0)),
        ],
        out_specs=pl.BlockSpec((B, 2 * DIM), lambda i: (0, 0)),
        out_shape=jax.ShapeDtypeStruct((B, 2 * DIM), jnp.float32),
    )(h, batch2, wit, wht, bir, bhr)



def kernel(x, edge_index, edge_attr, batch, W0, b0, We1, be1, We2, be2, bconv,
           Wih_g, Whh_g, bih_g, bhh_g, Wih_l, Whh_l, bih_l, bhh_l):
    src = edge_index[0]
    dst = edge_index[1]

    w0t = W0.T
    b0r = b0.reshape(1, DIM)
    w1t = We1.T
    b1r = be1.reshape(1, F_IN)
    w2t = We2.T
    bcr = bconv.reshape(1, DIM)
    wigt = Wih_g.T
    bigr = bih_g.reshape(1, 3 * DIM)
    whgt = Whh_g.T
    bhgr = bhh_g.reshape(1, 3 * DIM)
    wilt = Wih_l.T
    bilr = bih_l.reshape(1, 4 * DIM)
    whlt = Whh_l.T
    bhlr = bhh_l.reshape(1, 4 * DIM)
    rmat = (
        (jnp.arange(DIM * DIM) // DIM) == jnp.arange(DIM)[:, None]
    ).astype(jnp.bfloat16)
    w2tb = w2t.astype(jnp.bfloat16)
    b2b = be2.astype(jnp.bfloat16).reshape(1, DIM * DIM)

    zeros_nd = jnp.zeros((N, DIM), jnp.float32)
    zeros_n = jnp.zeros((N,), jnp.float32)
    ones_a = jnp.ones((PW_A,), jnp.float32)
    ones_b = jnp.ones((PW_B,), jnp.float32)

    h = _proj(x, w0t, b0r)

    ds_ = None
    for it in range(3):
        xja = _gather_call("a", h, src)
        xjb = _gather_call("b", h, src)
        msga = _msg("a", edge_attr, xja, w1t, b1r, w2tb, b2b, rmat)
        msgb = _msg("b", edge_attr, xjb, w1t, b1r, w2tb, b2b, rmat)
        if it == 0:
            parta, dega = _scatter_deg_call("a", msga, dst, ones_a,
                                            zeros_nd, zeros_n)
            partb, degb = _scatter_deg_call("b", msgb, dst, ones_b,
                                            zeros_nd, zeros_n)
            ds_ = [dega[0].reshape(N, 1), dega[1].reshape(N, 1),
                   degb[0].reshape(N, 1), degb[1].reshape(N, 1)]
        else:
            parta = _scatter_call("a", msga, dst, zeros_nd)
            partb = _scatter_call("b", msgb, dst, zeros_nd)
        h = _gru(parta[0], parta[1], partb[0], partb[1],
                 ds_[0], ds_[1], ds_[2], ds_[3],
                 h, bcr, wigt, bigr, whgt, bhgr)

    q_star = _s2s(h, batch.reshape(N, 1), wilt, whlt, bilr, bhlr)
    return q_star, h

# --- scband reference (transcript-rebuilt; emitter-appended) ---
"""Pipeline reference for scband-encoder-17205638988405 (READ-ONLY COPY).

The authoritative reference and input builder live on the scoring server;
editing this copy changes nothing except your own understanding.
"""

import jax, jax.numpy as jnp
import numpy as np

N = 10000
E = 160000
F_IN = 128
DIM = 32
EA = 16
B = 64

def setup_inputs(seed: int = 0):
    key = jax.random.key(seed)
    ks = jax.random.split(key, 24)
    s = 0.05
    inp = {}
    inp['x'] = jax.random.normal(ks[0], (N, F_IN), dtype=jnp.float32)
    inp['edge_index'] = jax.random.randint(ks[1], (2, E), 0, N, dtype=jnp.int32)
    inp['edge_attr'] = jax.random.uniform(ks[2], (E, EA), dtype=jnp.float32)
    inp['batch'] = jnp.sort(jax.random.randint(ks[3], (N,), 0, B, dtype=jnp.int32))
    inp['W0'] = jax.random.normal(ks[4], (DIM, F_IN), dtype=jnp.float32) * s
    inp['b0'] = jnp.zeros((DIM,), dtype=jnp.float32)
    inp['We1'] = jax.random.normal(ks[5], (128, EA), dtype=jnp.float32) * s
    inp['be1'] = jnp.zeros((128,), dtype=jnp.float32)
    inp['We2'] = jax.random.normal(ks[6], (DIM * DIM, 128), dtype=jnp.float32) * s
    inp['be2'] = jnp.zeros((DIM * DIM,), dtype=jnp.float32)
    inp['bconv'] = jnp.zeros((DIM,), dtype=jnp.float32)
    inp['Wih_g'] = jax.random.normal(ks[7], (3 * DIM, DIM), dtype=jnp.float32) * s
    inp['Whh_g'] = jax.random.normal(ks[8], (3 * DIM, DIM), dtype=jnp.float32) * s
    inp['bih_g'] = jnp.zeros((3 * DIM,), dtype=jnp.float32)
    inp['bhh_g'] = jnp.zeros((3 * DIM,), dtype=jnp.float32)
    inp['Wih_l'] = jax.random.normal(ks[9], (4 * DIM, 2 * DIM), dtype=jnp.float32) * s
    inp['Whh_l'] = jax.random.normal(ks[10], (4 * DIM, DIM), dtype=jnp.float32) * s
    inp['bih_l'] = jnp.zeros((4 * DIM,), dtype=jnp.float32)
    inp['bhh_l'] = jnp.zeros((4 * DIM,), dtype=jnp.float32)
    return inp

def _forward(x, edge_attr, W0, b0, We1, be1, We2, be2, bconv, Wih_g, Whh_g, bih_g, bhh_g, Wih_l, Whh_l, bih_l, bhh_l, edge_index, batch):
    src = edge_index[0]
    dst = edge_index[1]
    out = jax.nn.relu(x @ W0.T + b0)
    h = out
    hid = jax.nn.relu(edge_attr @ We1.T + be1)
    wmat = (hid @ We2.T + be2).reshape(E, DIM, DIM)
    deg = jnp.maximum(jnp.zeros((N,), jnp.float32).at[dst].add(1.0), 1.0)
    feat = out
    for _ in range(3):
        xj = out[src]
        msg = jnp.einsum('ei,eio->eo', xj, wmat)
        agg = jnp.zeros((N, DIM), jnp.float32).at[dst].add(msg) / deg[:, None] + bconv
        m = jax.nn.relu(agg)
        gi = m @ Wih_g.T + bih_g
        gh = h @ Whh_g.T + bhh_g
        i_r, i_z, i_n = jnp.split(gi, 3, axis=-1)
        h_r, h_z, h_n = jnp.split(gh, 3, axis=-1)
        r = jax.nn.sigmoid(i_r + h_r)
        z = jax.nn.sigmoid(i_z + h_z)
        n = jnp.tanh(i_n + r * h_n)
        h = (1.0 - z) * n + z * h
        out = h
        feat = out
    q_star = jnp.zeros((B, 2 * DIM), jnp.float32)
    hl = jnp.zeros((B, DIM), jnp.float32)
    cl = jnp.zeros((B, DIM), jnp.float32)
    for _ in range(3):
        gates = q_star @ Wih_l.T + bih_l + hl @ Whh_l.T + bhh_l
        gi_, gf_, gg_, go_ = jnp.split(gates, 4, axis=-1)
        ig = jax.nn.sigmoid(gi_)
        fg = jax.nn.sigmoid(gf_)
        gg = jnp.tanh(gg_)
        og = jax.nn.sigmoid(go_)
        cl = fg * cl + ig * gg
        hl = og * jnp.tanh(cl)
        q = hl
        e = jnp.sum(out * q[batch], axis=-1)
        emax = jax.ops.segment_max(e, batch, num_segments=B)
        emax = jnp.where(jnp.isfinite(emax), emax, 0.0)
        ex = jnp.exp(e - emax[batch])
        esum = jax.ops.segment_sum(ex, batch, num_segments=B)
        a = ex / jnp.maximum(esum[batch], 1e-16)
        r_read = jax.ops.segment_sum(a[:, None] * out, batch, num_segments=B)
        q_star = jnp.concatenate([q, r_read], axis=-1)
    return q_star, feat

def reference(x, edge_index, edge_attr, batch, W0, b0, We1, be1, We2, be2, bconv, Wih_g, Whh_g, bih_g, bhh_g, Wih_l, Whh_l, bih_l, bhh_l):
    return _forward(x, edge_attr, W0, b0, We1, be1, We2, be2, bconv, Wih_g, Whh_g, bih_g, bhh_g, Wih_l, Whh_l, bih_l, bhh_l, edge_index, batch)

if __name__ == "__main__":
    import jax
    _d = setup_inputs()
    print(jax.jit(kernel)(*tuple(_d.values())))

</pallas_src>

<mosaic_0001>
#map = affine_map<(d0, d1) -> (0, 0)>
#map1 = affine_map<(d0, d1) -> (0)>
module attributes {stable_mosaic.version = 14 : i64} {
  func.func @body(%arg0: i32, %arg1: i32, %arg2: memref<10000x32xf32, #tpu.memory_space<hbm>>, %arg3: memref<160000xi32, #tpu.memory_space<hbm>>, %arg4: memref<79360x32xf32, #tpu.memory_space<hbm>>, %arg5: memref<2480xi32, #tpu.memory_space<vmem>>, %arg6: memref<2480x32xf32, #tpu.memory_space<vmem>>, %arg7: memref<!tpu.dma_semaphore, #tpu.memory_space<semaphore_mem>>) attributes {dimension_semantics = [#tpu.dimension_semantics<core_parallel>, #tpu.dimension_semantics<subcore_parallel>], iteration_bounds = array<i64: 2, 16>, scalar_prefetch = 0 : i64, scratch_operands = 3 : i64, tpu.core_type = #tpu.core_type<sc_vector_subcore>, window_params = [{transform_indices = #map}, {transform_indices = #map1}, {transform_indices = #map}]} {
    %mul3A = arith.constant 2 : i32
    %mul3A_0 = arith.muli %arg1, %mul3A : i32
    %add3A = arith.addi %mul3A_0, %arg0 : i32
    %mul3A_1 = arith.constant 2480 : i32
    %mul3A_2 = arith.muli %add3A, %mul3A_1 : i32
    %add3A_3 = arith.constant 80640 : i32
    %add3A_4 = arith.addi %add3A_3, %mul3A_2 : i32
    "tpu.region"() ({
      %run_scoped3A = tpu.sem_alloc : memref<!tpu.dma_semaphore, #tpu.memory_space<semaphore_mem>>
      %dma_start3A_11 = tpu.memref_slice %arg3[%add3A_4] : memref<160000xi32, #tpu.memory_space<hbm>> -> memref<2480xi32, #tpu.memory_space<hbm>>
      %dma_start3A_12 = tpu.memref_slice %arg3[%add3A_4] : memref<160000xi32, #tpu.memory_space<hbm>> -> memref<2480xi32, #tpu.memory_space<hbm>>
      tpu.enqueue_dma source(%dma_start3A_12 : memref<2480xi32, #tpu.memory_space<hbm>>) target(%arg5 : memref<2480xi32, #tpu.memory_space<vmem>>) target_semaphore(%run_scoped3A : memref<!tpu.dma_semaphore, #tpu.memory_space<semaphore_mem>>)
      %dma_wait3A_13 = tpu.memref_slice %arg3[%add3A_4] : memref<160000xi32, #tpu.memory_space<hbm>> -> memref<2480xi32, #tpu.memory_space<hbm>>
      %dma_wait3A_14 = tpu.memref_slice %arg3[%add3A_4] : memref<160000xi32, #tpu.memory_space<hbm>> -> memref<2480xi32, #tpu.memory_space<hbm>>
      tpu.wait_dma2 semaphore(%run_scoped3A : memref<!tpu.dma_semaphore, #tpu.memory_space<semaphore_mem>>) src(%dma_wait3A_14 : memref<2480xi32, #tpu.memory_space<hbm>>) dst(%arg5 : memref<2480xi32, #tpu.memory_space<vmem>>)
      tpu.yield
    }) : () -> ()
    %dma_start3A = arith.constant 0 : i32
    %dma_start3A_5 = arith.constant 0 : i32
    %dma_start3A_6 = tpu.memref_slice %arg2[%dma_start3A, %dma_start3A_5] : memref<10000x32xf32, #tpu.memory_space<hbm>> -> memref<10000x32xf32, #tpu.memory_space<hbm>>
    tpu.enqueue_indirect_dma source(%dma_start3A_6 : memref<10000x32xf32, #tpu.memory_space<hbm>>) target(%arg6 : memref<2480x32xf32, #tpu.memory_space<vmem>>) offsets(%arg5 : memref<2480xi32, #tpu.memory_space<vmem>>) semaphore(%arg7 : memref<!tpu.dma_semaphore, #tpu.memory_space<semaphore_mem>>)
    %dma_wait3A = arith.constant 0 : i32
    %dma_wait3A_7 = arith.constant 0 : i32
    %dma_wait3A_8 = tpu.memref_slice %arg2[%dma_wait3A, %dma_wait3A_7] : memref<10000x32xf32, #tpu.memory_space<hbm>> -> memref<10000x32xf32, #tpu.memory_space<hbm>>
    tpu.wait_indirect_dma semaphore(%arg7 : memref<!tpu.dma_semaphore, #tpu.memory_space<semaphore_mem>>) src(%dma_wait3A_8 : memref<10000x32xf32, #tpu.memory_space<hbm>>) dst(%arg6 : memref<2480x32xf32, #tpu.memory_space<vmem>>)
    %mul3A_9 = arith.constant 2480 : i32
    %mul3A_10 = arith.muli %add3A, %mul3A_9 : i32
    "tpu.region"() ({
      %run_scoped3A = tpu.sem_alloc : memref<!tpu.dma_semaphore, #tpu.memory_space<semaphore_mem>>
      %dma_start3A_11 = arith.constant 0 : i32
      %dma_start3A_12 = tpu.memref_slice %arg4[%mul3A_10, %dma_start3A_11] : memref<79360x32xf32, #tpu.memory_space<hbm>> -> memref<2480x32xf32, #tpu.memory_space<hbm>>
      %dma_start3A_13 = arith.constant 0 : i32
      %dma_start3A_14 = tpu.memref_slice %arg4[%mul3A_10, %dma_start3A_13] : memref<79360x32xf32, #tpu.memory_space<hbm>> -> memref<2480x32xf32, #tpu.memory_space<hbm>>
      tpu.enqueue_dma source(%arg6 : memref<2480x32xf32, #tpu.memory_space<vmem>>) target(%dma_start3A_14 : memref<2480x32xf32, #tpu.memory_space<hbm>>) target_semaphore(%run_scoped3A : memref<!tpu.dma_semaphore, #tpu.memory_space<semaphore_mem>>)
      %dma_wait3A_15 = arith.constant 0 : i32
      %dma_wait3A_16 = tpu.memref_slice %arg4[%mul3A_10, %dma_wait3A_15] : memref<79360x32xf32, #tpu.memory_space<hbm>> -> memref<2480x32xf32, #tpu.memory_space<hbm>>
      %dma_wait3A_17 = arith.constant 0 : i32
      %dma_wait3A_18 = tpu.memref_slice %arg4[%mul3A_10, %dma_wait3A_17] : memref<79360x32xf32, #tpu.memory_space<hbm>> -> memref<2480x32xf32, #tpu.memory_space<hbm>>
      tpu.wait_dma2 semaphore(%run_scoped3A : memref<!tpu.dma_semaphore, #tpu.memory_space<semaphore_mem>>) src(%arg6 : memref<2480x32xf32, #tpu.memory_space<vmem>>) dst(%dma_wait3A_18 : memref<2480x32xf32, #tpu.memory_space<hbm>>)
      tpu.yield
    }) : () -> ()
    return
  }
}

#map = affine_map<(d0, d1) -> (0, 0)>
#map1 = affine_map<(d0, d1) -> (0)>
#map2 = affine_map<(d0, d1) -> (0, 0, 0)>
module attributes {stable_mosaic.version = 14 : i64} {
  func.func @body(%arg0: i32, %arg1: i32, %arg2: memref<79360x32xf32, #tpu.memory_space<hbm>>, %arg3: memref<160000xi32, #tpu.memory_space<hbm>>, %arg4: memref<2480xf32, #tpu.memory_space<hbm>>, %arg5: memref<10000x32xf32, #tpu.memory_space<hbm>>, %arg6: memref<10000xf32, #tpu.memory_space<hbm>>, %arg7: memref<2x10000x32xf32, #tpu.memory_space<hbm>>, %arg8: memref<2x10000xf32, #tpu.memory_space<hbm>>, %arg9: memref<2480xi32, #tpu.memory_space<vmem>>, %arg10: memref<2480x32xf32, #tpu.memory_space<vmem>>, %arg11: memref<2480xf32, #tpu.memory_space<vmem>>, %arg12: memref<10000x32xf32, #tpu.memory_space<vmem_shared>>, %arg13: memref<10000xf32, #tpu.memory_space<vmem_shared>>, %arg14: memref<!tpu.dma_semaphore, #tpu.memory_space<semaphore_mem>>) attributes {dimension_semantics = [#tpu.dimension_semantics<core_parallel>, #tpu.dimension_semantics<subcore_parallel>], iteration_bounds = array<i64: 2, 16>, scalar_prefetch = 0 : i64, scratch_operands = 6 : i64, tpu.core_type = #tpu.core_type<sc_vector_subcore>, window_params = [{transform_indices = #map}, {transform_indices = #map1}, {transform_indices = #map1}, {transform_indices = #map}, {transform_indices = #map1}, {transform_indices = #map2}, {transform_indices = #map}]} {
    %eq3A = arith.constant 0 : i32
    %eq3A_0 = arith.cmpi eq, %arg1, %eq3A : i32
    %convert_element_type3A = arith.extui %eq3A_0 : i1 to i32
    %cond3A = arith.constant 0 : i32
    %cond3A_1 = arith.cmpi ne, %convert_element_type3A, %cond3A : i32
    scf.if %cond3A_1 {
      "tpu.region"() ({
        %run_scoped3A = tpu.sem_alloc : memref<!tpu.dma_semaphore, #tpu.memory_space<semaphore_mem>>
        tpu.enqueue_dma source(%arg5 : memref<10000x32xf32, #tpu.memory_space<hbm>>) target(%arg12 : memref<10000x32xf32, #tpu.memory_space<vmem_shared>>) target_semaphore(%run_scoped3A : memref<!tpu.dma_semaphore, #tpu.memory_space<semaphore_mem>>)
        tpu.wait_dma2 semaphore(%run_scoped3A : memref<!tpu.dma_semaphore, #tpu.memory_space<semaphore_mem>>) src(%arg5 : memref<10000x32xf32, #tpu.memory_space<hbm>>) dst(%arg12 : memref<10000x32xf32, #tpu.memory_space<vmem_shared>>)
        tpu.yield
      }) : () -> ()
    } else {
    }
    "tpu.region"() ({
      %run_scoped3A = tpu.sem_alloc : memref<!tpu.dma_semaphore, #tpu.memory_space<semaphore_mem>>
      tpu.enqueue_dma source(%arg4 : memref<2480xf32, #tpu.memory_space<hbm>>) target(%arg11 : memref<2480xf32, #tpu.memory_space<vmem>>) target_semaphore(%run_scoped3A : memref<!tpu.dma_semaphore, #tpu.memory_space<semaphore_mem>>)
      tpu.wait_dma2 semaphore(%run_scoped3A : memref<!tpu.dma_semaphore, #tpu.memory_space<semaphore_mem>>) src(%arg4 : memref<2480xf32, #tpu.memory_space<hbm>>) dst(%arg11 : memref<2480xf32, #tpu.memory_space<vmem>>)
      tpu.yield
    }) : () -> ()
    %eq3A_2 = arith.constant 0 : i32
    %eq3A_3 = arith.cmpi eq, %arg1, %eq3A_2 : i32
    %convert_element_type3A_4 = arith.extui %eq3A_3 : i1 to i32
    %cond3A_5 = arith.constant 0 : i32
    %cond3A_6 = arith.cmpi ne, %convert_element_type3A_4, %cond3A_5 : i32
    scf.if %cond3A_6 {
      "tpu.region"() ({
        %run_scoped3A = tpu.sem_alloc : memref<!tpu.dma_semaphore, #tpu.memory_space<semaphore_mem>>
        tpu.enqueue_dma source(%arg6 : memref<10000xf32, #tpu.memory_space<hbm>>) target(%arg13 : memref<10000xf32, #tpu.memory_space<vmem_shared>>) target_semaphore(%run_scoped3A : memref<!tpu.dma_semaphore, #tpu.memory_space<semaphore_mem>>)
        tpu.wait_dma2 semaphore(%run_scoped3A : memref<!tpu.dma_semaphore, #tpu.memory_space<semaphore_mem>>) src(%arg6 : memref<10000xf32, #tpu.memory_space<hbm>>) dst(%arg13 : memref<10000xf32, #tpu.memory_space<vmem_shared>>)
        tpu.yield
      }) : () -> ()
    } else {
    }
    %mul3A = arith.constant 2 : i32
    %mul3A_7 = arith.muli %arg1, %mul3A : i32
    %add3A = arith.addi %mul3A_7, %arg0 : i32
    %mul3A_8 = arith.constant 2480 : i32
    %mul3A_9 = arith.muli %add3A, %mul3A_8 : i32
    %add3A_10 = arith.constant 80640 : i32
    %add3A_11 = arith.addi %add3A_10, %mul3A_9 : i32
    %dma_start3A = tpu.memref_slice %arg3[%add3A_11] : memref<160000xi32, #tpu.memory_space<hbm>> -> memref<2480xi32, #tpu.memory_space<hbm>>
    %dma_start3A_12 = tpu.memref_slice %arg3[%add3A_11] : memref<160000xi32, #tpu.memory_space<hbm>> -> memref<2480xi32, #tpu.memory_space<hbm>>
    tpu.enqueue_dma source(%dma_start3A_12 : memref<2480xi32, #tpu.memory_space<hbm>>) target(%arg9 : memref<2480xi32, #tpu.memory_space<vmem>>) target_semaphore(%arg14 : memref<!tpu.dma_semaphore, #tpu.memory_space<semaphore_mem>>)
    %mul3A_13 = arith.constant 2480 : i32
    %mul3A_14 = arith.muli %add3A, %mul3A_13 : i32
    %dma_start3A_15 = arith.constant 0 : i32
    %dma_start3A_16 = tpu.memref_slice %arg2[%mul3A_14, %dma_start3A_15] : memref<79360x32xf32, #tpu.memory_space<hbm>> -> memref<2480x32xf32, #tpu.memory_space<hbm>>
    %dma_start3A_17 = arith.constant 0 : i32
    %dma_start3A_18 = tpu.memref_slice %arg2[%mul3A_14, %dma_start3A_17] : memref<79360x32xf32, #tpu.memory_space<hbm>> -> memref<2480x32xf32, #tpu.memory_space<hbm>>
    tpu.enqueue_dma source(%dma_start3A_18 : memref<2480x32xf32, #tpu.memory_space<hbm>>) target(%arg10 : memref<2480x32xf32, #tpu.memory_space<vmem>>) target_semaphore(%arg14 : memref<!tpu.dma_semaphore, #tpu.memory_space<semaphore_mem>>)
    %barrier3A = arith.constant 0 : index
    tpu.barrier barrier_id(%barrier3A)
    %dma_wait3A = tpu.memref_slice %arg3[%add3A_11] : memref<160000xi32, #tpu.memory_space<hbm>> -> memref<2480xi32, #tpu.memory_space<hbm>>
    %dma_wait3A_19 = tpu.memref_slice %arg3[%add3A_11] : memref<160000xi32, #tpu.memory_space<hbm>> -> memref<2480xi32, #tpu.memory_space<hbm>>
    tpu.wait_dma2 semaphore(%arg14 : memref<!tpu.dma_semaphore, #tpu.memory_space<semaphore_mem>>) src(%dma_wait3A_19 : memref<2480xi32, #tpu.memory_space<hbm>>) dst(%arg9 : memref<2480xi32, #tpu.memory_space<vmem>>)
    %dma_wait3A_20 = arith.constant 0 : i32
    %dma_wait3A_21 = tpu.memref_slice %arg2[%mul3A_14, %dma_wait3A_20] : memref<79360x32xf32, #tpu.memory_space<hbm>> -> memref<2480x32xf32, #tpu.memory_space<hbm>>
    %dma_wait3A_22 = arith.constant 0 : i32
    %dma_wait3A_23 = tpu.memref_slice %arg2[%mul3A_14, %dma_wait3A_22] : memref<79360x32xf32, #tpu.memory_space<hbm>> -> memref<2480x32xf32, #tpu.memory_space<hbm>>
    tpu.wait_dma2 semaphore(%arg14 : memref<!tpu.dma_semaphore, #tpu.memory_space<semaphore_mem>>) src(%dma_wait3A_23 : memref<2480x32xf32, #tpu.memory_space<hbm>>) dst(%arg10 : memref<2480x32xf32, #tpu.memory_space<vmem>>)
    "tpu.region"() ({
      %run_scoped3A = tpu.sem_alloc : memref<!tpu.dma_semaphore, #tpu.memory_space<semaphore_mem>>
      %dma_start3A_35 = arith.constant 0 : i32
      %dma_start3A_36 = arith.constant 0 : i32
      %dma_start3A_37 = tpu.memref_slice %arg12[%dma_start3A_35, %dma_start3A_36] : memref<10000x32xf32, #tpu.memory_space<vmem_shared>> -> memref<10000x32xf32, #tpu.memory_space<vmem_shared>>
      tpu.enqueue_indirect_dma source(%arg10 : memref<2480x32xf32, #tpu.memory_space<vmem>>) target(%dma_start3A_37 : memref<10000x32xf32, #tpu.memory_space<vmem_shared>>) offsets(%arg9 : memref<2480xi32, #tpu.memory_space<vmem>>) semaphore(%run_scoped3A : memref<!tpu.dma_semaphore, #tpu.memory_space<semaphore_mem>>) {add = true}
      %dma_wait3A_38 = arith.constant 0 : i32
      %dma_wait3A_39 = arith.constant 0 : i32
      %dma_wait3A_40 = tpu.memref_slice %arg12[%dma_wait3A_38, %dma_wait3A_39] : memref<10000x32xf32, #tpu.memory_space<vmem_shared>> -> memref<10000x32xf32, #tpu.memory_space<vmem_shared>>
      tpu.wait_indirect_dma semaphore(%run_scoped3A : memref<!tpu.dma_semaphore, #tpu.memory_space<semaphore_mem>>) src(%arg10 : memref<2480x32xf32, #tpu.memory_space<vmem>>) dst(%dma_wait3A_40 : memref<10000x32xf32, #tpu.memory_space<vmem_shared>>)
      tpu.yield
    }) : () -> ()
    "tpu.region"() ({
      %run_scoped3A = tpu.sem_alloc : memref<!tpu.dma_semaphore, #tpu.memory_space<semaphore_mem>>
      %dma_start3A_35 = arith.constant 0 : i32
      %dma_start3A_36 = tpu.memref_slice %arg13[%dma_start3A_35] : memref<10000xf32, #tpu.memory_space<vmem_shared>> -> memref<10000xf32, #tpu.memory_space<vmem_shared>>
      tpu.enqueue_indirect_dma source(%arg11 : memref<2480xf32, #tpu.memory_space<vmem>>) target(%dma_start3A_36 : memref<10000xf32, #tpu.memory_space<vmem_shared>>) offsets(%arg9 : memref<2480xi32, #tpu.memory_space<vmem>>) semaphore(%run_scoped3A : memref<!tpu.dma_semaphore, #tpu.memory_space<semaphore_mem>>) {add = true}
      %dma_wait3A_37 = arith.constant 0 : i32
      %dma_wait3A_38 = tpu.memref_slice %arg13[%dma_wait3A_37] : memref<10000xf32, #tpu.memory_space<vmem_shared>> -> memref<10000xf32, #tpu.memory_space<vmem_shared>>
      tpu.wait_indirect_dma semaphore(%run_scoped3A : memref<!tpu.dma_semaphore, #tpu.memory_space<semaphore_mem>>) src(%arg11 : memref<2480xf32, #tpu.memory_space<vmem>>) dst(%dma_wait3A_38 : memref<10000xf32, #tpu.memory_space<vmem_shared>>)
      tpu.yield
    }) : () -> ()
    %barrier3A_24 = arith.constant 0 : index
    tpu.barrier barrier_id(%barrier3A_24)
    %eq3A_25 = arith.constant 0 : i32
    %eq3A_26 = arith.cmpi eq, %arg1, %eq3A_25 : i32
    %convert_element_type3A_27 = arith.extui %eq3A_26 : i1 to i32
    %cond3A_28 = arith.constant 0 : i32
    %cond3A_29 = arith.cmpi ne, %convert_element_type3A_27, %cond3A_28 : i32
    scf.if %cond3A_29 {
      "tpu.region"() ({
        %run_scoped3A = tpu.sem_alloc : memref<!tpu.dma_semaphore, #tpu.memory_space<semaphore_mem>>
        %dma_start3A_35 = arith.constant 0 : i32
        %dma_start3A_36 = arith.constant 0 : i32
        %dma_start3A_37 = tpu.memref_slice %arg7[%arg0, %dma_start3A_35, %dma_start3A_36] : memref<2x10000x32xf32, #tpu.memory_space<hbm>> -> memref<1x10000x32xf32, #tpu.memory_space<hbm>>
        %dma_start3A_38 = tpu.memref_squeeze %dma_start3A_37 : memref<1x10000x32xf32, #tpu.memory_space<hbm>> -> memref<10000x32xf32, #tpu.memory_space<hbm>>
        tpu.enqueue_dma source(%arg12 : memref<10000x32xf32, #tpu.memory_space<vmem_shared>>) target(%dma_start3A_38 : memref<10000x32xf32, #tpu.memory_space<hbm>>) target_semaphore(%run_scoped3A : memref<!tpu.dma_semaphore, #tpu.memory_space<semaphore_mem>>)
        %dma_wait3A_39 = arith.constant 0 : i32
        %dma_wait3A_40 = arith.constant 0 : i32
        %dma_wait3A_41 = tpu.memref_slice %arg7[%arg0, %dma_wait3A_39, %dma_wait3A_40] : memref<2x10000x32xf32, #tpu.memory_space<hbm>> -> memref<1x10000x32xf32, #tpu.memory_space<hbm>>
        %dma_wait3A_42 = tpu.memref_squeeze %dma_wait3A_41 : memref<1x10000x32xf32, #tpu.memory_space<hbm>> -> memref<10000x32xf32, #tpu.memory_space<hbm>>
        tpu.wait_dma2 semaphore(%run_scoped3A : memref<!tpu.dma_semaphore, #tpu.memory_space<semaphore_mem>>) src(%arg12 : memref<10000x32xf32, #tpu.memory_space<vmem_shared>>) dst(%dma_wait3A_42 : memref<10000x32xf32, #tpu.memory_space<hbm>>)
        tpu.yield
      }) : () -> ()
    } else {
    }
    %eq3A_30 = arith.constant 0 : i32
    %eq3A_31 = arith.cmpi eq, %arg1, %eq3A_30 : i32
    %convert_element_type3A_32 = arith.extui %eq3A_31 : i1 to i32
    %cond3A_33 = arith.constant 0 : i32
    %cond3A_34 = arith.cmpi ne, %convert_element_type3A_32, %cond3A_33 : i32
    scf.if %cond3A_34 {
      "tpu.region"() ({
        %run_scoped3A = tpu.sem_alloc : memref<!tpu.dma_semaphore, #tpu.memory_space<semaphore_mem>>
        %dma_start3A_35 = arith.constant 0 : i32
        %dma_start3A_36 = tpu.memref_slice %arg8[%arg0, %dma_start3A_35] : memref<2x10000xf32, #tpu.memory_space<hbm>> -> memref<1x10000xf32, #tpu.memory_space<hbm>>
        %dma_start3A_37 = tpu.memref_squeeze %dma_start3A_36 : memref<1x10000xf32, #tpu.memory_space<hbm>> -> memref<10000xf32, #tpu.memory_space<hbm>>
        tpu.enqueue_dma source(%arg13 : memref<10000xf32, #tpu.memory_space<vmem_shared>>) target(%dma_start3A_37 : memref<10000xf32, #tpu.memory_space<hbm>>) target_semaphore(%run_scoped3A : memref<!tpu.dma_semaphore, #tpu.memory_space<semaphore_mem>>)
        %dma_wait3A_38 = arith.constant 0 : i32
        %dma_wait3A_39 = tpu.memref_slice %arg8[%arg0, %dma_wait3A_38] : memref<2x10000xf32, #tpu.memory_space<hbm>> -> memref<1x10000xf32, #tpu.memory_space<hbm>>
        %dma_wait3A_40 = tpu.memref_squeeze %dma_wait3A_39 : memref<1x10000xf32, #tpu.memory_space<hbm>> -> memref<10000xf32, #tpu.memory_space<hbm>>
        tpu.wait_dma2 semaphore(%run_scoped3A : memref<!tpu.dma_semaphore, #tpu.memory_space<semaphore_mem>>) src(%arg13 : memref<10000xf32, #tpu.memory_space<vmem_shared>>) dst(%dma_wait3A_40 : memref<10000xf32, #tpu.memory_space<hbm>>)
        tpu.yield
      }) : () -> ()
    } else {
    }
    return
  }
}

#map = affine_map<(d0, d1) -> (0, 0)>
#map1 = affine_map<(d0, d1) -> (0)>
module attributes {stable_mosaic.version = 14 : i64} {
  func.func @body(%arg0: i32, %arg1: i32, %arg2: memref<10000x32xf32, #tpu.memory_space<hbm>>, %arg3: memref<160000xi32, #tpu.memory_space<hbm>>, %arg4: memref<80640x32xf32, #tpu.memory_space<hbm>>, %arg5: memref<2520xi32, #tpu.memory_space<vmem>>, %arg6: memref<2520x32xf32, #tpu.memory_space<vmem>>, %arg7: memref<!tpu.dma_semaphore, #tpu.memory_space<semaphore_mem>>) attributes {dimension_semantics = [#tpu.dimension_semantics<core_parallel>, #tpu.dimension_semantics<subcore_parallel>], iteration_bounds = array<i64: 2, 16>, scalar_prefetch = 0 : i64, scratch_operands = 3 : i64, tpu.core_type = #tpu.core_type<sc_vector_subcore>, window_params = [{transform_indices = #map}, {transform_indices = #map1}, {transform_indices = #map}]} {
    %mul3A = arith.constant 2 : i32
    %mul3A_0 = arith.muli %arg1, %mul3A : i32
    %add3A = arith.addi %mul3A_0, %arg0 : i32
    %mul3A_1 = arith.constant 2520 : i32
    %mul3A_2 = arith.muli %add3A, %mul3A_1 : i32
    %add3A_3 = arith.constant 0 : i32
    %add3A_4 = arith.addi %add3A_3, %mul3A_2 : i32
    "tpu.region"() ({
      %run_scoped3A = tpu.sem_alloc : memref<!tpu.dma_semaphore, #tpu.memory_space<semaphore_mem>>
      %dma_start3A_11 = tpu.memref_slice %arg3[%add3A_4] : memref<160000xi32, #tpu.memory_space<hbm>> -> memref<2520xi32, #tpu.memory_space<hbm>>
      %dma_start3A_12 = tpu.memref_slice %arg3[%add3A_4] : memref<160000xi32, #tpu.memory_space<hbm>> -> memref<2520xi32, #tpu.memory_space<hbm>>
      tpu.enqueue_dma source(%dma_start3A_12 : memref<2520xi32, #tpu.memory_space<hbm>>) target(%arg5 : memref<2520xi32, #tpu.memory_space<vmem>>) target_semaphore(%run_scoped3A : memref<!tpu.dma_semaphore, #tpu.memory_space<semaphore_mem>>)
      %dma_wait3A_13 = tpu.memref_slice %arg3[%add3A_4] : memref<160000xi32, #tpu.memory_space<hbm>> -> memref<2520xi32, #tpu.memory_space<hbm>>
      %dma_wait3A_14 = tpu.memref_slice %arg3[%add3A_4] : memref<160000xi32, #tpu.memory_space<hbm>> -> memref<2520xi32, #tpu.memory_space<hbm>>
      tpu.wait_dma2 semaphore(%run_scoped3A : memref<!tpu.dma_semaphore, #tpu.memory_space<semaphore_mem>>) src(%dma_wait3A_14 : memref<2520xi32, #tpu.memory_space<hbm>>) dst(%arg5 : memref<2520xi32, #tpu.memory_space<vmem>>)
      tpu.yield
    }) : () -> ()
    %dma_start3A = arith.constant 0 : i32
    %dma_start3A_5 = arith.constant 0 : i32
    %dma_start3A_6 = tpu.memref_slice %arg2[%dma_start3A, %dma_start3A_5] : memref<10000x32xf32, #tpu.memory_space<hbm>> -> memref<10000x32xf32, #tpu.memory_space<hbm>>
    tpu.enqueue_indirect_dma source(%dma_start3A_6 : memref<10000x32xf32, #tpu.memory_space<hbm>>) target(%arg6 : memref<2520x32xf32, #tpu.memory_space<vmem>>) offsets(%arg5 : memref<2520xi32, #tpu.memory_space<vmem>>) semaphore(%arg7 : memref<!tpu.dma_semaphore, #tpu.memory_space<semaphore_mem>>)
    %dma_wait3A = arith.constant 0 : i32
    %dma_wait3A_7 = arith.constant 0 : i32
    %dma_wait3A_8 = tpu.memref_slice %arg2[%dma_wait3A, %dma_wait3A_7] : memref<10000x32xf32, #tpu.memory_space<hbm>> -> memref<10000x32xf32, #tpu.memory_space<hbm>>
    tpu.wait_indirect_dma semaphore(%arg7 : memref<!tpu.dma_semaphore, #tpu.memory_space<semaphore_mem>>) src(%dma_wait3A_8 : memref<10000x32xf32, #tpu.memory_space<hbm>>) dst(%arg6 : memref<2520x32xf32, #tpu.memory_space<vmem>>)
    %mul3A_9 = arith.constant 2520 : i32
    %mul3A_10 = arith.muli %add3A, %mul3A_9 : i32
    "tpu.region"() ({
      %run_scoped3A = tpu.sem_alloc : memref<!tpu.dma_semaphore, #tpu.memory_space<semaphore_mem>>
      %dma_start3A_11 = arith.constant 0 : i32
      %dma_start3A_12 = tpu.memref_slice %arg4[%mul3A_10, %dma_start3A_11] : memref<80640x32xf32, #tpu.memory_space<hbm>> -> memref<2520x32xf32, #tpu.memory_space<hbm>>
      %dma_start3A_13 = arith.constant 0 : i32
      %dma_start3A_14 = tpu.memref_slice %arg4[%mul3A_10, %dma_start3A_13] : memref<80640x32xf32, #tpu.memory_space<hbm>> -> memref<2520x32xf32, #tpu.memory_space<hbm>>
      tpu.enqueue_dma source(%arg6 : memref<2520x32xf32, #tpu.memory_space<vmem>>) target(%dma_start3A_14 : memref<2520x32xf32, #tpu.memory_space<hbm>>) target_semaphore(%run_scoped3A : memref<!tpu.dma_semaphore, #tpu.memory_space<semaphore_mem>>)
      %dma_wait3A_15 = arith.constant 0 : i32
      %dma_wait3A_16 = tpu.memref_slice %arg4[%mul3A_10, %dma_wait3A_15] : memref<80640x32xf32, #tpu.memory_space<hbm>> -> memref<2520x32xf32, #tpu.memory_space<hbm>>
      %dma_wait3A_17 = arith.constant 0 : i32
      %dma_wait3A_18 = tpu.memref_slice %arg4[%mul3A_10, %dma_wait3A_17] : memref<80640x32xf32, #tpu.memory_space<hbm>> -> memref<2520x32xf32, #tpu.memory_space<hbm>>
      tpu.wait_dma2 semaphore(%run_scoped3A : memref<!tpu.dma_semaphore, #tpu.memory_space<semaphore_mem>>) src(%arg6 : memref<2520x32xf32, #tpu.memory_space<vmem>>) dst(%dma_wait3A_18 : memref<2520x32xf32, #tpu.memory_space<hbm>>)
      tpu.yield
    }) : () -> ()
    return
  }
}

#map = affine_map<(d0, d1) -> (0, 0)>
#map1 = affine_map<(d0, d1) -> (0)>
#map2 = affine_map<(d0, d1) -> (0, 0, 0)>
module attributes {stable_mosaic.version = 14 : i64} {
  func.func @body(%arg0: i32, %arg1: i32, %arg2: memref<80640x32xf32, #tpu.memory_space<hbm>>, %arg3: memref<160000xi32, #tpu.memory_space<hbm>>, %arg4: memref<2520xf32, #tpu.memory_space<hbm>>, %arg5: memref<10000x32xf32, #tpu.memory_space<hbm>>, %arg6: memref<10000xf32, #tpu.memory_space<hbm>>, %arg7: memref<2x10000x32xf32, #tpu.memory_space<hbm>>, %arg8: memref<2x10000xf32, #tpu.memory_space<hbm>>, %arg9: memref<2520xi32, #tpu.memory_space<vmem>>, %arg10: memref<2520x32xf32, #tpu.memory_space<vmem>>, %arg11: memref<2520xf32, #tpu.memory_space<vmem>>, %arg12: memref<10000x32xf32, #tpu.memory_space<vmem_shared>>, %arg13: memref<10000xf32, #tpu.memory_space<vmem_shared>>, %arg14: memref<!tpu.dma_semaphore, #tpu.memory_space<semaphore_mem>>) attributes {dimension_semantics = [#tpu.dimension_semantics<core_parallel>, #tpu.dimension_semantics<subcore_parallel>], iteration_bounds = array<i64: 2, 16>, scalar_prefetch = 0 : i64, scratch_operands = 6 : i64, tpu.core_type = #tpu.core_type<sc_vector_subcore>, window_params = [{transform_indices = #map}, {transform_indices = #map1}, {transform_indices = #map1}, {transform_indices = #map}, {transform_indices = #map1}, {transform_indices = #map2}, {transform_indices = #map}]} {
    %eq3A = arith.constant 0 : i32
    %eq3A_0 = arith.cmpi eq, %arg1, %eq3A : i32
    %convert_element_type3A = arith.extui %eq3A_0 : i1 to i32
    %cond3A = arith.constant 0 : i32
    %cond3A_1 = arith.cmpi ne, %convert_element_type3A, %cond3A : i32
    scf.if %cond3A_1 {
      "tpu.region"() ({
        %run_scoped3A = tpu.sem_alloc : memref<!tpu.dma_semaphore, #tpu.memory_space<semaphore_mem>>
        tpu.enqueue_dma source(%arg5 : memref<10000x32xf32, #tpu.memory_space<hbm>>) target(%arg12 : memref<10000x32xf32, #tpu.memory_space<vmem_shared>>) target_semaphore(%run_scoped3A : memref<!tpu.dma_semaphore, #tpu.memory_space<semaphore_mem>>)
        tpu.wait_dma2 semaphore(%run_scoped3A : memref<!tpu.dma_semaphore, #tpu.memory_space<semaphore_mem>>) src(%arg5 : memref<10000x32xf32, #tpu.memory_space<hbm>>) dst(%arg12 : memref<10000x32xf32, #tpu.memory_space<vmem_shared>>)
        tpu.yield
      }) : () -> ()
    } else {
    }
    "tpu.region"() ({
      %run_scoped3A = tpu.sem_alloc : memref<!tpu.dma_semaphore, #tpu.memory_space<semaphore_mem>>
      tpu.enqueue_dma source(%arg4 : memref<2520xf32, #tpu.memory_space<hbm>>) target(%arg11 : memref<2520xf32, #tpu.memory_space<vmem>>) target_semaphore(%run_scoped3A : memref<!tpu.dma_semaphore, #tpu.memory_space<semaphore_mem>>)
      tpu.wait_dma2 semaphore(%run_scoped3A : memref<!tpu.dma_semaphore, #tpu.memory_space<semaphore_mem>>) src(%arg4 : memref<2520xf32, #tpu.memory_space<hbm>>) dst(%arg11 : memref<2520xf32, #tpu.memory_space<vmem>>)
      tpu.yield
    }) : () -> ()
    %eq3A_2 = arith.constant 0 : i32
    %eq3A_3 = arith.cmpi eq, %arg1, %eq3A_2 : i32
    %convert_element_type3A_4 = arith.extui %eq3A_3 : i1 to i32
    %cond3A_5 = arith.constant 0 : i32
    %cond3A_6 = arith.cmpi ne, %convert_element_type3A_4, %cond3A_5 : i32
    scf.if %cond3A_6 {
      "tpu.region"() ({
        %run_scoped3A = tpu.sem_alloc : memref<!tpu.dma_semaphore, #tpu.memory_space<semaphore_mem>>
        tpu.enqueue_dma source(%arg6 : memref<10000xf32, #tpu.memory_space<hbm>>) target(%arg13 : memref<10000xf32, #tpu.memory_space<vmem_shared>>) target_semaphore(%run_scoped3A : memref<!tpu.dma_semaphore, #tpu.memory_space<semaphore_mem>>)
        tpu.wait_dma2 semaphore(%run_scoped3A : memref<!tpu.dma_semaphore, #tpu.memory_space<semaphore_mem>>) src(%arg6 : memref<10000xf32, #tpu.memory_space<hbm>>) dst(%arg13 : memref<10000xf32, #tpu.memory_space<vmem_shared>>)
        tpu.yield
      }) : () -> ()
    } else {
    }
    %mul3A = arith.constant 2 : i32
    %mul3A_7 = arith.muli %arg1, %mul3A : i32
    %add3A = arith.addi %mul3A_7, %arg0 : i32
    %mul3A_8 = arith.constant 2520 : i32
    %mul3A_9 = arith.muli %add3A, %mul3A_8 : i32
    %add3A_10 = arith.constant 0 : i32
    %add3A_11 = arith.addi %add3A_10, %mul3A_9 : i32
    %dma_start3A = tpu.memref_slice %arg3[%add3A_11] : memref<160000xi32, #tpu.memory_space<hbm>> -> memref<2520xi32, #tpu.memory_space<hbm>>
    %dma_start3A_12 = tpu.memref_slice %arg3[%add3A_11] : memref<160000xi32, #tpu.memory_space<hbm>> -> memref<2520xi32, #tpu.memory_space<hbm>>
    tpu.enqueue_dma source(%dma_start3A_12 : memref<2520xi32, #tpu.memory_space<hbm>>) target(%arg9 : memref<2520xi32, #tpu.memory_space<vmem>>) target_semaphore(%arg14 : memref<!tpu.dma_semaphore, #tpu.memory_space<semaphore_mem>>)
    %mul3A_13 = arith.constant 2520 : i32
    %mul3A_14 = arith.muli %add3A, %mul3A_13 : i32
    %dma_start3A_15 = arith.constant 0 : i32
    %dma_start3A_16 = tpu.memref_slice %arg2[%mul3A_14, %dma_start3A_15] : memref<80640x32xf32, #tpu.memory_space<hbm>> -> memref<2520x32xf32, #tpu.memory_space<hbm>>
    %dma_start3A_17 = arith.constant 0 : i32
    %dma_start3A_18 = tpu.memref_slice %arg2[%mul3A_14, %dma_start3A_17] : memref<80640x32xf32, #tpu.memory_space<hbm>> -> memref<2520x32xf32, #tpu.memory_space<hbm>>
    tpu.enqueue_dma source(%dma_start3A_18 : memref<2520x32xf32, #tpu.memory_space<hbm>>) target(%arg10 : memref<2520x32xf32, #tpu.memory_space<vmem>>) target_semaphore(%arg14 : memref<!tpu.dma_semaphore, #tpu.memory_space<semaphore_mem>>)
    %barrier3A = arith.constant 0 : index
    tpu.barrier barrier_id(%barrier3A)
    %dma_wait3A = tpu.memref_slice %arg3[%add3A_11] : memref<160000xi32, #tpu.memory_space<hbm>> -> memref<2520xi32, #tpu.memory_space<hbm>>
    %dma_wait3A_19 = tpu.memref_slice %arg3[%add3A_11] : memref<160000xi32, #tpu.memory_space<hbm>> -> memref<2520xi32, #tpu.memory_space<hbm>>
    tpu.wait_dma2 semaphore(%arg14 : memref<!tpu.dma_semaphore, #tpu.memory_space<semaphore_mem>>) src(%dma_wait3A_19 : memref<2520xi32, #tpu.memory_space<hbm>>) dst(%arg9 : memref<2520xi32, #tpu.memory_space<vmem>>)
    %dma_wait3A_20 = arith.constant 0 : i32
    %dma_wait3A_21 = tpu.memref_slice %arg2[%mul3A_14, %dma_wait3A_20] : memref<80640x32xf32, #tpu.memory_space<hbm>> -> memref<2520x32xf32, #tpu.memory_space<hbm>>
    %dma_wait3A_22 = arith.constant 0 : i32
    %dma_wait3A_23 = tpu.memref_slice %arg2[%mul3A_14, %dma_wait3A_22] : memref<80640x32xf32, #tpu.memory_space<hbm>> -> memref<2520x32xf32, #tpu.memory_space<hbm>>
    tpu.wait_dma2 semaphore(%arg14 : memref<!tpu.dma_semaphore, #tpu.memory_space<semaphore_mem>>) src(%dma_wait3A_23 : memref<2520x32xf32, #tpu.memory_space<hbm>>) dst(%arg10 : memref<2520x32xf32, #tpu.memory_space<vmem>>)
    "tpu.region"() ({
      %run_scoped3A = tpu.sem_alloc : memref<!tpu.dma_semaphore, #tpu.memory_space<semaphore_mem>>
      %dma_start3A_35 = arith.constant 0 : i32
      %dma_start3A_36 = arith.constant 0 : i32
      %dma_start3A_37 = tpu.memref_slice %arg12[%dma_start3A_35, %dma_start3A_36] : memref<10000x32xf32, #tpu.memory_space<vmem_shared>> -> memref<10000x32xf32, #tpu.memory_space<vmem_shared>>
      tpu.enqueue_indirect_dma source(%arg10 : memref<2520x32xf32, #tpu.memory_space<vmem>>) target(%dma_start3A_37 : memref<10000x32xf32, #tpu.memory_space<vmem_shared>>) offsets(%arg9 : memref<2520xi32, #tpu.memory_space<vmem>>) semaphore(%run_scoped3A : memref<!tpu.dma_semaphore, #tpu.memory_space<semaphore_mem>>) {add = true}
      %dma_wait3A_38 = arith.constant 0 : i32
      %dma_wait3A_39 = arith.constant 0 : i32
      %dma_wait3A_40 = tpu.memref_slice %arg12[%dma_wait3A_38, %dma_wait3A_39] : memref<10000x32xf32, #tpu.memory_space<vmem_shared>> -> memref<10000x32xf32, #tpu.memory_space<vmem_shared>>
      tpu.wait_indirect_dma semaphore(%run_scoped3A : memref<!tpu.dma_semaphore, #tpu.memory_space<semaphore_mem>>) src(%arg10 : memref<2520x32xf32, #tpu.memory_space<vmem>>) dst(%dma_wait3A_40 : memref<10000x32xf32, #tpu.memory_space<vmem_shared>>)
      tpu.yield
    }) : () -> ()
    "tpu.region"() ({
      %run_scoped3A = tpu.sem_alloc : memref<!tpu.dma_semaphore, #tpu.memory_space<semaphore_mem>>
      %dma_start3A_35 = arith.constant 0 : i32
      %dma_start3A_36 = tpu.memref_slice %arg13[%dma_start3A_35] : memref<10000xf32, #tpu.memory_space<vmem_shared>> -> memref<10000xf32, #tpu.memory_space<vmem_shared>>
      tpu.enqueue_indirect_dma source(%arg11 : memref<2520xf32, #tpu.memory_space<vmem>>) target(%dma_start3A_36 : memref<10000xf32, #tpu.memory_space<vmem_shared>>) offsets(%arg9 : memref<2520xi32, #tpu.memory_space<vmem>>) semaphore(%run_scoped3A : memref<!tpu.dma_semaphore, #tpu.memory_space<semaphore_mem>>) {add = true}
      %dma_wait3A_37 = arith.constant 0 : i32
      %dma_wait3A_38 = tpu.memref_slice %arg13[%dma_wait3A_37] : memref<10000xf32, #tpu.memory_space<vmem_shared>> -> memref<10000xf32, #tpu.memory_space<vmem_shared>>
      tpu.wait_indirect_dma semaphore(%run_scoped3A : memref<!tpu.dma_semaphore, #tpu.memory_space<semaphore_mem>>) src(%arg11 : memref<2520xf32, #tpu.memory_space<vmem>>) dst(%dma_wait3A_38 : memref<10000xf32, #tpu.memory_space<vmem_shared>>)
      tpu.yield
    }) : () -> ()
    %barrier3A_24 = arith.constant 0 : index
    tpu.barrier barrier_id(%barrier3A_24)
    %eq3A_25 = arith.constant 0 : i32
    %eq3A_26 = arith.cmpi eq, %arg1, %eq3A_25 : i32
    %convert_element_type3A_27 = arith.extui %eq3A_26 : i1 to i32
    %cond3A_28 = arith.constant 0 : i32
    %cond3A_29 = arith.cmpi ne, %convert_element_type3A_27, %cond3A_28 : i32
    scf.if %cond3A_29 {
      "tpu.region"() ({
        %run_scoped3A = tpu.sem_alloc : memref<!tpu.dma_semaphore, #tpu.memory_space<semaphore_mem>>
        %dma_start3A_35 = arith.constant 0 : i32
        %dma_start3A_36 = arith.constant 0 : i32
        %dma_start3A_37 = tpu.memref_slice %arg7[%arg0, %dma_start3A_35, %dma_start3A_36] : memref<2x10000x32xf32, #tpu.memory_space<hbm>> -> memref<1x10000x32xf32, #tpu.memory_space<hbm>>
        %dma_start3A_38 = tpu.memref_squeeze %dma_start3A_37 : memref<1x10000x32xf32, #tpu.memory_space<hbm>> -> memref<10000x32xf32, #tpu.memory_space<hbm>>
        tpu.enqueue_dma source(%arg12 : memref<10000x32xf32, #tpu.memory_space<vmem_shared>>) target(%dma_start3A_38 : memref<10000x32xf32, #tpu.memory_space<hbm>>) target_semaphore(%run_scoped3A : memref<!tpu.dma_semaphore, #tpu.memory_space<semaphore_mem>>)
        %dma_wait3A_39 = arith.constant 0 : i32
        %dma_wait3A_40 = arith.constant 0 : i32
        %dma_wait3A_41 = tpu.memref_slice %arg7[%arg0, %dma_wait3A_39, %dma_wait3A_40] : memref<2x10000x32xf32, #tpu.memory_space<hbm>> -> memref<1x10000x32xf32, #tpu.memory_space<hbm>>
        %dma_wait3A_42 = tpu.memref_squeeze %dma_wait3A_41 : memref<1x10000x32xf32, #tpu.memory_space<hbm>> -> memref<10000x32xf32, #tpu.memory_space<hbm>>
        tpu.wait_dma2 semaphore(%run_scoped3A : memref<!tpu.dma_semaphore, #tpu.memory_space<semaphore_mem>>) src(%arg12 : memref<10000x32xf32, #tpu.memory_space<vmem_shared>>) dst(%dma_wait3A_42 : memref<10000x32xf32, #tpu.memory_space<hbm>>)
        tpu.yield
      }) : () -> ()
    } else {
    }
    %eq3A_30 = arith.constant 0 : i32
    %eq3A_31 = arith.cmpi eq, %arg1, %eq3A_30 : i32
    %convert_element_type3A_32 = arith.extui %eq3A_31 : i1 to i32
    %cond3A_33 = arith.constant 0 : i32
    %cond3A_34 = arith.cmpi ne, %convert_element_type3A_32, %cond3A_33 : i32
    scf.if %cond3A_34 {
      "tpu.region"() ({
        %run_scoped3A = tpu.sem_alloc : memref<!tpu.dma_semaphore, #tpu.memory_space<semaphore_mem>>
        %dma_start3A_35 = arith.constant 0 : i32
        %dma_start3A_36 = tpu.memref_slice %arg8[%arg0, %dma_start3A_35] : memref<2x10000xf32, #tpu.memory_space<hbm>> -> memref<1x10000xf32, #tpu.memory_space<hbm>>
        %dma_start3A_37 = tpu.memref_squeeze %dma_start3A_36 : memref<1x10000xf32, #tpu.memory_space<hbm>> -> memref<10000xf32, #tpu.memory_space<hbm>>
        tpu.enqueue_dma source(%arg13 : memref<10000xf32, #tpu.memory_space<vmem_shared>>) target(%dma_start3A_37 : memref<10000xf32, #tpu.memory_space<hbm>>) target_semaphore(%run_scoped3A : memref<!tpu.dma_semaphore, #tpu.memory_space<semaphore_mem>>)
        %dma_wait3A_38 = arith.constant 0 : i32
        %dma_wait3A_39 = tpu.memref_slice %arg8[%arg0, %dma_wait3A_38] : memref<2x10000xf32, #tpu.memory_space<hbm>> -> memref<1x10000xf32, #tpu.memory_space<hbm>>
        %dma_wait3A_40 = tpu.memref_squeeze %dma_wait3A_39 : memref<1x10000xf32, #tpu.memory_space<hbm>> -> memref<10000xf32, #tpu.memory_space<hbm>>
        tpu.wait_dma2 semaphore(%run_scoped3A : memref<!tpu.dma_semaphore, #tpu.memory_space<semaphore_mem>>) src(%arg13 : memref<10000xf32, #tpu.memory_space<vmem_shared>>) dst(%dma_wait3A_40 : memref<10000xf32, #tpu.memory_space<hbm>>)
        tpu.yield
      }) : () -> ()
    } else {
    }
    return
  }
}

#map = affine_map<(d0, d1) -> (0, 0)>
#map1 = affine_map<(d0, d1) -> (0)>
module attributes {stable_mosaic.version = 14 : i64} {
  func.func @body(%arg0: i32, %arg1: i32, %arg2: memref<10000x32xf32, #tpu.memory_space<hbm>>, %arg3: memref<160000xi32, #tpu.memory_space<hbm>>, %arg4: memref<80640x32xf32, #tpu.memory_space<hbm>>, %arg5: memref<2520xi32, #tpu.memory_space<vmem>>, %arg6: memref<2520x32xf32, #tpu.memory_space<vmem>>, %arg7: memref<!tpu.dma_semaphore, #tpu.memory_space<semaphore_mem>>) attributes {dimension_semantics = [#tpu.dimension_semantics<core_parallel>, #tpu.dimension_semantics<subcore_parallel>], iteration_bounds = array<i64: 2, 16>, scalar_prefetch = 0 : i64, scratch_operands = 3 : i64, tpu.core_type = #tpu.core_type<sc_vector_subcore>, window_params = [{transform_indices = #map}, {transform_indices = #map1}, {transform_indices = #map}]} {
    %mul3A = arith.constant 2 : i32
    %mul3A_0 = arith.muli %arg1, %mul3A : i32
    %add3A = arith.addi %mul3A_0, %arg0 : i32
    %mul3A_1 = arith.constant 2520 : i32
    %mul3A_2 = arith.muli %add3A, %mul3A_1 : i32
    %add3A_3 = arith.constant 0 : i32
    %add3A_4 = arith.addi %add3A_3, %mul3A_2 : i32
    "tpu.region"() ({
      %run_scoped3A = tpu.sem_alloc : memref<!tpu.dma_semaphore, #tpu.memory_space<semaphore_mem>>
      %dma_start3A_11 = tpu.memref_slice %arg3[%add3A_4] : memref<160000xi32, #tpu.memory_space<hbm>> -> memref<2520xi32, #tpu.memory_space<hbm>>
      %dma_start3A_12 = tpu.memref_slice %arg3[%add3A_4] : memref<160000xi32, #tpu.memory_space<hbm>> -> memref<2520xi32, #tpu.memory_space<hbm>>
      tpu.enqueue_dma source(%dma_start3A_12 : memref<2520xi32, #tpu.memory_space<hbm>>) target(%arg5 : memref<2520xi32, #tpu.memory_space<vmem>>) target_semaphore(%run_scoped3A : memref<!tpu.dma_semaphore, #tpu.memory_space<semaphore_mem>>)
      %dma_wait3A_13 = tpu.memref_slice %arg3[%add3A_4] : memref<160000xi32, #tpu.memory_space<hbm>> -> memref<2520xi32, #tpu.memory_space<hbm>>
      %dma_wait3A_14 = tpu.memref_slice %arg3[%add3A_4] : memref<160000xi32, #tpu.memory_space<hbm>> -> memref<2520xi32, #tpu.memory_space<hbm>>
      tpu.wait_dma2 semaphore(%run_scoped3A : memref<!tpu.dma_semaphore, #tpu.memory_space<semaphore_mem>>) src(%dma_wait3A_14 : memref<2520xi32, #tpu.memory_space<hbm>>) dst(%arg5 : memref<2520xi32, #tpu.memory_space<vmem>>)
      tpu.yield
    }) : () -> ()
    %dma_start3A = arith.constant 0 : i32
    %dma_start3A_5 = arith.constant 0 : i32
    %dma_start3A_6 = tpu.memref_slice %arg2[%dma_start3A, %dma_start3A_5] : memref<10000x32xf32, #tpu.memory_space<hbm>> -> memref<10000x32xf32, #tpu.memory_space<hbm>>
    tpu.enqueue_indirect_dma source(%dma_start3A_6 : memref<10000x32xf32, #tpu.memory_space<hbm>>) target(%arg6 : memref<2520x32xf32, #tpu.memory_space<vmem>>) offsets(%arg5 : memref<2520xi32, #tpu.memory_space<vmem>>) semaphore(%arg7 : memref<!tpu.dma_semaphore, #tpu.memory_space<semaphore_mem>>)
    %dma_wait3A = arith.constant 0 : i32
    %dma_wait3A_7 = arith.constant 0 : i32
    %dma_wait3A_8 = tpu.memref_slice %arg2[%dma_wait3A, %dma_wait3A_7] : memref<10000x32xf32, #tpu.memory_space<hbm>> -> memref<10000x32xf32, #tpu.memory_space<hbm>>
    tpu.wait_indirect_dma semaphore(%arg7 : memref<!tpu.dma_semaphore, #tpu.memory_space<semaphore_mem>>) src(%dma_wait3A_8 : memref<10000x32xf32, #tpu.memory_space<hbm>>) dst(%arg6 : memref<2520x32xf32, #tpu.memory_space<vmem>>)
    %mul3A_9 = arith.constant 2520 : i32
    %mul3A_10 = arith.muli %add3A, %mul3A_9 : i32
    "tpu.region"() ({
      %run_scoped3A = tpu.sem_alloc : memref<!tpu.dma_semaphore, #tpu.memory_space<semaphore_mem>>
      %dma_start3A_11 = arith.constant 0 : i32
      %dma_start3A_12 = tpu.memref_slice %arg4[%mul3A_10, %dma_start3A_11] : memref<80640x32xf32, #tpu.memory_space<hbm>> -> memref<2520x32xf32, #tpu.memory_space<hbm>>
      %dma_start3A_13 = arith.constant 0 : i32
      %dma_start3A_14 = tpu.memref_slice %arg4[%mul3A_10, %dma_start3A_13] : memref<80640x32xf32, #tpu.memory_space<hbm>> -> memref<2520x32xf32, #tpu.memory_space<hbm>>
      tpu.enqueue_dma source(%arg6 : memref<2520x32xf32, #tpu.memory_space<vmem>>) target(%dma_start3A_14 : memref<2520x32xf32, #tpu.memory_space<hbm>>) target_semaphore(%run_scoped3A : memref<!tpu.dma_semaphore, #tpu.memory_space<semaphore_mem>>)
      %dma_wait3A_15 = arith.constant 0 : i32
      %dma_wait3A_16 = tpu.memref_slice %arg4[%mul3A_10, %dma_wait3A_15] : memref<80640x32xf32, #tpu.memory_space<hbm>> -> memref<2520x32xf32, #tpu.memory_space<hbm>>
      %dma_wait3A_17 = arith.constant 0 : i32
      %dma_wait3A_18 = tpu.memref_slice %arg4[%mul3A_10, %dma_wait3A_17] : memref<80640x32xf32, #tpu.memory_space<hbm>> -> memref<2520x32xf32, #tpu.memory_space<hbm>>
      tpu.wait_dma2 semaphore(%run_scoped3A : memref<!tpu.dma_semaphore, #tpu.memory_space<semaphore_mem>>) src(%arg6 : memref<2520x32xf32, #tpu.memory_space<vmem>>) dst(%dma_wait3A_18 : memref<2520x32xf32, #tpu.memory_space<hbm>>)
      tpu.yield
    }) : () -> ()
    return
  }
}

#map = affine_map<(d0, d1) -> (0, 0)>
#map1 = affine_map<(d0, d1) -> (0)>
module attributes {stable_mosaic.version = 14 : i64} {
  func.func @body(%arg0: i32, %arg1: i32, %arg2: memref<10000x32xf32, #tpu.memory_space<hbm>>, %arg3: memref<160000xi32, #tpu.memory_space<hbm>>, %arg4: memref<79360x32xf32, #tpu.memory_space<hbm>>, %arg5: memref<2480xi32, #tpu.memory_space<vmem>>, %arg6: memref<2480x32xf32, #tpu.memory_space<vmem>>, %arg7: memref<!tpu.dma_semaphore, #tpu.memory_space<semaphore_mem>>) attributes {dimension_semantics = [#tpu.dimension_semantics<core_parallel>, #tpu.dimension_semantics<subcore_parallel>], iteration_bounds = array<i64: 2, 16>, scalar_prefetch = 0 : i64, scratch_operands = 3 : i64, tpu.core_type = #tpu.core_type<sc_vector_subcore>, window_params = [{transform_indices = #map}, {transform_indices = #map1}, {transform_indices = #map}]} {
    %mul3A = arith.constant 2 : i32
    %mul3A_0 = arith.muli %arg1, %mul3A : i32
    %add3A = arith.addi %mul3A_0, %arg0 : i32
    %mul3A_1 = arith.constant 2480 : i32
    %mul3A_2 = arith.muli %add3A, %mul3A_1 : i32
    %add3A_3 = arith.constant 80640 : i32
    %add3A_4 = arith.addi %add3A_3, %mul3A_2 : i32
    "tpu.region"() ({
      %run_scoped3A = tpu.sem_alloc : memref<!tpu.dma_semaphore, #tpu.memory_space<semaphore_mem>>
      %dma_start3A_11 = tpu.memref_slice %arg3[%add3A_4] : memref<160000xi32, #tpu.memory_space<hbm>> -> memref<2480xi32, #tpu.memory_space<hbm>>
      %dma_start3A_12 = tpu.memref_slice %arg3[%add3A_4] : memref<160000xi32, #tpu.memory_space<hbm>> -> memref<2480xi32, #tpu.memory_space<hbm>>
      tpu.enqueue_dma source(%dma_start3A_12 : memref<2480xi32, #tpu.memory_space<hbm>>) target(%arg5 : memref<2480xi32, #tpu.memory_space<vmem>>) target_semaphore(%run_scoped3A : memref<!tpu.dma_semaphore, #tpu.memory_space<semaphore_mem>>)
      %dma_wait3A_13 = tpu.memref_slice %arg3[%add3A_4] : memref<160000xi32, #tpu.memory_space<hbm>> -> memref<2480xi32, #tpu.memory_space<hbm>>
      %dma_wait3A_14 = tpu.memref_slice %arg3[%add3A_4] : memref<160000xi32, #tpu.memory_space<hbm>> -> memref<2480xi32, #tpu.memory_space<hbm>>
      tpu.wait_dma2 semaphore(%run_scoped3A : memref<!tpu.dma_semaphore, #tpu.memory_space<semaphore_mem>>) src(%dma_wait3A_14 : memref<2480xi32, #tpu.memory_space<hbm>>) dst(%arg5 : memref<2480xi32, #tpu.memory_space<vmem>>)
      tpu.yield
    }) : () -> ()
    %dma_start3A = arith.constant 0 : i32
    %dma_start3A_5 = arith.constant 0 : i32
    %dma_start3A_6 = tpu.memref_slice %arg2[%dma_start3A, %dma_start3A_5] : memref<10000x32xf32, #tpu.memory_space<hbm>> -> memref<10000x32xf32, #tpu.memory_space<hbm>>
    tpu.enqueue_indirect_dma source(%dma_start3A_6 : memref<10000x32xf32, #tpu.memory_space<hbm>>) target(%arg6 : memref<2480x32xf32, #tpu.memory_space<vmem>>) offsets(%arg5 : memref<2480xi32, #tpu.memory_space<vmem>>) semaphore(%arg7 : memref<!tpu.dma_semaphore, #tpu.memory_space<semaphore_mem>>)
    %dma_wait3A = arith.constant 0 : i32
    %dma_wait3A_7 = arith.constant 0 : i32
    %dma_wait3A_8 = tpu.memref_slice %arg2[%dma_wait3A, %dma_wait3A_7] : memref<10000x32xf32, #tpu.memory_space<hbm>> -> memref<10000x32xf32, #tpu.memory_space<hbm>>
    tpu.wait_indirect_dma semaphore(%arg7 : memref<!tpu.dma_semaphore, #tpu.memory_space<semaphore_mem>>) src(%dma_wait3A_8 : memref<10000x32xf32, #tpu.memory_space<hbm>>) dst(%arg6 : memref<2480x32xf32, #tpu.memory_space<vmem>>)
    %mul3A_9 = arith.constant 2480 : i32
    %mul3A_10 = arith.muli %add3A, %mul3A_9 : i32
    "tpu.region"() ({
      %run_scoped3A = tpu.sem_alloc : memref<!tpu.dma_semaphore, #tpu.memory_space<semaphore_mem>>
      %dma_start3A_11 = arith.constant 0 : i32
      %dma_start3A_12 = tpu.memref_slice %arg4[%mul3A_10, %dma_start3A_11] : memref<79360x32xf32, #tpu.memory_space<hbm>> -> memref<2480x32xf32, #tpu.memory_space<hbm>>
      %dma_start3A_13 = arith.constant 0 : i32
      %dma_start3A_14 = tpu.memref_slice %arg4[%mul3A_10, %dma_start3A_13] : memref<79360x32xf32, #tpu.memory_space<hbm>> -> memref<2480x32xf32, #tpu.memory_space<hbm>>
      tpu.enqueue_dma source(%arg6 : memref<2480x32xf32, #tpu.memory_space<vmem>>) target(%dma_start3A_14 : memref<2480x32xf32, #tpu.memory_space<hbm>>) target_semaphore(%run_scoped3A : memref<!tpu.dma_semaphore, #tpu.memory_space<semaphore_mem>>)
      %dma_wait3A_15 = arith.constant 0 : i32
      %dma_wait3A_16 = tpu.memref_slice %arg4[%mul3A_10, %dma_wait3A_15] : memref<79360x32xf32, #tpu.memory_space<hbm>> -> memref<2480x32xf32, #tpu.memory_space<hbm>>
      %dma_wait3A_17 = arith.constant 0 : i32
      %dma_wait3A_18 = tpu.memref_slice %arg4[%mul3A_10, %dma_wait3A_17] : memref<79360x32xf32, #tpu.memory_space<hbm>> -> memref<2480x32xf32, #tpu.memory_space<hbm>>
      tpu.wait_dma2 semaphore(%run_scoped3A : memref<!tpu.dma_semaphore, #tpu.memory_space<semaphore_mem>>) src(%arg6 : memref<2480x32xf32, #tpu.memory_space<vmem>>) dst(%dma_wait3A_18 : memref<2480x32xf32, #tpu.memory_space<hbm>>)
      tpu.yield
    }) : () -> ()
    return
  }
}

#map = affine_map<(d0, d1) -> (0, 0)>
#map1 = affine_map<(d0, d1) -> (0)>
#map2 = affine_map<(d0, d1) -> (0, 0, 0)>
module attributes {stable_mosaic.version = 14 : i64} {
  func.func @body(%arg0: i32, %arg1: i32, %arg2: memref<80640x32xf32, #tpu.memory_space<hbm>>, %arg3: memref<160000xi32, #tpu.memory_space<hbm>>, %arg4: memref<10000x32xf32, #tpu.memory_space<hbm>>, %arg5: memref<2x10000x32xf32, #tpu.memory_space<hbm>>, %arg6: memref<2520xi32, #tpu.memory_space<vmem>>, %arg7: memref<2520x32xf32, #tpu.memory_space<vmem>>, %arg8: memref<10000x32xf32, #tpu.memory_space<vmem_shared>>, %arg9: memref<!tpu.dma_semaphore, #tpu.memory_space<semaphore_mem>>) attributes {dimension_semantics = [#tpu.dimension_semantics<core_parallel>, #tpu.dimension_semantics<subcore_parallel>], iteration_bounds = array<i64: 2, 16>, scalar_prefetch = 0 : i64, scratch_operands = 4 : i64, tpu.core_type = #tpu.core_type<sc_vector_subcore>, window_params = [{transform_indices = #map}, {transform_indices = #map1}, {transform_indices = #map}, {transform_indices = #map2}]} {
    %eq3A = arith.constant 0 : i32
    %eq3A_0 = arith.cmpi eq, %arg1, %eq3A : i32
    %convert_element_type3A = arith.extui %eq3A_0 : i1 to i32
    %cond3A = arith.constant 0 : i32
    %cond3A_1 = arith.cmpi ne, %convert_element_type3A, %cond3A : i32
    scf.if %cond3A_1 {
      "tpu.region"() ({
        %run_scoped3A = tpu.sem_alloc : memref<!tpu.dma_semaphore, #tpu.memory_space<semaphore_mem>>
        tpu.enqueue_dma source(%arg4 : memref<10000x32xf32, #tpu.memory_space<hbm>>) target(%arg8 : memref<10000x32xf32, #tpu.memory_space<vmem_shared>>) target_semaphore(%run_scoped3A : memref<!tpu.dma_semaphore, #tpu.memory_space<semaphore_mem>>)
        tpu.wait_dma2 semaphore(%run_scoped3A : memref<!tpu.dma_semaphore, #tpu.memory_space<semaphore_mem>>) src(%arg4 : memref<10000x32xf32, #tpu.memory_space<hbm>>) dst(%arg8 : memref<10000x32xf32, #tpu.memory_space<vmem_shared>>)
        tpu.yield
      }) : () -> ()
    } else {
    }
    %mul3A = arith.constant 2 : i32
    %mul3A_2 = arith.muli %arg1, %mul3A : i32
    %add3A = arith.addi %mul3A_2, %arg0 : i32
    %mul3A_3 = arith.constant 2520 : i32
    %mul3A_4 = arith.muli %add3A, %mul3A_3 : i32
    %add3A_5 = arith.constant 0 : i32
    %add3A_6 = arith.addi %add3A_5, %mul3A_4 : i32
    %dma_start3A = tpu.memref_slice %arg3[%add3A_6] : memref<160000xi32, #tpu.memory_space<hbm>> -> memref<2520xi32, #tpu.memory_space<hbm>>
    %dma_start3A_7 = tpu.memref_slice %arg3[%add3A_6] : memref<160000xi32, #tpu.memory_space<hbm>> -> memref<2520xi32, #tpu.memory_space<hbm>>
    tpu.enqueue_dma source(%dma_start3A_7 : memref<2520xi32, #tpu.memory_space<hbm>>) target(%arg6 : memref<2520xi32, #tpu.memory_space<vmem>>) target_semaphore(%arg9 : memref<!tpu.dma_semaphore, #tpu.memory_space<semaphore_mem>>)
    %mul3A_8 = arith.constant 2520 : i32
    %mul3A_9 = arith.muli %add3A, %mul3A_8 : i32
    %dma_start3A_10 = arith.constant 0 : i32
    %dma_start3A_11 = tpu.memref_slice %arg2[%mul3A_9, %dma_start3A_10] : memref<80640x32xf32, #tpu.memory_space<hbm>> -> memref<2520x32xf32, #tpu.memory_space<hbm>>
    %dma_start3A_12 = arith.constant 0 : i32
    %dma_start3A_13 = tpu.memref_slice %arg2[%mul3A_9, %dma_start3A_12] : memref<80640x32xf32, #tpu.memory_space<hbm>> -> memref<2520x32xf32, #tpu.memory_space<hbm>>
    tpu.enqueue_dma source(%dma_start3A_13 : memref<2520x32xf32, #tpu.memory_space<hbm>>) target(%arg7 : memref<2520x32xf32, #tpu.memory_space<vmem>>) target_semaphore(%arg9 : memref<!tpu.dma_semaphore, #tpu.memory_space<semaphore_mem>>)
    %barrier3A = arith.constant 0 : index
    tpu.barrier barrier_id(%barrier3A)
    %dma_wait3A = tpu.memref_slice %arg3[%add3A_6] : memref<160000xi32, #tpu.memory_space<hbm>> -> memref<2520xi32, #tpu.memory_space<hbm>>
    %dma_wait3A_14 = tpu.memref_slice %arg3[%add3A_6] : memref<160000xi32, #tpu.memory_space<hbm>> -> memref<2520xi32, #tpu.memory_space<hbm>>
    tpu.wait_dma2 semaphore(%arg9 : memref<!tpu.dma_semaphore, #tpu.memory_space<semaphore_mem>>) src(%dma_wait3A_14 : memref<2520xi32, #tpu.memory_space<hbm>>) dst(%arg6 : memref<2520xi32, #tpu.memory_space<vmem>>)
    %dma_wait3A_15 = arith.constant 0 : i32
    %dma_wait3A_16 = tpu.memref_slice %arg2[%mul3A_9, %dma_wait3A_15] : memref<80640x32xf32, #tpu.memory_space<hbm>> -> memref<2520x32xf32, #tpu.memory_space<hbm>>
    %dma_wait3A_17 = arith.constant 0 : i32
    %dma_wait3A_18 = tpu.memref_slice %arg2[%mul3A_9, %dma_wait3A_17] : memref<80640x32xf32, #tpu.memory_space<hbm>> -> memref<2520x32xf32, #tpu.memory_space<hbm>>
    tpu.wait_dma2 semaphore(%arg9 : memref<!tpu.dma_semaphore, #tpu.memory_space<semaphore_mem>>) src(%dma_wait3A_18 : memref<2520x32xf32, #tpu.memory_space<hbm>>) dst(%arg7 : memref<2520x32xf32, #tpu.memory_space<vmem>>)
    "tpu.region"() ({
      %run_scoped3A = tpu.sem_alloc : memref<!tpu.dma_semaphore, #tpu.memory_space<semaphore_mem>>
      %dma_start3A_25 = arith.constant 0 : i32
      %dma_start3A_26 = arith.constant 0 : i32
      %dma_start3A_27 = tpu.memref_slice %arg8[%dma_start3A_25, %dma_start3A_26] : memref<10000x32xf32, #tpu.memory_space<vmem_shared>> -> memref<10000x32xf32, #tpu.memory_space<vmem_shared>>
      tpu.enqueue_indirect_dma source(%arg7 : memref<2520x32xf32, #tpu.memory_space<vmem>>) target(%dma_start3A_27 : memref<10000x32xf32, #tpu.memory_space<vmem_shared>>) offsets(%arg6 : memref<2520xi32, #tpu.memory_space<vmem>>) semaphore(%run_scoped3A : memref<!tpu.dma_semaphore, #tpu.memory_space<semaphore_mem>>) {add = true}
      %dma_wait3A_28 = arith.constant 0 : i32
      %dma_wait3A_29 = arith.constant 0 : i32
      %dma_wait3A_30 = tpu.memref_slice %arg8[%dma_wait3A_28, %dma_wait3A_29] : memref<10000x32xf32, #tpu.memory_space<vmem_shared>> -> memref<10000x32xf32, #tpu.memory_space<vmem_shared>>
      tpu.wait_indirect_dma semaphore(%run_scoped3A : memref<!tpu.dma_semaphore, #tpu.memory_space<semaphore_mem>>) src(%arg7 : memref<2520x32xf32, #tpu.memory_space<vmem>>) dst(%dma_wait3A_30 : memref<10000x32xf32, #tpu.memory_space<vmem_shared>>)
      tpu.yield
    }) : () -> ()
    %barrier3A_19 = arith.constant 0 : index
    tpu.barrier barrier_id(%barrier3A_19)
    %eq3A_20 = arith.constant 0 : i32
    %eq3A_21 = arith.cmpi eq, %arg1, %eq3A_20 : i32
    %convert_element_type3A_22 = arith.extui %eq3A_21 : i1 to i32
    %cond3A_23 = arith.constant 0 : i32
    %cond3A_24 = arith.cmpi ne, %convert_element_type3A_22, %cond3A_23 : i32
    scf.if %cond3A_24 {
      "tpu.region"() ({
        %run_scoped3A = tpu.sem_alloc : memref<!tpu.dma_semaphore, #tpu.memory_space<semaphore_mem>>
        %dma_start3A_25 = arith.constant 0 : i32
        %dma_start3A_26 = arith.constant 0 : i32
        %dma_start3A_27 = tpu.memref_slice %arg5[%arg0, %dma_start3A_25, %dma_start3A_26] : memref<2x10000x32xf32, #tpu.memory_space<hbm>> -> memref<1x10000x32xf32, #tpu.memory_space<hbm>>
        %dma_start3A_28 = tpu.memref_squeeze %dma_start3A_27 : memref<1x10000x32xf32, #tpu.memory_space<hbm>> -> memref<10000x32xf32, #tpu.memory_space<hbm>>
        tpu.enqueue_dma source(%arg8 : memref<10000x32xf32, #tpu.memory_space<vmem_shared>>) target(%dma_start3A_28 : memref<10000x32xf32, #tpu.memory_space<hbm>>) target_semaphore(%run_scoped3A : memref<!tpu.dma_semaphore, #tpu.memory_space<semaphore_mem>>)
        %dma_wait3A_29 = arith.constant 0 : i32
        %dma_wait3A_30 = arith.constant 0 : i32
        %dma_wait3A_31 = tpu.memref_slice %arg5[%arg0, %dma_wait3A_29, %dma_wait3A_30] : memref<2x10000x32xf32, #tpu.memory_space<hbm>> -> memref<1x10000x32xf32, #tpu.memory_space<hbm>>
        %dma_wait3A_32 = tpu.memref_squeeze %dma_wait3A_31 : memref<1x10000x32xf32, #tpu.memory_space<hbm>> -> memref<10000x32xf32, #tpu.memory_space<hbm>>
        tpu.wait_dma2 semaphore(%run_scoped3A : memref<!tpu.dma_semaphore, #tpu.memory_space<semaphore_mem>>) src(%arg8 : memref<10000x32xf32, #tpu.memory_space<vmem_shared>>) dst(%dma_wait3A_32 : memref<10000x32xf32, #tpu.memory_space<hbm>>)
        tpu.yield
      }) : () -> ()
    } else {
    }
    return
  }
}

#map = affine_map<(d0, d1) -> (0, 0)>
#map1 = affine_map<(d0, d1) -> (0)>
#map2 = affine_map<(d0, d1) -> (0, 0, 0)>
module attributes {stable_mosaic.version = 14 : i64} {
  func.func @body(%arg0: i32, %arg1: i32, %arg2: memref<79360x32xf32, #tpu.memory_space<hbm>>, %arg3: memref<160000xi32, #tpu.memory_space<hbm>>, %arg4: memref<10000x32xf32, #tpu.memory_space<hbm>>, %arg5: memref<2x10000x32xf32, #tpu.memory_space<hbm>>, %arg6: memref<2480xi32, #tpu.memory_space<vmem>>, %arg7: memref<2480x32xf32, #tpu.memory_space<vmem>>, %arg8: memref<10000x32xf32, #tpu.memory_space<vmem_shared>>, %arg9: memref<!tpu.dma_semaphore, #tpu.memory_space<semaphore_mem>>) attributes {dimension_semantics = [#tpu.dimension_semantics<core_parallel>, #tpu.dimension_semantics<subcore_parallel>], iteration_bounds = array<i64: 2, 16>, scalar_prefetch = 0 : i64, scratch_operands = 4 : i64, tpu.core_type = #tpu.core_type<sc_vector_subcore>, window_params = [{transform_indices = #map}, {transform_indices = #map1}, {transform_indices = #map}, {transform_indices = #map2}]} {
    %eq3A = arith.constant 0 : i32
    %eq3A_0 = arith.cmpi eq, %arg1, %eq3A : i32
    %convert_element_type3A = arith.extui %eq3A_0 : i1 to i32
    %cond3A = arith.constant 0 : i32
    %cond3A_1 = arith.cmpi ne, %convert_element_type3A, %cond3A : i32
    scf.if %cond3A_1 {
      "tpu.region"() ({
        %run_scoped3A = tpu.sem_alloc : memref<!tpu.dma_semaphore, #tpu.memory_space<semaphore_mem>>
        tpu.enqueue_dma source(%arg4 : memref<10000x32xf32, #tpu.memory_space<hbm>>) target(%arg8 : memref<10000x32xf32, #tpu.memory_space<vmem_shared>>) target_semaphore(%run_scoped3A : memref<!tpu.dma_semaphore, #tpu.memory_space<semaphore_mem>>)
        tpu.wait_dma2 semaphore(%run_scoped3A : memref<!tpu.dma_semaphore, #tpu.memory_space<semaphore_mem>>) src(%arg4 : memref<10000x32xf32, #tpu.memory_space<hbm>>) dst(%arg8 : memref<10000x32xf32, #tpu.memory_space<vmem_shared>>)
        tpu.yield
      }) : () -> ()
    } else {
    }
    %mul3A = arith.constant 2 : i32
    %mul3A_2 = arith.muli %arg1, %mul3A : i32
    %add3A = arith.addi %mul3A_2, %arg0 : i32
    %mul3A_3 = arith.constant 2480 : i32
    %mul3A_4 = arith.muli %add3A, %mul3A_3 : i32
    %add3A_5 = arith.constant 80640 : i32
    %add3A_6 = arith.addi %add3A_5, %mul3A_4 : i32
    %dma_start3A = tpu.memref_slice %arg3[%add3A_6] : memref<160000xi32, #tpu.memory_space<hbm>> -> memref<2480xi32, #tpu.memory_space<hbm>>
    %dma_start3A_7 = tpu.memref_slice %arg3[%add3A_6] : memref<160000xi32, #tpu.memory_space<hbm>> -> memref<2480xi32, #tpu.memory_space<hbm>>
    tpu.enqueue_dma source(%dma_start3A_7 : memref<2480xi32, #tpu.memory_space<hbm>>) target(%arg6 : memref<2480xi32, #tpu.memory_space<vmem>>) target_semaphore(%arg9 : memref<!tpu.dma_semaphore, #tpu.memory_space<semaphore_mem>>)
    %mul3A_8 = arith.constant 2480 : i32
    %mul3A_9 = arith.muli %add3A, %mul3A_8 : i32
    %dma_start3A_10 = arith.constant 0 : i32
    %dma_start3A_11 = tpu.memref_slice %arg2[%mul3A_9, %dma_start3A_10] : memref<79360x32xf32, #tpu.memory_space<hbm>> -> memref<2480x32xf32, #tpu.memory_space<hbm>>
    %dma_start3A_12 = arith.constant 0 : i32
    %dma_start3A_13 = tpu.memref_slice %arg2[%mul3A_9, %dma_start3A_12] : memref<79360x32xf32, #tpu.memory_space<hbm>> -> memref<2480x32xf32, #tpu.memory_space<hbm>>
    tpu.enqueue_dma source(%dma_start3A_13 : memref<2480x32xf32, #tpu.memory_space<hbm>>) target(%arg7 : memref<2480x32xf32, #tpu.memory_space<vmem>>) target_semaphore(%arg9 : memref<!tpu.dma_semaphore, #tpu.memory_space<semaphore_mem>>)
    %barrier3A = arith.constant 0 : index
    tpu.barrier barrier_id(%barrier3A)
    %dma_wait3A = tpu.memref_slice %arg3[%add3A_6] : memref<160000xi32, #tpu.memory_space<hbm>> -> memref<2480xi32, #tpu.memory_space<hbm>>
    %dma_wait3A_14 = tpu.memref_slice %arg3[%add3A_6] : memref<160000xi32, #tpu.memory_space<hbm>> -> memref<2480xi32, #tpu.memory_space<hbm>>
    tpu.wait_dma2 semaphore(%arg9 : memref<!tpu.dma_semaphore, #tpu.memory_space<semaphore_mem>>) src(%dma_wait3A_14 : memref<2480xi32, #tpu.memory_space<hbm>>) dst(%arg6 : memref<2480xi32, #tpu.memory_space<vmem>>)
    %dma_wait3A_15 = arith.constant 0 : i32
    %dma_wait3A_16 = tpu.memref_slice %arg2[%mul3A_9, %dma_wait3A_15] : memref<79360x32xf32, #tpu.memory_space<hbm>> -> memref<2480x32xf32, #tpu.memory_space<hbm>>
    %dma_wait3A_17 = arith.constant 0 : i32
    %dma_wait3A_18 = tpu.memref_slice %arg2[%mul3A_9, %dma_wait3A_17] : memref<79360x32xf32, #tpu.memory_space<hbm>> -> memref<2480x32xf32, #tpu.memory_space<hbm>>
    tpu.wait_dma2 semaphore(%arg9 : memref<!tpu.dma_semaphore, #tpu.memory_space<semaphore_mem>>) src(%dma_wait3A_18 : memref<2480x32xf32, #tpu.memory_space<hbm>>) dst(%arg7 : memref<2480x32xf32, #tpu.memory_space<vmem>>)
    "tpu.region"() ({
      %run_scoped3A = tpu.sem_alloc : memref<!tpu.dma_semaphore, #tpu.memory_space<semaphore_mem>>
      %dma_start3A_25 = arith.constant 0 : i32
      %dma_start3A_26 = arith.constant 0 : i32
      %dma_start3A_27 = tpu.memref_slice %arg8[%dma_start3A_25, %dma_start3A_26] : memref<10000x32xf32, #tpu.memory_space<vmem_shared>> -> memref<10000x32xf32, #tpu.memory_space<vmem_shared>>
      tpu.enqueue_indirect_dma source(%arg7 : memref<2480x32xf32, #tpu.memory_space<vmem>>) target(%dma_start3A_27 : memref<10000x32xf32, #tpu.memory_space<vmem_shared>>) offsets(%arg6 : memref<2480xi32, #tpu.memory_space<vmem>>) semaphore(%run_scoped3A : memref<!tpu.dma_semaphore, #tpu.memory_space<semaphore_mem>>) {add = true}
      %dma_wait3A_28 = arith.constant 0 : i32
      %dma_wait3A_29 = arith.constant 0 : i32
      %dma_wait3A_30 = tpu.memref_slice %arg8[%dma_wait3A_28, %dma_wait3A_29] : memref<10000x32xf32, #tpu.memory_space<vmem_shared>> -> memref<10000x32xf32, #tpu.memory_space<vmem_shared>>
      tpu.wait_indirect_dma semaphore(%run_scoped3A : memref<!tpu.dma_semaphore, #tpu.memory_space<semaphore_mem>>) src(%arg7 : memref<2480x32xf32, #tpu.memory_space<vmem>>) dst(%dma_wait3A_30 : memref<10000x32xf32, #tpu.memory_space<vmem_shared>>)
      tpu.yield
    }) : () -> ()
    %barrier3A_19 = arith.constant 0 : index
    tpu.barrier barrier_id(%barrier3A_19)
    %eq3A_20 = arith.constant 0 : i32
    %eq3A_21 = arith.cmpi eq, %arg1, %eq3A_20 : i32
    %convert_element_type3A_22 = arith.extui %eq3A_21 : i1 to i32
    %cond3A_23 = arith.constant 0 : i32
    %cond3A_24 = arith.cmpi ne, %convert_element_type3A_22, %cond3A_23 : i32
    scf.if %cond3A_24 {
      "tpu.region"() ({
        %run_scoped3A = tpu.sem_alloc : memref<!tpu.dma_semaphore, #tpu.memory_space<semaphore_mem>>
        %dma_start3A_25 = arith.constant 0 : i32
        %dma_start3A_26 = arith.constant 0 : i32
        %dma_start3A_27 = tpu.memref_slice %arg5[%arg0, %dma_start3A_25, %dma_start3A_26] : memref<2x10000x32xf32, #tpu.memory_space<hbm>> -> memref<1x10000x32xf32, #tpu.memory_space<hbm>>
        %dma_start3A_28 = tpu.memref_squeeze %dma_start3A_27 : memref<1x10000x32xf32, #tpu.memory_space<hbm>> -> memref<10000x32xf32, #tpu.memory_space<hbm>>
        tpu.enqueue_dma source(%arg8 : memref<10000x32xf32, #tpu.memory_space<vmem_shared>>) target(%dma_start3A_28 : memref<10000x32xf32, #tpu.memory_space<hbm>>) target_semaphore(%run_scoped3A : memref<!tpu.dma_semaphore, #tpu.memory_space<semaphore_mem>>)
        %dma_wait3A_29 = arith.constant 0 : i32
        %dma_wait3A_30 = arith.constant 0 : i32
        %dma_wait3A_31 = tpu.memref_slice %arg5[%arg0, %dma_wait3A_29, %dma_wait3A_30] : memref<2x10000x32xf32, #tpu.memory_space<hbm>> -> memref<1x10000x32xf32, #tpu.memory_space<hbm>>
        %dma_wait3A_32 = tpu.memref_squeeze %dma_wait3A_31 : memref<1x10000x32xf32, #tpu.memory_space<hbm>> -> memref<10000x32xf32, #tpu.memory_space<hbm>>
        tpu.wait_dma2 semaphore(%run_scoped3A : memref<!tpu.dma_semaphore, #tpu.memory_space<semaphore_mem>>) src(%arg8 : memref<10000x32xf32, #tpu.memory_space<vmem_shared>>) dst(%dma_wait3A_32 : memref<10000x32xf32, #tpu.memory_space<hbm>>)
        tpu.yield
      }) : () -> ()
    } else {
    }
    return
  }
}

#map = affine_map<(d0, d1) -> (0, 0)>
#map1 = affine_map<(d0, d1) -> (0)>
module attributes {stable_mosaic.version = 14 : i64} {
  func.func @body(%arg0: i32, %arg1: i32, %arg2: memref<10000x32xf32, #tpu.memory_space<hbm>>, %arg3: memref<160000xi32, #tpu.memory_space<hbm>>, %arg4: memref<80640x32xf32, #tpu.memory_space<hbm>>, %arg5: memref<2520xi32, #tpu.memory_space<vmem>>, %arg6: memref<2520x32xf32, #tpu.memory_space<vmem>>, %arg7: memref<!tpu.dma_semaphore, #tpu.memory_space<semaphore_mem>>) attributes {dimension_semantics = [#tpu.dimension_semantics<core_parallel>, #tpu.dimension_semantics<subcore_parallel>], iteration_bounds = array<i64: 2, 16>, scalar_prefetch = 0 : i64, scratch_operands = 3 : i64, tpu.core_type = #tpu.core_type<sc_vector_subcore>, window_params = [{transform_indices = #map}, {transform_indices = #map1}, {transform_indices = #map}]} {
    %mul3A = arith.constant 2 : i32
    %mul3A_0 = arith.muli %arg1, %mul3A : i32
    %add3A = arith.addi %mul3A_0, %arg0 : i32
    %mul3A_1 = arith.constant 2520 : i32
    %mul3A_2 = arith.muli %add3A, %mul3A_1 : i32
    %add3A_3 = arith.constant 0 : i32
    %add3A_4 = arith.addi %add3A_3, %mul3A_2 : i32
    "tpu.region"() ({
      %run_scoped3A = tpu.sem_alloc : memref<!tpu.dma_semaphore, #tpu.memory_space<semaphore_mem>>
      %dma_start3A_11 = tpu.memref_slice %arg3[%add3A_4] : memref<160000xi32, #tpu.memory_space<hbm>> -> memref<2520xi32, #tpu.memory_space<hbm>>
      %dma_start3A_12 = tpu.memref_slice %arg3[%add3A_4] : memref<160000xi32, #tpu.memory_space<hbm>> -> memref<2520xi32, #tpu.memory_space<hbm>>
      tpu.enqueue_dma source(%dma_start3A_12 : memref<2520xi32, #tpu.memory_space<hbm>>) target(%arg5 : memref<2520xi32, #tpu.memory_space<vmem>>) target_semaphore(%run_scoped3A : memref<!tpu.dma_semaphore, #tpu.memory_space<semaphore_mem>>)
      %dma_wait3A_13 = tpu.memref_slice %arg3[%add3A_4] : memref<160000xi32, #tpu.memory_space<hbm>> -> memref<2520xi32, #tpu.memory_space<hbm>>
      %dma_wait3A_14 = tpu.memref_slice %arg3[%add3A_4] : memref<160000xi32, #tpu.memory_space<hbm>> -> memref<2520xi32, #tpu.memory_space<hbm>>
      tpu.wait_dma2 semaphore(%run_scoped3A : memref<!tpu.dma_semaphore, #tpu.memory_space<semaphore_mem>>) src(%dma_wait3A_14 : memref<2520xi32, #tpu.memory_space<hbm>>) dst(%arg5 : memref<2520xi32, #tpu.memory_space<vmem>>)
      tpu.yield
    }) : () -> ()
    %dma_start3A = arith.constant 0 : i32
    %dma_start3A_5 = arith.constant 0 : i32
    %dma_start3A_6 = tpu.memref_slice %arg2[%dma_start3A, %dma_start3A_5] : memref<10000x32xf32, #tpu.memory_space<hbm>> -> memref<10000x32xf32, #tpu.memory_space<hbm>>
    tpu.enqueue_indirect_dma source(%dma_start3A_6 : memref<10000x32xf32, #tpu.memory_space<hbm>>) target(%arg6 : memref<2520x32xf32, #tpu.memory_space<vmem>>) offsets(%arg5 : memref<2520xi32, #tpu.memory_space<vmem>>) semaphore(%arg7 : memref<!tpu.dma_semaphore, #tpu.memory_space<semaphore_mem>>)
    %dma_wait3A = arith.constant 0 : i32
    %dma_wait3A_7 = arith.constant 0 : i32
    %dma_wait3A_8 = tpu.memref_slice %arg2[%dma_wait3A, %dma_wait3A_7] : memref<10000x32xf32, #tpu.memory_space<hbm>> -> memref<10000x32xf32, #tpu.memory_space<hbm>>
    tpu.wait_indirect_dma semaphore(%arg7 : memref<!tpu.dma_semaphore, #tpu.memory_space<semaphore_mem>>) src(%dma_wait3A_8 : memref<10000x32xf32, #tpu.memory_space<hbm>>) dst(%arg6 : memref<2520x32xf32, #tpu.memory_space<vmem>>)
    %mul3A_9 = arith.constant 2520 : i32
    %mul3A_10 = arith.muli %add3A, %mul3A_9 : i32
    "tpu.region"() ({
      %run_scoped3A = tpu.sem_alloc : memref<!tpu.dma_semaphore, #tpu.memory_space<semaphore_mem>>
      %dma_start3A_11 = arith.constant 0 : i32
      %dma_start3A_12 = tpu.memref_slice %arg4[%mul3A_10, %dma_start3A_11] : memref<80640x32xf32, #tpu.memory_space<hbm>> -> memref<2520x32xf32, #tpu.memory_space<hbm>>
      %dma_start3A_13 = arith.constant 0 : i32
      %dma_start3A_14 = tpu.memref_slice %arg4[%mul3A_10, %dma_start3A_13] : memref<80640x32xf32, #tpu.memory_space<hbm>> -> memref<2520x32xf32, #tpu.memory_space<hbm>>
      tpu.enqueue_dma source(%arg6 : memref<2520x32xf32, #tpu.memory_space<vmem>>) target(%dma_start3A_14 : memref<2520x32xf32, #tpu.memory_space<hbm>>) target_semaphore(%run_scoped3A : memref<!tpu.dma_semaphore, #tpu.memory_space<semaphore_mem>>)
      %dma_wait3A_15 = arith.constant 0 : i32
      %dma_wait3A_16 = tpu.memref_slice %arg4[%mul3A_10, %dma_wait3A_15] : memref<80640x32xf32, #tpu.memory_space<hbm>> -> memref<2520x32xf32, #tpu.memory_space<hbm>>
      %dma_wait3A_17 = arith.constant 0 : i32
      %dma_wait3A_18 = tpu.memref_slice %arg4[%mul3A_10, %dma_wait3A_17] : memref<80640x32xf32, #tpu.memory_space<hbm>> -> memref<2520x32xf32, #tpu.memory_space<hbm>>
      tpu.wait_dma2 semaphore(%run_scoped3A : memref<!tpu.dma_semaphore, #tpu.memory_space<semaphore_mem>>) src(%arg6 : memref<2520x32xf32, #tpu.memory_space<vmem>>) dst(%dma_wait3A_18 : memref<2520x32xf32, #tpu.memory_space<hbm>>)
      tpu.yield
    }) : () -> ()
    return
  }
}

#map = affine_map<(d0, d1) -> (0, 0)>
#map1 = affine_map<(d0, d1) -> (0)>
module attributes {stable_mosaic.version = 14 : i64} {
  func.func @body(%arg0: i32, %arg1: i32, %arg2: memref<10000x32xf32, #tpu.memory_space<hbm>>, %arg3: memref<160000xi32, #tpu.memory_space<hbm>>, %arg4: memref<79360x32xf32, #tpu.memory_space<hbm>>, %arg5: memref<2480xi32, #tpu.memory_space<vmem>>, %arg6: memref<2480x32xf32, #tpu.memory_space<vmem>>, %arg7: memref<!tpu.dma_semaphore, #tpu.memory_space<semaphore_mem>>) attributes {dimension_semantics = [#tpu.dimension_semantics<core_parallel>, #tpu.dimension_semantics<subcore_parallel>], iteration_bounds = array<i64: 2, 16>, scalar_prefetch = 0 : i64, scratch_operands = 3 : i64, tpu.core_type = #tpu.core_type<sc_vector_subcore>, window_params = [{transform_indices = #map}, {transform_indices = #map1}, {transform_indices = #map}]} {
    %mul3A = arith.constant 2 : i32
    %mul3A_0 = arith.muli %arg1, %mul3A : i32
    %add3A = arith.addi %mul3A_0, %arg0 : i32
    %mul3A_1 = arith.constant 2480 : i32
    %mul3A_2 = arith.muli %add3A, %mul3A_1 : i32
    %add3A_3 = arith.constant 80640 : i32
    %add3A_4 = arith.addi %add3A_3, %mul3A_2 : i32
    "tpu.region"() ({
      %run_scoped3A = tpu.sem_alloc : memref<!tpu.dma_semaphore, #tpu.memory_space<semaphore_mem>>
      %dma_start3A_11 = tpu.memref_slice %arg3[%add3A_4] : memref<160000xi32, #tpu.memory_space<hbm>> -> memref<2480xi32, #tpu.memory_space<hbm>>
      %dma_start3A_12 = tpu.memref_slice %arg3[%add3A_4] : memref<160000xi32, #tpu.memory_space<hbm>> -> memref<2480xi32, #tpu.memory_space<hbm>>
      tpu.enqueue_dma source(%dma_start3A_12 : memref<2480xi32, #tpu.memory_space<hbm>>) target(%arg5 : memref<2480xi32, #tpu.memory_space<vmem>>) target_semaphore(%run_scoped3A : memref<!tpu.dma_semaphore, #tpu.memory_space<semaphore_mem>>)
      %dma_wait3A_13 = tpu.memref_slice %arg3[%add3A_4] : memref<160000xi32, #tpu.memory_space<hbm>> -> memref<2480xi32, #tpu.memory_space<hbm>>
      %dma_wait3A_14 = tpu.memref_slice %arg3[%add3A_4] : memref<160000xi32, #tpu.memory_space<hbm>> -> memref<2480xi32, #tpu.memory_space<hbm>>
      tpu.wait_dma2 semaphore(%run_scoped3A : memref<!tpu.dma_semaphore, #tpu.memory_space<semaphore_mem>>) src(%dma_wait3A_14 : memref<2480xi32, #tpu.memory_space<hbm>>) dst(%arg5 : memref<2480xi32, #tpu.memory_space<vmem>>)
      tpu.yield
    }) : () -> ()
    %dma_start3A = arith.constant 0 : i32
    %dma_start3A_5 = arith.constant 0 : i32
    %dma_start3A_6 = tpu.memref_slice %arg2[%dma_start3A, %dma_start3A_5] : memref<10000x32xf32, #tpu.memory_space<hbm>> -> memref<10000x32xf32, #tpu.memory_space<hbm>>
    tpu.enqueue_indirect_dma source(%dma_start3A_6 : memref<10000x32xf32, #tpu.memory_space<hbm>>) target(%arg6 : memref<2480x32xf32, #tpu.memory_space<vmem>>) offsets(%arg5 : memref<2480xi32, #tpu.memory_space<vmem>>) semaphore(%arg7 : memref<!tpu.dma_semaphore, #tpu.memory_space<semaphore_mem>>)
    %dma_wait3A = arith.constant 0 : i32
    %dma_wait3A_7 = arith.constant 0 : i32
    %dma_wait3A_8 = tpu.memref_slice %arg2[%dma_wait3A, %dma_wait3A_7] : memref<10000x32xf32, #tpu.memory_space<hbm>> -> memref<10000x32xf32, #tpu.memory_space<hbm>>
    tpu.wait_indirect_dma semaphore(%arg7 : memref<!tpu.dma_semaphore, #tpu.memory_space<semaphore_mem>>) src(%dma_wait3A_8 : memref<10000x32xf32, #tpu.memory_space<hbm>>) dst(%arg6 : memref<2480x32xf32, #tpu.memory_space<vmem>>)
    %mul3A_9 = arith.constant 2480 : i32
    %mul3A_10 = arith.muli %add3A, %mul3A_9 : i32
    "tpu.region"() ({
      %run_scoped3A = tpu.sem_alloc : memref<!tpu.dma_semaphore, #tpu.memory_space<semaphore_mem>>
      %dma_start3A_11 = arith.constant 0 : i32
      %dma_start3A_12 = tpu.memref_slice %arg4[%mul3A_10, %dma_start3A_11] : memref<79360x32xf32, #tpu.memory_space<hbm>> -> memref<2480x32xf32, #tpu.memory_space<hbm>>
      %dma_start3A_13 = arith.constant 0 : i32
      %dma_start3A_14 = tpu.memref_slice %arg4[%mul3A_10, %dma_start3A_13] : memref<79360x32xf32, #tpu.memory_space<hbm>> -> memref<2480x32xf32, #tpu.memory_space<hbm>>
      tpu.enqueue_dma source(%arg6 : memref<2480x32xf32, #tpu.memory_space<vmem>>) target(%dma_start3A_14 : memref<2480x32xf32, #tpu.memory_space<hbm>>) target_semaphore(%run_scoped3A : memref<!tpu.dma_semaphore, #tpu.memory_space<semaphore_mem>>)
      %dma_wait3A_15 = arith.constant 0 : i32
      %dma_wait3A_16 = tpu.memref_slice %arg4[%mul3A_10, %dma_wait3A_15] : memref<79360x32xf32, #tpu.memory_space<hbm>> -> memref<2480x32xf32, #tpu.memory_space<hbm>>
      %dma_wait3A_17 = arith.constant 0 : i32
      %dma_wait3A_18 = tpu.memref_slice %arg4[%mul3A_10, %dma_wait3A_17] : memref<79360x32xf32, #tpu.memory_space<hbm>> -> memref<2480x32xf32, #tpu.memory_space<hbm>>
      tpu.wait_dma2 semaphore(%run_scoped3A : memref<!tpu.dma_semaphore, #tpu.memory_space<semaphore_mem>>) src(%arg6 : memref<2480x32xf32, #tpu.memory_space<vmem>>) dst(%dma_wait3A_18 : memref<2480x32xf32, #tpu.memory_space<hbm>>)
      tpu.yield
    }) : () -> ()
    return
  }
}

#map = affine_map<(d0, d1) -> (0, 0)>
#map1 = affine_map<(d0, d1) -> (0)>
#map2 = affine_map<(d0, d1) -> (0, 0, 0)>
module attributes {stable_mosaic.version = 14 : i64} {
  func.func @body(%arg0: i32, %arg1: i32, %arg2: memref<80640x32xf32, #tpu.memory_space<hbm>>, %arg3: memref<160000xi32, #tpu.memory_space<hbm>>, %arg4: memref<10000x32xf32, #tpu.memory_space<hbm>>, %arg5: memref<2x10000x32xf32, #tpu.memory_space<hbm>>, %arg6: memref<2520xi32, #tpu.memory_space<vmem>>, %arg7: memref<2520x32xf32, #tpu.memory_space<vmem>>, %arg8: memref<10000x32xf32, #tpu.memory_space<vmem_shared>>, %arg9: memref<!tpu.dma_semaphore, #tpu.memory_space<semaphore_mem>>) attributes {dimension_semantics = [#tpu.dimension_semantics<core_parallel>, #tpu.dimension_semantics<subcore_parallel>], iteration_bounds = array<i64: 2, 16>, scalar_prefetch = 0 : i64, scratch_operands = 4 : i64, tpu.core_type = #tpu.core_type<sc_vector_subcore>, window_params = [{transform_indices = #map}, {transform_indices = #map1}, {transform_indices = #map}, {transform_indices = #map2}]} {
    %eq3A = arith.constant 0 : i32
    %eq3A_0 = arith.cmpi eq, %arg1, %eq3A : i32
    %convert_element_type3A = arith.extui %eq3A_0 : i1 to i32
    %cond3A = arith.constant 0 : i32
    %cond3A_1 = arith.cmpi ne, %convert_element_type3A, %cond3A : i32
    scf.if %cond3A_1 {
      "tpu.region"() ({
        %run_scoped3A = tpu.sem_alloc : memref<!tpu.dma_semaphore, #tpu.memory_space<semaphore_mem>>
        tpu.enqueue_dma source(%arg4 : memref<10000x32xf32, #tpu.memory_space<hbm>>) target(%arg8 : memref<10000x32xf32, #tpu.memory_space<vmem_shared>>) target_semaphore(%run_scoped3A : memref<!tpu.dma_semaphore, #tpu.memory_space<semaphore_mem>>)
        tpu.wait_dma2 semaphore(%run_scoped3A : memref<!tpu.dma_semaphore, #tpu.memory_space<semaphore_mem>>) src(%arg4 : memref<10000x32xf32, #tpu.memory_space<hbm>>) dst(%arg8 : memref<10000x32xf32, #tpu.memory_space<vmem_shared>>)
        tpu.yield
      }) : () -> ()
    } else {
    }
    %mul3A = arith.constant 2 : i32
    %mul3A_2 = arith.muli %arg1, %mul3A : i32
    %add3A = arith.addi %mul3A_2, %arg0 : i32
    %mul3A_3 = arith.constant 2520 : i32
    %mul3A_4 = arith.muli %add3A, %mul3A_3 : i32
    %add3A_5 = arith.constant 0 : i32
    %add3A_6 = arith.addi %add3A_5, %mul3A_4 : i32
    %dma_start3A = tpu.memref_slice %arg3[%add3A_6] : memref<160000xi32, #tpu.memory_space<hbm>> -> memref<2520xi32, #tpu.memory_space<hbm>>
    %dma_start3A_7 = tpu.memref_slice %arg3[%add3A_6] : memref<160000xi32, #tpu.memory_space<hbm>> -> memref<2520xi32, #tpu.memory_space<hbm>>
    tpu.enqueue_dma source(%dma_start3A_7 : memref<2520xi32, #tpu.memory_space<hbm>>) target(%arg6 : memref<2520xi32, #tpu.memory_space<vmem>>) target_semaphore(%arg9 : memref<!tpu.dma_semaphore, #tpu.memory_space<semaphore_mem>>)
    %mul3A_8 = arith.constant 2520 : i32
    %mul3A_9 = arith.muli %add3A, %mul3A_8 : i32
    %dma_start3A_10 = arith.constant 0 : i32
    %dma_start3A_11 = tpu.memref_slice %arg2[%mul3A_9, %dma_start3A_10] : memref<80640x32xf32, #tpu.memory_space<hbm>> -> memref<2520x32xf32, #tpu.memory_space<hbm>>
    %dma_start3A_12 = arith.constant 0 : i32
    %dma_start3A_13 = tpu.memref_slice %arg2[%mul3A_9, %dma_start3A_12] : memref<80640x32xf32, #tpu.memory_space<hbm>> -> memref<2520x32xf32, #tpu.memory_space<hbm>>
    tpu.enqueue_dma source(%dma_start3A_13 : memref<2520x32xf32, #tpu.memory_space<hbm>>) target(%arg7 : memref<2520x32xf32, #tpu.memory_space<vmem>>) target_semaphore(%arg9 : memref<!tpu.dma_semaphore, #tpu.memory_space<semaphore_mem>>)
    %barrier3A = arith.constant 0 : index
    tpu.barrier barrier_id(%barrier3A)
    %dma_wait3A = tpu.memref_slice %arg3[%add3A_6] : memref<160000xi32, #tpu.memory_space<hbm>> -> memref<2520xi32, #tpu.memory_space<hbm>>
    %dma_wait3A_14 = tpu.memref_slice %arg3[%add3A_6] : memref<160000xi32, #tpu.memory_space<hbm>> -> memref<2520xi32, #tpu.memory_space<hbm>>
    tpu.wait_dma2 semaphore(%arg9 : memref<!tpu.dma_semaphore, #tpu.memory_space<semaphore_mem>>) src(%dma_wait3A_14 : memref<2520xi32, #tpu.memory_space<hbm>>) dst(%arg6 : memref<2520xi32, #tpu.memory_space<vmem>>)
    %dma_wait3A_15 = arith.constant 0 : i32
    %dma_wait3A_16 = tpu.memref_slice %arg2[%mul3A_9, %dma_wait3A_15] : memref<80640x32xf32, #tpu.memory_space<hbm>> -> memref<2520x32xf32, #tpu.memory_space<hbm>>
    %dma_wait3A_17 = arith.constant 0 : i32
    %dma_wait3A_18 = tpu.memref_slice %arg2[%mul3A_9, %dma_wait3A_17] : memref<80640x32xf32, #tpu.memory_space<hbm>> -> memref<2520x32xf32, #tpu.memory_space<hbm>>
    tpu.wait_dma2 semaphore(%arg9 : memref<!tpu.dma_semaphore, #tpu.memory_space<semaphore_mem>>) src(%dma_wait3A_18 : memref<2520x32xf32, #tpu.memory_space<hbm>>) dst(%arg7 : memref<2520x32xf32, #tpu.memory_space<vmem>>)
    "tpu.region"() ({
      %run_scoped3A = tpu.sem_alloc : memref<!tpu.dma_semaphore, #tpu.memory_space<semaphore_mem>>
      %dma_start3A_25 = arith.constant 0 : i32
      %dma_start3A_26 = arith.constant 0 : i32
      %dma_start3A_27 = tpu.memref_slice %arg8[%dma_start3A_25, %dma_start3A_26] : memref<10000x32xf32, #tpu.memory_space<vmem_shared>> -> memref<10000x32xf32, #tpu.memory_space<vmem_shared>>
      tpu.enqueue_indirect_dma source(%arg7 : memref<2520x32xf32, #tpu.memory_space<vmem>>) target(%dma_start3A_27 : memref<10000x32xf32, #tpu.memory_space<vmem_shared>>) offsets(%arg6 : memref<2520xi32, #tpu.memory_space<vmem>>) semaphore(%run_scoped3A : memref<!tpu.dma_semaphore, #tpu.memory_space<semaphore_mem>>) {add = true}
      %dma_wait3A_28 = arith.constant 0 : i32
      %dma_wait3A_29 = arith.constant 0 : i32
      %dma_wait3A_30 = tpu.memref_slice %arg8[%dma_wait3A_28, %dma_wait3A_29] : memref<10000x32xf32, #tpu.memory_space<vmem_shared>> -> memref<10000x32xf32, #tpu.memory_space<vmem_shared>>
      tpu.wait_indirect_dma semaphore(%run_scoped3A : memref<!tpu.dma_semaphore, #tpu.memory_space<semaphore_mem>>) src(%arg7 : memref<2520x32xf32, #tpu.memory_space<vmem>>) dst(%dma_wait3A_30 : memref<10000x32xf32, #tpu.memory_space<vmem_shared>>)
      tpu.yield
    }) : () -> ()
    %barrier3A_19 = arith.constant 0 : index
    tpu.barrier barrier_id(%barrier3A_19)
    %eq3A_20 = arith.constant 0 : i32
    %eq3A_21 = arith.cmpi eq, %arg1, %eq3A_20 : i32
    %convert_element_type3A_22 = arith.extui %eq3A_21 : i1 to i32
    %cond3A_23 = arith.constant 0 : i32
    %cond3A_24 = arith.cmpi ne, %convert_element_type3A_22, %cond3A_23 : i32
    scf.if %cond3A_24 {
      "tpu.region"() ({
        %run_scoped3A = tpu.sem_alloc : memref<!tpu.dma_semaphore, #tpu.memory_space<semaphore_mem>>
        %dma_start3A_25 = arith.constant 0 : i32
        %dma_start3A_26 = arith.constant 0 : i32
        %dma_start3A_27 = tpu.memref_slice %arg5[%arg0, %dma_start3A_25, %dma_start3A_26] : memref<2x10000x32xf32, #tpu.memory_space<hbm>> -> memref<1x10000x32xf32, #tpu.memory_space<hbm>>
        %dma_start3A_28 = tpu.memref_squeeze %dma_start3A_27 : memref<1x10000x32xf32, #tpu.memory_space<hbm>> -> memref<10000x32xf32, #tpu.memory_space<hbm>>
        tpu.enqueue_dma source(%arg8 : memref<10000x32xf32, #tpu.memory_space<vmem_shared>>) target(%dma_start3A_28 : memref<10000x32xf32, #tpu.memory_space<hbm>>) target_semaphore(%run_scoped3A : memref<!tpu.dma_semaphore, #tpu.memory_space<semaphore_mem>>)
        %dma_wait3A_29 = arith.constant 0 : i32
        %dma_wait3A_30 = arith.constant 0 : i32
        %dma_wait3A_31 = tpu.memref_slice %arg5[%arg0, %dma_wait3A_29, %dma_wait3A_30] : memref<2x10000x32xf32, #tpu.memory_space<hbm>> -> memref<1x10000x32xf32, #tpu.memory_space<hbm>>
        %dma_wait3A_32 = tpu.memref_squeeze %dma_wait3A_31 : memref<1x10000x32xf32, #tpu.memory_space<hbm>> -> memref<10000x32xf32, #tpu.memory_space<hbm>>
        tpu.wait_dma2 semaphore(%run_scoped3A : memref<!tpu.dma_semaphore, #tpu.memory_space<semaphore_mem>>) src(%arg8 : memref<10000x32xf32, #tpu.memory_space<vmem_shared>>) dst(%dma_wait3A_32 : memref<10000x32xf32, #tpu.memory_space<hbm>>)
        tpu.yield
      }) : () -> ()
    } else {
    }
    return
  }
}

#map = affine_map<(d0, d1) -> (0, 0)>
#map1 = affine_map<(d0, d1) -> (0)>
#map2 = affine_map<(d0, d1) -> (0, 0, 0)>
module attributes {stable_mosaic.version = 14 : i64} {
  func.func @body(%arg0: i32, %arg1: i32, %arg2: memref<79360x32xf32, #tpu.memory_space<hbm>>, %arg3: memref<160000xi32, #tpu.memory_space<hbm>>, %arg4: memref<10000x32xf32, #tpu.memory_space<hbm>>, %arg5: memref<2x10000x32xf32, #tpu.memory_space<hbm>>, %arg6: memref<2480xi32, #tpu.memory_space<vmem>>, %arg7: memref<2480x32xf32, #tpu.memory_space<vmem>>, %arg8: memref<10000x32xf32, #tpu.memory_space<vmem_shared>>, %arg9: memref<!tpu.dma_semaphore, #tpu.memory_space<semaphore_mem>>) attributes {dimension_semantics = [#tpu.dimension_semantics<core_parallel>, #tpu.dimension_semantics<subcore_parallel>], iteration_bounds = array<i64: 2, 16>, scalar_prefetch = 0 : i64, scratch_operands = 4 : i64, tpu.core_type = #tpu.core_type<sc_vector_subcore>, window_params = [{transform_indices = #map}, {transform_indices = #map1}, {transform_indices = #map}, {transform_indices = #map2}]} {
    %eq3A = arith.constant 0 : i32
    %eq3A_0 = arith.cmpi eq, %arg1, %eq3A : i32
    %convert_element_type3A = arith.extui %eq3A_0 : i1 to i32
    %cond3A = arith.constant 0 : i32
    %cond3A_1 = arith.cmpi ne, %convert_element_type3A, %cond3A : i32
    scf.if %cond3A_1 {
      "tpu.region"() ({
        %run_scoped3A = tpu.sem_alloc : memref<!tpu.dma_semaphore, #tpu.memory_space<semaphore_mem>>
        tpu.enqueue_dma source(%arg4 : memref<10000x32xf32, #tpu.memory_space<hbm>>) target(%arg8 : memref<10000x32xf32, #tpu.memory_space<vmem_shared>>) target_semaphore(%run_scoped3A : memref<!tpu.dma_semaphore, #tpu.memory_space<semaphore_mem>>)
        tpu.wait_dma2 semaphore(%run_scoped3A : memref<!tpu.dma_semaphore, #tpu.memory_space<semaphore_mem>>) src(%arg4 : memref<10000x32xf32, #tpu.memory_space<hbm>>) dst(%arg8 : memref<10000x32xf32, #tpu.memory_space<vmem_shared>>)
        tpu.yield
      }) : () -> ()
    } else {
    }
    %mul3A = arith.constant 2 : i32
    %mul3A_2 = arith.muli %arg1, %mul3A : i32
    %add3A = arith.addi %mul3A_2, %arg0 : i32
    %mul3A_3 = arith.constant 2480 : i32
    %mul3A_4 = arith.muli %add3A, %mul3A_3 : i32
    %add3A_5 = arith.constant 80640 : i32
    %add3A_6 = arith.addi %add3A_5, %mul3A_4 : i32
    %dma_start3A = tpu.memref_slice %arg3[%add3A_6] : memref<160000xi32, #tpu.memory_space<hbm>> -> memref<2480xi32, #tpu.memory_space<hbm>>
    %dma_start3A_7 = tpu.memref_slice %arg3[%add3A_6] : memref<160000xi32, #tpu.memory_space<hbm>> -> memref<2480xi32, #tpu.memory_space<hbm>>
    tpu.enqueue_dma source(%dma_start3A_7 : memref<2480xi32, #tpu.memory_space<hbm>>) target(%arg6 : memref<2480xi32, #tpu.memory_space<vmem>>) target_semaphore(%arg9 : memref<!tpu.dma_semaphore, #tpu.memory_space<semaphore_mem>>)
    %mul3A_8 = arith.constant 2480 : i32
    %mul3A_9 = arith.muli %add3A, %mul3A_8 : i32
    %dma_start3A_10 = arith.constant 0 : i32
    %dma_start3A_11 = tpu.memref_slice %arg2[%mul3A_9, %dma_start3A_10] : memref<79360x32xf32, #tpu.memory_space<hbm>> -> memref<2480x32xf32, #tpu.memory_space<hbm>>
    %dma_start3A_12 = arith.constant 0 : i32
    %dma_start3A_13 = tpu.memref_slice %arg2[%mul3A_9, %dma_start3A_12] : memref<79360x32xf32, #tpu.memory_space<hbm>> -> memref<2480x32xf32, #tpu.memory_space<hbm>>
    tpu.enqueue_dma source(%dma_start3A_13 : memref<2480x32xf32, #tpu.memory_space<hbm>>) target(%arg7 : memref<2480x32xf32, #tpu.memory_space<vmem>>) target_semaphore(%arg9 : memref<!tpu.dma_semaphore, #tpu.memory_space<semaphore_mem>>)
    %barrier3A = arith.constant 0 : index
    tpu.barrier barrier_id(%barrier3A)
    %dma_wait3A = tpu.memref_slice %arg3[%add3A_6] : memref<160000xi32, #tpu.memory_space<hbm>> -> memref<2480xi32, #tpu.memory_space<hbm>>
    %dma_wait3A_14 = tpu.memref_slice %arg3[%add3A_6] : memref<160000xi32, #tpu.memory_space<hbm>> -> memref<2480xi32, #tpu.memory_space<hbm>>
    tpu.wait_dma2 semaphore(%arg9 : memref<!tpu.dma_semaphore, #tpu.memory_space<semaphore_mem>>) src(%dma_wait3A_14 : memref<2480xi32, #tpu.memory_space<hbm>>) dst(%arg6 : memref<2480xi32, #tpu.memory_space<vmem>>)
    %dma_wait3A_15 = arith.constant 0 : i32
    %dma_wait3A_16 = tpu.memref_slice %arg2[%mul3A_9, %dma_wait3A_15] : memref<79360x32xf32, #tpu.memory_space<hbm>> -> memref<2480x32xf32, #tpu.memory_space<hbm>>
    %dma_wait3A_17 = arith.constant 0 : i32
    %dma_wait3A_18 = tpu.memref_slice %arg2[%mul3A_9, %dma_wait3A_17] : memref<79360x32xf32, #tpu.memory_space<hbm>> -> memref<2480x32xf32, #tpu.memory_space<hbm>>
    tpu.wait_dma2 semaphore(%arg9 : memref<!tpu.dma_semaphore, #tpu.memory_space<semaphore_mem>>) src(%dma_wait3A_18 : memref<2480x32xf32, #tpu.memory_space<hbm>>) dst(%arg7 : memref<2480x32xf32, #tpu.memory_space<vmem>>)
    "tpu.region"() ({
      %run_scoped3A = tpu.sem_alloc : memref<!tpu.dma_semaphore, #tpu.memory_space<semaphore_mem>>
      %dma_start3A_25 = arith.constant 0 : i32
      %dma_start3A_26 = arith.constant 0 : i32
      %dma_start3A_27 = tpu.memref_slice %arg8[%dma_start3A_25, %dma_start3A_26] : memref<10000x32xf32, #tpu.memory_space<vmem_shared>> -> memref<10000x32xf32, #tpu.memory_space<vmem_shared>>
      tpu.enqueue_indirect_dma source(%arg7 : memref<2480x32xf32, #tpu.memory_space<vmem>>) target(%dma_start3A_27 : memref<10000x32xf32, #tpu.memory_space<vmem_shared>>) offsets(%arg6 : memref<2480xi32, #tpu.memory_space<vmem>>) semaphore(%run_scoped3A : memref<!tpu.dma_semaphore, #tpu.memory_space<semaphore_mem>>) {add = true}
      %dma_wait3A_28 = arith.constant 0 : i32
      %dma_wait3A_29 = arith.constant 0 : i32
      %dma_wait3A_30 = tpu.memref_slice %arg8[%dma_wait3A_28, %dma_wait3A_29] : memref<10000x32xf32, #tpu.memory_space<vmem_shared>> -> memref<10000x32xf32, #tpu.memory_space<vmem_shared>>
      tpu.wait_indirect_dma semaphore(%run_scoped3A : memref<!tpu.dma_semaphore, #tpu.memory_space<semaphore_mem>>) src(%arg7 : memref<2480x32xf32, #tpu.memory_space<vmem>>) dst(%dma_wait3A_30 : memref<10000x32xf32, #tpu.memory_space<vmem_shared>>)
      tpu.yield
    }) : () -> ()
    %barrier3A_19 = arith.constant 0 : index
    tpu.barrier barrier_id(%barrier3A_19)
    %eq3A_20 = arith.constant 0 : i32
    %eq3A_21 = arith.cmpi eq, %arg1, %eq3A_20 : i32
    %convert_element_type3A_22 = arith.extui %eq3A_21 : i1 to i32
    %cond3A_23 = arith.constant 0 : i32
    %cond3A_24 = arith.cmpi ne, %convert_element_type3A_22, %cond3A_23 : i32
    scf.if %cond3A_24 {
      "tpu.region"() ({
        %run_scoped3A = tpu.sem_alloc : memref<!tpu.dma_semaphore, #tpu.memory_space<semaphore_mem>>
        %dma_start3A_25 = arith.constant 0 : i32
        %dma_start3A_26 = arith.constant 0 : i32
        %dma_start3A_27 = tpu.memref_slice %arg5[%arg0, %dma_start3A_25, %dma_start3A_26] : memref<2x10000x32xf32, #tpu.memory_space<hbm>> -> memref<1x10000x32xf32, #tpu.memory_space<hbm>>
        %dma_start3A_28 = tpu.memref_squeeze %dma_start3A_27 : memref<1x10000x32xf32, #tpu.memory_space<hbm>> -> memref<10000x32xf32, #tpu.memory_space<hbm>>
        tpu.enqueue_dma source(%arg8 : memref<10000x32xf32, #tpu.memory_space<vmem_shared>>) target(%dma_start3A_28 : memref<10000x32xf32, #tpu.memory_space<hbm>>) target_semaphore(%run_scoped3A : memref<!tpu.dma_semaphore, #tpu.memory_space<semaphore_mem>>)
        %dma_wait3A_29 = arith.constant 0 : i32
        %dma_wait3A_30 = arith.constant 0 : i32
        %dma_wait3A_31 = tpu.memref_slice %arg5[%arg0, %dma_wait3A_29, %dma_wait3A_30] : memref<2x10000x32xf32, #tpu.memory_space<hbm>> -> memref<1x10000x32xf32, #tpu.memory_space<hbm>>
        %dma_wait3A_32 = tpu.memref_squeeze %dma_wait3A_31 : memref<1x10000x32xf32, #tpu.memory_space<hbm>> -> memref<10000x32xf32, #tpu.memory_space<hbm>>
        tpu.wait_dma2 semaphore(%run_scoped3A : memref<!tpu.dma_semaphore, #tpu.memory_space<semaphore_mem>>) src(%arg8 : memref<10000x32xf32, #tpu.memory_space<vmem_shared>>) dst(%dma_wait3A_32 : memref<10000x32xf32, #tpu.memory_space<hbm>>)
        tpu.yield
      }) : () -> ()
    } else {
    }
    return
  }
}

module attributes {stable_mosaic.version = 14 : i64} {
  func.func @_proj_body(%arg0: i32, %arg1: memref<2000x128xf32, #tpu.memory_space<vmem>>, %arg2: memref<128x32xf32, #tpu.memory_space<vmem>>, %arg3: memref<1x32xf32, #tpu.memory_space<vmem>>, %arg4: memref<2000x32xf32, #tpu.memory_space<vmem>>) attributes {dimension_semantics = [#tpu.dimension_semantics<arbitrary>], iteration_bounds = array<i64: 5>, scalar_prefetch = 0 : i64, scratch_operands = 0 : i64, tpu.core_type = #tpu.core_type<tc>, window_params = [{transform_indices = @transform_0, window_bounds = array<i64: 2000, 128>}, {pipeline_mode = #tpu.pipeline_mode<synchronous>, transform_indices = @transform_1, window_bounds = array<i64: 128, 32>}, {pipeline_mode = #tpu.pipeline_mode<synchronous>, transform_indices = @transform_2, window_bounds = array<i64: 1, 32>}, {transform_indices = @transform_3, window_bounds = array<i64: 2000, 32>}]} {
    %get3A = arith.constant 0 : index
    %get3A_0 = arith.constant 0 : index
    %get3A_1 = vector.load %arg1[%get3A, %get3A_0] : memref<2000x128xf32, #tpu.memory_space<vmem>>, vector<2000x128xf32>
    %get3A_2 = arith.constant 0 : index
    %get3A_3 = arith.constant 0 : index
    %get3A_4 = vector.load %arg2[%get3A_2, %get3A_3] : memref<128x32xf32, #tpu.memory_space<vmem>>, vector<128x32xf32>
    %dot_general3A = arith.constant dense<0.000000e+00> : vector<2000x32xf32>
    %dot_general3A_5 = tpu.matmul %get3A_1, %get3A_4, %dot_general3A {dimension_numbers = #tpu.dot_dimension_numbers<[1], [0], [0], [1], [0, 0, 1, 1], [], []>, transpose_lhs_hint = false} : vector<2000x128xf32>, vector<128x32xf32>, vector<2000x32xf32> -> vector<2000x32xf32>
    %get3A_6 = arith.constant 0 : index
    %get3A_7 = arith.constant 0 : index
    %get3A_8 = vector.load %arg3[%get3A_6, %get3A_7] : memref<1x32xf32, #tpu.memory_space<vmem>>, vector<1x32xf32>
    %add3A = vector.broadcast %get3A_8 : vector<1x32xf32> to vector<2000x32xf32>
    %add3A_9 = arith.addf %dot_general3A_5, %add3A : vector<2000x32xf32>
    %max3A = arith.constant 0.000000e+00 : f32
    %max3A_10 = vector.broadcast %max3A : f32 to vector<2000x32xf32>
    %max3A_11 = arith.maximumf %add3A_9, %max3A_10 : vector<2000x32xf32>
    %swap3A = arith.constant 0 : index
    %swap3A_12 = arith.constant 0 : index
    %swap3A_13 = vector.load %arg4[%swap3A, %swap3A_12] : memref<2000x32xf32, #tpu.memory_space<vmem>>, vector<2000x32xf32>
    tpu.vector_store %arg4[%swap3A, %swap3A_12], %max3A_11 {strides = array<i32>} : memref<2000x32xf32, #tpu.memory_space<vmem>>, vector<2000x32xf32>,
    return
  }
  func.func @transform_0(%arg0: i32) -> (i32, i32) {
    %c0_i32 = arith.constant 0 : i32
    %c0_i32_0 = arith.constant 0 : i32
    return %arg0, %c0_i32 : i32, i32
  }
  func.func @transform_1(%arg0: i32) -> (i32, i32) {
    %c0_i32 = arith.constant 0 : i32
    %c0_i32_0 = arith.constant 0 : i32
    %c0_i32_1 = arith.constant 0 : i32
    return %c0_i32, %c0_i32_0 : i32, i32
  }
  func.func @transform_2(%arg0: i32) -> (i32, i32) {
    %c0_i32 = arith.constant 0 : i32
    %c0_i32_0 = arith.constant 0 : i32
    %c0_i32_1 = arith.constant 0 : i32
    return %c0_i32, %c0_i32_0 : i32, i32
  }
  func.func @transform_3(%arg0: i32) -> (i32, i32) {
    %c0_i32 = arith.constant 0 : i32
    %c0_i32_0 = arith.constant 0 : i32
    return %arg0, %c0_i32 : i32, i32
  }
}

module attributes {stable_mosaic.version = 14 : i64} {
  func.func @_msg_body(%arg0: i32, %arg1: memref<1280x16xf32, #tpu.memory_space<vmem>>, %arg2: memref<1280x32xf32, #tpu.memory_space<vmem>>, %arg3: memref<16x128xf32, #tpu.memory_space<vmem>>, %arg4: memref<1x128xf32, #tpu.memory_space<vmem>>, %arg5: memref<128x1024xbf16, #tpu.memory_space<vmem>>, %arg6: memref<1x1024xbf16, #tpu.memory_space<vmem>>, %arg7: memref<32x1024xbf16, #tpu.memory_space<vmem>>, %arg8: memref<1280x32xf32, #tpu.memory_space<vmem>>) attributes {dimension_semantics = [#tpu.dimension_semantics<arbitrary>], iteration_bounds = array<i64: 62>, scalar_prefetch = 0 : i64, scratch_operands = 0 : i64, tpu.core_type = #tpu.core_type<tc>, window_params = [{transform_indices = @transform_0, window_bounds = array<i64: 1280, 16>}, {transform_indices = @transform_1, window_bounds = array<i64: 1280, 32>}, {pipeline_mode = #tpu.pipeline_mode<synchronous>, transform_indices = @transform_2, window_bounds = array<i64: 16, 128>}, {pipeline_mode = #tpu.pipeline_mode<synchronous>, transform_indices = @transform_3, window_bounds = array<i64: 1, 128>}, {pipeline_mode = #tpu.pipeline_mode<synchronous>, transform_indices = @transform_4, window_bounds = array<i64: 128, 1024>}, {pipeline_mode = #tpu.pipeline_mode<synchronous>, transform_indices = @transform_5, window_bounds = array<i64: 1, 1024>}, {pipeline_mode = #tpu.pipeline_mode<synchronous>, transform_indices = @transform_6, window_bounds = array<i64: 32, 1024>}, {transform_indices = @transform_7, window_bounds = array<i64: 1280, 32>}]} {
    %get3A = arith.constant 0 : index
    %get3A_0 = arith.constant 0 : index
    %get3A_1 = vector.load %arg1[%get3A, %get3A_0] : memref<1280x16xf32, #tpu.memory_space<vmem>>, vector<1280x16xf32>
    %get3A_2 = arith.constant 0 : index
    %get3A_3 = arith.constant 0 : index
    %get3A_4 = vector.load %arg3[%get3A_2, %get3A_3] : memref<16x128xf32, #tpu.memory_space<vmem>>, vector<16x128xf32>
    %dot_general3A = arith.constant dense<0.000000e+00> : vector<1280x128xf32>
    %dot_general3A_5 = tpu.matmul %get3A_1, %get3A_4, %dot_general3A {dimension_numbers = #tpu.dot_dimension_numbers<[1], [0], [0], [1], [0, 0, 1, 1], [], []>, transpose_lhs_hint = false} : vector<1280x16xf32>, vector<16x128xf32>, vector<1280x128xf32> -> vector<1280x128xf32>
    %get3A_6 = arith.constant 0 : index
    %get3A_7 = arith.constant 0 : index
    %get3A_8 = vector.load %arg4[%get3A_6, %get3A_7] : memref<1x128xf32, #tpu.memory_space<vmem>>, vector<1x128xf32>
    %add3A = vector.broadcast %get3A_8 : vector<1x128xf32> to vector<1280x128xf32>
    %add3A_9 = arith.addf %dot_general3A_5, %add3A : vector<1280x128xf32>
    %max3A = arith.constant 0.000000e+00 : f32
    %max3A_10 = vector.broadcast %max3A : f32 to vector<1280x128xf32>
    %max3A_11 = arith.maximumf %add3A_9, %max3A_10 : vector<1280x128xf32>
    %convert_element_type3A = arith.truncf %max3A_11 : vector<1280x128xf32> to vector<1280x128xbf16>
    %get3A_12 = arith.constant 0 : index
    %get3A_13 = arith.constant 0 : index
    %get3A_14 = vector.load %arg5[%get3A_12, %get3A_13] : memref<128x1024xbf16, #tpu.memory_space<vmem>>, vector<128x1024xbf16>
    %dot_general3A_15 = arith.constant dense<0.000000e+00> : vector<1280x1024xf32>
    %dot_general3A_16 = tpu.matmul %convert_element_type3A, %get3A_14, %dot_general3A_15 {dimension_numbers = #tpu.dot_dimension_numbers<[1], [0], [0], [1], [0, 0, 1, 1], [], []>, transpose_lhs_hint = false} : vector<1280x128xbf16>, vector<128x1024xbf16>, vector<1280x1024xf32> -> vector<1280x1024xf32>
    %convert_element_type3A_17 = arith.truncf %dot_general3A_16 : vector<1280x1024xf32> to vector<1280x1024xbf16>
    %get3A_18 = arith.constant 0 : index
    %get3A_19 = arith.constant 0 : index
    %get3A_20 = vector.load %arg6[%get3A_18, %get3A_19] : memref<1x1024xbf16, #tpu.memory_space<vmem>>, vector<1x1024xbf16>
    %add3A_21 = vector.broadcast %get3A_20 : vector<1x1024xbf16> to vector<1280x1024xbf16>
    %add3A_22 = arith.addf %convert_element_type3A_17, %add3A_21 : vector<1280x1024xbf16>
    %get3A_23 = arith.constant 0 : index
    %get3A_24 = arith.constant 0 : index
    %get3A_25 = vector.load %arg2[%get3A_23, %get3A_24] : memref<1280x32xf32, #tpu.memory_space<vmem>>, vector<1280x32xf32>
    %convert_element_type3A_26 = arith.truncf %get3A_25 : vector<1280x32xf32> to vector<1280x32xbf16>
    %get3A_27 = arith.constant 0 : index
    %get3A_28 = arith.constant 0 : index
    %get3A_29 = vector.load %arg7[%get3A_27, %get3A_28] : memref<32x1024xbf16, #tpu.memory_space<vmem>>, vector<32x1024xbf16>
    %dot_general3A_30 = arith.constant dense<0.000000e+00> : vector<1280x1024xf32>
    %dot_general3A_31 = tpu.matmul %convert_element_type3A_26, %get3A_29, %dot_general3A_30 {dimension_numbers = #tpu.dot_dimension_numbers<[1], [0], [0], [1], [0, 0, 1, 1], [], []>, transpose_lhs_hint = false} : vector<1280x32xbf16>, vector<32x1024xbf16>, vector<1280x1024xf32> -> vector<1280x1024xf32>
    %convert_element_type3A_32 = arith.truncf %dot_general3A_31 : vector<1280x1024xf32> to vector<1280x1024xbf16>
    %mul3A = arith.mulf %add3A_22, %convert_element_type3A_32 : vector<1280x1024xbf16>
    %slice3A = vector.extract_strided_slice %mul3A {offsets = [0, 0], sizes = [1280, 512], strides = [1, 1]} : vector<1280x1024xbf16> to vector<1280x512xbf16>
    %slice3A_33 = vector.extract_strided_slice %mul3A {offsets = [0, 512], sizes = [1280, 512], strides = [1, 1]} : vector<1280x1024xbf16> to vector<1280x512xbf16>
    %add3A_34 = arith.addf %slice3A, %slice3A_33 : vector<1280x512xbf16>
    %slice3A_35 = vector.extract_strided_slice %add3A_34 {offsets = [0, 0], sizes = [1280, 256], strides = [1, 1]} : vector<1280x512xbf16> to vector<1280x256xbf16>
    %slice3A_36 = vector.extract_strided_slice %add3A_34 {offsets = [0, 256], sizes = [1280, 256], strides = [1, 1]} : vector<1280x512xbf16> to vector<1280x256xbf16>
    %add3A_37 = arith.addf %slice3A_35, %slice3A_36 : vector<1280x256xbf16>
    %slice3A_38 = vector.extract_strided_slice %add3A_37 {offsets = [0, 0], sizes = [1280, 128], strides = [1, 1]} : vector<1280x256xbf16> to vector<1280x128xbf16>
    %slice3A_39 = vector.extract_strided_slice %add3A_37 {offsets = [0, 128], sizes = [1280, 128], strides = [1, 1]} : vector<1280x256xbf16> to vector<1280x128xbf16>
    %add3A_40 = arith.addf %slice3A_38, %slice3A_39 : vector<1280x128xbf16>
    %slice3A_41 = vector.extract_strided_slice %add3A_40 {offsets = [0, 0], sizes = [1280, 64], strides = [1, 1]} : vector<1280x128xbf16> to vector<1280x64xbf16>
    %slice3A_42 = vector.extract_strided_slice %add3A_40 {offsets = [0, 64], sizes = [1280, 64], strides = [1, 1]} : vector<1280x128xbf16> to vector<1280x64xbf16>
    %add3A_43 = arith.addf %slice3A_41, %slice3A_42 : vector<1280x64xbf16>
    %slice3A_44 = vector.extract_strided_slice %add3A_43 {offsets = [0, 0], sizes = [1280, 32], strides = [1, 1]} : vector<1280x64xbf16> to vector<1280x32xbf16>
    %slice3A_45 = vector.extract_strided_slice %add3A_43 {offsets = [0, 32], sizes = [1280, 32], strides = [1, 1]} : vector<1280x64xbf16> to vector<1280x32xbf16>
    %add3A_46 = arith.addf %slice3A_44, %slice3A_45 : vector<1280x32xbf16>
    %convert_element_type3A_47 = arith.extf %add3A_46 : vector<1280x32xbf16> to vector<1280x32xf32>
    %swap3A = arith.constant 0 : index
    %swap3A_48 = arith.constant 0 : index
    %swap3A_49 = vector.load %arg8[%swap3A, %swap3A_48] : memref<1280x32xf32, #tpu.memory_space<vmem>>, vector<1280x32xf32>
    tpu.vector_store %arg8[%swap3A, %swap3A_48], %convert_element_type3A_47 {strides = array<i32>} : memref<1280x32xf32, #tpu.memory_space<vmem>>, vector<1280x32xf32>,
    return
  }
  func.func @transform_0(%arg0: i32) -> (i32, i32) {
    %add3A = arith.constant 63 : i32
    %add3A_0 = arith.addi %arg0, %add3A : i32
    %c0_i32 = arith.constant 0 : i32
    %c0_i32_1 = arith.constant 0 : i32
    return %add3A_0, %c0_i32 : i32, i32
  }
  func.func @transform_1(%arg0: i32) -> (i32, i32) {
    %c0_i32 = arith.constant 0 : i32
    %c0_i32_0 = arith.constant 0 : i32
    return %arg0, %c0_i32 : i32, i32
  }
  func.func @transform_2(%arg0: i32) -> (i32, i32) {
    %c0_i32 = arith.constant 0 : i32
    %c0_i32_0 = arith.constant 0 : i32
    %c0_i32_1 = arith.constant 0 : i32
    return %c0_i32, %c0_i32_0 : i32, i32
  }
  func.func @transform_3(%arg0: i32) -> (i32, i32) {
    %c0_i32 = arith.constant 0 : i32
    %c0_i32_0 = arith.constant 0 : i32
    %c0_i32_1 = arith.constant 0 : i32
    return %c0_i32, %c0_i32_0 : i32, i32
  }
  func.func @transform_4(%arg0: i32) -> (i32, i32) {
    %c0_i32 = arith.constant 0 : i32
    %c0_i32_0 = arith.constant 0 : i32
    %c0_i32_1 = arith.constant 0 : i32
    return %c0_i32, %c0_i32_0 : i32, i32
  }
  func.func @transform_5(%arg0: i32) -> (i32, i32) {
    %c0_i32 = arith.constant 0 : i32
    %c0_i32_0 = arith.constant 0 : i32
    %c0_i32_1 = arith.constant 0 : i32
    return %c0_i32, %c0_i32_0 : i32, i32
  }
  func.func @transform_6(%arg0: i32) -> (i32, i32) {
    %c0_i32 = arith.constant 0 : i32
    %c0_i32_0 = arith.constant 0 : i32
    %c0_i32_1 = arith.constant 0 : i32
    return %c0_i32, %c0_i32_0 : i32, i32
  }
  func.func @transform_7(%arg0: i32) -> (i32, i32) {
    %c0_i32 = arith.constant 0 : i32
    %c0_i32_0 = arith.constant 0 : i32
    return %arg0, %c0_i32 : i32, i32
  }
}

module attributes {stable_mosaic.version = 14 : i64} {
  func.func @_msg_body(%arg0: i32, %arg1: memref<1280x16xf32, #tpu.memory_space<vmem>>, %arg2: memref<1280x32xf32, #tpu.memory_space<vmem>>, %arg3: memref<16x128xf32, #tpu.memory_space<vmem>>, %arg4: memref<1x128xf32, #tpu.memory_space<vmem>>, %arg5: memref<128x1024xbf16, #tpu.memory_space<vmem>>, %arg6: memref<1x1024xbf16, #tpu.memory_space<vmem>>, %arg7: memref<32x1024xbf16, #tpu.memory_space<vmem>>, %arg8: memref<1280x32xf32, #tpu.memory_space<vmem>>) attributes {dimension_semantics = [#tpu.dimension_semantics<arbitrary>], iteration_bounds = array<i64: 63>, scalar_prefetch = 0 : i64, scratch_operands = 0 : i64, tpu.core_type = #tpu.core_type<tc>, window_params = [{transform_indices = @transform_0, window_bounds = array<i64: 1280, 16>}, {transform_indices = @transform_1, window_bounds = array<i64: 1280, 32>}, {pipeline_mode = #tpu.pipeline_mode<synchronous>, transform_indices = @transform_2, window_bounds = array<i64: 16, 128>}, {pipeline_mode = #tpu.pipeline_mode<synchronous>, transform_indices = @transform_3, window_bounds = array<i64: 1, 128>}, {pipeline_mode = #tpu.pipeline_mode<synchronous>, transform_indices = @transform_4, window_bounds = array<i64: 128, 1024>}, {pipeline_mode = #tpu.pipeline_mode<synchronous>, transform_indices = @transform_5, window_bounds = array<i64: 1, 1024>}, {pipeline_mode = #tpu.pipeline_mode<synchronous>, transform_indices = @transform_6, window_bounds = array<i64: 32, 1024>}, {transform_indices = @transform_7, window_bounds = array<i64: 1280, 32>}]} {
    %get3A = arith.constant 0 : index
    %get3A_0 = arith.constant 0 : index
    %get3A_1 = vector.load %arg1[%get3A, %get3A_0] : memref<1280x16xf32, #tpu.memory_space<vmem>>, vector<1280x16xf32>
    %get3A_2 = arith.constant 0 : index
    %get3A_3 = arith.constant 0 : index
    %get3A_4 = vector.load %arg3[%get3A_2, %get3A_3] : memref<16x128xf32, #tpu.memory_space<vmem>>, vector<16x128xf32>
    %dot_general3A = arith.constant dense<0.000000e+00> : vector<1280x128xf32>
    %dot_general3A_5 = tpu.matmul %get3A_1, %get3A_4, %dot_general3A {dimension_numbers = #tpu.dot_dimension_numbers<[1], [0], [0], [1], [0, 0, 1, 1], [], []>, transpose_lhs_hint = false} : vector<1280x16xf32>, vector<16x128xf32>, vector<1280x128xf32> -> vector<1280x128xf32>
    %get3A_6 = arith.constant 0 : index
    %get3A_7 = arith.constant 0 : index
    %get3A_8 = vector.load %arg4[%get3A_6, %get3A_7] : memref<1x128xf32, #tpu.memory_space<vmem>>, vector<1x128xf32>
    %add3A = vector.broadcast %get3A_8 : vector<1x128xf32> to vector<1280x128xf32>
    %add3A_9 = arith.addf %dot_general3A_5, %add3A : vector<1280x128xf32>
    %max3A = arith.constant 0.000000e+00 : f32
    %max3A_10 = vector.broadcast %max3A : f32 to vector<1280x128xf32>
    %max3A_11 = arith.maximumf %add3A_9, %max3A_10 : vector<1280x128xf32>
    %convert_element_type3A = arith.truncf %max3A_11 : vector<1280x128xf32> to vector<1280x128xbf16>
    %get3A_12 = arith.constant 0 : index
    %get3A_13 = arith.constant 0 : index
    %get3A_14 = vector.load %arg5[%get3A_12, %get3A_13] : memref<128x1024xbf16, #tpu.memory_space<vmem>>, vector<128x1024xbf16>
    %dot_general3A_15 = arith.constant dense<0.000000e+00> : vector<1280x1024xf32>
    %dot_general3A_16 = tpu.matmul %convert_element_type3A, %get3A_14, %dot_general3A_15 {dimension_numbers = #tpu.dot_dimension_numbers<[1], [0], [0], [1], [0, 0, 1, 1], [], []>, transpose_lhs_hint = false} : vector<1280x128xbf16>, vector<128x1024xbf16>, vector<1280x1024xf32> -> vector<1280x1024xf32>
    %convert_element_type3A_17 = arith.truncf %dot_general3A_16 : vector<1280x1024xf32> to vector<1280x1024xbf16>
    %get3A_18 = arith.constant 0 : index
    %get3A_19 = arith.constant 0 : index
    %get3A_20 = vector.load %arg6[%get3A_18, %get3A_19] : memref<1x1024xbf16, #tpu.memory_space<vmem>>, vector<1x1024xbf16>
    %add3A_21 = vector.broadcast %get3A_20 : vector<1x1024xbf16> to vector<1280x1024xbf16>
    %add3A_22 = arith.addf %convert_element_type3A_17, %add3A_21 : vector<1280x1024xbf16>
    %get3A_23 = arith.constant 0 : index
    %get3A_24 = arith.constant 0 : index
    %get3A_25 = vector.load %arg2[%get3A_23, %get3A_24] : memref<1280x32xf32, #tpu.memory_space<vmem>>, vector<1280x32xf32>
    %convert_element_type3A_26 = arith.truncf %get3A_25 : vector<1280x32xf32> to vector<1280x32xbf16>
    %get3A_27 = arith.constant 0 : index
    %get3A_28 = arith.constant 0 : index
    %get3A_29 = vector.load %arg7[%get3A_27, %get3A_28] : memref<32x1024xbf16, #tpu.memory_space<vmem>>, vector<32x1024xbf16>
    %dot_general3A_30 = arith.constant dense<0.000000e+00> : vector<1280x1024xf32>
    %dot_general3A_31 = tpu.matmul %convert_element_type3A_26, %get3A_29, %dot_general3A_30 {dimension_numbers = #tpu.dot_dimension_numbers<[1], [0], [0], [1], [0, 0, 1, 1], [], []>, transpose_lhs_hint = false} : vector<1280x32xbf16>, vector<32x1024xbf16>, vector<1280x1024xf32> -> vector<1280x1024xf32>
    %convert_element_type3A_32 = arith.truncf %dot_general3A_31 : vector<1280x1024xf32> to vector<1280x1024xbf16>
    %mul3A = arith.mulf %add3A_22, %convert_element_type3A_32 : vector<1280x1024xbf16>
    %slice3A = vector.extract_strided_slice %mul3A {offsets = [0, 0], sizes = [1280, 512], strides = [1, 1]} : vector<1280x1024xbf16> to vector<1280x512xbf16>
    %slice3A_33 = vector.extract_strided_slice %mul3A {offsets = [0, 512], sizes = [1280, 512], strides = [1, 1]} : vector<1280x1024xbf16> to vector<1280x512xbf16>
    %add3A_34 = arith.addf %slice3A, %slice3A_33 : vector<1280x512xbf16>
    %slice3A_35 = vector.extract_strided_slice %add3A_34 {offsets = [0, 0], sizes = [1280, 256], strides = [1, 1]} : vector<1280x512xbf16> to vector<1280x256xbf16>
    %slice3A_36 = vector.extract_strided_slice %add3A_34 {offsets = [0, 256], sizes = [1280, 256], strides = [1, 1]} : vector<1280x512xbf16> to vector<1280x256xbf16>
    %add3A_37 = arith.addf %slice3A_35, %slice3A_36 : vector<1280x256xbf16>
    %slice3A_38 = vector.extract_strided_slice %add3A_37 {offsets = [0, 0], sizes = [1280, 128], strides = [1, 1]} : vector<1280x256xbf16> to vector<1280x128xbf16>
    %slice3A_39 = vector.extract_strided_slice %add3A_37 {offsets = [0, 128], sizes = [1280, 128], strides = [1, 1]} : vector<1280x256xbf16> to vector<1280x128xbf16>
    %add3A_40 = arith.addf %slice3A_38, %slice3A_39 : vector<1280x128xbf16>
    %slice3A_41 = vector.extract_strided_slice %add3A_40 {offsets = [0, 0], sizes = [1280, 64], strides = [1, 1]} : vector<1280x128xbf16> to vector<1280x64xbf16>
    %slice3A_42 = vector.extract_strided_slice %add3A_40 {offsets = [0, 64], sizes = [1280, 64], strides = [1, 1]} : vector<1280x128xbf16> to vector<1280x64xbf16>
    %add3A_43 = arith.addf %slice3A_41, %slice3A_42 : vector<1280x64xbf16>
    %slice3A_44 = vector.extract_strided_slice %add3A_43 {offsets = [0, 0], sizes = [1280, 32], strides = [1, 1]} : vector<1280x64xbf16> to vector<1280x32xbf16>
    %slice3A_45 = vector.extract_strided_slice %add3A_43 {offsets = [0, 32], sizes = [1280, 32], strides = [1, 1]} : vector<1280x64xbf16> to vector<1280x32xbf16>
    %add3A_46 = arith.addf %slice3A_44, %slice3A_45 : vector<1280x32xbf16>
    %convert_element_type3A_47 = arith.extf %add3A_46 : vector<1280x32xbf16> to vector<1280x32xf32>
    %swap3A = arith.constant 0 : index
    %swap3A_48 = arith.constant 0 : index
    %swap3A_49 = vector.load %arg8[%swap3A, %swap3A_48] : memref<1280x32xf32, #tpu.memory_space<vmem>>, vector<1280x32xf32>
    tpu.vector_store %arg8[%swap3A, %swap3A_48], %convert_element_type3A_47 {strides = array<i32>} : memref<1280x32xf32, #tpu.memory_space<vmem>>, vector<1280x32xf32>,
    return
  }
  func.func @transform_0(%arg0: i32) -> (i32, i32) {
    %add3A = arith.constant 0 : i32
    %add3A_0 = arith.addi %arg0, %add3A : i32
    %c0_i32 = arith.constant 0 : i32
    %c0_i32_1 = arith.constant 0 : i32
    return %add3A_0, %c0_i32 : i32, i32
  }
  func.func @transform_1(%arg0: i32) -> (i32, i32) {
    %c0_i32 = arith.constant 0 : i32
    %c0_i32_0 = arith.constant 0 : i32
    return %arg0, %c0_i32 : i32, i32
  }
  func.func @transform_2(%arg0: i32) -> (i32, i32) {
    %c0_i32 = arith.constant 0 : i32
    %c0_i32_0 = arith.constant 0 : i32
    %c0_i32_1 = arith.constant 0 : i32
    return %c0_i32, %c0_i32_0 : i32, i32
  }
  func.func @transform_3(%arg0: i32) -> (i32, i32) {
    %c0_i32 = arith.constant 0 : i32
    %c0_i32_0 = arith.constant 0 : i32
    %c0_i32_1 = arith.constant 0 : i32
    return %c0_i32, %c0_i32_0 : i32, i32
  }
  func.func @transform_4(%arg0: i32) -> (i32, i32) {
    %c0_i32 = arith.constant 0 : i32
    %c0_i32_0 = arith.constant 0 : i32
    %c0_i32_1 = arith.constant 0 : i32
    return %c0_i32, %c0_i32_0 : i32, i32
  }
  func.func @transform_5(%arg0: i32) -> (i32, i32) {
    %c0_i32 = arith.constant 0 : i32
    %c0_i32_0 = arith.constant 0 : i32
    %c0_i32_1 = arith.constant 0 : i32
    return %c0_i32, %c0_i32_0 : i32, i32
  }
  func.func @transform_6(%arg0: i32) -> (i32, i32) {
    %c0_i32 = arith.constant 0 : i32
    %c0_i32_0 = arith.constant 0 : i32
    %c0_i32_1 = arith.constant 0 : i32
    return %c0_i32, %c0_i32_0 : i32, i32
  }
  func.func @transform_7(%arg0: i32) -> (i32, i32) {
    %c0_i32 = arith.constant 0 : i32
    %c0_i32_0 = arith.constant 0 : i32
    return %arg0, %c0_i32 : i32, i32
  }
}

module attributes {stable_mosaic.version = 14 : i64} {
  func.func @_gru_body(%arg0: i32, %arg1: memref<2000x32xf32, #tpu.memory_space<vmem>>, %arg2: memref<2000x32xf32, #tpu.memory_space<vmem>>, %arg3: memref<2000x32xf32, #tpu.memory_space<vmem>>, %arg4: memref<2000x32xf32, #tpu.memory_space<vmem>>, %arg5: memref<2000x1xf32, #tpu.memory_space<vmem>>, %arg6: memref<2000x1xf32, #tpu.memory_space<vmem>>, %arg7: memref<2000x1xf32, #tpu.memory_space<vmem>>, %arg8: memref<2000x1xf32, #tpu.memory_space<vmem>>, %arg9: memref<2000x32xf32, #tpu.memory_space<vmem>>, %arg10: memref<1x32xf32, #tpu.memory_space<vmem>>, %arg11: memref<32x96xf32, #tpu.memory_space<vmem>>, %arg12: memref<1x96xf32, #tpu.memory_space<vmem>>, %arg13: memref<32x96xf32, #tpu.memory_space<vmem>>, %arg14: memref<1x96xf32, #tpu.memory_space<vmem>>, %arg15: memref<2000x32xf32, #tpu.memory_space<vmem>>) attributes {dimension_semantics = [#tpu.dimension_semantics<arbitrary>], iteration_bounds = array<i64: 5>, scalar_prefetch = 0 : i64, scratch_operands = 0 : i64, tpu.core_type = #tpu.core_type<tc>, window_params = [{transform_indices = @transform_0, window_bounds = array<i64: 2000, 32>}, {transform_indices = @transform_1, window_bounds = array<i64: 2000, 32>}, {transform_indices = @transform_2, window_bounds = array<i64: 2000, 32>}, {transform_indices = @transform_3, window_bounds = array<i64: 2000, 32>}, {transform_indices = @transform_4, window_bounds = array<i64: 2000, 1>}, {transform_indices = @transform_5, window_bounds = array<i64: 2000, 1>}, {transform_indices = @transform_6, window_bounds = array<i64: 2000, 1>}, {transform_indices = @transform_7, window_bounds = array<i64: 2000, 1>}, {transform_indices = @transform_8, window_bounds = array<i64: 2000, 32>}, {pipeline_mode = #tpu.pipeline_mode<synchronous>, transform_indices = @transform_9, window_bounds = array<i64: 1, 32>}, {pipeline_mode = #tpu.pipeline_mode<synchronous>, transform_indices = @transform_10, window_bounds = array<i64: 32, 96>}, {pipeline_mode = #tpu.pipeline_mode<synchronous>, transform_indices = @transform_11, window_bounds = array<i64: 1, 96>}, {pipeline_mode = #tpu.pipeline_mode<synchronous>, transform_indices = @transform_12, window_bounds = array<i64: 32, 96>}, {pipeline_mode = #tpu.pipeline_mode<synchronous>, transform_indices = @transform_13, window_bounds = array<i64: 1, 96>}, {transform_indices = @transform_14, window_bounds = array<i64: 2000, 32>}]} {
    %get3A = arith.constant 0 : index
    %get3A_0 = arith.constant 0 : index
    %get3A_1 = vector.load %arg5[%get3A, %get3A_0] : memref<2000x1xf32, #tpu.memory_space<vmem>>, vector<2000x1xf32>
    %get3A_2 = arith.constant 0 : index
    %get3A_3 = arith.constant 0 : index
    %get3A_4 = vector.load %arg6[%get3A_2, %get3A_3] : memref<2000x1xf32, #tpu.memory_space<vmem>>, vector<2000x1xf32>
    %add3A = arith.addf %get3A_1, %get3A_4 : vector<2000x1xf32>
    %get3A_5 = arith.constant 0 : index
    %get3A_6 = arith.constant 0 : index
    %get3A_7 = vector.load %arg7[%get3A_5, %get3A_6] : memref<2000x1xf32, #tpu.memory_space<vmem>>, vector<2000x1xf32>
    %add3A_8 = arith.addf %add3A, %get3A_7 : vector<2000x1xf32>
    %get3A_9 = arith.constant 0 : index
    %get3A_10 = arith.constant 0 : index
    %get3A_11 = vector.load %arg8[%get3A_9, %get3A_10] : memref<2000x1xf32, #tpu.memory_space<vmem>>, vector<2000x1xf32>
    %add3A_12 = arith.addf %add3A_8, %get3A_11 : vector<2000x1xf32>
    %max3A = arith.constant 1.000000e+00 : f32
    %max3A_13 = vector.broadcast %max3A : f32 to vector<2000x1xf32>
    %max3A_14 = arith.maximumf %add3A_12, %max3A_13 : vector<2000x1xf32>
    %get3A_15 = arith.constant 0 : index
    %get3A_16 = arith.constant 0 : index
    %get3A_17 = vector.load %arg1[%get3A_15, %get3A_16] : memref<2000x32xf32, #tpu.memory_space<vmem>>, vector<2000x32xf32>
    %get3A_18 = arith.constant 0 : index
    %get3A_19 = arith.constant 0 : index
    %get3A_20 = vector.load %arg2[%get3A_18, %get3A_19] : memref<2000x32xf32, #tpu.memory_space<vmem>>, vector<2000x32xf32>
    %add3A_21 = arith.addf %get3A_17, %get3A_20 : vector<2000x32xf32>
    %get3A_22 = arith.constant 0 : index
    %get3A_23 = arith.constant 0 : index
    %get3A_24 = vector.load %arg3[%get3A_22, %get3A_23] : memref<2000x32xf32, #tpu.memory_space<vmem>>, vector<2000x32xf32>
    %add3A_25 = arith.addf %add3A_21, %get3A_24 : vector<2000x32xf32>
    %get3A_26 = arith.constant 0 : index
    %get3A_27 = arith.constant 0 : index
    %get3A_28 = vector.load %arg4[%get3A_26, %get3A_27] : memref<2000x32xf32, #tpu.memory_space<vmem>>, vector<2000x32xf32>
    %add3A_29 = arith.addf %add3A_25, %get3A_28 : vector<2000x32xf32>
    %div3A = vector.broadcast %max3A_14 : vector<2000x1xf32> to vector<2000x32xf32>
    %div3A_30 = arith.divf %add3A_29, %div3A : vector<2000x32xf32>
    %get3A_31 = arith.constant 0 : index
    %get3A_32 = arith.constant 0 : index
    %get3A_33 = vector.load %arg10[%get3A_31, %get3A_32] : memref<1x32xf32, #tpu.memory_space<vmem>>, vector<1x32xf32>
    %add3A_34 = vector.broadcast %get3A_33 : vector<1x32xf32> to vector<2000x32xf32>
    %add3A_35 = arith.addf %div3A_30, %add3A_34 : vector<2000x32xf32>
    %max3A_36 = arith.constant 0.000000e+00 : f32
    %max3A_37 = vector.broadcast %max3A_36 : f32 to vector<2000x32xf32>
    %max3A_38 = arith.maximumf %add3A_35, %max3A_37 : vector<2000x32xf32>
    %get3A_39 = arith.constant 0 : index
    %get3A_40 = arith.constant 0 : index
    %get3A_41 = vector.load %arg9[%get3A_39, %get3A_40] : memref<2000x32xf32, #tpu.memory_space<vmem>>, vector<2000x32xf32>
    %get3A_42 = arith.constant 0 : index
    %get3A_43 = arith.constant 0 : index
    %get3A_44 = vector.load %arg11[%get3A_42, %get3A_43] : memref<32x96xf32, #tpu.memory_space<vmem>>, vector<32x96xf32>
    %dot_general3A = arith.constant dense<0.000000e+00> : vector<2000x96xf32>
    %dot_general3A_45 = tpu.matmul %max3A_38, %get3A_44, %dot_general3A {dimension_numbers = #tpu.dot_dimension_numbers<[1], [0], [0], [1], [0, 0, 1, 1], [], []>, transpose_lhs_hint = false} : vector<2000x32xf32>, vector<32x96xf32>, vector<2000x96xf32> -> vector<2000x96xf32>
    %get3A_46 = arith.constant 0 : index
    %get3A_47 = arith.constant 0 : index
    %get3A_48 = vector.load %arg12[%get3A_46, %get3A_47] : memref<1x96xf32, #tpu.memory_space<vmem>>, vector<1x96xf32>
    %add3A_49 = vector.broadcast %get3A_48 : vector<1x96xf32> to vector<2000x96xf32>
    %add3A_50 = arith.addf %dot_general3A_45, %add3A_49 : vector<2000x96xf32>
    %get3A_51 = arith.constant 0 : index
    %get3A_52 = arith.constant 0 : index
    %get3A_53 = vector.load %arg13[%get3A_51, %get3A_52] : memref<32x96xf32, #tpu.memory_space<vmem>>, vector<32x96xf32>
    %dot_general3A_54 = arith.constant dense<0.000000e+00> : vector<2000x96xf32>
    %dot_general3A_55 = tpu.matmul %get3A_41, %get3A_53, %dot_general3A_54 {dimension_numbers = #tpu.dot_dimension_numbers<[1], [0], [0], [1], [0, 0, 1, 1], [], []>, transpose_lhs_hint = false} : vector<2000x32xf32>, vector<32x96xf32>, vector<2000x96xf32> -> vector<2000x96xf32>
    %get3A_56 = arith.constant 0 : index
    %get3A_57 = arith.constant 0 : index
    %get3A_58 = vector.load %arg14[%get3A_56, %get3A_57] : memref<1x96xf32, #tpu.memory_space<vmem>>, vector<1x96xf32>
    %add3A_59 = vector.broadcast %get3A_58 : vector<1x96xf32> to vector<2000x96xf32>
    %add3A_60 = arith.addf %dot_general3A_55, %add3A_59 : vector<2000x96xf32>
    %slice3A = vector.extract_strided_slice %add3A_50 {offsets = [0, 0], sizes = [2000, 32], strides = [1, 1]} : vector<2000x96xf32> to vector<2000x32xf32>
    %slice3A_61 = vector.extract_strided_slice %add3A_60 {offsets = [0, 0], sizes = [2000, 32], strides = [1, 1]} : vector<2000x96xf32> to vector<2000x32xf32>
    %add3A_62 = arith.addf %slice3A, %slice3A_61 : vector<2000x32xf32>
    %logistic3A = arith.negf %add3A_62 : vector<2000x32xf32>
    %logistic3A_63 = math.exp %logistic3A : vector<2000x32xf32>
    %logistic3A_64 = arith.constant 1.000000e+00 : f32
    %logistic3A_65 = vector.broadcast %logistic3A_64 : f32 to vector<2000x32xf32>
    %logistic3A_66 = arith.addf %logistic3A_65, %logistic3A_63 : vector<2000x32xf32>
    %logistic3A_67 = arith.divf %logistic3A_65, %logistic3A_66 : vector<2000x32xf32>
    %slice3A_68 = vector.extract_strided_slice %add3A_50 {offsets = [0, 32], sizes = [2000, 32], strides = [1, 1]} : vector<2000x96xf32> to vector<2000x32xf32>
    %slice3A_69 = vector.extract_strided_slice %add3A_60 {offsets = [0, 32], sizes = [2000, 32], strides = [1, 1]} : vector<2000x96xf32> to vector<2000x32xf32>
    %add3A_70 = arith.addf %slice3A_68, %slice3A_69 : vector<2000x32xf32>
    %logistic3A_71 = arith.negf %add3A_70 : vector<2000x32xf32>
    %logistic3A_72 = math.exp %logistic3A_71 : vector<2000x32xf32>
    %logistic3A_73 = arith.constant 1.000000e+00 : f32
    %logistic3A_74 = vector.broadcast %logistic3A_73 : f32 to vector<2000x32xf32>
    %logistic3A_75 = arith.addf %logistic3A_74, %logistic3A_72 : vector<2000x32xf32>
    %logistic3A_76 = arith.divf %logistic3A_74, %logistic3A_75 : vector<2000x32xf32>
    %slice3A_77 = vector.extract_strided_slice %add3A_50 {offsets = [0, 64], sizes = [2000, 32], strides = [1, 1]} : vector<2000x96xf32> to vector<2000x32xf32>
    %slice3A_78 = vector.extract_strided_slice %add3A_60 {offsets = [0, 64], sizes = [2000, 32], strides = [1, 1]} : vector<2000x96xf32> to vector<2000x32xf32>
    %mul3A = arith.mulf %logistic3A_67, %slice3A_78 : vector<2000x32xf32>
    %add3A_79 = arith.addf %slice3A_77, %mul3A : vector<2000x32xf32>
    %tanh3A = math.tanh %add3A_79 : vector<2000x32xf32>
    %sub3A = arith.constant 1.000000e+00 : f32
    %sub3A_80 = vector.broadcast %sub3A : f32 to vector<2000x32xf32>
    %sub3A_81 = arith.subf %sub3A_80, %logistic3A_76 : vector<2000x32xf32>
    %mul3A_82 = arith.mulf %sub3A_81, %tanh3A : vector<2000x32xf32>
    %mul3A_83 = arith.mulf %logistic3A_76, %get3A_41 : vector<2000x32xf32>
    %add3A_84 = arith.addf %mul3A_82, %mul3A_83 : vector<2000x32xf32>
    %swap3A = arith.constant 0 : index
    %swap3A_85 = arith.constant 0 : index
    %swap3A_86 = vector.load %arg15[%swap3A, %swap3A_85] : memref<2000x32xf32, #tpu.memory_space<vmem>>, vector<2000x32xf32>
    tpu.vector_store %arg15[%swap3A, %swap3A_85], %add3A_84 {strides = array<i32>} : memref<2000x32xf32, #tpu.memory_space<vmem>>, vector<2000x32xf32>,
    return
  }
  func.func @transform_0(%arg0: i32) -> (i32, i32) {
    %c0_i32 = arith.constant 0 : i32
    %c0_i32_0 = arith.constant 0 : i32
    return %arg0, %c0_i32 : i32, i32
  }
  func.func @transform_1(%arg0: i32) -> (i32, i32) {
    %c0_i32 = arith.constant 0 : i32
    %c0_i32_0 = arith.constant 0 : i32
    return %arg0, %c0_i32 : i32, i32
  }
  func.func @transform_2(%arg0: i32) -> (i32, i32) {
    %c0_i32 = arith.constant 0 : i32
    %c0_i32_0 = arith.constant 0 : i32
    return %arg0, %c0_i32 : i32, i32
  }
  func.func @transform_3(%arg0: i32) -> (i32, i32) {
    %c0_i32 = arith.constant 0 : i32
    %c0_i32_0 = arith.constant 0 : i32
    return %arg0, %c0_i32 : i32, i32
  }
  func.func @transform_4(%arg0: i32) -> (i32, i32) {
    %c0_i32 = arith.constant 0 : i32
    %c0_i32_0 = arith.constant 0 : i32
    return %arg0, %c0_i32 : i32, i32
  }
  func.func @transform_5(%arg0: i32) -> (i32, i32) {
    %c0_i32 = arith.constant 0 : i32
    %c0_i32_0 = arith.constant 0 : i32
    return %arg0, %c0_i32 : i32, i32
  }
  func.func @transform_6(%arg0: i32) -> (i32, i32) {
    %c0_i32 = arith.constant 0 : i32
    %c0_i32_0 = arith.constant 0 : i32
    return %arg0, %c0_i32 : i32, i32
  }
  func.func @transform_7(%arg0: i32) -> (i32, i32) {
    %c0_i32 = arith.constant 0 : i32
    %c0_i32_0 = arith.constant 0 : i32
    return %arg0, %c0_i32 : i32, i32
  }
  func.func @transform_8(%arg0: i32) -> (i32, i32) {
    %c0_i32 = arith.constant 0 : i32
    %c0_i32_0 = arith.constant 0 : i32
    return %arg0, %c0_i32 : i32, i32
  }
  func.func @transform_9(%arg0: i32) -> (i32, i32) {
    %c0_i32 = arith.constant 0 : i32
    %c0_i32_0 = arith.constant 0 : i32
    %c0_i32_1 = arith.constant 0 : i32
    return %c0_i32, %c0_i32_0 : i32, i32
  }
  func.func @transform_10(%arg0: i32) -> (i32, i32) {
    %c0_i32 = arith.constant 0 : i32
    %c0_i32_0 = arith.constant 0 : i32
    %c0_i32_1 = arith.constant 0 : i32
    return %c0_i32, %c0_i32_0 : i32, i32
  }
  func.func @transform_11(%arg0: i32) -> (i32, i32) {
    %c0_i32 = arith.constant 0 : i32
    %c0_i32_0 = arith.constant 0 : i32
    %c0_i32_1 = arith.constant 0 : i32
    return %c0_i32, %c0_i32_0 : i32, i32
  }
  func.func @transform_12(%arg0: i32) -> (i32, i32) {
    %c0_i32 = arith.constant 0 : i32
    %c0_i32_0 = arith.constant 0 : i32
    %c0_i32_1 = arith.constant 0 : i32
    return %c0_i32, %c0_i32_0 : i32, i32
  }
  func.func @transform_13(%arg0: i32) -> (i32, i32) {
    %c0_i32 = arith.constant 0 : i32
    %c0_i32_0 = arith.constant 0 : i32
    %c0_i32_1 = arith.constant 0 : i32
    return %c0_i32, %c0_i32_0 : i32, i32
  }
  func.func @transform_14(%arg0: i32) -> (i32, i32) {
    %c0_i32 = arith.constant 0 : i32
    %c0_i32_0 = arith.constant 0 : i32
    return %arg0, %c0_i32 : i32, i32
  }
}

module attributes {stable_mosaic.version = 14 : i64} {
  func.func @_s2s_body(%arg0: i32, %arg1: memref<10000x32xf32, #tpu.memory_space<vmem>>, %arg2: memref<10000x1xi32, #tpu.memory_space<vmem>>, %arg3: memref<64x128xf32, #tpu.memory_space<vmem>>, %arg4: memref<32x128xf32, #tpu.memory_space<vmem>>, %arg5: memref<1x128xf32, #tpu.memory_space<vmem>>, %arg6: memref<1x128xf32, #tpu.memory_space<vmem>>, %arg7: memref<64x64xf32, #tpu.memory_space<vmem>>) attributes {dimension_semantics = [#tpu.dimension_semantics<arbitrary>], iteration_bounds = array<i64: 1>, scalar_prefetch = 0 : i64, scratch_operands = 0 : i64, tpu.core_type = #tpu.core_type<tc>, window_params = [{pipeline_mode = #tpu.pipeline_mode<synchronous>, transform_indices = @transform_0, window_bounds = array<i64: 10000, 32>}, {pipeline_mode = #tpu.pipeline_mode<synchronous>, transform_indices = @transform_1, window_bounds = array<i64: 10000, 1>}, {pipeline_mode = #tpu.pipeline_mode<synchronous>, transform_indices = @transform_2, window_bounds = array<i64: 64, 128>}, {pipeline_mode = #tpu.pipeline_mode<synchronous>, transform_indices = @transform_3, window_bounds = array<i64: 32, 128>}, {pipeline_mode = #tpu.pipeline_mode<synchronous>, transform_indices = @transform_4, window_bounds = array<i64: 1, 128>}, {pipeline_mode = #tpu.pipeline_mode<synchronous>, transform_indices = @transform_5, window_bounds = array<i64: 1, 128>}, {pipeline_mode = #tpu.pipeline_mode<synchronous>, transform_indices = @transform_6, window_bounds = array<i64: 64, 64>}]} {
    %get3A = arith.constant 0 : index
    %get3A_0 = arith.constant 0 : index
    %get3A_1 = vector.load %arg1[%get3A, %get3A_0] : memref<10000x32xf32, #tpu.memory_space<vmem>>, vector<10000x32xf32>
    %iota3A = tpu.iota {dimensions = array<i32: 1>} : vector<1x64xi32>
    %get3A_2 = arith.constant 0 : index
    %get3A_3 = arith.constant 0 : index
    %get3A_4 = vector.load %arg2[%get3A_2, %get3A_3] : memref<10000x1xi32, #tpu.memory_space<vmem>>, vector<10000x1xi32>
    %eq3A = vector.broadcast %get3A_4 : vector<10000x1xi32> to vector<10000x64xi32>
    %eq3A_5 = vector.broadcast %iota3A : vector<1x64xi32> to vector<10000x64xi32>
    %eq3A_6 = arith.cmpi eq, %eq3A, %eq3A_5 : vector<10000x64xi32>
    %convert_element_type3A = arith.extui %eq3A_6 : vector<10000x64xi1> to vector<10000x64xi32>
    %convert_element_type3A_7 = arith.sitofp %convert_element_type3A : vector<10000x64xi32> to vector<10000x64xf32>
    %broadcast_in_dim3A = arith.constant 0.000000e+00 : f32
    %broadcast_in_dim3A_8 = vector.broadcast %broadcast_in_dim3A : f32 to vector<64x64xf32>
    %broadcast_in_dim3A_9 = arith.constant 0.000000e+00 : f32
    %broadcast_in_dim3A_10 = vector.broadcast %broadcast_in_dim3A_9 : f32 to vector<64x32xf32>
    %broadcast_in_dim3A_11 = arith.constant 0.000000e+00 : f32
    %broadcast_in_dim3A_12 = vector.broadcast %broadcast_in_dim3A_11 : f32 to vector<64x32xf32>
    %get3A_13 = arith.constant 0 : index
    %get3A_14 = arith.constant 0 : index
    %get3A_15 = vector.load %arg3[%get3A_13, %get3A_14] : memref<64x128xf32, #tpu.memory_space<vmem>>, vector<64x128xf32>
    %dot_general3A = arith.constant dense<0.000000e+00> : vector<64x128xf32>
    %dot_general3A_16 = tpu.matmul %broadcast_in_dim3A_8, %get3A_15, %dot_general3A {dimension_numbers = #tpu.dot_dimension_numbers<[1], [0], [0], [1], [0, 0, 1, 1], [], []>, transpose_lhs_hint = false} : vector<64x64xf32>, vector<64x128xf32>, vector<64x128xf32> -> vector<64x128xf32>
    %get3A_17 = arith.constant 0 : index
    %get3A_18 = arith.constant 0 : index
    %get3A_19 = vector.load %arg5[%get3A_17, %get3A_18] : memref<1x128xf32, #tpu.memory_space<vmem>>, vector<1x128xf32>
    %add3A = vector.broadcast %get3A_19 : vector<1x128xf32> to vector<64x128xf32>
    %add3A_20 = arith.addf %dot_general3A_16, %add3A : vector<64x128xf32>
    %get3A_21 = arith.constant 0 : index
    %get3A_22 = arith.constant 0 : index
    %get3A_23 = vector.load %arg4[%get3A_21, %get3A_22] : memref<32x128xf32, #tpu.memory_space<vmem>>, vector<32x128xf32>
    %dot_general3A_24 = arith.constant dense<0.000000e+00> : vector<64x128xf32>
    %dot_general3A_25 = tpu.matmul %broadcast_in_dim3A_10, %get3A_23, %dot_general3A_24 {dimension_numbers = #tpu.dot_dimension_numbers<[1], [0], [0], [1], [0, 0, 1, 1], [], []>, transpose_lhs_hint = false} : vector<64x32xf32>, vector<32x128xf32>, vector<64x128xf32> -> vector<64x128xf32>
    %add3A_26 = arith.addf %add3A_20, %dot_general3A_25 : vector<64x128xf32>
    %get3A_27 = arith.constant 0 : index
    %get3A_28 = arith.constant 0 : index
    %get3A_29 = vector.load %arg6[%get3A_27, %get3A_28] : memref<1x128xf32, #tpu.memory_space<vmem>>, vector<1x128xf32>
    %add3A_30 = vector.broadcast %get3A_29 : vector<1x128xf32> to vector<64x128xf32>
    %add3A_31 = arith.addf %add3A_26, %add3A_30 : vector<64x128xf32>
    %slice3A = vector.extract_strided_slice %add3A_31 {offsets = [0, 0], sizes = [64, 32], strides = [1, 1]} : vector<64x128xf32> to vector<64x32xf32>
    %logistic3A = arith.negf %slice3A : vector<64x32xf32>
    %logistic3A_32 = math.exp %logistic3A : vector<64x32xf32>
    %logistic3A_33 = arith.constant 1.000000e+00 : f32
    %logistic3A_34 = vector.broadcast %logistic3A_33 : f32 to vector<64x32xf32>
    %logistic3A_35 = arith.addf %logistic3A_34, %logistic3A_32 : vector<64x32xf32>
    %logistic3A_36 = arith.divf %logistic3A_34, %logistic3A_35 : vector<64x32xf32>
    %slice3A_37 = vector.extract_strided_slice %add3A_31 {offsets = [0, 32], sizes = [64, 32], strides = [1, 1]} : vector<64x128xf32> to vector<64x32xf32>
    %logistic3A_38 = arith.negf %slice3A_37 : vector<64x32xf32>
    %logistic3A_39 = math.exp %logistic3A_38 : vector<64x32xf32>
    %logistic3A_40 = arith.constant 1.000000e+00 : f32
    %logistic3A_41 = vector.broadcast %logistic3A_40 : f32 to vector<64x32xf32>
    %logistic3A_42 = arith.addf %logistic3A_41, %logistic3A_39 : vector<64x32xf32>
    %logistic3A_43 = arith.divf %logistic3A_41, %logistic3A_42 : vector<64x32xf32>
    %slice3A_44 = vector.extract_strided_slice %add3A_31 {offsets = [0, 64], sizes = [64, 32], strides = [1, 1]} : vector<64x128xf32> to vector<64x32xf32>
    %tanh3A = math.tanh %slice3A_44 : vector<64x32xf32>
    %slice3A_45 = vector.extract_strided_slice %add3A_31 {offsets = [0, 96], sizes = [64, 32], strides = [1, 1]} : vector<64x128xf32> to vector<64x32xf32>
    %logistic3A_46 = arith.negf %slice3A_45 : vector<64x32xf32>
    %logistic3A_47 = math.exp %logistic3A_46 : vector<64x32xf32>
    %logistic3A_48 = arith.constant 1.000000e+00 : f32
    %logistic3A_49 = vector.broadcast %logistic3A_48 : f32 to vector<64x32xf32>
    %logistic3A_50 = arith.addf %logistic3A_49, %logistic3A_47 : vector<64x32xf32>
    %logistic3A_51 = arith.divf %logistic3A_49, %logistic3A_50 : vector<64x32xf32>
    %mul3A = arith.mulf %logistic3A_43, %broadcast_in_dim3A_12 : vector<64x32xf32>
    %mul3A_52 = arith.mulf %logistic3A_36, %tanh3A : vector<64x32xf32>
    %add3A_53 = arith.addf %mul3A, %mul3A_52 : vector<64x32xf32>
    %tanh3A_54 = math.tanh %add3A_53 : vector<64x32xf32>
    %mul3A_55 = arith.mulf %logistic3A_51, %tanh3A_54 : vector<64x32xf32>
    %dot_general3A_56 = arith.constant dense<0.000000e+00> : vector<10000x32xf32>
    %dot_general3A_57 = tpu.matmul %convert_element_type3A_7, %mul3A_55, %dot_general3A_56 {dimension_numbers = #tpu.dot_dimension_numbers<[1], [0], [0], [1], [0, 0, 1, 1], [], []>, transpose_lhs_hint = false} : vector<10000x64xf32>, vector<64x32xf32>, vector<10000x32xf32> -> vector<10000x32xf32>
    %mul3A_58 = arith.mulf %get3A_1, %dot_general3A_57 : vector<10000x32xf32>
    %reduce_sum3A = arith.constant dense<0.000000e+00> : vector<10000xf32>
    %reduce_sum3A_59 = vector.multi_reduction <add>, %mul3A_58, %reduce_sum3A [1] : vector<10000x32xf32> to vector<10000xf32>
    %broadcast_in_dim3A_60 = vector.shape_cast %reduce_sum3A_59 : vector<10000xf32> to vector<10000x1xf32>
    %jit3A = arith.constant 0xFF800000 : f32
    %broadcast_in_dim3A_61 = vector.shape_cast %broadcast_in_dim3A_60 : vector<10000x1xf32> to vector<10000x1xf32>
    %broadcast_in_dim3A_62 = vector.broadcast %broadcast_in_dim3A_61 : vector<10000x1xf32> to vector<10000x64xf32>
    %broadcast_in_dim3A_63 = vector.broadcast %jit3A : f32 to vector<10000x64xf32>
    %select_n3A = arith.select %eq3A_6, %broadcast_in_dim3A_62, %broadcast_in_dim3A_63 : vector<10000x64xi1>, vector<10000x64xf32>
    %reduce_max3A = arith.constant dense<0xFF800000> : vector<64xf32>
    %reduce_max3A_64 = vector.multi_reduction <maximumf>, %select_n3A, %reduce_max3A [0] : vector<10000x64xf32> to vector<64xf32>
    %broadcast_in_dim3A_65 = vector.shape_cast %reduce_max3A_64 : vector<64xf32> to vector<1x64xf32>
    %gt3A = arith.constant 0xFF800000 : f32
    %gt3A_66 = vector.broadcast %gt3A : f32 to vector<1x64xf32>
    %gt3A_67 = arith.cmpf ogt, %broadcast_in_dim3A_65, %gt3A_66 : vector<1x64xf32>
    %jit3A_68 = arith.constant 0.000000e+00 : f32
    %broadcast_in_dim3A_69 = vector.broadcast %jit3A_68 : f32 to vector<1x64xf32>
    %select_n3A_70 = arith.select %gt3A_67, %broadcast_in_dim3A_65, %broadcast_in_dim3A_69 : vector<1x64xi1>, vector<1x64xf32>
    %mul3A_71 = vector.broadcast %select_n3A_70 : vector<1x64xf32> to vector<10000x64xf32>
    %mul3A_72 = arith.mulf %convert_element_type3A_7, %mul3A_71 : vector<10000x64xf32>
    %reduce_sum3A_73 = arith.constant dense<0.000000e+00> : vector<10000xf32>
    %reduce_sum3A_74 = vector.multi_reduction <add>, %mul3A_72, %reduce_sum3A_73 [1] : vector<10000x64xf32> to vector<10000xf32>
    %broadcast_in_dim3A_75 = vector.shape_cast %reduce_sum3A_74 : vector<10000xf32> to vector<10000x1xf32>
    %sub3A = arith.subf %broadcast_in_dim3A_60, %broadcast_in_dim3A_75 : vector<10000x1xf32>
    %exp3A = math.exp %sub3A : vector<10000x1xf32>
    %mul3A_76 = vector.broadcast %exp3A : vector<10000x1xf32> to vector<10000x64xf32>
    %mul3A_77 = arith.mulf %convert_element_type3A_7, %mul3A_76 : vector<10000x64xf32>
    %reduce_sum3A_78 = arith.constant dense<0.000000e+00> : vector<64xf32>
    %reduce_sum3A_79 = vector.multi_reduction <add>, %mul3A_77, %reduce_sum3A_78 [0] : vector<10000x64xf32> to vector<64xf32>
    %broadcast_in_dim3A_80 = vector.shape_cast %reduce_sum3A_79 : vector<64xf32> to vector<1x64xf32>
    %mul3A_81 = vector.broadcast %broadcast_in_dim3A_80 : vector<1x64xf32> to vector<10000x64xf32>
    %mul3A_82 = arith.mulf %convert_element_type3A_7, %mul3A_81 : vector<10000x64xf32>
    %reduce_sum3A_83 = arith.constant dense<0.000000e+00> : vector<10000xf32>
    %reduce_sum3A_84 = vector.multi_reduction <add>, %mul3A_82, %reduce_sum3A_83 [1] : vector<10000x64xf32> to vector<10000xf32>
    %broadcast_in_dim3A_85 = vector.shape_cast %reduce_sum3A_84 : vector<10000xf32> to vector<10000x1xf32>
    %max3A = arith.constant 1.000000e-16 : f32
    %max3A_86 = vector.broadcast %max3A : f32 to vector<10000x1xf32>
    %max3A_87 = arith.maximumf %broadcast_in_dim3A_85, %max3A_86 : vector<10000x1xf32>
    %div3A = arith.divf %exp3A, %max3A_87 : vector<10000x1xf32>
    %mul3A_88 = vector.broadcast %div3A : vector<10000x1xf32> to vector<10000x32xf32>
    %mul3A_89 = arith.mulf %mul3A_88, %get3A_1 : vector<10000x32xf32>
    %dot_general3A_90 = arith.constant dense<0.000000e+00> : vector<64x32xf32>
    %dot_general3A_91 = tpu.matmul %convert_element_type3A_7, %mul3A_89, %dot_general3A_90 {dimension_numbers = #tpu.dot_dimension_numbers<[0], [0], [1], [1], [0, 1, 1, 1], [], []>, transpose_lhs_hint = false} : vector<10000x64xf32>, vector<10000x32xf32>, vector<64x32xf32> -> vector<64x32xf32>
    %concatenate3A = tpu.concatenate %mul3A_55, %dot_general3A_91 in 1 : vector<64x32xf32>, vector<64x32xf32> -> vector<64x64xf32>
    %get3A_92 = arith.constant 0 : index
    %get3A_93 = arith.constant 0 : index
    %get3A_94 = vector.load %arg3[%get3A_92, %get3A_93] : memref<64x128xf32, #tpu.memory_space<vmem>>, vector<64x128xf32>
    %dot_general3A_95 = arith.constant dense<0.000000e+00> : vector<64x128xf32>
    %dot_general3A_96 = tpu.matmul %concatenate3A, %get3A_94, %dot_general3A_95 {dimension_numbers = #tpu.dot_dimension_numbers<[1], [0], [0], [1], [0, 0, 1, 1], [], []>, transpose_lhs_hint = false} : vector<64x64xf32>, vector<64x128xf32>, vector<64x128xf32> -> vector<64x128xf32>
    %get3A_97 = arith.constant 0 : index
    %get3A_98 = arith.constant 0 : index
    %get3A_99 = vector.load %arg5[%get3A_97, %get3A_98] : memref<1x128xf32, #tpu.memory_space<vmem>>, vector<1x128xf32>
    %add3A_100 = vector.broadcast %get3A_99 : vector<1x128xf32> to vector<64x128xf32>
    %add3A_101 = arith.addf %dot_general3A_96, %add3A_100 : vector<64x128xf32>
    %get3A_102 = arith.constant 0 : index
    %get3A_103 = arith.constant 0 : index
    %get3A_104 = vector.load %arg4[%get3A_102, %get3A_103] : memref<32x128xf32, #tpu.memory_space<vmem>>, vector<32x128xf32>
    %dot_general3A_105 = arith.constant dense<0.000000e+00> : vector<64x128xf32>
    %dot_general3A_106 = tpu.matmul %mul3A_55, %get3A_104, %dot_general3A_105 {dimension_numbers = #tpu.dot_dimension_numbers<[1], [0], [0], [1], [0, 0, 1, 1], [], []>, transpose_lhs_hint = false} : vector<64x32xf32>, vector<32x128xf32>, vector<64x128xf32> -> vector<64x128xf32>
    %add3A_107 = arith.addf %add3A_101, %dot_general3A_106 : vector<64x128xf32>
    %get3A_108 = arith.constant 0 : index
    %get3A_109 = arith.constant 0 : index
    %get3A_110 = vector.load %arg6[%get3A_108, %get3A_109] : memref<1x128xf32, #tpu.memory_space<vmem>>, vector<1x128xf32>
    %add3A_111 = vector.broadcast %get3A_110 : vector<1x128xf32> to vector<64x128xf32>
    %add3A_112 = arith.addf %add3A_107, %add3A_111 : vector<64x128xf32>
    %slice3A_113 = vector.extract_strided_slice %add3A_112 {offsets = [0, 0], sizes = [64, 32], strides = [1, 1]} : vector<64x128xf32> to vector<64x32xf32>
    %logistic3A_114 = arith.negf %slice3A_113 : vector<64x32xf32>
    %logistic3A_115 = math.exp %logistic3A_114 : vector<64x32xf32>
    %logistic3A_116 = arith.constant 1.000000e+00 : f32
    %logistic3A_117 = vector.broadcast %logistic3A_116 : f32 to vector<64x32xf32>
    %logistic3A_118 = arith.addf %logistic3A_117, %logistic3A_115 : vector<64x32xf32>
    %logistic3A_119 = arith.divf %logistic3A_117, %logistic3A_118 : vector<64x32xf32>
    %slice3A_120 = vector.extract_strided_slice %add3A_112 {offsets = [0, 32], sizes = [64, 32], strides = [1, 1]} : vector<64x128xf32> to vector<64x32xf32>
    %logistic3A_121 = arith.negf %slice3A_120 : vector<64x32xf32>
    %logistic3A_122 = math.exp %logistic3A_121 : vector<64x32xf32>
    %logistic3A_123 = arith.constant 1.000000e+00 : f32
    %logistic3A_124 = vector.broadcast %logistic3A_123 : f32 to vector<64x32xf32>
    %logistic3A_125 = arith.addf %logistic3A_124, %logistic3A_122 : vector<64x32xf32>
    %logistic3A_126 = arith.divf %logistic3A_124, %logistic3A_125 : vector<64x32xf32>
    %slice3A_127 = vector.extract_strided_slice %add3A_112 {offsets = [0, 64], sizes = [64, 32], strides = [1, 1]} : vector<64x128xf32> to vector<64x32xf32>
    %tanh3A_128 = math.tanh %slice3A_127 : vector<64x32xf32>
    %slice3A_129 = vector.extract_strided_slice %add3A_112 {offsets = [0, 96], sizes = [64, 32], strides = [1, 1]} : vector<64x128xf32> to vector<64x32xf32>
    %logistic3A_130 = arith.negf %slice3A_129 : vector<64x32xf32>
    %logistic3A_131 = math.exp %logistic3A_130 : vector<64x32xf32>
    %logistic3A_132 = arith.constant 1.000000e+00 : f32
    %logistic3A_133 = vector.broadcast %logistic3A_132 : f32 to vector<64x32xf32>
    %logistic3A_134 = arith.addf %logistic3A_133, %logistic3A_131 : vector<64x32xf32>
    %logistic3A_135 = arith.divf %logistic3A_133, %logistic3A_134 : vector<64x32xf32>
    %mul3A_136 = arith.mulf %logistic3A_126, %add3A_53 : vector<64x32xf32>
    %mul3A_137 = arith.mulf %logistic3A_119, %tanh3A_128 : vector<64x32xf32>
    %add3A_138 = arith.addf %mul3A_136, %mul3A_137 : vector<64x32xf32>
    %tanh3A_139 = math.tanh %add3A_138 : vector<64x32xf32>
    %mul3A_140 = arith.mulf %logistic3A_135, %tanh3A_139 : vector<64x32xf32>
    %dot_general3A_141 = arith.constant dense<0.000000e+00> : vector<10000x32xf32>
    %dot_general3A_142 = tpu.matmul %convert_element_type3A_7, %mul3A_140, %dot_general3A_141 {dimension_numbers = #tpu.dot_dimension_numbers<[1], [0], [0], [1], [0, 0, 1, 1], [], []>, transpose_lhs_hint = false} : vector<10000x64xf32>, vector<64x32xf32>, vector<10000x32xf32> -> vector<10000x32xf32>
    %mul3A_143 = arith.mulf %get3A_1, %dot_general3A_142 : vector<10000x32xf32>
    %reduce_sum3A_144 = arith.constant dense<0.000000e+00> : vector<10000xf32>
    %reduce_sum3A_145 = vector.multi_reduction <add>, %mul3A_143, %reduce_sum3A_144 [1] : vector<10000x32xf32> to vector<10000xf32>
    %broadcast_in_dim3A_146 = vector.shape_cast %reduce_sum3A_145 : vector<10000xf32> to vector<10000x1xf32>
    %jit3A_147 = arith.constant 0xFF800000 : f32
    %broadcast_in_dim3A_148 = vector.shape_cast %broadcast_in_dim3A_146 : vector<10000x1xf32> to vector<10000x1xf32>
    %broadcast_in_dim3A_149 = vector.broadcast %broadcast_in_dim3A_148 : vector<10000x1xf32> to vector<10000x64xf32>
    %broadcast_in_dim3A_150 = vector.broadcast %jit3A_147 : f32 to vector<10000x64xf32>
    %select_n3A_151 = arith.select %eq3A_6, %broadcast_in_dim3A_149, %broadcast_in_dim3A_150 : vector<10000x64xi1>, vector<10000x64xf32>
    %reduce_max3A_152 = arith.constant dense<0xFF800000> : vector<64xf32>
    %reduce_max3A_153 = vector.multi_reduction <maximumf>, %select_n3A_151, %reduce_max3A_152 [0] : vector<10000x64xf32> to vector<64xf32>
    %broadcast_in_dim3A_154 = vector.shape_cast %reduce_max3A_153 : vector<64xf32> to vector<1x64xf32>
    %gt3A_155 = arith.constant 0xFF800000 : f32
    %gt3A_156 = vector.broadcast %gt3A_155 : f32 to vector<1x64xf32>
    %gt3A_157 = arith.cmpf ogt, %broadcast_in_dim3A_154, %gt3A_156 : vector<1x64xf32>
    %jit3A_158 = arith.constant 0.000000e+00 : f32
    %broadcast_in_dim3A_159 = vector.broadcast %jit3A_158 : f32 to vector<1x64xf32>
    %select_n3A_160 = arith.select %gt3A_157, %broadcast_in_dim3A_154, %broadcast_in_dim3A_159 : vector<1x64xi1>, vector<1x64xf32>
    %mul3A_161 = vector.broadcast %select_n3A_160 : vector<1x64xf32> to vector<10000x64xf32>
    %mul3A_162 = arith.mulf %convert_element_type3A_7, %mul3A_161 : vector<10000x64xf32>
    %reduce_sum3A_163 = arith.constant dense<0.000000e+00> : vector<10000xf32>
    %reduce_sum3A_164 = vector.multi_reduction <add>, %mul3A_162, %reduce_sum3A_163 [1] : vector<10000x64xf32> to vector<10000xf32>
    %broadcast_in_dim3A_165 = vector.shape_cast %reduce_sum3A_164 : vector<10000xf32> to vector<10000x1xf32>
    %sub3A_166 = arith.subf %broadcast_in_dim3A_146, %broadcast_in_dim3A_165 : vector<10000x1xf32>
    %exp3A_167 = math.exp %sub3A_166 : vector<10000x1xf32>
    %mul3A_168 = vector.broadcast %exp3A_167 : vector<10000x1xf32> to vector<10000x64xf32>
    %mul3A_169 = arith.mulf %convert_element_type3A_7, %mul3A_168 : vector<10000x64xf32>
    %reduce_sum3A_170 = arith.constant dense<0.000000e+00> : vector<64xf32>
    %reduce_sum3A_171 = vector.multi_reduction <add>, %mul3A_169, %reduce_sum3A_170 [0] : vector<10000x64xf32> to vector<64xf32>
    %broadcast_in_dim3A_172 = vector.shape_cast %reduce_sum3A_171 : vector<64xf32> to vector<1x64xf32>
    %mul3A_173 = vector.broadcast %broadcast_in_dim3A_172 : vector<1x64xf32> to vector<10000x64xf32>
    %mul3A_174 = arith.mulf %convert_element_type3A_7, %mul3A_173 : vector<10000x64xf32>
    %reduce_sum3A_175 = arith.constant dense<0.000000e+00> : vector<10000xf32>
    %reduce_sum3A_176 = vector.multi_reduction <add>, %mul3A_174, %reduce_sum3A_175 [1] : vector<10000x64xf32> to vector<10000xf32>
    %broadcast_in_dim3A_177 = vector.shape_cast %reduce_sum3A_176 : vector<10000xf32> to vector<10000x1xf32>
    %max3A_178 = arith.constant 1.000000e-16 : f32
    %max3A_179 = vector.broadcast %max3A_178 : f32 to vector<10000x1xf32>
    %max3A_180 = arith.maximumf %broadcast_in_dim3A_177, %max3A_179 : vector<10000x1xf32>
    %div3A_181 = arith.divf %exp3A_167, %max3A_180 : vector<10000x1xf32>
    %mul3A_182 = vector.broadcast %div3A_181 : vector<10000x1xf32> to vector<10000x32xf32>
    %mul3A_183 = arith.mulf %mul3A_182, %get3A_1 : vector<10000x32xf32>
    %dot_general3A_184 = arith.constant dense<0.000000e+00> : vector<64x32xf32>
    %dot_general3A_185 = tpu.matmul %convert_element_type3A_7, %mul3A_183, %dot_general3A_184 {dimension_numbers = #tpu.dot_dimension_numbers<[0], [0], [1], [1], [0, 1, 1, 1], [], []>, transpose_lhs_hint = false} : vector<10000x64xf32>, vector<10000x32xf32>, vector<64x32xf32> -> vector<64x32xf32>
    %concatenate3A_186 = tpu.concatenate %mul3A_140, %dot_general3A_185 in 1 : vector<64x32xf32>, vector<64x32xf32> -> vector<64x64xf32>
    %get3A_187 = arith.constant 0 : index
    %get3A_188 = arith.constant 0 : index
    %get3A_189 = vector.load %arg3[%get3A_187, %get3A_188] : memref<64x128xf32, #tpu.memory_space<vmem>>, vector<64x128xf32>
    %dot_general3A_190 = arith.constant dense<0.000000e+00> : vector<64x128xf32>
    %dot_general3A_191 = tpu.matmul %concatenate3A_186, %get3A_189, %dot_general3A_190 {dimension_numbers = #tpu.dot_dimension_numbers<[1], [0], [0], [1], [0, 0, 1, 1], [], []>, transpose_lhs_hint = false} : vector<64x64xf32>, vector<64x128xf32>, vector<64x128xf32> -> vector<64x128xf32>
    %get3A_192 = arith.constant 0 : index
    %get3A_193 = arith.constant 0 : index
    %get3A_194 = vector.load %arg5[%get3A_192, %get3A_193] : memref<1x128xf32, #tpu.memory_space<vmem>>, vector<1x128xf32>
    %add3A_195 = vector.broadcast %get3A_194 : vector<1x128xf32> to vector<64x128xf32>
    %add3A_196 = arith.addf %dot_general3A_191, %add3A_195 : vector<64x128xf32>
    %get3A_197 = arith.constant 0 : index
    %get3A_198 = arith.constant 0 : index
    %get3A_199 = vector.load %arg4[%get3A_197, %get3A_198] : memref<32x128xf32, #tpu.memory_space<vmem>>, vector<32x128xf32>
    %dot_general3A_200 = arith.constant dense<0.000000e+00> : vector<64x128xf32>
    %dot_general3A_201 = tpu.matmul %mul3A_140, %get3A_199, %dot_general3A_200 {dimension_numbers = #tpu.dot_dimension_numbers<[1], [0], [0], [1], [0, 0, 1, 1], [], []>, transpose_lhs_hint = false} : vector<64x32xf32>, vector<32x128xf32>, vector<64x128xf32> -> vector<64x128xf32>
    %add3A_202 = arith.addf %add3A_196, %dot_general3A_201 : vector<64x128xf32>
    %get3A_203 = arith.constant 0 : index
    %get3A_204 = arith.constant 0 : index
    %get3A_205 = vector.load %arg6[%get3A_203, %get3A_204] : memref<1x128xf32, #tpu.memory_space<vmem>>, vector<1x128xf32>
    %add3A_206 = vector.broadcast %get3A_205 : vector<1x128xf32> to vector<64x128xf32>
    %add3A_207 = arith.addf %add3A_202, %add3A_206 : vector<64x128xf32>
    %slice3A_208 = vector.extract_strided_slice %add3A_207 {offsets = [0, 0], sizes = [64, 32], strides = [1, 1]} : vector<64x128xf32> to vector<64x32xf32>
    %logistic3A_209 = arith.negf %slice3A_208 : vector<64x32xf32>
    %logistic3A_210 = math.exp %logistic3A_209 : vector<64x32xf32>
    %logistic3A_211 = arith.constant 1.000000e+00 : f32
    %logistic3A_212 = vector.broadcast %logistic3A_211 : f32 to vector<64x32xf32>
    %logistic3A_213 = arith.addf %logistic3A_212, %logistic3A_210 : vector<64x32xf32>
    %logistic3A_214 = arith.divf %logistic3A_212, %logistic3A_213 : vector<64x32xf32>
    %slice3A_215 = vector.extract_strided_slice %add3A_207 {offsets = [0, 32], sizes = [64, 32], strides = [1, 1]} : vector<64x128xf32> to vector<64x32xf32>
    %logistic3A_216 = arith.negf %slice3A_215 : vector<64x32xf32>
    %logistic3A_217 = math.exp %logistic3A_216 : vector<64x32xf32>
    %logistic3A_218 = arith.constant 1.000000e+00 : f32
    %logistic3A_219 = vector.broadcast %logistic3A_218 : f32 to vector<64x32xf32>
    %logistic3A_220 = arith.addf %logistic3A_219, %logistic3A_217 : vector<64x32xf32>
    %logistic3A_221 = arith.divf %logistic3A_219, %logistic3A_220 : vector<64x32xf32>
    %slice3A_222 = vector.extract_strided_slice %add3A_207 {offsets = [0, 64], sizes = [64, 32], strides = [1, 1]} : vector<64x128xf32> to vector<64x32xf32>
    %tanh3A_223 = math.tanh %slice3A_222 : vector<64x32xf32>
    %slice3A_224 = vector.extract_strided_slice %add3A_207 {offsets = [0, 96], sizes = [64, 32], strides = [1, 1]} : vector<64x128xf32> to vector<64x32xf32>
    %logistic3A_225 = arith.negf %slice3A_224 : vector<64x32xf32>
    %logistic3A_226 = math.exp %logistic3A_225 : vector<64x32xf32>
    %logistic3A_227 = arith.constant 1.000000e+00 : f32
    %logistic3A_228 = vector.broadcast %logistic3A_227 : f32 to vector<64x32xf32>
    %logistic3A_229 = arith.addf %logistic3A_228, %logistic3A_226 : vector<64x32xf32>
    %logistic3A_230 = arith.divf %logistic3A_228, %logistic3A_229 : vector<64x32xf32>
    %mul3A_231 = arith.mulf %logistic3A_221, %add3A_138 : vector<64x32xf32>
    %mul3A_232 = arith.mulf %logistic3A_214, %tanh3A_223 : vector<64x32xf32>
    %add3A_233 = arith.addf %mul3A_231, %mul3A_232 : vector<64x32xf32>
    %tanh3A_234 = math.tanh %add3A_233 : vector<64x32xf32>
    %mul3A_235 = arith.mulf %logistic3A_230, %tanh3A_234 : vector<64x32xf32>
    %dot_general3A_236 = arith.constant dense<0.000000e+00> : vector<10000x32xf32>
    %dot_general3A_237 = tpu.matmul %convert_element_type3A_7, %mul3A_235, %dot_general3A_236 {dimension_numbers = #tpu.dot_dimension_numbers<[1], [0], [0], [1], [0, 0, 1, 1], [], []>, transpose_lhs_hint = false} : vector<10000x64xf32>, vector<64x32xf32>, vector<10000x32xf32> -> vector<10000x32xf32>
    %mul3A_238 = arith.mulf %get3A_1, %dot_general3A_237 : vector<10000x32xf32>
    %reduce_sum3A_239 = arith.constant dense<0.000000e+00> : vector<10000xf32>
    %reduce_sum3A_240 = vector.multi_reduction <add>, %mul3A_238, %reduce_sum3A_239 [1] : vector<10000x32xf32> to vector<10000xf32>
    %broadcast_in_dim3A_241 = vector.shape_cast %reduce_sum3A_240 : vector<10000xf32> to vector<10000x1xf32>
    %jit3A_242 = arith.constant 0xFF800000 : f32
    %broadcast_in_dim3A_243 = vector.shape_cast %broadcast_in_dim3A_241 : vector<10000x1xf32> to vector<10000x1xf32>
    %broadcast_in_dim3A_244 = vector.broadcast %broadcast_in_dim3A_243 : vector<10000x1xf32> to vector<10000x64xf32>
    %broadcast_in_dim3A_245 = vector.broadcast %jit3A_242 : f32 to vector<10000x64xf32>
    %select_n3A_246 = arith.select %eq3A_6, %broadcast_in_dim3A_244, %broadcast_in_dim3A_245 : vector<10000x64xi1>, vector<10000x64xf32>
    %reduce_max3A_247 = arith.constant dense<0xFF800000> : vector<64xf32>
    %reduce_max3A_248 = vector.multi_reduction <maximumf>, %select_n3A_246, %reduce_max3A_247 [0] : vector<10000x64xf32> to vector<64xf32>
    %broadcast_in_dim3A_249 = vector.shape_cast %reduce_max3A_248 : vector<64xf32> to vector<1x64xf32>
    %gt3A_250 = arith.constant 0xFF800000 : f32
    %gt3A_251 = vector.broadcast %gt3A_250 : f32 to vector<1x64xf32>
    %gt3A_252 = arith.cmpf ogt, %broadcast_in_dim3A_249, %gt3A_251 : vector<1x64xf32>
    %jit3A_253 = arith.constant 0.000000e+00 : f32
    %broadcast_in_dim3A_254 = vector.broadcast %jit3A_253 : f32 to vector<1x64xf32>
    %select_n3A_255 = arith.select %gt3A_252, %broadcast_in_dim3A_249, %broadcast_in_dim3A_254 : vector<1x64xi1>, vector<1x64xf32>
    %mul3A_256 = vector.broadcast %select_n3A_255 : vector<1x64xf32> to vector<10000x64xf32>
    %mul3A_257 = arith.mulf %convert_element_type3A_7, %mul3A_256 : vector<10000x64xf32>
    %reduce_sum3A_258 = arith.constant dense<0.000000e+00> : vector<10000xf32>
    %reduce_sum3A_259 = vector.multi_reduction <add>, %mul3A_257, %reduce_sum3A_258 [1] : vector<10000x64xf32> to vector<10000xf32>
    %broadcast_in_dim3A_260 = vector.shape_cast %reduce_sum3A_259 : vector<10000xf32> to vector<10000x1xf32>
    %sub3A_261 = arith.subf %broadcast_in_dim3A_241, %broadcast_in_dim3A_260 : vector<10000x1xf32>
    %exp3A_262 = math.exp %sub3A_261 : vector<10000x1xf32>
    %mul3A_263 = vector.broadcast %exp3A_262 : vector<10000x1xf32> to vector<10000x64xf32>
    %mul3A_264 = arith.mulf %convert_element_type3A_7, %mul3A_263 : vector<10000x64xf32>
    %reduce_sum3A_265 = arith.constant dense<0.000000e+00> : vector<64xf32>
    %reduce_sum3A_266 = vector.multi_reduction <add>, %mul3A_264, %reduce_sum3A_265 [0] : vector<10000x64xf32> to vector<64xf32>
    %broadcast_in_dim3A_267 = vector.shape_cast %reduce_sum3A_266 : vector<64xf32> to vector<1x64xf32>
    %mul3A_268 = vector.broadcast %broadcast_in_dim3A_267 : vector<1x64xf32> to vector<10000x64xf32>
    %mul3A_269 = arith.mulf %convert_element_type3A_7, %mul3A_268 : vector<10000x64xf32>
    %reduce_sum3A_270 = arith.constant dense<0.000000e+00> : vector<10000xf32>
    %reduce_sum3A_271 = vector.multi_reduction <add>, %mul3A_269, %reduce_sum3A_270 [1] : vector<10000x64xf32> to vector<10000xf32>
    %broadcast_in_dim3A_272 = vector.shape_cast %reduce_sum3A_271 : vector<10000xf32> to vector<10000x1xf32>
    %max3A_273 = arith.constant 1.000000e-16 : f32
    %max3A_274 = vector.broadcast %max3A_273 : f32 to vector<10000x1xf32>
    %max3A_275 = arith.maximumf %broadcast_in_dim3A_272, %max3A_274 : vector<10000x1xf32>
    %div3A_276 = arith.divf %exp3A_262, %max3A_275 : vector<10000x1xf32>
    %mul3A_277 = vector.broadcast %div3A_276 : vector<10000x1xf32> to vector<10000x32xf32>
    %mul3A_278 = arith.mulf %mul3A_277, %get3A_1 : vector<10000x32xf32>
    %dot_general3A_279 = arith.constant dense<0.000000e+00> : vector<64x32xf32>
    %dot_general3A_280 = tpu.matmul %convert_element_type3A_7, %mul3A_278, %dot_general3A_279 {dimension_numbers = #tpu.dot_dimension_numbers<[0], [0], [1], [1], [0, 1, 1, 1], [], []>, transpose_lhs_hint = false} : vector<10000x64xf32>, vector<10000x32xf32>, vector<64x32xf32> -> vector<64x32xf32>
    %concatenate3A_281 = tpu.concatenate %mul3A_235, %dot_general3A_280 in 1 : vector<64x32xf32>, vector<64x32xf32> -> vector<64x64xf32>
    %swap3A = arith.constant 0 : index
    %swap3A_282 = arith.constant 0 : index
    %swap3A_283 = vector.load %arg7[%swap3A, %swap3A_282] : memref<64x64xf32, #tpu.memory_space<vmem>>, vector<64x64xf32>
    tpu.vector_store %arg7[%swap3A, %swap3A_282], %concatenate3A_281 {strides = array<i32>} : memref<64x64xf32, #tpu.memory_space<vmem>>, vector<64x64xf32>,
    return
  }
  func.func @transform_0(%arg0: i32) -> (i32, i32) {
    %c0_i32 = arith.constant 0 : i32
    %c0_i32_0 = arith.constant 0 : i32
    %c0_i32_1 = arith.constant 0 : i32
    return %c0_i32, %c0_i32_0 : i32, i32
  }
  func.func @transform_1(%arg0: i32) -> (i32, i32) {
    %c0_i32 = arith.constant 0 : i32
    %c0_i32_0 = arith.constant 0 : i32
    %c0_i32_1 = arith.constant 0 : i32
    return %c0_i32, %c0_i32_0 : i32, i32
  }
  func.func @transform_2(%arg0: i32) -> (i32, i32) {
    %c0_i32 = arith.constant 0 : i32
    %c0_i32_0 = arith.constant 0 : i32
    %c0_i32_1 = arith.constant 0 : i32
    return %c0_i32, %c0_i32_0 : i32, i32
  }
  func.func @transform_3(%arg0: i32) -> (i32, i32) {
    %c0_i32 = arith.constant 0 : i32
    %c0_i32_0 = arith.constant 0 : i32
    %c0_i32_1 = arith.constant 0 : i32
    return %c0_i32, %c0_i32_0 : i32, i32
  }
  func.func @transform_4(%arg0: i32) -> (i32, i32) {
    %c0_i32 = arith.constant 0 : i32
    %c0_i32_0 = arith.constant 0 : i32
    %c0_i32_1 = arith.constant 0 : i32
    return %c0_i32, %c0_i32_0 : i32, i32
  }
  func.func @transform_5(%arg0: i32) -> (i32, i32) {
    %c0_i32 = arith.constant 0 : i32
    %c0_i32_0 = arith.constant 0 : i32
    %c0_i32_1 = arith.constant 0 : i32
    return %c0_i32, %c0_i32_0 : i32, i32
  }
  func.func @transform_6(%arg0: i32) -> (i32, i32) {
    %c0_i32 = arith.constant 0 : i32
    %c0_i32_0 = arith.constant 0 : i32
    %c0_i32_1 = arith.constant 0 : i32
    return %c0_i32, %c0_i32_0 : i32, i32
  }
}

</mosaic_0001>

<sc_bundles>
// kernel: kernel.25.cloned.1.call-start
scs
__scs_entry_jumppad:
0x0: {  	(pc) =	sbr.rel $0x88, $3  }
0x1: {  	(tag) =	ssettag $0x0;
	lr =	simm.s32 $0x1  }
0x2: {  	[smem:$0x3F8E] =	sst lr;
	_ =	strace $0xD0000000  }
0x3: {  	_ = 	snop  }
0x4: {  	_ = 	snop  }
0x5: {  	_ = 	snop  }
0x6: {  	_ = 	snop  }
0x7: {  	_ = 	snop  }
__scs_overlays_trampoline_lowered:
0x8: {  	[smem:$0x3F9D] =	sst s0  }
0x9: {  	[smem:$0x3F9E] =	sst s1  }
0xa: {  	[smem:$0x3F9F] =	sst s2  }
0xb: {  	[smem:$0x3FA0] =	sst s3  }
0xc: {  	[smem:$0x3FA1] =	sst s4  }
0xd: {  	[smem:$0x3FA2] =	sst s5  }
0xe: {  	[smem:$0x3FA3] =	sst s6  }
0xf: {  	[smem:$0x3FA4] =	sst s7  }
0x10: {  	[smem:$0x3FA5] =	sst s8  }
0x11: {  	[smem:$0x3FA6] =	sst s9;
	s0 =	simm.s32 @!p0 $0x0  }
0x12: {  	s1 =	sld [smem:$0x3F8C];
	s0 =	simm.s32 @p0 $0x1  }
0x13: {  	[smem:$0x3FA7] =	sst s0;
	s0 =	simm.s32 @!p1 $0x0  }
0x14: {  	s2 =	sld [smem:$0x3F8B];
	s0 =	simm.s32 @p1 $0x1  }
0x15: {  	[smem:$0x3FA8] =	sst s0;
	s0 =	simm.s32 @!p2 $0x0  }
0x16: {  	s3 =	sld [smem:$0x3FDB];
	s0 =	simm.s32 @p2 $0x1  }
0x17: {  	s4 =	simm.s32 $0x1BF5;
	[smem:$0x3FAA] =	sst s0  }
0x18: {  	s0 =	sld [smem:$0x3F8D];
	_ =	swait.ge [sflag:s4], $0x0  }
0x19: {  	s7 =	sld [smem:$0x3F8E]  }
0x1a: {  	s8 =	sadd.s32 $0xFFFFE003, lr  }
0x1b: {  	s9 =	sadd.s32 $0xFFFFFEF7, lr;
	s5 =	simm.s32 $0xFFFFFFFF;
	p2 =	slt.u32 s8, $0xFFFFF086  }
0x1c: {  	p1 =	slt.u32 s9, $0xF7A;
	s5 =	simm.s32 @!p2 $0x0  }
0x1d: {  	s5 =	simm.s32 @p1 $0x1;
	p0 =	seq.s32 s7, s2  }
0x1e: {  	s7 =	smul.u32 @!p0 $0xF7A, s2;
	p2 =	seq.s32 @!p0 s5, $0x0  }
0x1f: {  	s9 =	smul.u32 $0xF7A, s1;
	s8 =	simm.s32 @!p0 $0x1BF5;
	p2 =	por !p2, p0  }
0x20: {  	[sflag:s8] =	ssyncset.s32 @!p0 $0xFFFFF086;
	s6 =	sadd.s32 @!p0 s3, s7;
	s7 =	simm.s32 @!p0 $0x108  }
0x21: {  	s3 =	sadd.s32 s3, s9;
	s6 =	sadd.s32 @!p0 $0x88, s6;
	s7 =	simm.s32 @p2 $0x1082  }
0x22: {  	[simem:s7], [sflag:s8] =	dma.local @!p0 [hbm:s6], $0xF7A  }
0x23: {  	s9 =	sor.u32 $0xD0000000, s2;
	s6 =	simm.s32 $0x108;
	_ =	swait.ge @!p0 [sflag:s8], $0x0  }
0x24: {  	s3 =	sadd.s32 $0x88, s3;
	s6 =	simm.s32 @!p1 $0x1082;
	[sflag:s4] =	ssyncset.s32 $0xFFFFF086  }
0x25: {  	[simem:s6], [sflag:s4] =	dma.local [hbm:s3], $0xF7A  }
0x26: {  	[smem:$0x3F8E] =	sst s1;
	(tag) =	ssettag s2;
	_ =	strace s9  }
0x27: {  	s1 =	sld [smem:$0x3F9E]  }
0x28: {  	s2 =	sld [smem:$0x3F9F]  }
0x29: {  	s4 =	sld [smem:$0x3FA1]  }
0x2a: {  	p0 =	seq.s32 s5, $0x0;
	s5 =	sld [smem:$0x3FA2]  }
0x2b: {  	s6 =	sld [smem:$0x3FA3]  }
0x2c: {  	s7 =	sld [smem:$0x3FA4]  }
0x2d: {  	s3 =	simm.s32 $0x108;
	s8 =	sld [smem:$0x3FA5]  }
0x2e: {  	s3 =	simm.s32 @!p0 $0x1082;
	s9 =	sld [smem:$0x3FA6]  }
0x2f: {  	lr =	sadd.s32 s0, s3;
	s0 =	sld [smem:$0x3F9D]  }
0x30: {  	s3 =	sld [smem:$0x3FA0]  }
0x31: {  	[smem:$0x3FA9] =	sst s10  }
0x32: {  	s10 =	sld [smem:$0x3FA7];
	_ =	sdelay $0x3  }
0x33: {  	p0 =	seq.s32 s10, $0x1;
	s10 =	sld [smem:$0x3FA9];
	_ =	sdelay $0x3  }
0x34: {  	[smem:$0x3FA9] =	sst s10  }
0x35: {  	s10 =	sld [smem:$0x3FA8];
	_ =	sdelay $0x3  }
0x36: {  	p1 =	seq.s32 s10, $0x1;
	s10 =	sld [smem:$0x3FA9];
	_ =	sdelay $0x3  }
0x37: {  	[smem:$0x3FA9] =	sst s10  }
0x38: {  	s10 =	sld [smem:$0x3FAA]  }
0x39: {  	_ = 	snop;
	(pc) =	sbr.ind lr, $3  }
0x3a: {  	_ = 	snop  }
0x3b: {  	_ = 	snop  }
0x3c: {  	p2 =	seq.s32 s10, $0x1;
	s10 =	sld [smem:$0x3FA9]  }
0x3d: {  	_ =	shalt  }
0x3e: {  	_ =	shalt  }
0x3f: {  	_ =	shalt  }
0x40: {  	_ =	shalt  }
0x41: {  	_ =	shalt  }
0x42: {  	_ =	shalt  }
0x43: {  	_ =	shalt  }
0x44: {  	_ =	shalt  }
0x45: {  	_ =	shalt  }
0x46: {  	_ =	shalt  }
0x47: {  	_ =	shalt  }
0x48: {  	_ =	shalt  }
0x49: {  	_ =	shalt  }
0x4a: {  	_ =	shalt  }
0x4b: {  	_ =	shalt  }
0x4c: {  	_ =	shalt  }
0x4d: {  	_ =	shalt  }
0x4e: {  	_ =	shalt  }
0x4f: {  	_ =	shalt  }
0x50: {  	_ =	shalt  }
0x51: {  	_ =	shalt  }
0x52: {  	_ =	shalt  }
0x53: {  	_ =	shalt  }
0x54: {  	_ =	shalt  }
0x55: {  	_ =	shalt  }
0x56: {  	_ =	shalt  }
0x57: {  	_ =	shalt  }
0x58: {  	_ =	shalt  }
0x59: {  	_ =	shalt  }
0x5a: {  	_ =	shalt  }
0x5b: {  	_ =	shalt  }
0x5c: {  	_ =	shalt  }
0x5d: {  	_ =	shalt  }
0x5e: {  	_ =	shalt  }
0x5f: {  	_ =	shalt  }
0x60: {  	_ =	shalt  }
0x61: {  	_ =	shalt  }
0x62: {  	_ =	shalt  }
0x63: {  	_ =	shalt  }
0x64: {  	_ =	shalt  }
0x65: {  	_ =	shalt  }
0x66: {  	_ =	shalt  }
0x67: {  	_ =	shalt  }
0x68: {  	_ =	shalt  }
0x69: {  	_ =	shalt  }
0x6a: {  	_ =	shalt  }
0x6b: {  	_ =	shalt  }
0x6c: {  	_ =	shalt  }
0x6d: {  	_ =	shalt  }
0x6e: {  	_ =	shalt  }
0x6f: {  	_ =	shalt  }
0x70: {  	_ =	shalt  }
0x71: {  	_ =	shalt  }
0x72: {  	_ =	shalt  }
0x73: {  	_ =	shalt  }
0x74: {  	_ =	shalt  }
0x75: {  	_ =	shalt  }
0x76: {  	_ =	shalt  }
0x77: {  	_ =	shalt  }
0x78: {  	_ =	shalt  }
0x79: {  	_ =	shalt  }
0x7a: {  	_ =	shalt  }
0x7b: {  	_ =	shalt  }
0x7c: {  	_ =	shalt  }
0x7d: {  	_ =	shalt  }
0x7e: {  	_ =	shalt  }
0x7f: {  	_ =	shalt  }
0x80: {  	_ =	shalt  }
0x81: {  	_ =	shalt  }
0x82: {  	_ =	shalt  }
0x83: {  	_ =	shalt  }
0x84: {  	_ =	shalt  }
0x85: {  	_ =	shalt  }
0x86: {  	_ =	shalt  }
0x87: {  	_ =	shalt  }
.Lfunc_end0:
.L_simem_size_0:
called_computation_lowered:
.L_overlay_start_0:
0x88: {  	s2 =	sld [smem:$0x3FD9]  }
0x89: {  	s3 =	sld [smem:$0x3FFE];
	_ =	sdelay $0x1  }
0x8a: {  	s1 =	srdreg.scid  }
0x8b: {  	s0 =	sand.u32 $0x1, s1  }
0x8c: {  	s15 =	sshll.u32 s0, $0xA;
	s2 =	sadd.s32 s3, s2  }
0x8d: {  	s2 =	sadd.s32 s2, s15  }
0x8e: {  	[smem:$0x3FB5] =	sst s2  }
0x8f: {  	_ = 	snop  }
0x90: {  	s2 =	sld [smem:$0x3FD0];
	_ =	sdelay $0x2  }
0x91: {  	s16 =	simm.s32 $0xB;
	s4 =	simm.s32 $0x10  }
0x92: {  	[smem:s4], [sflag:s16] =	dma.local [hbm:s2], $0x1  }
0x93: {  	_ =	swait.eq [sflag:s16], $0x1  }
0x94: {  	[sflag:s16] =	ssyncset.done $0x0  }
0x95: {  	[sflag:s16] =	ssyncadd.s32 $0xFFFFFFFF  }
0x96: {  	s17 =	sld [smem:$0x11];
	(tm) =	ssettm $0x1  }
0x97: {  	s18 =	sld [smem:$0x3FFB];
	_ =	sdelay $0x3  }
0x98: {  	_ =	strace s18  }
0x99: {  	s2 =	sld [smem:$0x3FFC];
	_ =	sdelay $0x3  }
0x9a: {  	_ =	strace s2  }
0x9b: {  	s2 =	sld [smem:$0x3FFD];
	_ =	sdelay $0x3  }
0x9c: {  	_ =	strace s2  }
0x9d: {  	_ =	strace $0x8FFFFFFF  }
0x9e: {  	s19 =	sld [smem:$0x3FDB];
	_ =	sdelay $0x1  }
0x9f: {  	s20 =	simm.s32 $_scs_section_size  }
0xa0: {  	s5 =	simm.s32 $_size__tile_overlayer_lowered;
	s6 =	simm.s32 $_tile_overlayer_lowered  }
0xa1: {  	s7 =	simm.s32 $0x1BFF;
	s21 =	sshll.u32 s6, $0x1;
	s4 =	sadd.s32 s20, s19  }
0xa2: {  	s22 =	simm.s32 $0x0;
	s5 =	sshll.u32 s5, $0x1;
	s6 =	sadd.s32 s21, s4  }
0xa3: {  	[timem:s22], [sflag:s7] =	dma.local [hbm:s6], s5  }
0xa4: {  	_ =	swait.ge [sflag:s7], s5  }
0xa5: {  	s5 =	ssub.s32 $0x0, s5;
	[sflag:s7] =	ssyncset.done $0x0  }
0xa6: {  	[sflag:s7] =	ssyncadd.s32 s5;
	_ =	sdelay $0x1  }
0xa7: {  	s23 =	simm.s32 $0x1B8B  }
0xa8: {  	_ =	swait.ge [sflag:s23], $0x1  }
0xa9: {  	[sflag:s23] =	ssyncset.done $0x0  }
0xaa: {  	[sflag:s23] =	ssyncadd.s32 $0xFFFFFFFF  }
0xab: {  	s5 =	sld [smem:$0x0]  }
0xac: {  	s6 =	sand.u32 $0xFFFFFFFE, s1  }
0xad: {  	p0 =	sne.s32 s1, s6  }
0xae: {  	s6 =	sshll.u32 @p0 s6, $0xE  }
0xaf: {  	s6 =	sadd.s32 @p0 $0x11B8D, s6;
	s7 =	sshll.u32 @p0 s5, $0x11  }
0xb0: {  	s6 =	sor.u32 @p0 s7, s6  }
0xb1: {  	[sflag:s6] =	ssyncadd.remote.s32 @p0 $0x1;
	_ =	sdelay $0x1  }
0xb2: {  	s6 =	simm.s32 @p0 $0x1B8D  }
0xb3: {  	_ =	swait.eq @p0 [sflag:s6], $0x1  }
0xb4: {  	[sflag:s6] =	ssyncadd.s32 @p0 $0xFFFFFFFF  }
0xb5: {  	s7 =	sshll.u32 @!p0 s1, $0xE  }
0xb6: {  	s7 =	sor.u32 @!p0 $0x4000, s7;
	s6 =	simm.s32 @!p0 $0x1B8D  }
0xb7: {  	s5 =	sshll.u32 @!p0 s5, $0x11;
	s7 =	sadd.s32 @!p0 $0x11B8D, s7;
	_ =	swait.eq @!p0 [sflag:s6], $0x1  }
0xb8: {  	s5 =	sor.u32 @!p0 s5, s7;
	[sflag:s6] =	ssyncadd.s32 @!p0 $0xFFFFFFFF  }
0xb9: {  	s25 =	simm.s32 $0x1B8E;
	s24 =	sld [smem:$0x3FFE];
	[sflag:s5] =	ssyncadd.remote.s32 @!p0 $0x1  }
0xba: {  	s26 =	simm.s32 $execute0_lowered;
	[smem:$0x3FD2] =	sst s25  }
0xbb: {  	s6 =	sshll.u32 s26, $0x1;
	_ =	strace $0x80000049;
	[dreg:$0x1] =	wrdreg $0xFFFFFFFF  }
0xbc: {  	s28 =	simm.s32 $_size_execute0_lowered;
	s4 =	sadd.s32 s4, s6;
	[dreg:$0x0] =	wrdreg $0x0  }
0xbd: {  	s6 =	sshll.u32 s28, $0x1;
	[dreg:$0x2] =	wrdreg s4  }
0xbe: {  	[dreg:$0x3] =	wrdreg s6  }
0xbf: {  	[dreg:$0x4] =	wrdreg $0xC0  }
0xc0: {  	_ =	task [dreg:s22], $0x5FFFF  }
0xc1: {  	[dreg:$0x1] =	wrdreg $0xFFFFFFFF  }
0xc2: {  	[dreg:$0x0] =	wrdreg $0x60  }
0xc3: {  	[dreg:$0x2] =	wrdreg s17  }
0xc4: {  	[dreg:$0x3] =	wrdreg s24  }
0xc5: {  	[dreg:$0x4] =	wrdreg $0x9  }
0xc6: {  	_ =	task.clear_ibuf [dreg:s22], $0x5FFFF;
	_ =	strace $0x90000049  }
0xc7: {  	s29 =	simm.s32 $0x9;
	_ =	strace $0x8000004B  }
0xc8: {  	_ =	swait.ge [sflag:s29], $0x1  }
0xc9: {  	[sflag:s29] =	ssyncadd.s32 $0xFFFFFFFF  }
0xca: {  	_ =	strace $0x9000004B  }
0xcb: {  	_ =	sfence  }
0xcc: {  	s30 =	sld [smem:$0x0];
	_ =	sdelay $0x2  }
0xcd: {  	s31 =	sshll.u32 s1, $0xD;
	s1 =	sshrl.u32 s1, $0x2  }
0xce: {  	s4 =	sand.u32 $0x4000, s31;
	s1 =	sadd.s32 s1, s30  }
0xcf: {  	s0 =	sor.u32 s4, s0;
	s1 =	sshll.u32 s1, $0x11  }
0xd0: {  	s0 =	sor.u32 s1, s0  }
0xd1: {  	s0 =	sadd.s32 $0x8F2B, s0  }
0xd2: {  	[sflag:s0] =	ssyncadd.remote.s32 $0x1  }
0xd3: {  	_ =	sfence.sel $0xFFFF  }
0xd4: {  	[dreg:$0x0] =	wrdreg $0xFFFFFFFF;
	(pc) =	sbr.abs _section_cstart, $3  }
0xd5: {  	[dreg:$0x1] =	wrdreg $0xFFFFFFFF  }
0xd6: {  	_ =	task.clear_ibuf [dreg:s22], $0x2FFFF;
	_ =	strace $0x9FFFFFFF  }
0xd7: {  	(tm) =	ssettm $0x7FFFFFFF  }
tec
execute0_lowered:
.L_overlay_start_1:
0x0: {  	(tag) =	ssettag $0x1  }
0x1: {  	s1 =	srdreg.scid;
	s0 =	stileid.u32  }
0x2: {  	s2 =	rddreg [dreg:$0x0];
	s6 =	sand.u32 $0x1, s1;
	s30 =	sshll.u32 s0, $0x1  }
0x3: {  	s8 =	rddreg [dreg:$0x1];
	s7 =	sor.u32 s6, s30  }
0x4: {  	s3 =	simm.s32 $0x0;
	s1 =	rddreg [dreg:$0x2];
	s4 =	smul.u32 $0x13B, s7  }
0x5: {  	[smem:$0x7FF] =	sst s3  }
0x6: {  	_ =	strace $0x8000004A;
	s10 =	ssub.s32 $0x2, s6;
	s4 =	sadd.s32 s4, s8  }
0x7: {  	s6 =	simm.s32 $0x9D8;
	s5 =	sadd.s32 $0x2FC00, s4;
	s4 =	simm.s32 $0x2  }
0x8: {  	[tilespmem:s3], [sflag:$0x2] =	stream.linear.gather [hbm4b:s5+s3], $0x9D8, $0x38;
	[tilespmem:$0x144D8] =	vst v63  }
0x9: {  	s9 =	smul.u32 $0x2760, s7;
	s11 =	sshrl.u32 s10, $0x1;
	_ =	swait.ge [sflag:s4], $0x9D8  }
0xa: {  	s7 =	simm.s32 $0x1;
	s31 =	ssub.s32 s10, s11;
	[sflag:s4] =	ssyncset.done $0x0  }
0xb: {  	s8 =	sadd.s32 s9, s8;
	s9 =	smax.u32 s31, $0x1;
	[sflag:s4] =	ssyncadd.s32 $0xFFFFF628  }
0xc: {  	[tilespmem:s6], [sflag:$0x1] =	stream.indirect.gather [hbm4b:s2+s6], $0x20, s3, s6, $0xb8;
	[tilespmem:$0x144D8] =	vst v63  }
0xd: {  	p0 =	sne.s32 s9, $0x1;
	_ =	swait.ge [sflag:s7], $0x13B00  }
.Ltmp0:
0xe: {  	[sflag:s7] =	ssyncset.done $0x0;
	(pc) =	sbr.rel @!p0 .LBB2_2-.Ltmp0, $4  }
0xf: {  	s8 =	sadd.s32 $0x87400, s8;
	[sflag:s7] =	ssyncadd.s32 $0xFFFEC500  }
0x10: {  	[hbm4b:s8+s3] =	stream.linear.scatter [tilespmem:s6], [sflag:$0x2], $0x13B00, $0x38;
	[tilespmem:$0x144D8] =	vst v63  }
0x11: {  	_ =	swait.ge [sflag:s4], $0x13B00  }
0x12: {  	s9 =	sadd.s32 $0xFFFFFFFF, s9;
	[sflag:s4] =	ssyncset.done $0x0  }
.LBB2_1:
0x13: {  	p0 =	sne.s32 s9, $0x1;
	s9 =	sadd.s32 $0xFFFFFFFF, s9;
	[sflag:s4] =	ssyncadd.s32 $0xFFFEC500  }
0x14: {  	[tilespmem:s3], [sflag:$0x2] =	stream.linear.gather [hbm4b:s5+s3], $0x9D8, $0x38;
	[tilespmem:$0x144D8] =	vst v63  }
0x15: {  	_ =	swait.ge [sflag:s4], $0x9D8  }
0x16: {  	[sflag:s4] =	ssyncset.done $0x0  }
0x17: {  	[sflag:s4] =	ssyncadd.s32 $0xFFFFF628  }
0x18: {  	[tilespmem:s6], [sflag:$0x1] =	stream.indirect.gather [hbm4b:s2+s6], $0x20, s3, s6, $0xb8;
	[tilespmem:$0x144D8] =	vst v63  }
0x19: {  	_ =	swait.ge [sflag:s7], $0x13B00  }
.Ltmp1:
0x1a: {  	[sflag:s7] =	ssyncset.done $0x0;
	(pc) =	sbr.rel @p0 .LBB2_1-.Ltmp1, $4  }
0x1b: {  	[sflag:s7] =	ssyncadd.s32 $0xFFFEC500  }
0x1c: {  	[hbm4b:s8+s3] =	stream.linear.scatter [tilespmem:s6], [sflag:$0x2], $0x13B00, $0x38;
	[tilespmem:$0x144D8] =	vst v63  }
0x1d: {  	_ =	swait.ge [sflag:s4], $0x13B00  }
0x1e: {  	[sflag:s4] =	ssyncset.done $0x0  }
.LBB2_2:
0x1f: {  	[sflag:s4] =	ssyncadd.s32 $0xFFFEC500  }
0x20: {  	_ =	sfence.sel $0x180000  }
0x21: {  	[bflag:$0x0] =	sbarrier.arrive $0xFFFF  }
0x22: {  	p0 =	sne.s32 s0, $0x0;
	_ =	strace $0x9000004A  }
0x23: {  	s0 =	sadd.s32 @!p0 $0x100000, s1;
	[bflag:$0x2] =	sbarrier.arrive $0xFFFF  }
0x24: {  	[sflag:s0] =	ssyncadd.tile.s32 @!p0 $0x1;
	_ =	shalt  }
.Lfunc_end2:
_tile_overlayer_lowered:
.L_overlay_start_2:
0x25: {  	(tag) =	ssettag $0x2  }
0x26: {  	s0 =	rddreg [dreg:$0x0];
	s2 =	stileid.u32  }
0x27: {  	s1 =	rddreg [dreg:$0x1];
	p0 =	sne.s32 s2, $0x0  }
0x28: {  	s3 =	rddreg [dreg:$0x2];
	[bflag:$0x3] =	sbarrier.arrive $0xFFFF;
	s2 =	simm.s32 @!p0 $0x1C02  }
0x29: {  	[timem:s3], [sflag:s2] =	dma.local @!p0 [hbm:s0], s1  }
0x2a: {  	s0 =	simm.s32 @!p0 $0x2  }
0x2b: {  	_ =	swait.ge @!p0 [sflag:s0], s1  }
0x2c: {  	s1 =	ssub.s32 @!p0 $0x0, s1;
	[sflag:s0] =	ssyncset.done @!p0 $0x0  }
0x2d: {  	[sflag:s0] =	ssyncadd.s32 @!p0 s1  }
0x2e: {  	[bflag:$0x3] =	sbarrier.arrive $0xFFFF  }
0x2f: {  	_ =	shalt  }

// kernel: kernel.28.cloned.1.call-start
scs
__scs_entry_jumppad:
0x0: {  	(pc) =	sbr.rel $0x88, $3  }
0x1: {  	(tag) =	ssettag $0x0;
	lr =	simm.s32 $0x1  }
0x2: {  	[smem:$0x3F8E] =	sst lr;
	_ =	strace $0xD0000000  }
0x3: {  	_ = 	snop  }
0x4: {  	_ = 	snop  }
0x5: {  	_ = 	snop  }
0x6: {  	_ = 	snop  }
0x7: {  	_ = 	snop  }
__scs_overlays_trampoline_lowered:
0x8: {  	[smem:$0x3F9D] =	sst s0  }
0x9: {  	[smem:$0x3F9E] =	sst s1  }
0xa: {  	[smem:$0x3F9F] =	sst s2  }
0xb: {  	[smem:$0x3FA0] =	sst s3  }
0xc: {  	[smem:$0x3FA1] =	sst s4  }
0xd: {  	[smem:$0x3FA2] =	sst s5  }
0xe: {  	[smem:$0x3FA3] =	sst s6  }
0xf: {  	[smem:$0x3FA4] =	sst s7  }
0x10: {  	[smem:$0x3FA5] =	sst s8  }
0x11: {  	[smem:$0x3FA6] =	sst s9;
	s0 =	simm.s32 @!p0 $0x0  }
0x12: {  	s1 =	sld [smem:$0x3F8C];
	s0 =	simm.s32 @p0 $0x1  }
0x13: {  	[smem:$0x3FA7] =	sst s0;
	s0 =	simm.s32 @!p1 $0x0  }
0x14: {  	s2 =	sld [smem:$0x3F8B];
	s0 =	simm.s32 @p1 $0x1  }
0x15: {  	[smem:$0x3FA8] =	sst s0;
	s0 =	simm.s32 @!p2 $0x0  }
0x16: {  	s3 =	sld [smem:$0x3FDB];
	s0 =	simm.s32 @p2 $0x1  }
0x17: {  	s4 =	simm.s32 $0x1BF5;
	[smem:$0x3FAA] =	sst s0  }
0x18: {  	s0 =	sld [smem:$0x3F8D];
	_ =	swait.ge [sflag:s4], $0x0  }
0x19: {  	s7 =	sld [smem:$0x3F8E]  }
0x1a: {  	s8 =	sadd.s32 $0xFFFFE003, lr  }
0x1b: {  	s9 =	sadd.s32 $0xFFFFFEF7, lr;
	s5 =	simm.s32 $0xFFFFFFFF;
	p2 =	slt.u32 s8, $0xFFFFF086  }
0x1c: {  	p1 =	slt.u32 s9, $0xF7A;
	s5 =	simm.s32 @!p2 $0x0  }
0x1d: {  	s5 =	simm.s32 @p1 $0x1;
	p0 =	seq.s32 s7, s2  }
0x1e: {  	s7 =	smul.u32 @!p0 $0xF7A, s2;
	p2 =	seq.s32 @!p0 s5, $0x0  }
0x1f: {  	s9 =	smul.u32 $0xF7A, s1;
	s8 =	simm.s32 @!p0 $0x1BF5;
	p2 =	por !p2, p0  }
0x20: {  	[sflag:s8] =	ssyncset.s32 @!p0 $0xFFFFF086;
	s6 =	sadd.s32 @!p0 s3, s7;
	s7 =	simm.s32 @!p0 $0x108  }
0x21: {  	s3 =	sadd.s32 s3, s9;
	s6 =	sadd.s32 @!p0 $0x88, s6;
	s7 =	simm.s32 @p2 $0x1082  }
0x22: {  	[simem:s7], [sflag:s8] =	dma.local @!p0 [hbm:s6], $0xF7A  }
0x23: {  	s9 =	sor.u32 $0xD0000000, s2;
	s6 =	simm.s32 $0x108;
	_ =	swait.ge @!p0 [sflag:s8], $0x0  }
0x24: {  	s3 =	sadd.s32 $0x88, s3;
	s6 =	simm.s32 @!p1 $0x1082;
	[sflag:s4] =	ssyncset.s32 $0xFFFFF086  }
0x25: {  	[simem:s6], [sflag:s4] =	dma.local [hbm:s3], $0xF7A  }
0x26: {  	[smem:$0x3F8E] =	sst s1;
	(tag) =	ssettag s2;
	_ =	strace s9  }
0x27: {  	s1 =	sld [smem:$0x3F9E]  }
0x28: {  	s2 =	sld [smem:$0x3F9F]  }
0x29: {  	s4 =	sld [smem:$0x3FA1]  }
0x2a: {  	p0 =	seq.s32 s5, $0x0;
	s5 =	sld [smem:$0x3FA2]  }
0x2b: {  	s6 =	sld [smem:$0x3FA3]  }
0x2c: {  	s7 =	sld [smem:$0x3FA4]  }
0x2d: {  	s3 =	simm.s32 $0x108;
	s8 =	sld [smem:$0x3FA5]  }
0x2e: {  	s3 =	simm.s32 @!p0 $0x1082;
	s9 =	sld [smem:$0x3FA6]  }
0x2f: {  	lr =	sadd.s32 s0, s3;
	s0 =	sld [smem:$0x3F9D]  }
0x30: {  	s3 =	sld [smem:$0x3FA0]  }
0x31: {  	[smem:$0x3FA9] =	sst s10  }
0x32: {  	s10 =	sld [smem:$0x3FA7];
	_ =	sdelay $0x3  }
0x33: {  	p0 =	seq.s32 s10, $0x1;
	s10 =	sld [smem:$0x3FA9];
	_ =	sdelay $0x3  }
0x34: {  	[smem:$0x3FA9] =	sst s10  }
0x35: {  	s10 =	sld [smem:$0x3FA8];
	_ =	sdelay $0x3  }
0x36: {  	p1 =	seq.s32 s10, $0x1;
	s10 =	sld [smem:$0x3FA9];
	_ =	sdelay $0x3  }
0x37: {  	[smem:$0x3FA9] =	sst s10  }
0x38: {  	s10 =	sld [smem:$0x3FAA]  }
0x39: {  	_ = 	snop;
	(pc) =	sbr.ind lr, $3  }
0x3a: {  	_ = 	snop  }
0x3b: {  	_ = 	snop  }
0x3c: {  	p2 =	seq.s32 s10, $0x1;
	s10 =	sld [smem:$0x3FA9]  }
0x3d: {  	_ =	shalt  }
0x3e: {  	_ =	shalt  }
0x3f: {  	_ =	shalt  }
0x40: {  	_ =	shalt  }
0x41: {  	_ =	shalt  }
0x42: {  	_ =	shalt  }
0x43: {  	_ =	shalt  }
0x44: {  	_ =	shalt  }
0x45: {  	_ =	shalt  }
0x46: {  	_ =	shalt  }
0x47: {  	_ =	shalt  }
0x48: {  	_ =	shalt  }
0x49: {  	_ =	shalt  }
0x4a: {  	_ =	shalt  }
0x4b: {  	_ =	shalt  }
0x4c: {  	_ =	shalt  }
0x4d: {  	_ =	shalt  }
0x4e: {  	_ =	shalt  }
0x4f: {  	_ =	shalt  }
0x50: {  	_ =	shalt  }
0x51: {  	_ =	shalt  }
0x52: {  	_ =	shalt  }
0x53: {  	_ =	shalt  }
0x54: {  	_ =	shalt  }
0x55: {  	_ =	shalt  }
0x56: {  	_ =	shalt  }
0x57: {  	_ =	shalt  }
0x58: {  	_ =	shalt  }
0x59: {  	_ =	shalt  }
0x5a: {  	_ =	shalt  }
0x5b: {  	_ =	shalt  }
0x5c: {  	_ =	shalt  }
0x5d: {  	_ =	shalt  }
0x5e: {  	_ =	shalt  }
0x5f: {  	_ =	shalt  }
0x60: {  	_ =	shalt  }
0x61: {  	_ =	shalt  }
0x62: {  	_ =	shalt  }
0x63: {  	_ =	shalt  }
0x64: {  	_ =	shalt  }
0x65: {  	_ =	shalt  }
0x66: {  	_ =	shalt  }
0x67: {  	_ =	shalt  }
0x68: {  	_ =	shalt  }
0x69: {  	_ =	shalt  }
0x6a: {  	_ =	shalt  }
0x6b: {  	_ =	shalt  }
0x6c: {  	_ =	shalt  }
0x6d: {  	_ =	shalt  }
0x6e: {  	_ =	shalt  }
0x6f: {  	_ =	shalt  }
0x70: {  	_ =	shalt  }
0x71: {  	_ =	shalt  }
0x72: {  	_ =	shalt  }
0x73: {  	_ =	shalt  }
0x74: {  	_ =	shalt  }
0x75: {  	_ =	shalt  }
0x76: {  	_ =	shalt  }
0x77: {  	_ =	shalt  }
0x78: {  	_ =	shalt  }
0x79: {  	_ =	shalt  }
0x7a: {  	_ =	shalt  }
0x7b: {  	_ =	shalt  }
0x7c: {  	_ =	shalt  }
0x7d: {  	_ =	shalt  }
0x7e: {  	_ =	shalt  }
0x7f: {  	_ =	shalt  }
0x80: {  	_ =	shalt  }
0x81: {  	_ =	shalt  }
0x82: {  	_ =	shalt  }
0x83: {  	_ =	shalt  }
0x84: {  	_ =	shalt  }
0x85: {  	_ =	shalt  }
0x86: {  	_ =	shalt  }
0x87: {  	_ =	shalt  }
.Lfunc_end0:
.L_simem_size_0:
called_computation.1_lowered:
.L_overlay_start_0:
0x88: {  	s2 =	sld [smem:$0x3FD9]  }
0x89: {  	s3 =	sld [smem:$0x3FFE];
	_ =	sdelay $0x1  }
0x8a: {  	s1 =	srdreg.scid  }
0x8b: {  	s0 =	sand.u32 $0x1, s1  }
0x8c: {  	s14 =	sshll.u32 s0, $0xA;
	s2 =	sadd.s32 s3, s2  }
0x8d: {  	s2 =	sadd.s32 s2, s14  }
0x8e: {  	[smem:$0x3FB5] =	sst s2  }
0x8f: {  	_ = 	snop  }
0x90: {  	s2 =	sld [smem:$0x3FD0];
	_ =	sdelay $0x2  }
0x91: {  	s15 =	simm.s32 $0xB;
	s4 =	simm.s32 $0x10  }
0x92: {  	[smem:s4], [sflag:s15] =	dma.local [hbm:s2], $0x1  }
0x93: {  	_ =	swait.eq [sflag:s15], $0x1  }
0x94: {  	[sflag:s15] =	ssyncset.done $0x0  }
0x95: {  	[sflag:s15] =	ssyncadd.s32 $0xFFFFFFFF  }
0x96: {  	s16 =	sld [smem:$0x11];
	(tm) =	ssettm $0x1  }
0x97: {  	s17 =	sld [smem:$0x3FFB];
	_ =	sdelay $0x3  }
0x98: {  	_ =	strace s17  }
0x99: {  	s3 =	sld [smem:$0x3FFC];
	_ =	sdelay $0x3  }
0x9a: {  	_ =	strace s3  }
0x9b: {  	s3 =	sld [smem:$0x3FFD];
	_ =	sdelay $0x3  }
0x9c: {  	_ =	strace s3  }
0x9d: {  	_ =	strace $0x8FFFFFFF  }
0x9e: {  	s18 =	sld [smem:$0x3FDB];
	_ =	sdelay $0x1  }
0x9f: {  	s19 =	simm.s32 $_scs_section_size  }
0xa0: {  	s5 =	simm.s32 $_size__tile_overlayer_lowered;
	s6 =	simm.s32 $_tile_overlayer_lowered  }
0xa1: {  	s22 =	simm.s32 $0x1BFF;
	s21 =	sshll.u32 s6, $0x1;
	s3 =	sadd.s32 s19, s18  }
0xa2: {  	s7 =	simm.s32 $0x0;
	s20 =	sshll.u32 s5, $0x1;
	s5 =	sadd.s32 s21, s3  }
0xa3: {  	[timem:s7], [sflag:s22] =	dma.local [hbm:s5], s20  }
0xa4: {  	_ =	swait.ge [sflag:s22], s20  }
0xa5: {  	s4 =	ssub.s32 $0x0, s20;
	[sflag:s22] =	ssyncset.done $0x0  }
0xa6: {  	[sflag:s22] =	ssyncadd.s32 s4;
	_ =	sdelay $0x1  }
0xa7: {  	s23 =	simm.s32 $0x1B8B  }
0xa8: {  	_ =	swait.ge [sflag:s23], $0x1  }
0xa9: {  	[sflag:s23] =	ssyncset.done $0x0  }
0xaa: {  	s25 =	simm.s32 $0x1B8E;
	s24 =	sld [smem:$0x3FFE];
	[sflag:s23] =	ssyncadd.s32 $0xFFFFFFFF  }
0xab: {  	s26 =	simm.s32 $execute0_lowered;
	[smem:$0x3FD2] =	sst s25  }
0xac: {  	s5 =	sshll.u32 s26, $0x1;
	_ =	strace $0x80000046;
	[dreg:$0x1] =	wrdreg $0xFFFFFFFF  }
0xad: {  	s28 =	simm.s32 $_size_execute0_lowered;
	s3 =	sadd.s32 s3, s5;
	[dreg:$0x0] =	wrdreg $0x0  }
0xae: {  	s5 =	sshll.u32 s28, $0x1;
	[dreg:$0x2] =	wrdreg s3  }
0xaf: {  	[dreg:$0x3] =	wrdreg s5  }
0xb0: {  	[dreg:$0x4] =	wrdreg $0xC0  }
0xb1: {  	_ =	task [dreg:s7], $0x5FFFF  }
0xb2: {  	[dreg:$0x1] =	wrdreg $0xFFFFFFFF  }
0xb3: {  	[dreg:$0x0] =	wrdreg $0x60  }
0xb4: {  	[dreg:$0x2] =	wrdreg s16  }
0xb5: {  	[dreg:$0x3] =	wrdreg s24  }
0xb6: {  	[dreg:$0x4] =	wrdreg $0xA  }
0xb7: {  	_ =	task.clear_ibuf [dreg:s7], $0x5FFFF;
	_ =	strace $0x90000046  }
0xb8: {  	s29 =	simm.s32 $0xA;
	_ =	strace $0x80000048  }
0xb9: {  	_ =	swait.ge [sflag:s29], $0x1  }
0xba: {  	[sflag:s29] =	ssyncadd.s32 $0xFFFFFFFF  }
0xbb: {  	_ =	strace $0x90000048  }
0xbc: {  	_ =	sfence  }
0xbd: {  	s30 =	sld [smem:$0x0];
	_ =	sdelay $0x2  }
0xbe: {  	s31 =	sshll.u32 s1, $0xD;
	s1 =	sshrl.u32 s1, $0x2  }
0xbf: {  	s3 =	sand.u32 $0x4000, s31;
	s1 =	sadd.s32 s1, s30  }
0xc0: {  	s0 =	sor.u32 s3, s0;
	s1 =	sshll.u32 s1, $0x11  }
0xc1: {  	s0 =	sor.u32 s1, s0  }
0xc2: {  	s0 =	sadd.s32 $0x8F2B, s0  }
0xc3: {  	[sflag:s0] =	ssyncadd.remote.s32 $0x1  }
0xc4: {  	_ =	sfence.sel $0xFFFF  }
0xc5: {  	[dreg:$0x0] =	wrdreg $0xFFFFFFFF;
	(pc) =	sbr.abs _section_cstart, $3  }
0xc6: {  	[dreg:$0x1] =	wrdreg $0xFFFFFFFF  }
0xc7: {  	_ =	task.clear_ibuf [dreg:s7], $0x2FFFF;
	_ =	strace $0x9FFFFFFF  }
0xc8: {  	(tm) =	ssettm $0x7FFFFFFF  }
0xc9: {  	_ =	shalt  }
tec
execute0_lowered:
.L_overlay_start_1:
0x0: {  	(tag) =	ssettag $0x1  }
0x1: {  	s1 =	srdreg.scid;
	s0 =	stileid.u32  }
0x2: {  	s6 =	sand.u32 $0x1, s1;
	s30 =	sshll.u32 s0, $0x1  }
0x3: {  	s2 =	rddreg [dreg:$0x0];
	s7 =	sor.u32 s6, s30  }
0x4: {  	s8 =	rddreg [dreg:$0x1];
	s4 =	smul.u32 $0x9B0, s7  }
0x5: {  	s3 =	simm.s32 $0x0;
	s1 =	rddreg [dreg:$0x2]  }
0x6: {  	[smem:$0x7FF] =	sst s3;
	s4 =	sshrl.u32 s4, $0x3  }
0x7: {  	_ =	strace $0x80000047;
	s10 =	ssub.s32 $0x2, s6;
	s4 =	sadd.s32 s8, s4  }
0x8: {  	s6 =	simm.s32 $0x9B0;
	s5 =	sadd.s32 $0x32360, s4;
	s4 =	simm.s32 $0x2  }
0x9: {  	[tilespmem:s3], [sflag:$0x2] =	stream.linear.gather [hbm4b:s5+s3], $0x9B0, $0x38;
	[tilespmem:$0x13FB0] =	vst v63  }
0xa: {  	s9 =	smul.u32 $0x26C0, s7;
	s11 =	sshrl.u32 s10, $0x1;
	_ =	swait.ge [sflag:s4], $0x9B0  }
0xb: {  	s7 =	simm.s32 $0x1;
	s31 =	ssub.s32 s10, s11;
	[sflag:s4] =	ssyncset.done $0x0  }
0xc: {  	s8 =	sadd.s32 s9, s8;
	s9 =	smax.u32 s31, $0x1;
	[sflag:s4] =	ssyncadd.s32 $0xFFFFF650  }
0xd: {  	[tilespmem:s6], [sflag:$0x1] =	stream.indirect.gather [hbm4b:s2+s6], $0x20, s3, s6, $0xb8;
	[tilespmem:$0x13FB0] =	vst v63  }
0xe: {  	p0 =	sne.s32 s9, $0x1;
	_ =	swait.ge [sflag:s7], $0x13600  }
.Ltmp0:
0xf: {  	[sflag:s7] =	ssyncset.done $0x0;
	(pc) =	sbr.rel @!p0 .LBB2_2-.Ltmp0, $4  }
0x10: {  	s8 =	sadd.s32 $0x39C00, s8;
	[sflag:s7] =	ssyncadd.s32 $0xFFFECA00  }
0x11: {  	[hbm4b:s8+s3] =	stream.linear.scatter [tilespmem:s6], [sflag:$0x2], $0x13600, $0x38;
	[tilespmem:$0x13FB0] =	vst v63  }
0x12: {  	_ =	swait.ge [sflag:s4], $0x13600  }
0x13: {  	s9 =	sadd.s32 $0xFFFFFFFF, s9;
	[sflag:s4] =	ssyncset.done $0x0  }
.LBB2_1:
0x14: {  	p0 =	sne.s32 s9, $0x1;
	s9 =	sadd.s32 $0xFFFFFFFF, s9;
	[sflag:s4] =	ssyncadd.s32 $0xFFFECA00  }
0x15: {  	[tilespmem:s3], [sflag:$0x2] =	stream.linear.gather [hbm4b:s5+s3], $0x9B0, $0x38;
	[tilespmem:$0x13FB0] =	vst v63  }
0x16: {  	_ =	swait.ge [sflag:s4], $0x9B0  }
0x17: {  	[sflag:s4] =	ssyncset.done $0x0  }
0x18: {  	[sflag:s4] =	ssyncadd.s32 $0xFFFFF650  }
0x19: {  	[tilespmem:s6], [sflag:$0x1] =	stream.indirect.gather [hbm4b:s2+s6], $0x20, s3, s6, $0xb8;
	[tilespmem:$0x13FB0] =	vst v63  }
0x1a: {  	_ =	swait.ge [sflag:s7], $0x13600  }
.Ltmp1:
0x1b: {  	[sflag:s7] =	ssyncset.done $0x0;
	(pc) =	sbr.rel @p0 .LBB2_1-.Ltmp1, $4  }
0x1c: {  	[sflag:s7] =	ssyncadd.s32 $0xFFFECA00  }
0x1d: {  	[hbm4b:s8+s3] =	stream.linear.scatter [tilespmem:s6], [sflag:$0x2], $0x13600, $0x38;
	[tilespmem:$0x13FB0] =	vst v63  }
0x1e: {  	_ =	swait.ge [sflag:s4], $0x13600  }
0x1f: {  	[sflag:s4] =	ssyncset.done $0x0  }
.LBB2_2:
0x20: {  	[sflag:s4] =	ssyncadd.s32 $0xFFFECA00  }
0x21: {  	_ =	sfence.sel $0x180000  }
0x22: {  	[bflag:$0x0] =	sbarrier.arrive $0xFFFF  }
0x23: {  	p0 =	sne.s32 s0, $0x0;
	_ =	strace $0x90000047  }
0x24: {  	s0 =	sadd.s32 @!p0 $0x100000, s1;
	[bflag:$0x2] =	sbarrier.arrive $0xFFFF  }
0x25: {  	[sflag:s0] =	ssyncadd.tile.s32 @!p0 $0x1;
	_ =	shalt  }
.Lfunc_end2:
_tile_overlayer_lowered:
.L_overlay_start_2:
0x26: {  	(tag) =	ssettag $0x2  }
0x27: {  	s0 =	rddreg [dreg:$0x0];
	s2 =	stileid.u32  }
0x28: {  	s1 =	rddreg [dreg:$0x1];
	p0 =	sne.s32 s2, $0x0  }
0x29: {  	s3 =	rddreg [dreg:$0x2];
	[bflag:$0x3] =	sbarrier.arrive $0xFFFF;
	s2 =	simm.s32 @!p0 $0x1C02  }
0x2a: {  	[timem:s3], [sflag:s2] =	dma.local @!p0 [hbm:s0], s1  }
0x2b: {  	s0 =	simm.s32 @!p0 $0x2  }
0x2c: {  	_ =	swait.ge @!p0 [sflag:s0], s1  }
0x2d: {  	s1 =	ssub.s32 @!p0 $0x0, s1;
	[sflag:s0] =	ssyncset.done @!p0 $0x0  }
0x2e: {  	[sflag:s0] =	ssyncadd.s32 @!p0 s1  }
0x2f: {  	[bflag:$0x3] =	sbarrier.arrive $0xFFFF  }
0x30: {  	_ =	shalt  }

// kernel: kernel.31.cloned.1.call-start
scs
__scs_entry_jumppad:
0x0: {  	(pc) =	sbr.rel $0x88, $3  }
0x1: {  	(tag) =	ssettag $0x0;
	lr =	simm.s32 $0x1  }
0x2: {  	[smem:$0x3F8E] =	sst lr;
	_ =	strace $0xD0000000  }
0x3: {  	_ = 	snop  }
0x4: {  	_ = 	snop  }
0x5: {  	_ = 	snop  }
0x6: {  	_ = 	snop  }
0x7: {  	_ = 	snop  }
__scs_overlays_trampoline_lowered:
0x8: {  	[smem:$0x3F9D] =	sst s0  }
0x9: {  	[smem:$0x3F9E] =	sst s1  }
0xa: {  	[smem:$0x3F9F] =	sst s2  }
0xb: {  	[smem:$0x3FA0] =	sst s3  }
0xc: {  	[smem:$0x3FA1] =	sst s4  }
0xd: {  	[smem:$0x3FA2] =	sst s5  }
0xe: {  	[smem:$0x3FA3] =	sst s6  }
0xf: {  	[smem:$0x3FA4] =	sst s7  }
0x10: {  	[smem:$0x3FA5] =	sst s8  }
0x11: {  	[smem:$0x3FA6] =	sst s9;
	s0 =	simm.s32 @!p0 $0x0  }
0x12: {  	s1 =	sld [smem:$0x3F8C];
	s0 =	simm.s32 @p0 $0x1  }
0x13: {  	[smem:$0x3FA7] =	sst s0;
	s0 =	simm.s32 @!p1 $0x0  }
0x14: {  	s2 =	sld [smem:$0x3F8B];
	s0 =	simm.s32 @p1 $0x1  }
0x15: {  	[smem:$0x3FA8] =	sst s0;
	s0 =	simm.s32 @!p2 $0x0  }
0x16: {  	s3 =	sld [smem:$0x3FDB];
	s0 =	simm.s32 @p2 $0x1  }
0x17: {  	s4 =	simm.s32 $0x1BF5;
	[smem:$0x3FAA] =	sst s0  }
0x18: {  	s0 =	sld [smem:$0x3F8D];
	_ =	swait.ge [sflag:s4], $0x0  }
0x19: {  	s7 =	sld [smem:$0x3F8E]  }
0x1a: {  	s8 =	sadd.s32 $0xFFFFE003, lr  }
0x1b: {  	s9 =	sadd.s32 $0xFFFFFEF7, lr;
	s5 =	simm.s32 $0xFFFFFFFF;
	p2 =	slt.u32 s8, $0xFFFFF086  }
0x1c: {  	p1 =	slt.u32 s9, $0xF7A;
	s5 =	simm.s32 @!p2 $0x0  }
0x1d: {  	s5 =	simm.s32 @p1 $0x1;
	p0 =	seq.s32 s7, s2  }
0x1e: {  	s7 =	smul.u32 @!p0 $0xF7A, s2;
	p2 =	seq.s32 @!p0 s5, $0x0  }
0x1f: {  	s9 =	smul.u32 $0xF7A, s1;
	s8 =	simm.s32 @!p0 $0x1BF5;
	p2 =	por !p2, p0  }
0x20: {  	[sflag:s8] =	ssyncset.s32 @!p0 $0xFFFFF086;
	s6 =	sadd.s32 @!p0 s3, s7;
	s7 =	simm.s32 @!p0 $0x108  }
0x21: {  	s3 =	sadd.s32 s3, s9;
	s6 =	sadd.s32 @!p0 $0x88, s6;
	s7 =	simm.s32 @p2 $0x1082  }
0x22: {  	[simem:s7], [sflag:s8] =	dma.local @!p0 [hbm:s6], $0xF7A  }
0x23: {  	s9 =	sor.u32 $0xD0000000, s2;
	s6 =	simm.s32 $0x108;
	_ =	swait.ge @!p0 [sflag:s8], $0x0  }
0x24: {  	s3 =	sadd.s32 $0x88, s3;
	s6 =	simm.s32 @!p1 $0x1082;
	[sflag:s4] =	ssyncset.s32 $0xFFFFF086  }
0x25: {  	[simem:s6], [sflag:s4] =	dma.local [hbm:s3], $0xF7A  }
0x26: {  	[smem:$0x3F8E] =	sst s1;
	(tag) =	ssettag s2;
	_ =	strace s9  }
0x27: {  	s1 =	sld [smem:$0x3F9E]  }
0x28: {  	s2 =	sld [smem:$0x3F9F]  }
0x29: {  	s4 =	sld [smem:$0x3FA1]  }
0x2a: {  	p0 =	seq.s32 s5, $0x0;
	s5 =	sld [smem:$0x3FA2]  }
0x2b: {  	s6 =	sld [smem:$0x3FA3]  }
0x2c: {  	s7 =	sld [smem:$0x3FA4]  }
0x2d: {  	s3 =	simm.s32 $0x108;
	s8 =	sld [smem:$0x3FA5]  }
0x2e: {  	s3 =	simm.s32 @!p0 $0x1082;
	s9 =	sld [smem:$0x3FA6]  }
0x2f: {  	lr =	sadd.s32 s0, s3;
	s0 =	sld [smem:$0x3F9D]  }
0x30: {  	s3 =	sld [smem:$0x3FA0]  }
0x31: {  	[smem:$0x3FA9] =	sst s10  }
0x32: {  	s10 =	sld [smem:$0x3FA7];
	_ =	sdelay $0x3  }
0x33: {  	p0 =	seq.s32 s10, $0x1;
	s10 =	sld [smem:$0x3FA9];
	_ =	sdelay $0x3  }
0x34: {  	[smem:$0x3FA9] =	sst s10  }
0x35: {  	s10 =	sld [smem:$0x3FA8];
	_ =	sdelay $0x3  }
0x36: {  	p1 =	seq.s32 s10, $0x1;
	s10 =	sld [smem:$0x3FA9];
	_ =	sdelay $0x3  }
0x37: {  	[smem:$0x3FA9] =	sst s10  }
0x38: {  	s10 =	sld [smem:$0x3FAA]  }
0x39: {  	_ = 	snop;
	(pc) =	sbr.ind lr, $3  }
0x3a: {  	_ = 	snop  }
0x3b: {  	_ = 	snop  }
0x3c: {  	p2 =	seq.s32 s10, $0x1;
	s10 =	sld [smem:$0x3FA9]  }
0x3d: {  	_ =	shalt  }
0x3e: {  	_ =	shalt  }
0x3f: {  	_ =	shalt  }
0x40: {  	_ =	shalt  }
0x41: {  	_ =	shalt  }
0x42: {  	_ =	shalt  }
0x43: {  	_ =	shalt  }
0x44: {  	_ =	shalt  }
0x45: {  	_ =	shalt  }
0x46: {  	_ =	shalt  }
0x47: {  	_ =	shalt  }
0x48: {  	_ =	shalt  }
0x49: {  	_ =	shalt  }
0x4a: {  	_ =	shalt  }
0x4b: {  	_ =	shalt  }
0x4c: {  	_ =	shalt  }
0x4d: {  	_ =	shalt  }
0x4e: {  	_ =	shalt  }
0x4f: {  	_ =	shalt  }
0x50: {  	_ =	shalt  }
0x51: {  	_ =	shalt  }
0x52: {  	_ =	shalt  }
0x53: {  	_ =	shalt  }
0x54: {  	_ =	shalt  }
0x55: {  	_ =	shalt  }
0x56: {  	_ =	shalt  }
0x57: {  	_ =	shalt  }
0x58: {  	_ =	shalt  }
0x59: {  	_ =	shalt  }
0x5a: {  	_ =	shalt  }
0x5b: {  	_ =	shalt  }
0x5c: {  	_ =	shalt  }
0x5d: {  	_ =	shalt  }
0x5e: {  	_ =	shalt  }
0x5f: {  	_ =	shalt  }
0x60: {  	_ =	shalt  }
0x61: {  	_ =	shalt  }
0x62: {  	_ =	shalt  }
0x63: {  	_ =	shalt  }
0x64: {  	_ =	shalt  }
0x65: {  	_ =	shalt  }
0x66: {  	_ =	shalt  }
0x67: {  	_ =	shalt  }
0x68: {  	_ =	shalt  }
0x69: {  	_ =	shalt  }
0x6a: {  	_ =	shalt  }
0x6b: {  	_ =	shalt  }
0x6c: {  	_ =	shalt  }
0x6d: {  	_ =	shalt  }
0x6e: {  	_ =	shalt  }
0x6f: {  	_ =	shalt  }
0x70: {  	_ =	shalt  }
0x71: {  	_ =	shalt  }
0x72: {  	_ =	shalt  }
0x73: {  	_ =	shalt  }
0x74: {  	_ =	shalt  }
0x75: {  	_ =	shalt  }
0x76: {  	_ =	shalt  }
0x77: {  	_ =	shalt  }
0x78: {  	_ =	shalt  }
0x79: {  	_ =	shalt  }
0x7a: {  	_ =	shalt  }
0x7b: {  	_ =	shalt  }
0x7c: {  	_ =	shalt  }
0x7d: {  	_ =	shalt  }
0x7e: {  	_ =	shalt  }
0x7f: {  	_ =	shalt  }
0x80: {  	_ =	shalt  }
0x81: {  	_ =	shalt  }
0x82: {  	_ =	shalt  }
0x83: {  	_ =	shalt  }
0x84: {  	_ =	shalt  }
0x85: {  	_ =	shalt  }
0x86: {  	_ =	shalt  }
0x87: {  	_ =	shalt  }
.Lfunc_end0:
.L_simem_size_0:
called_computation.2_lowered:
.L_overlay_start_0:
0x88: {  	s2 =	sld [smem:$0x3FD9]  }
0x89: {  	s3 =	sld [smem:$0x3FFE];
	_ =	sdelay $0x1  }
0x8a: {  	s1 =	srdreg.scid  }
0x8b: {  	s0 =	sand.u32 $0x1, s1  }
0x8c: {  	s15 =	sshll.u32 s0, $0xA;
	s2 =	sadd.s32 s3, s2  }
0x8d: {  	s2 =	sadd.s32 s2, s15  }
0x8e: {  	[smem:$0x3FB5] =	sst s2  }
0x8f: {  	_ = 	snop  }
0x90: {  	s2 =	sld [smem:$0x3FD0];
	_ =	sdelay $0x2  }
0x91: {  	s16 =	simm.s32 $0xB;
	s4 =	simm.s32 $0x10  }
0x92: {  	[smem:s4], [sflag:s16] =	dma.local [hbm:s2], $0x1  }
0x93: {  	_ =	swait.eq [sflag:s16], $0x1  }
0x94: {  	[sflag:s16] =	ssyncset.done $0x0  }
0x95: {  	[sflag:s16] =	ssyncadd.s32 $0xFFFFFFFF  }
0x96: {  	s17 =	sld [smem:$0x11];
	(tm) =	ssettm $0x1  }
0x97: {  	s18 =	sld [smem:$0x3FFB];
	_ =	sdelay $0x3  }
0x98: {  	_ =	strace s18  }
0x99: {  	s2 =	sld [smem:$0x3FFC];
	_ =	sdelay $0x3  }
0x9a: {  	_ =	strace s2  }
0x9b: {  	s2 =	sld [smem:$0x3FFD];
	_ =	sdelay $0x3  }
0x9c: {  	_ =	strace s2  }
0x9d: {  	_ =	strace $0x8FFFFFFF  }
0x9e: {  	s19 =	sld [smem:$0x3FDB];
	_ =	sdelay $0x1  }
0x9f: {  	s20 =	simm.s32 $_scs_section_size  }
0xa0: {  	s5 =	simm.s32 $_size__tile_overlayer_lowered;
	s6 =	simm.s32 $_tile_overlayer_lowered  }
0xa1: {  	s7 =	simm.s32 $0x1BFF;
	s21 =	sshll.u32 s6, $0x1;
	s4 =	sadd.s32 s20, s19  }
0xa2: {  	s22 =	simm.s32 $0x0;
	s5 =	sshll.u32 s5, $0x1;
	s6 =	sadd.s32 s21, s4  }
0xa3: {  	[timem:s22], [sflag:s7] =	dma.local [hbm:s6], s5  }
0xa4: {  	_ =	swait.ge [sflag:s7], s5  }
0xa5: {  	s5 =	ssub.s32 $0x0, s5;
	[sflag:s7] =	ssyncset.done $0x0  }
0xa6: {  	[sflag:s7] =	ssyncadd.s32 s5;
	_ =	sdelay $0x1  }
0xa7: {  	s23 =	simm.s32 $0x1B8B  }
0xa8: {  	_ =	swait.ge [sflag:s23], $0x1  }
0xa9: {  	[sflag:s23] =	ssyncset.done $0x0  }
0xaa: {  	[sflag:s23] =	ssyncadd.s32 $0xFFFFFFFF  }
0xab: {  	s5 =	sld [smem:$0x0]  }
0xac: {  	s6 =	sand.u32 $0xFFFFFFFE, s1  }
0xad: {  	p0 =	sne.s32 s1, s6  }
0xae: {  	s6 =	sshll.u32 @p0 s6, $0xE  }
0xaf: {  	s6 =	sadd.s32 @p0 $0x11B8D, s6;
	s7 =	sshll.u32 @p0 s5, $0x11  }
0xb0: {  	s6 =	sor.u32 @p0 s7, s6  }
0xb1: {  	[sflag:s6] =	ssyncadd.remote.s32 @p0 $0x1;
	_ =	sdelay $0x1  }
0xb2: {  	s6 =	simm.s32 @p0 $0x1B8D  }
0xb3: {  	_ =	swait.eq @p0 [sflag:s6], $0x1  }
0xb4: {  	[sflag:s6] =	ssyncadd.s32 @p0 $0xFFFFFFFF  }
0xb5: {  	s7 =	sshll.u32 @!p0 s1, $0xE  }
0xb6: {  	s7 =	sor.u32 @!p0 $0x4000, s7;
	s6 =	simm.s32 @!p0 $0x1B8D  }
0xb7: {  	s5 =	sshll.u32 @!p0 s5, $0x11;
	s7 =	sadd.s32 @!p0 $0x11B8D, s7;
	_ =	swait.eq @!p0 [sflag:s6], $0x1  }
0xb8: {  	s5 =	sor.u32 @!p0 s5, s7;
	[sflag:s6] =	ssyncadd.s32 @!p0 $0xFFFFFFFF  }
0xb9: {  	s25 =	simm.s32 $0x1B8E;
	s24 =	sld [smem:$0x3FFE];
	[sflag:s5] =	ssyncadd.remote.s32 @!p0 $0x1  }
0xba: {  	s26 =	simm.s32 $execute0_lowered;
	[smem:$0x3FD2] =	sst s25  }
0xbb: {  	s6 =	sshll.u32 s26, $0x1;
	_ =	strace $0x8000004F;
	[dreg:$0x1] =	wrdreg $0xFFFFFFFF  }
0xbc: {  	s28 =	simm.s32 $_size_execute0_lowered;
	s4 =	sadd.s32 s4, s6;
	[dreg:$0x0] =	wrdreg $0x0  }
0xbd: {  	s6 =	sshll.u32 s28, $0x1;
	[dreg:$0x2] =	wrdreg s4  }
0xbe: {  	[dreg:$0x3] =	wrdreg s6  }
0xbf: {  	[dreg:$0x4] =	wrdreg $0xC0  }
0xc0: {  	_ =	task [dreg:s22], $0x5FFFF  }
0xc1: {  	[dreg:$0x1] =	wrdreg $0xFFFFFFFF  }
0xc2: {  	[dreg:$0x0] =	wrdreg $0x60  }
0xc3: {  	[dreg:$0x2] =	wrdreg s24  }
0xc4: {  	[dreg:$0x3] =	wrdreg s17  }
0xc5: {  	[dreg:$0x4] =	wrdreg $0x14EB00  }
0xc6: {  	[dreg:$0x5] =	wrdreg $0x19CD00  }
0xc7: {  	[dreg:$0x6] =	wrdreg $0x9  }
0xc8: {  	_ =	task.clear_ibuf [dreg:s22], $0x7FFFF;
	_ =	strace $0x9000004F  }
0xc9: {  	s29 =	simm.s32 $0x9;
	_ =	strace $0x80000051  }
0xca: {  	_ =	swait.ge [sflag:s29], $0x1  }
0xcb: {  	[sflag:s29] =	ssyncadd.s32 $0xFFFFFFFF  }
0xcc: {  	_ =	strace $0x90000051  }
0xcd: {  	_ =	sfence  }
0xce: {  	s30 =	sld [smem:$0x0];
	_ =	sdelay $0x2  }
0xcf: {  	s31 =	sshll.u32 s1, $0xD;
	s1 =	sshrl.u32 s1, $0x2  }
0xd0: {  	s4 =	sand.u32 $0x4000, s31;
	s1 =	sadd.s32 s1, s30  }
0xd1: {  	s0 =	sor.u32 s4, s0;
	s1 =	sshll.u32 s1, $0x11  }
0xd2: {  	s0 =	sor.u32 s1, s0  }
0xd3: {  	s0 =	sadd.s32 $0x8F2B, s0  }
0xd4: {  	[sflag:s0] =	ssyncadd.remote.s32 $0x1  }
0xd5: {  	_ =	sfence.sel $0xFFFF  }
0xd6: {  	[dreg:$0x0] =	wrdreg $0xFFFFFFFF;
	(pc) =	sbr.abs _section_cstart, $3  }
0xd7: {  	[dreg:$0x1] =	wrdreg $0xFFFFFFFF  }
0xd8: {  	_ =	task.clear_ibuf [dreg:s22], $0x2FFFF;
	_ =	strace $0x9FFFFFFF  }
0xd9: {  	(tm) =	ssettm $0x7FFFFFFF  }
tec
execute0_lowered:
.L_overlay_start_1:
0x0: {  	(tag) =	ssettag $0x1  }
0x1: {  	s4 =	rddreg [dreg:$0x0]  }
0x2: {  	s7 =	rddreg [dreg:$0x1]  }
0x3: {  	s0 =	srdreg.scid;
	s2 =	rddreg [dreg:$0x2]  }
0x4: {  	s6 =	stileid.u32;
	s1 =	rddreg [dreg:$0x3]  }
0x5: {  	s3 =	simm.s32 $0x0;
	p1 =	por $0x0, $0x0;
	s5 =	sand.u32 $0x1, s0  }
0x6: {  	s29 =	sshll.u32 s6, $0x1;
	s0 =	rddreg [dreg:$0x4];
	s13 =	ssub.s32 $0x2, s5  }
0x7: {  	[smem:$0x7FF] =	sst s3;
	s10 =	sadd.s32 $0x365800, s4;
	s14 =	sshrl.u32 s13, $0x1  }
0x8: {  	s16 =	sadd.s32 $0x347000, s4;
	s12 =	smul.u32 $0x9C40, s5;
	s30 =	ssub.s32 s13, s14  }
0x9: {  	s8 =	sor.u32 s5, s29;
	s15 =	smul.u32 $0x4E2, s5;
	s31 =	smax.u32 s30, $0x1  }
0xa: {  	s11 =	sadd.s32 $0x350E00, s4;
	s9 =	smul.u32 $0x2760, s8;
	s19 =	sadd.s32 $0xFFFFFFFF, s31  }
0xb: {  	p0 =	sne.s32 s6, $0x0;
	s8 =	smul.u32 $0x13B, s8;
	p2 =	sne.s32 s19, $0x0  }
.Ltmp0:
0xc: {  	_ =	strace $0x80000050;
	s6 =	sshrl.u32 @!p0 s2, $0x3;
	(pc) =	sbr.rel @!p2 .LBB2_3-.Ltmp0, $4  }
0xd: {  	s9 =	sadd.s32 s9, s4;
	s8 =	sadd.s32 s8, s4;
	s4 =	sadd.s32 s12, s4  }
0xe: {  	s12 =	simm.s32 $0x9D8;
	s13 =	sadd.s32 $0x34C00, s8;
	s14 =	sadd.s32 $0x87400, s9  }
0xf: {  	s5 =	sadd.s32 $0x365A00, s4;
	s4 =	sadd.s32 s7, s15;
	s9 =	simm.s32 $0x144D8  }
0x10: {  	s8 =	simm.s32 $0x2;
	s7 =	sshrl.u32 @!p0 s1, $0x3;
	s15 =	simm.s32 $0x1  }
0x11: {  	s18 =	simm.s32 @!p0 $0x1C02;
	s17 =	simm.s32 @!p0 $0x2  }
0x12: {  	[spmem:s6], [sflag:s18] =	dma.local @!p0 [hbm:s16], $0x9C40  }
0x13: {  	_ =	swait.ge @!p0 [sflag:s17], $0x9C40  }
0x14: {  	[sflag:s17] =	ssyncset.done @!p0 $0x0  }
0x15: {  	[sflag:s17] =	ssyncadd.s32 @!p0 $0xFFFF63C0  }
0x16: {  	[tilespmem:s9], [sflag:$0x2] =	stream.linear.gather [hbm4b:s10+s3], $0x9D8, $0x38;
	[tilespmem:$0x19F48] =	vst v63  }
0x17: {  	_ =	swait.ge [sflag:s8], $0x9D8  }
0x18: {  	[sflag:s8] =	ssyncset.done $0x0  }
0x19: {  	[sflag:s8] =	ssyncadd.s32 $0xFFFFF628  }
0x1a: {  	[spmem:s7], [sflag:s18] =	dma.local @!p0 [hbm:s11], $0x4E2  }
0x1b: {  	_ =	swait.ge @!p0 [sflag:s17], $0x4E2  }
0x1c: {  	[sflag:s17] =	ssyncset.done @!p0 $0x0  }
0x1d: {  	[sflag:s17] =	ssyncadd.s32 @!p0 $0xFFFFFB1E  }
0x1e: {  	[tilespmem:s3], [sflag:$0x1] =	stream.linear.gather [hbm4b:s13+s3], $0x9D8, $0x38;
	[tilespmem:$0x19F48] =	vst v63  }
0x1f: {  	_ = 	snop  }
0x20: {  	[tilespmem:s12], [sflag:$0x1] =	stream.linear.gather [hbm4b:s14+s3], $0x13B00, $0x38;
	[tilespmem:$0x19F48] =	vst v63  }
0x21: {  	[bflag:$0x0] =	sbarrier.arrive $0xFFFF  }
0x22: {  	_ =	swait.ge [sflag:s15], $0x9D8  }
0x23: {  	[sflag:s15] =	ssyncset.done $0x0  }
0x24: {  	[sflag:s15] =	ssyncadd.s32 $0xFFFFF628  }
0x25: {  	_ =	swait.ge [sflag:s15], $0x13B00  }
0x26: {  	[sflag:s15] =	ssyncset.done $0x0  }
0x27: {  	[sflag:s15] =	ssyncadd.s32 $0xFFFEC500  }
0x28: {  	[spmem:s2] =	stream.indirect.scatter.add.f32 [tilespmem:s12], [sflag:$0x2], $0x20, s3, s12, $0xb8;
	[tilespmem:$0x19F48] =	vst v63  }
0x29: {  	_ =	swait.ge [sflag:s8], $0x13B00  }
0x2a: {  	[sflag:s8] =	ssyncset.done $0x0  }
0x2b: {  	[sflag:s8] =	ssyncadd.s32 $0xFFFEC500  }
0x2c: {  	[spmem:s1] =	stream.indirect.scatter.add.f32 [tilespmem:s9], [sflag:$0x2], $0x1, s3, s12, $0xb8;
	[tilespmem:$0x19F48] =	vst v63  }
0x2d: {  	_ =	swait.ge [sflag:s8], $0x9D8  }
0x2e: {  	[sflag:s8] =	ssyncset.done $0x0  }
0x2f: {  	[sflag:s8] =	ssyncadd.s32 $0xFFFFF628  }
0x30: {  	s19 =	sadd.s32 $0xFFFFFFFF, s19;
	[bflag:$0x0] =	sbarrier.arrive $0xFFFF  }
0x31: {  	[hbm:s5], [sflag:s18] =	dma.local @!p0 [spmem:s6], $0x9C40  }
0x32: {  	p2 =	sne.s32 s19, $0x0;
	_ =	swait.ge @!p0 [sflag:s17], $0x9C40  }
.Ltmp1:
0x33: {  	[sflag:s17] =	ssyncset.done @!p0 $0x0;
	(pc) =	sbr.rel @!p2 .LBB2_3-.Ltmp1, $4  }
0x34: {  	[sflag:s17] =	ssyncadd.s32 @!p0 $0xFFFF63C0  }
0x35: {  	[hbm:s4], [sflag:s18] =	dma.local @!p0 [spmem:s7], $0x4E2  }
0x36: {  	_ =	swait.ge @!p0 [sflag:s17], $0x4E2  }
0x37: {  	p1 =	por $0x1, $0x1;
	[sflag:s17] =	ssyncset.done @!p0 $0x0  }
.LBB2_2:
0x38: {  	[sflag:s17] =	ssyncadd.s32 @!p0 $0xFFFFFB1E  }
0x39: {  	[spmem:s6], [sflag:s18] =	dma.local @!p0 [hbm:s16], $0x9C40  }
0x3a: {  	s19 =	sadd.s32 $0xFFFFFFFF, s19;
	_ =	swait.ge @!p0 [sflag:s17], $0x9C40  }
0x3b: {  	p2 =	sne.s32 s19, $0x0;
	[sflag:s17] =	ssyncset.done @!p0 $0x0  }
0x3c: {  	[sflag:s17] =	ssyncadd.s32 @!p0 $0xFFFF63C0  }
0x3d: {  	[tilespmem:s9], [sflag:$0x2] =	stream.linear.gather [hbm4b:s10+s3], $0x9D8, $0x38;
	[tilespmem:$0x19F48] =	vst v63  }
0x3e: {  	_ =	swait.ge [sflag:s8], $0x9D8  }
0x3f: {  	[sflag:s8] =	ssyncset.done $0x0  }
0x40: {  	[sflag:s8] =	ssyncadd.s32 $0xFFFFF628  }
0x41: {  	[spmem:s7], [sflag:s18] =	dma.local @!p0 [hbm:s11], $0x4E2  }
0x42: {  	_ =	swait.ge @!p0 [sflag:s17], $0x4E2  }
0x43: {  	[sflag:s17] =	ssyncset.done @!p0 $0x0  }
0x44: {  	[sflag:s17] =	ssyncadd.s32 @!p0 $0xFFFFFB1E  }
0x45: {  	[tilespmem:s3], [sflag:$0x1] =	stream.linear.gather [hbm4b:s13+s3], $0x9D8, $0x38;
	[tilespmem:$0x19F48] =	vst v63  }
0x46: {  	_ = 	snop  }
0x47: {  	[tilespmem:s12], [sflag:$0x1] =	stream.linear.gather [hbm4b:s14+s3], $0x13B00, $0x38;
	[tilespmem:$0x19F48] =	vst v63  }
0x48: {  	[bflag:$0x0] =	sbarrier.arrive $0xFFFF  }
0x49: {  	_ =	swait.ge [sflag:s15], $0x9D8  }
0x4a: {  	[sflag:s15] =	ssyncset.done $0x0  }
0x4b: {  	[sflag:s15] =	ssyncadd.s32 $0xFFFFF628  }
0x4c: {  	_ =	swait.ge [sflag:s15], $0x13B00  }
0x4d: {  	[sflag:s15] =	ssyncset.done $0x0  }
0x4e: {  	[sflag:s15] =	ssyncadd.s32 $0xFFFEC500  }
0x4f: {  	[spmem:s2] =	stream.indirect.scatter.add.f32 [tilespmem:s12], [sflag:$0x2], $0x20, s3, s12, $0xb8;
	[tilespmem:$0x19F48] =	vst v63  }
0x50: {  	_ =	swait.ge [sflag:s8], $0x13B00  }
0x51: {  	[sflag:s8] =	ssyncset.done $0x0  }
0x52: {  	[sflag:s8] =	ssyncadd.s32 $0xFFFEC500  }
0x53: {  	[spmem:s1] =	stream.indirect.scatter.add.f32 [tilespmem:s9], [sflag:$0x2], $0x1, s3, s12, $0xb8;
	[tilespmem:$0x19F48] =	vst v63  }
0x54: {  	_ =	swait.ge [sflag:s8], $0x9D8  }
0x55: {  	[sflag:s8] =	ssyncset.done $0x0  }
0x56: {  	[sflag:s8] =	ssyncadd.s32 $0xFFFFF628  }
0x57: {  	[bflag:$0x0] =	sbarrier.arrive $0xFFFF  }
0x58: {  	[hbm:s5], [sflag:s18] =	dma.local @!p0 [spmem:s6], $0x9C40  }
0x59: {  	_ =	swait.ge @!p0 [sflag:s17], $0x9C40  }
.Ltmp2:
0x5a: {  	[sflag:s17] =	ssyncset.done @!p0 $0x0;
	(pc) =	sbr.rel @p2 .LBB2_2-.Ltmp2, $4  }
0x5b: {  	[sflag:s17] =	ssyncadd.s32 @!p0 $0xFFFF63C0  }
0x5c: {  	[hbm:s4], [sflag:s18] =	dma.local @!p0 [spmem:s7], $0x4E2  }
0x5d: {  	_ =	swait.ge @!p0 [sflag:s17], $0x4E2  }
0x5e: {  	[sflag:s17] =	ssyncset.done @!p0 $0x0  }
.LBB2_3:
0x5f: {  	p1 =	por p0, !p1  }
0x60: {  	s18 =	simm.s32 @!p0 $0x1C02;
	s19 =	simm.s32 @!p0 $0x2;
	[sflag:s17] =	ssyncadd.s32 @!p1 $0xFFFFFB1E  }
0x61: {  	[spmem:s6], [sflag:s18] =	dma.local @!p0 [hbm:s16], $0x9C40  }
0x62: {  	_ =	swait.ge @!p0 [sflag:s19], $0x9C40  }
0x63: {  	[sflag:s19] =	ssyncset.done @!p0 $0x0  }
0x64: {  	[sflag:s19] =	ssyncadd.s32 @!p0 $0xFFFF63C0  }
0x65: {  	[tilespmem:s9], [sflag:$0x2] =	stream.linear.gather [hbm4b:s10+s3], $0x9D8, $0x38;
	[tilespmem:$0x19F48] =	vst v63  }
0x66: {  	_ =	swait.ge [sflag:s8], $0x9D8  }
0x67: {  	[sflag:s8] =	ssyncset.done $0x0  }
0x68: {  	[sflag:s8] =	ssyncadd.s32 $0xFFFFF628  }
0x69: {  	[spmem:s7], [sflag:s18] =	dma.local @!p0 [hbm:s11], $0x4E2  }
0x6a: {  	_ =	swait.ge @!p0 [sflag:s19], $0x4E2  }
0x6b: {  	[sflag:s19] =	ssyncset.done @!p0 $0x0  }
0x6c: {  	[sflag:s19] =	ssyncadd.s32 @!p0 $0xFFFFFB1E  }
0x6d: {  	[tilespmem:s3], [sflag:$0x1] =	stream.linear.gather [hbm4b:s13+s3], $0x9D8, $0x38;
	[tilespmem:$0x19F48] =	vst v63  }
0x6e: {  	_ = 	snop  }
0x6f: {  	[tilespmem:s12], [sflag:$0x1] =	stream.linear.gather [hbm4b:s14+s3], $0x13B00, $0x38;
	[tilespmem:$0x19F48] =	vst v63  }
0x70: {  	[bflag:$0x0] =	sbarrier.arrive $0xFFFF  }
0x71: {  	_ =	swait.ge [sflag:s15], $0x9D8  }
0x72: {  	[sflag:s15] =	ssyncset.done $0x0  }
0x73: {  	[sflag:s15] =	ssyncadd.s32 $0xFFFFF628  }
0x74: {  	_ =	swait.ge [sflag:s15], $0x13B00  }
0x75: {  	[sflag:s15] =	ssyncset.done $0x0  }
0x76: {  	[sflag:s15] =	ssyncadd.s32 $0xFFFEC500  }
0x77: {  	[spmem:s2] =	stream.indirect.scatter.add.f32 [tilespmem:s12], [sflag:$0x2], $0x20, s3, s12, $0xb8;
	[tilespmem:$0x19F48] =	vst v63  }
0x78: {  	_ =	swait.ge [sflag:s8], $0x13B00  }
0x79: {  	[sflag:s8] =	ssyncset.done $0x0  }
0x7a: {  	[sflag:s8] =	ssyncadd.s32 $0xFFFEC500  }
0x7b: {  	[spmem:s1] =	stream.indirect.scatter.add.f32 [tilespmem:s9], [sflag:$0x2], $0x1, s3, s12, $0xb8;
	[tilespmem:$0x19F48] =	vst v63  }
0x7c: {  	_ =	swait.ge [sflag:s8], $0x9D8  }
0x7d: {  	[sflag:s8] =	ssyncset.done $0x0  }
0x7e: {  	[sflag:s8] =	ssyncadd.s32 $0xFFFFF628  }
0x7f: {  	[bflag:$0x0] =	sbarrier.arrive $0xFFFF  }
0x80: {  	[hbm:s5], [sflag:s18] =	dma.local @!p0 [spmem:s6], $0x9C40  }
0x81: {  	_ =	swait.ge @!p0 [sflag:s19], $0x9C40  }
0x82: {  	[sflag:s19] =	ssyncset.done @!p0 $0x0  }
0x83: {  	[sflag:s19] =	ssyncadd.s32 @!p0 $0xFFFF63C0  }
0x84: {  	[hbm:s4], [sflag:s18] =	dma.local @!p0 [spmem:s7], $0x4E2  }
0x85: {  	_ =	swait.ge @!p0 [sflag:s19], $0x4E2  }
0x86: {  	[sflag:s19] =	ssyncset.done @!p0 $0x0  }
0x87: {  	[sflag:s19] =	ssyncadd.s32 @!p0 $0xFFFFFB1E  }
0x88: {  	_ =	sfence.sel $0x180000  }
0x89: {  	[bflag:$0x0] =	sbarrier.arrive $0xFFFF  }
0x8a: {  	_ =	strace $0x90000050  }
0x8b: {  	s0 =	sadd.s32 @!p0 $0x100000, s0;
	[bflag:$0x2] =	sbarrier.arrive $0xFFFF  }
0x8c: {  	[sflag:s0] =	ssyncadd.tile.s32 @!p0 $0x1;
	_ =	shalt  }
.Lfunc_end2:
_tile_overlayer_lowered:
.L_overlay_start_2:
0x8d: {  	(tag) =	ssettag $0x2  }
0x8e: {  	s0 =	rddreg [dreg:$0x0];
	s2 =	stileid.u32  }
0x8f: {  	s1 =	rddreg [dreg:$0x1];
	p0 =	sne.s32 s2, $0x0  }
0x90: {  	s3 =	rddreg [dreg:$0x2];
	[bflag:$0x3] =	sbarrier.arrive $0xFFFF;
	s2 =	simm.s32 @!p0 $0x1C02  }
0x91: {  	[timem:s3], [sflag:s2] =	dma.local @!p0 [hbm:s0], s1  }
0x92: {  	s0 =	simm.s32 @!p0 $0x2  }
0x93: {  	_ =	swait.ge @!p0 [sflag:s0], s1  }
0x94: {  	s1 =	ssub.s32 @!p0 $0x0, s1;
	[sflag:s0] =	ssyncset.done @!p0 $0x0  }
0x95: {  	[sflag:s0] =	ssyncadd.s32 @!p0 s1  }
0x96: {  	[bflag:$0x3] =	sbarrier.arrive $0xFFFF  }
0x97: {  	_ =	shalt  }

// kernel: kernel.34.cloned.1.call-start
scs
__scs_entry_jumppad:
0x0: {  	(pc) =	sbr.rel $0x88, $3  }
0x1: {  	(tag) =	ssettag $0x0;
	lr =	simm.s32 $0x1  }
0x2: {  	[smem:$0x3F8E] =	sst lr;
	_ =	strace $0xD0000000  }
0x3: {  	_ = 	snop  }
0x4: {  	_ = 	snop  }
0x5: {  	_ = 	snop  }
0x6: {  	_ = 	snop  }
0x7: {  	_ = 	snop  }
__scs_overlays_trampoline_lowered:
0x8: {  	[smem:$0x3F9D] =	sst s0  }
0x9: {  	[smem:$0x3F9E] =	sst s1  }
0xa: {  	[smem:$0x3F9F] =	sst s2  }
0xb: {  	[smem:$0x3FA0] =	sst s3  }
0xc: {  	[smem:$0x3FA1] =	sst s4  }
0xd: {  	[smem:$0x3FA2] =	sst s5  }
0xe: {  	[smem:$0x3FA3] =	sst s6  }
0xf: {  	[smem:$0x3FA4] =	sst s7  }
0x10: {  	[smem:$0x3FA5] =	sst s8  }
0x11: {  	[smem:$0x3FA6] =	sst s9;
	s0 =	simm.s32 @!p0 $0x0  }
0x12: {  	s1 =	sld [smem:$0x3F8C];
	s0 =	simm.s32 @p0 $0x1  }
0x13: {  	[smem:$0x3FA7] =	sst s0;
	s0 =	simm.s32 @!p1 $0x0  }
0x14: {  	s2 =	sld [smem:$0x3F8B];
	s0 =	simm.s32 @p1 $0x1  }
0x15: {  	[smem:$0x3FA8] =	sst s0;
	s0 =	simm.s32 @!p2 $0x0  }
0x16: {  	s3 =	sld [smem:$0x3FDB];
	s0 =	simm.s32 @p2 $0x1  }
0x17: {  	s4 =	simm.s32 $0x1BF5;
	[smem:$0x3FAA] =	sst s0  }
0x18: {  	s0 =	sld [smem:$0x3F8D];
	_ =	swait.ge [sflag:s4], $0x0  }
0x19: {  	s7 =	sld [smem:$0x3F8E]  }
0x1a: {  	s8 =	sadd.s32 $0xFFFFE003, lr  }
0x1b: {  	s9 =	sadd.s32 $0xFFFFFEF7, lr;
	s5 =	simm.s32 $0xFFFFFFFF;
	p2 =	slt.u32 s8, $0xFFFFF086  }
0x1c: {  	p1 =	slt.u32 s9, $0xF7A;
	s5 =	simm.s32 @!p2 $0x0  }
0x1d: {  	s5 =	simm.s32 @p1 $0x1;
	p0 =	seq.s32 s7, s2  }
0x1e: {  	s7 =	smul.u32 @!p0 $0xF7A, s2;
	p2 =	seq.s32 @!p0 s5, $0x0  }
0x1f: {  	s9 =	smul.u32 $0xF7A, s1;
	s8 =	simm.s32 @!p0 $0x1BF5;
	p2 =	por !p2, p0  }
0x20: {  	[sflag:s8] =	ssyncset.s32 @!p0 $0xFFFFF086;
	s6 =	sadd.s32 @!p0 s3, s7;
	s7 =	simm.s32 @!p0 $0x108  }
0x21: {  	s3 =	sadd.s32 s3, s9;
	s6 =	sadd.s32 @!p0 $0x88, s6;
	s7 =	simm.s32 @p2 $0x1082  }
0x22: {  	[simem:s7], [sflag:s8] =	dma.local @!p0 [hbm:s6], $0xF7A  }
0x23: {  	s9 =	sor.u32 $0xD0000000, s2;
	s6 =	simm.s32 $0x108;
	_ =	swait.ge @!p0 [sflag:s8], $0x0  }
0x24: {  	s3 =	sadd.s32 $0x88, s3;
	s6 =	simm.s32 @!p1 $0x1082;
	[sflag:s4] =	ssyncset.s32 $0xFFFFF086  }
0x25: {  	[simem:s6], [sflag:s4] =	dma.local [hbm:s3], $0xF7A  }
0x26: {  	[smem:$0x3F8E] =	sst s1;
	(tag) =	ssettag s2;
	_ =	strace s9  }
0x27: {  	s1 =	sld [smem:$0x3F9E]  }
0x28: {  	s2 =	sld [smem:$0x3F9F]  }
0x29: {  	s4 =	sld [smem:$0x3FA1]  }
0x2a: {  	p0 =	seq.s32 s5, $0x0;
	s5 =	sld [smem:$0x3FA2]  }
0x2b: {  	s6 =	sld [smem:$0x3FA3]  }
0x2c: {  	s7 =	sld [smem:$0x3FA4]  }
0x2d: {  	s3 =	simm.s32 $0x108;
	s8 =	sld [smem:$0x3FA5]  }
0x2e: {  	s3 =	simm.s32 @!p0 $0x1082;
	s9 =	sld [smem:$0x3FA6]  }
0x2f: {  	lr =	sadd.s32 s0, s3;
	s0 =	sld [smem:$0x3F9D]  }
0x30: {  	s3 =	sld [smem:$0x3FA0]  }
0x31: {  	[smem:$0x3FA9] =	sst s10  }
0x32: {  	s10 =	sld [smem:$0x3FA7];
	_ =	sdelay $0x3  }
0x33: {  	p0 =	seq.s32 s10, $0x1;
	s10 =	sld [smem:$0x3FA9];
	_ =	sdelay $0x3  }
0x34: {  	[smem:$0x3FA9] =	sst s10  }
0x35: {  	s10 =	sld [smem:$0x3FA8];
	_ =	sdelay $0x3  }
0x36: {  	p1 =	seq.s32 s10, $0x1;
	s10 =	sld [smem:$0x3FA9];
	_ =	sdelay $0x3  }
0x37: {  	[smem:$0x3FA9] =	sst s10  }
0x38: {  	s10 =	sld [smem:$0x3FAA]  }
0x39: {  	_ = 	snop;
	(pc) =	sbr.ind lr, $3  }
0x3a: {  	_ = 	snop  }
0x3b: {  	_ = 	snop  }
0x3c: {  	p2 =	seq.s32 s10, $0x1;
	s10 =	sld [smem:$0x3FA9]  }
0x3d: {  	_ =	shalt  }
0x3e: {  	_ =	shalt  }
0x3f: {  	_ =	shalt  }
0x40: {  	_ =	shalt  }
0x41: {  	_ =	shalt  }
0x42: {  	_ =	shalt  }
0x43: {  	_ =	shalt  }
0x44: {  	_ =	shalt  }
0x45: {  	_ =	shalt  }
0x46: {  	_ =	shalt  }
0x47: {  	_ =	shalt  }
0x48: {  	_ =	shalt  }
0x49: {  	_ =	shalt  }
0x4a: {  	_ =	shalt  }
0x4b: {  	_ =	shalt  }
0x4c: {  	_ =	shalt  }
0x4d: {  	_ =	shalt  }
0x4e: {  	_ =	shalt  }
0x4f: {  	_ =	shalt  }
0x50: {  	_ =	shalt  }
0x51: {  	_ =	shalt  }
0x52: {  	_ =	shalt  }
0x53: {  	_ =	shalt  }
0x54: {  	_ =	shalt  }
0x55: {  	_ =	shalt  }
0x56: {  	_ =	shalt  }
0x57: {  	_ =	shalt  }
0x58: {  	_ =	shalt  }
0x59: {  	_ =	shalt  }
0x5a: {  	_ =	shalt  }
0x5b: {  	_ =	shalt  }
0x5c: {  	_ =	shalt  }
0x5d: {  	_ =	shalt  }
0x5e: {  	_ =	shalt  }
0x5f: {  	_ =	shalt  }
0x60: {  	_ =	shalt  }
0x61: {  	_ =	shalt  }
0x62: {  	_ =	shalt  }
0x63: {  	_ =	shalt  }
0x64: {  	_ =	shalt  }
0x65: {  	_ =	shalt  }
0x66: {  	_ =	shalt  }
0x67: {  	_ =	shalt  }
0x68: {  	_ =	shalt  }
0x69: {  	_ =	shalt  }
0x6a: {  	_ =	shalt  }
0x6b: {  	_ =	shalt  }
0x6c: {  	_ =	shalt  }
0x6d: {  	_ =	shalt  }
0x6e: {  	_ =	shalt  }
0x6f: {  	_ =	shalt  }
0x70: {  	_ =	shalt  }
0x71: {  	_ =	shalt  }
0x72: {  	_ =	shalt  }
0x73: {  	_ =	shalt  }
0x74: {  	_ =	shalt  }
0x75: {  	_ =	shalt  }
0x76: {  	_ =	shalt  }
0x77: {  	_ =	shalt  }
0x78: {  	_ =	shalt  }
0x79: {  	_ =	shalt  }
0x7a: {  	_ =	shalt  }
0x7b: {  	_ =	shalt  }
0x7c: {  	_ =	shalt  }
0x7d: {  	_ =	shalt  }
0x7e: {  	_ =	shalt  }
0x7f: {  	_ =	shalt  }
0x80: {  	_ =	shalt  }
0x81: {  	_ =	shalt  }
0x82: {  	_ =	shalt  }
0x83: {  	_ =	shalt  }
0x84: {  	_ =	shalt  }
0x85: {  	_ =	shalt  }
0x86: {  	_ =	shalt  }
0x87: {  	_ =	shalt  }
.Lfunc_end0:
.L_simem_size_0:
called_computation.3_lowered:
.L_overlay_start_0:
0x88: {  	s2 =	sld [smem:$0x3FD9]  }
0x89: {  	s3 =	sld [smem:$0x3FFE];
	_ =	sdelay $0x1  }
0x8a: {  	s1 =	srdreg.scid  }
0x8b: {  	s0 =	sand.u32 $0x1, s1  }
0x8c: {  	s15 =	sshll.u32 s0, $0xA;
	s2 =	sadd.s32 s3, s2  }
0x8d: {  	s2 =	sadd.s32 s2, s15  }
0x8e: {  	[smem:$0x3FB5] =	sst s2  }
0x8f: {  	_ = 	snop  }
0x90: {  	s2 =	sld [smem:$0x3FD0];
	_ =	sdelay $0x2  }
0x91: {  	s16 =	simm.s32 $0xB;
	s4 =	simm.s32 $0x10  }
0x92: {  	[smem:s4], [sflag:s16] =	dma.local [hbm:s2], $0x1  }
0x93: {  	_ =	swait.eq [sflag:s16], $0x1  }
0x94: {  	[sflag:s16] =	ssyncset.done $0x0  }
0x95: {  	[sflag:s16] =	ssyncadd.s32 $0xFFFFFFFF  }
0x96: {  	s17 =	sld [smem:$0x10];
	(tm) =	ssettm $0x1  }
0x97: {  	s18 =	sld [smem:$0x3FFB];
	_ =	sdelay $0x3  }
0x98: {  	_ =	strace s18  }
0x99: {  	s2 =	sld [smem:$0x3FFC];
	_ =	sdelay $0x3  }
0x9a: {  	_ =	strace s2  }
0x9b: {  	s2 =	sld [smem:$0x3FFD];
	_ =	sdelay $0x3  }
0x9c: {  	_ =	strace s2  }
0x9d: {  	_ =	strace $0x8FFFFFFF  }
0x9e: {  	s19 =	sld [smem:$0x3FDB];
	_ =	sdelay $0x1  }
0x9f: {  	s20 =	simm.s32 $_scs_section_size  }
0xa0: {  	s5 =	simm.s32 $_size__tile_overlayer_lowered;
	s6 =	simm.s32 $_tile_overlayer_lowered  }
0xa1: {  	s7 =	simm.s32 $0x1BFF;
	s21 =	sshll.u32 s6, $0x1;
	s4 =	sadd.s32 s20, s19  }
0xa2: {  	s22 =	simm.s32 $0x0;
	s5 =	sshll.u32 s5, $0x1;
	s6 =	sadd.s32 s21, s4  }
0xa3: {  	[timem:s22], [sflag:s7] =	dma.local [hbm:s6], s5  }
0xa4: {  	_ =	swait.ge [sflag:s7], s5  }
0xa5: {  	s5 =	ssub.s32 $0x0, s5;
	[sflag:s7] =	ssyncset.done $0x0  }
0xa6: {  	[sflag:s7] =	ssyncadd.s32 s5;
	_ =	sdelay $0x1  }
0xa7: {  	s23 =	simm.s32 $0x1B8B  }
0xa8: {  	_ =	swait.ge [sflag:s23], $0x1  }
0xa9: {  	[sflag:s23] =	ssyncset.done $0x0  }
0xaa: {  	[sflag:s23] =	ssyncadd.s32 $0xFFFFFFFF  }
0xab: {  	s5 =	sld [smem:$0x0]  }
0xac: {  	s6 =	sand.u32 $0xFFFFFFFE, s1  }
0xad: {  	p0 =	sne.s32 s1, s6  }
0xae: {  	s6 =	sshll.u32 @p0 s6, $0xE  }
0xaf: {  	s6 =	sadd.s32 @p0 $0x11B8D, s6;
	s7 =	sshll.u32 @p0 s5, $0x11  }
0xb0: {  	s6 =	sor.u32 @p0 s7, s6  }
0xb1: {  	[sflag:s6] =	ssyncadd.remote.s32 @p0 $0x1;
	_ =	sdelay $0x1  }
0xb2: {  	s6 =	simm.s32 @p0 $0x1B8D  }
0xb3: {  	_ =	swait.eq @p0 [sflag:s6], $0x1  }
0xb4: {  	[sflag:s6] =	ssyncadd.s32 @p0 $0xFFFFFFFF  }
0xb5: {  	s7 =	sshll.u32 @!p0 s1, $0xE  }
0xb6: {  	s7 =	sor.u32 @!p0 $0x4000, s7;
	s6 =	simm.s32 @!p0 $0x1B8D  }
0xb7: {  	s5 =	sshll.u32 @!p0 s5, $0x11;
	s7 =	sadd.s32 @!p0 $0x11B8D, s7;
	_ =	swait.eq @!p0 [sflag:s6], $0x1  }
0xb8: {  	s5 =	sor.u32 @!p0 s5, s7;
	[sflag:s6] =	ssyncadd.s32 @!p0 $0xFFFFFFFF  }
0xb9: {  	s25 =	simm.s32 $0x1B8E;
	s24 =	sld [smem:$0x3FFE];
	[sflag:s5] =	ssyncadd.remote.s32 @!p0 $0x1  }
0xba: {  	s26 =	simm.s32 $execute0_lowered;
	[smem:$0x3FD2] =	sst s25  }
0xbb: {  	s6 =	sshll.u32 s26, $0x1;
	_ =	strace $0x8000004C;
	[dreg:$0x1] =	wrdreg $0xFFFFFFFF  }
0xbc: {  	s28 =	simm.s32 $_size_execute0_lowered;
	s4 =	sadd.s32 s4, s6;
	[dreg:$0x0] =	wrdreg $0x0  }
0xbd: {  	s6 =	sshll.u32 s28, $0x1;
	[dreg:$0x2] =	wrdreg s4  }
0xbe: {  	[dreg:$0x3] =	wrdreg s6  }
0xbf: {  	[dreg:$0x4] =	wrdreg $0xC0  }
0xc0: {  	_ =	task [dreg:s22], $0x5FFFF  }
0xc1: {  	[dreg:$0x1] =	wrdreg $0xFFFFFFFF  }
0xc2: {  	[dreg:$0x0] =	wrdreg $0x60  }
0xc3: {  	[dreg:$0x2] =	wrdreg s24  }
0xc4: {  	[dreg:$0x3] =	wrdreg s17  }
0xc5: {  	[dreg:$0x4] =	wrdreg $0x149600  }
0xc6: {  	[dreg:$0x5] =	wrdreg $0x197800  }
0xc7: {  	[dreg:$0x6] =	wrdreg $0xA  }
0xc8: {  	_ =	task.clear_ibuf [dreg:s22], $0x7FFFF;
	_ =	strace $0x9000004C  }
0xc9: {  	s29 =	simm.s32 $0xA;
	_ =	strace $0x8000004E  }
0xca: {  	_ =	swait.ge [sflag:s29], $0x1  }
0xcb: {  	[sflag:s29] =	ssyncadd.s32 $0xFFFFFFFF  }
0xcc: {  	_ =	strace $0x9000004E  }
0xcd: {  	_ =	sfence  }
0xce: {  	s30 =	sld [smem:$0x0];
	_ =	sdelay $0x2  }
0xcf: {  	s31 =	sshll.u32 s1, $0xD;
	s1 =	sshrl.u32 s1, $0x2  }
0xd0: {  	s4 =	sand.u32 $0x4000, s31;
	s1 =	sadd.s32 s1, s30  }
0xd1: {  	s0 =	sor.u32 s4, s0;
	s1 =	sshll.u32 s1, $0x11  }
0xd2: {  	s0 =	sor.u32 s1, s0  }
0xd3: {  	s0 =	sadd.s32 $0x8F2B, s0  }
0xd4: {  	[sflag:s0] =	ssyncadd.remote.s32 $0x1  }
0xd5: {  	_ =	sfence.sel $0xFFFF  }
0xd6: {  	[dreg:$0x0] =	wrdreg $0xFFFFFFFF;
	(pc) =	sbr.abs _section_cstart, $3  }
0xd7: {  	[dreg:$0x1] =	wrdreg $0xFFFFFFFF  }
0xd8: {  	_ =	task.clear_ibuf [dreg:s22], $0x2FFFF;
	_ =	strace $0x9FFFFFFF  }
0xd9: {  	(tm) =	ssettm $0x7FFFFFFF  }
tec
execute0_lowered:
.L_overlay_start_1:
0x0: {  	(tag) =	ssettag $0x1  }
0x1: {  	s4 =	rddreg [dreg:$0x0]  }
0x2: {  	s5 =	rddreg [dreg:$0x1]  }
0x3: {  	s2 =	rddreg [dreg:$0x2];
	s0 =	srdreg.scid  }
0x4: {  	s7 =	stileid.u32;
	s1 =	rddreg [dreg:$0x3];
	s6 =	sand.u32 $0x1, s0  }
0x5: {  	s3 =	simm.s32 $0x0;
	s8 =	sshll.u32 s7, $0x1;
	s10 =	smul.u32 $0x9C40, s6  }
0x6: {  	s8 =	sor.u32 s6, s8;
	s12 =	smul.u32 $0x4E2, s6;
	s6 =	ssub.s32 $0x2, s6  }
0x7: {  	p1 =	por $0x0, $0x0;
	s0 =	rddreg [dreg:$0x4];
	s13 =	sshrl.u32 s6, $0x1  }
0x8: {  	[smem:$0x7FF] =	sst s3;
	s15 =	sadd.s32 $0x347000, s4;
	s16 =	ssub.s32 s6, s13  }
0x9: {  	s11 =	sadd.s32 $0x350E00, s4;
	p0 =	sne.s32 s7, $0x0;
	s31 =	smax.u32 s16, $0x1  }
0xa: {  	_ =	strace $0x8000004D;
	s9 =	smul.u32 $0x26C0, s8;
	s19 =	sadd.s32 $0xFFFFFFFF, s31  }
0xb: {  	s7 =	sshrl.u32 @!p0 s2, $0x3;
	s8 =	smul.u32 $0x9B0, s8;
	p2 =	sne.s32 s19, $0x0  }
.Ltmp0:
0xc: {  	s10 =	sadd.s32 s10, s4;
	s12 =	sadd.s32 s12, s4;
	(pc) =	sbr.rel @!p2 .LBB2_3-.Ltmp0, $4  }
0xd: {  	s9 =	sadd.s32 s9, s4;
	s8 =	sshrl.u32 s8, $0x3;
	s6 =	sadd.s32 $0x351400, s10  }
0xe: {  	s10 =	simm.s32 $0x13FB0;
	s16 =	simm.s32 $0x1;
	s4 =	sadd.s32 s4, s8  }
0xf: {  	s14 =	sadd.s32 $0x39C00, s9;
	s9 =	simm.s32 $0x2;
	s8 =	sshrl.u32 @!p0 s1, $0x3  }
0x10: {  	s13 =	sadd.s32 $0x37360, s4;
	s4 =	sadd.s32 $0x364E00, s12;
	s12 =	simm.s32 $0x9B0  }
0x11: {  	s18 =	simm.s32 @!p0 $0x1C02;
	s17 =	simm.s32 @!p0 $0x2  }
0x12: {  	[spmem:s7], [sflag:s18] =	dma.local @!p0 [hbm:s15], $0x9C40  }
0x13: {  	_ =	swait.ge @!p0 [sflag:s17], $0x9C40  }
0x14: {  	[sflag:s17] =	ssyncset.done @!p0 $0x0  }
0x15: {  	[sflag:s17] =	ssyncadd.s32 @!p0 $0xFFFF63C0  }
0x16: {  	[tilespmem:s10], [sflag:$0x2] =	stream.linear.gather [hbm4b:s5+s3], $0x9B0, $0x38;
	[tilespmem:$0x199F8] =	vst v63  }
0x17: {  	_ =	swait.ge [sflag:s9], $0x9B0  }
0x18: {  	[sflag:s9] =	ssyncset.done $0x0  }
0x19: {  	[sflag:s9] =	ssyncadd.s32 $0xFFFFF650  }
0x1a: {  	[spmem:s8], [sflag:s18] =	dma.local @!p0 [hbm:s11], $0x4E2  }
0x1b: {  	_ =	swait.ge @!p0 [sflag:s17], $0x4E2  }
0x1c: {  	[sflag:s17] =	ssyncset.done @!p0 $0x0  }
0x1d: {  	[sflag:s17] =	ssyncadd.s32 @!p0 $0xFFFFFB1E  }
0x1e: {  	[tilespmem:s3], [sflag:$0x1] =	stream.linear.gather [hbm4b:s13+s3], $0x9B0, $0x38;
	[tilespmem:$0x199F8] =	vst v63  }
0x1f: {  	_ = 	snop  }
0x20: {  	[tilespmem:s12], [sflag:$0x1] =	stream.linear.gather [hbm4b:s14+s3], $0x13600, $0x38;
	[tilespmem:$0x199F8] =	vst v63  }
0x21: {  	[bflag:$0x0] =	sbarrier.arrive $0xFFFF  }
0x22: {  	_ =	swait.ge [sflag:s16], $0x9B0  }
0x23: {  	[sflag:s16] =	ssyncset.done $0x0  }
0x24: {  	[sflag:s16] =	ssyncadd.s32 $0xFFFFF650  }
0x25: {  	_ =	swait.ge [sflag:s16], $0x13600  }
0x26: {  	[sflag:s16] =	ssyncset.done $0x0  }
0x27: {  	[sflag:s16] =	ssyncadd.s32 $0xFFFECA00  }
0x28: {  	[spmem:s2] =	stream.indirect.scatter.add.f32 [tilespmem:s12], [sflag:$0x2], $0x20, s3, s12, $0xb8;
	[tilespmem:$0x199F8] =	vst v63  }
0x29: {  	_ =	swait.ge [sflag:s9], $0x13600  }
0x2a: {  	[sflag:s9] =	ssyncset.done $0x0  }
0x2b: {  	[sflag:s9] =	ssyncadd.s32 $0xFFFECA00  }
0x2c: {  	[spmem:s1] =	stream.indirect.scatter.add.f32 [tilespmem:s10], [sflag:$0x2], $0x1, s3, s12, $0xb8;
	[tilespmem:$0x199F8] =	vst v63  }
0x2d: {  	_ =	swait.ge [sflag:s9], $0x9B0  }
0x2e: {  	[sflag:s9] =	ssyncset.done $0x0  }
0x2f: {  	[sflag:s9] =	ssyncadd.s32 $0xFFFFF650  }
0x30: {  	s19 =	sadd.s32 $0xFFFFFFFF, s19;
	[bflag:$0x0] =	sbarrier.arrive $0xFFFF  }
0x31: {  	[hbm:s6], [sflag:s18] =	dma.local @!p0 [spmem:s7], $0x9C40  }
0x32: {  	p2 =	sne.s32 s19, $0x0;
	_ =	swait.ge @!p0 [sflag:s17], $0x9C40  }
.Ltmp1:
0x33: {  	[sflag:s17] =	ssyncset.done @!p0 $0x0;
	(pc) =	sbr.rel @!p2 .LBB2_3-.Ltmp1, $4  }
0x34: {  	[sflag:s17] =	ssyncadd.s32 @!p0 $0xFFFF63C0  }
0x35: {  	[hbm:s4], [sflag:s18] =	dma.local @!p0 [spmem:s8], $0x4E2  }
0x36: {  	_ =	swait.ge @!p0 [sflag:s17], $0x4E2  }
0x37: {  	p1 =	por $0x1, $0x1;
	[sflag:s17] =	ssyncset.done @!p0 $0x0  }
.LBB2_2:
0x38: {  	[sflag:s17] =	ssyncadd.s32 @!p0 $0xFFFFFB1E  }
0x39: {  	[spmem:s7], [sflag:s18] =	dma.local @!p0 [hbm:s15], $0x9C40  }
0x3a: {  	s19 =	sadd.s32 $0xFFFFFFFF, s19;
	_ =	swait.ge @!p0 [sflag:s17], $0x9C40  }
0x3b: {  	p2 =	sne.s32 s19, $0x0;
	[sflag:s17] =	ssyncset.done @!p0 $0x0  }
0x3c: {  	[sflag:s17] =	ssyncadd.s32 @!p0 $0xFFFF63C0  }
0x3d: {  	[tilespmem:s10], [sflag:$0x2] =	stream.linear.gather [hbm4b:s5+s3], $0x9B0, $0x38;
	[tilespmem:$0x199F8] =	vst v63  }
0x3e: {  	_ =	swait.ge [sflag:s9], $0x9B0  }
0x3f: {  	[sflag:s9] =	ssyncset.done $0x0  }
0x40: {  	[sflag:s9] =	ssyncadd.s32 $0xFFFFF650  }
0x41: {  	[spmem:s8], [sflag:s18] =	dma.local @!p0 [hbm:s11], $0x4E2  }
0x42: {  	_ =	swait.ge @!p0 [sflag:s17], $0x4E2  }
0x43: {  	[sflag:s17] =	ssyncset.done @!p0 $0x0  }
0x44: {  	[sflag:s17] =	ssyncadd.s32 @!p0 $0xFFFFFB1E  }
0x45: {  	[tilespmem:s3], [sflag:$0x1] =	stream.linear.gather [hbm4b:s13+s3], $0x9B0, $0x38;
	[tilespmem:$0x199F8] =	vst v63  }
0x46: {  	_ = 	snop  }
0x47: {  	[tilespmem:s12], [sflag:$0x1] =	stream.linear.gather [hbm4b:s14+s3], $0x13600, $0x38;
	[tilespmem:$0x199F8] =	vst v63  }
0x48: {  	[bflag:$0x0] =	sbarrier.arrive $0xFFFF  }
0x49: {  	_ =	swait.ge [sflag:s16], $0x9B0  }
0x4a: {  	[sflag:s16] =	ssyncset.done $0x0  }
0x4b: {  	[sflag:s16] =	ssyncadd.s32 $0xFFFFF650  }
0x4c: {  	_ =	swait.ge [sflag:s16], $0x13600  }
0x4d: {  	[sflag:s16] =	ssyncset.done $0x0  }
0x4e: {  	[sflag:s16] =	ssyncadd.s32 $0xFFFECA00  }
0x4f: {  	[spmem:s2] =	stream.indirect.scatter.add.f32 [tilespmem:s12], [sflag:$0x2], $0x20, s3, s12, $0xb8;
	[tilespmem:$0x199F8] =	vst v63  }
0x50: {  	_ =	swait.ge [sflag:s9], $0x13600  }
0x51: {  	[sflag:s9] =	ssyncset.done $0x0  }
0x52: {  	[sflag:s9] =	ssyncadd.s32 $0xFFFECA00  }
0x53: {  	[spmem:s1] =	stream.indirect.scatter.add.f32 [tilespmem:s10], [sflag:$0x2], $0x1, s3, s12, $0xb8;
	[tilespmem:$0x199F8] =	vst v63  }
0x54: {  	_ =	swait.ge [sflag:s9], $0x9B0  }
0x55: {  	[sflag:s9] =	ssyncset.done $0x0  }
0x56: {  	[sflag:s9] =	ssyncadd.s32 $0xFFFFF650  }
0x57: {  	[bflag:$0x0] =	sbarrier.arrive $0xFFFF  }
0x58: {  	[hbm:s6], [sflag:s18] =	dma.local @!p0 [spmem:s7], $0x9C40  }
0x59: {  	_ =	swait.ge @!p0 [sflag:s17], $0x9C40  }
.Ltmp2:
0x5a: {  	[sflag:s17] =	ssyncset.done @!p0 $0x0;
	(pc) =	sbr.rel @p2 .LBB2_2-.Ltmp2, $4  }
0x5b: {  	[sflag:s17] =	ssyncadd.s32 @!p0 $0xFFFF63C0  }
0x5c: {  	[hbm:s4], [sflag:s18] =	dma.local @!p0 [spmem:s8], $0x4E2  }
0x5d: {  	_ =	swait.ge @!p0 [sflag:s17], $0x4E2  }
0x5e: {  	[sflag:s17] =	ssyncset.done @!p0 $0x0  }
.LBB2_3:
0x5f: {  	p1 =	por p0, !p1  }
0x60: {  	s18 =	simm.s32 @!p0 $0x1C02;
	s19 =	simm.s32 @!p0 $0x2;
	[sflag:s17] =	ssyncadd.s32 @!p1 $0xFFFFFB1E  }
0x61: {  	[spmem:s7], [sflag:s18] =	dma.local @!p0 [hbm:s15], $0x9C40  }
0x62: {  	_ =	swait.ge @!p0 [sflag:s19], $0x9C40  }
0x63: {  	[sflag:s19] =	ssyncset.done @!p0 $0x0  }
0x64: {  	[sflag:s19] =	ssyncadd.s32 @!p0 $0xFFFF63C0  }
0x65: {  	[tilespmem:s10], [sflag:$0x2] =	stream.linear.gather [hbm4b:s5+s3], $0x9B0, $0x38;
	[tilespmem:$0x199F8] =	vst v63  }
0x66: {  	_ =	swait.ge [sflag:s9], $0x9B0  }
0x67: {  	[sflag:s9] =	ssyncset.done $0x0  }
0x68: {  	[sflag:s9] =	ssyncadd.s32 $0xFFFFF650  }
0x69: {  	[spmem:s8], [sflag:s18] =	dma.local @!p0 [hbm:s11], $0x4E2  }
0x6a: {  	_ =	swait.ge @!p0 [sflag:s19], $0x4E2  }
0x6b: {  	[sflag:s19] =	ssyncset.done @!p0 $0x0  }
0x6c: {  	[sflag:s19] =	ssyncadd.s32 @!p0 $0xFFFFFB1E  }
0x6d: {  	[tilespmem:s3], [sflag:$0x1] =	stream.linear.gather [hbm4b:s13+s3], $0x9B0, $0x38;
	[tilespmem:$0x199F8] =	vst v63  }
0x6e: {  	_ = 	snop  }
0x6f: {  	[tilespmem:s12], [sflag:$0x1] =	stream.linear.gather [hbm4b:s14+s3], $0x13600, $0x38;
	[tilespmem:$0x199F8] =	vst v63  }
0x70: {  	[bflag:$0x0] =	sbarrier.arrive $0xFFFF  }
0x71: {  	_ =	swait.ge [sflag:s16], $0x9B0  }
0x72: {  	[sflag:s16] =	ssyncset.done $0x0  }
0x73: {  	[sflag:s16] =	ssyncadd.s32 $0xFFFFF650  }
0x74: {  	_ =	swait.ge [sflag:s16], $0x13600  }
0x75: {  	[sflag:s16] =	ssyncset.done $0x0  }
0x76: {  	[sflag:s16] =	ssyncadd.s32 $0xFFFECA00  }
0x77: {  	[spmem:s2] =	stream.indirect.scatter.add.f32 [tilespmem:s12], [sflag:$0x2], $0x20, s3, s12, $0xb8;
	[tilespmem:$0x199F8] =	vst v63  }
0x78: {  	_ =	swait.ge [sflag:s9], $0x13600  }
0x79: {  	[sflag:s9] =	ssyncset.done $0x0  }
0x7a: {  	[sflag:s9] =	ssyncadd.s32 $0xFFFECA00  }
0x7b: {  	[spmem:s1] =	stream.indirect.scatter.add.f32 [tilespmem:s10], [sflag:$0x2], $0x1, s3, s12, $0xb8;
	[tilespmem:$0x199F8] =	vst v63  }
0x7c: {  	_ =	swait.ge [sflag:s9], $0x9B0  }
0x7d: {  	[sflag:s9] =	ssyncset.done $0x0  }
0x7e: {  	[sflag:s9] =	ssyncadd.s32 $0xFFFFF650  }
0x7f: {  	[bflag:$0x0] =	sbarrier.arrive $0xFFFF  }
0x80: {  	[hbm:s6], [sflag:s18] =	dma.local @!p0 [spmem:s7], $0x9C40  }
0x81: {  	_ =	swait.ge @!p0 [sflag:s19], $0x9C40  }
0x82: {  	[sflag:s19] =	ssyncset.done @!p0 $0x0  }
0x83: {  	[sflag:s19] =	ssyncadd.s32 @!p0 $0xFFFF63C0  }
0x84: {  	[hbm:s4], [sflag:s18] =	dma.local @!p0 [spmem:s8], $0x4E2  }
0x85: {  	_ =	swait.ge @!p0 [sflag:s19], $0x4E2  }
0x86: {  	[sflag:s19] =	ssyncset.done @!p0 $0x0  }
0x87: {  	[sflag:s19] =	ssyncadd.s32 @!p0 $0xFFFFFB1E  }
0x88: {  	_ =	sfence.sel $0x180000  }
0x89: {  	[bflag:$0x0] =	sbarrier.arrive $0xFFFF  }
0x8a: {  	_ =	strace $0x9000004D  }
0x8b: {  	s0 =	sadd.s32 @!p0 $0x100000, s0;
	[bflag:$0x2] =	sbarrier.arrive $0xFFFF  }
0x8c: {  	[sflag:s0] =	ssyncadd.tile.s32 @!p0 $0x1;
	_ =	shalt  }
.Lfunc_end2:
_tile_overlayer_lowered:
.L_overlay_start_2:
0x8d: {  	(tag) =	ssettag $0x2  }
0x8e: {  	s0 =	rddreg [dreg:$0x0];
	s2 =	stileid.u32  }
0x8f: {  	s1 =	rddreg [dreg:$0x1];
	p0 =	sne.s32 s2, $0x0  }
0x90: {  	s3 =	rddreg [dreg:$0x2];
	[bflag:$0x3] =	sbarrier.arrive $0xFFFF;
	s2 =	simm.s32 @!p0 $0x1C02  }
0x91: {  	[timem:s3], [sflag:s2] =	dma.local @!p0 [hbm:s0], s1  }
0x92: {  	s0 =	simm.s32 @!p0 $0x2  }
0x93: {  	_ =	swait.ge @!p0 [sflag:s0], s1  }
0x94: {  	s1 =	ssub.s32 @!p0 $0x0, s1;
	[sflag:s0] =	ssyncset.done @!p0 $0x0  }
0x95: {  	[sflag:s0] =	ssyncadd.s32 @!p0 s1  }
0x96: {  	[bflag:$0x3] =	sbarrier.arrive $0xFFFF  }
0x97: {  	_ =	shalt  }

// kernel: kernel.37.cloned.1.call-start
scs
__scs_entry_jumppad:
0x0: {  	(pc) =	sbr.rel $0x88, $3  }
0x1: {  	(tag) =	ssettag $0x0;
	lr =	simm.s32 $0x1  }
0x2: {  	[smem:$0x3F8E] =	sst lr;
	_ =	strace $0xD0000000  }
0x3: {  	_ = 	snop  }
0x4: {  	_ = 	snop  }
0x5: {  	_ = 	snop  }
0x6: {  	_ = 	snop  }
0x7: {  	_ = 	snop  }
__scs_overlays_trampoline_lowered:
0x8: {  	[smem:$0x3F9D] =	sst s0  }
0x9: {  	[smem:$0x3F9E] =	sst s1  }
0xa: {  	[smem:$0x3F9F] =	sst s2  }
0xb: {  	[smem:$0x3FA0] =	sst s3  }
0xc: {  	[smem:$0x3FA1] =	sst s4  }
0xd: {  	[smem:$0x3FA2] =	sst s5  }
0xe: {  	[smem:$0x3FA3] =	sst s6  }
0xf: {  	[smem:$0x3FA4] =	sst s7  }
0x10: {  	[smem:$0x3FA5] =	sst s8  }
0x11: {  	[smem:$0x3FA6] =	sst s9;
	s0 =	simm.s32 @!p0 $0x0  }
0x12: {  	s1 =	sld [smem:$0x3F8C];
	s0 =	simm.s32 @p0 $0x1  }
0x13: {  	[smem:$0x3FA7] =	sst s0;
	s0 =	simm.s32 @!p1 $0x0  }
0x14: {  	s2 =	sld [smem:$0x3F8B];
	s0 =	simm.s32 @p1 $0x1  }
0x15: {  	[smem:$0x3FA8] =	sst s0;
	s0 =	simm.s32 @!p2 $0x0  }
0x16: {  	s3 =	sld [smem:$0x3FDB];
	s0 =	simm.s32 @p2 $0x1  }
0x17: {  	s4 =	simm.s32 $0x1BF5;
	[smem:$0x3FAA] =	sst s0  }
0x18: {  	s0 =	sld [smem:$0x3F8D];
	_ =	swait.ge [sflag:s4], $0x0  }
0x19: {  	s7 =	sld [smem:$0x3F8E]  }
0x1a: {  	s8 =	sadd.s32 $0xFFFFE003, lr  }
0x1b: {  	s9 =	sadd.s32 $0xFFFFFEF7, lr;
	s5 =	simm.s32 $0xFFFFFFFF;
	p2 =	slt.u32 s8, $0xFFFFF086  }
0x1c: {  	p1 =	slt.u32 s9, $0xF7A;
	s5 =	simm.s32 @!p2 $0x0  }
0x1d: {  	s5 =	simm.s32 @p1 $0x1;
	p0 =	seq.s32 s7, s2  }
0x1e: {  	s7 =	smul.u32 @!p0 $0xF7A, s2;
	p2 =	seq.s32 @!p0 s5, $0x0  }
0x1f: {  	s9 =	smul.u32 $0xF7A, s1;
	s8 =	simm.s32 @!p0 $0x1BF5;
	p2 =	por !p2, p0  }
0x20: {  	[sflag:s8] =	ssyncset.s32 @!p0 $0xFFFFF086;
	s6 =	sadd.s32 @!p0 s3, s7;
	s7 =	simm.s32 @!p0 $0x108  }
0x21: {  	s3 =	sadd.s32 s3, s9;
	s6 =	sadd.s32 @!p0 $0x88, s6;
	s7 =	simm.s32 @p2 $0x1082  }
0x22: {  	[simem:s7], [sflag:s8] =	dma.local @!p0 [hbm:s6], $0xF7A  }
0x23: {  	s9 =	sor.u32 $0xD0000000, s2;
	s6 =	simm.s32 $0x108;
	_ =	swait.ge @!p0 [sflag:s8], $0x0  }
0x24: {  	s3 =	sadd.s32 $0x88, s3;
	s6 =	simm.s32 @!p1 $0x1082;
	[sflag:s4] =	ssyncset.s32 $0xFFFFF086  }
0x25: {  	[simem:s6], [sflag:s4] =	dma.local [hbm:s3], $0xF7A  }
0x26: {  	[smem:$0x3F8E] =	sst s1;
	(tag) =	ssettag s2;
	_ =	strace s9  }
0x27: {  	s1 =	sld [smem:$0x3F9E]  }
0x28: {  	s2 =	sld [smem:$0x3F9F]  }
0x29: {  	s4 =	sld [smem:$0x3FA1]  }
0x2a: {  	p0 =	seq.s32 s5, $0x0;
	s5 =	sld [smem:$0x3FA2]  }
0x2b: {  	s6 =	sld [smem:$0x3FA3]  }
0x2c: {  	s7 =	sld [smem:$0x3FA4]  }
0x2d: {  	s3 =	simm.s32 $0x108;
	s8 =	sld [smem:$0x3FA5]  }
0x2e: {  	s3 =	simm.s32 @!p0 $0x1082;
	s9 =	sld [smem:$0x3FA6]  }
0x2f: {  	lr =	sadd.s32 s0, s3;
	s0 =	sld [smem:$0x3F9D]  }
0x30: {  	s3 =	sld [smem:$0x3FA0]  }
0x31: {  	[smem:$0x3FA9] =	sst s10  }
0x32: {  	s10 =	sld [smem:$0x3FA7];
	_ =	sdelay $0x3  }
0x33: {  	p0 =	seq.s32 s10, $0x1;
	s10 =	sld [smem:$0x3FA9];
	_ =	sdelay $0x3  }
0x34: {  	[smem:$0x3FA9] =	sst s10  }
0x35: {  	s10 =	sld [smem:$0x3FA8];
	_ =	sdelay $0x3  }
0x36: {  	p1 =	seq.s32 s10, $0x1;
	s10 =	sld [smem:$0x3FA9];
	_ =	sdelay $0x3  }
0x37: {  	[smem:$0x3FA9] =	sst s10  }
0x38: {  	s10 =	sld [smem:$0x3FAA]  }
0x39: {  	_ = 	snop;
	(pc) =	sbr.ind lr, $3  }
0x3a: {  	_ = 	snop  }
0x3b: {  	_ = 	snop  }
0x3c: {  	p2 =	seq.s32 s10, $0x1;
	s10 =	sld [smem:$0x3FA9]  }
0x3d: {  	_ =	shalt  }
0x3e: {  	_ =	shalt  }
0x3f: {  	_ =	shalt  }
0x40: {  	_ =	shalt  }
0x41: {  	_ =	shalt  }
0x42: {  	_ =	shalt  }
0x43: {  	_ =	shalt  }
0x44: {  	_ =	shalt  }
0x45: {  	_ =	shalt  }
0x46: {  	_ =	shalt  }
0x47: {  	_ =	shalt  }
0x48: {  	_ =	shalt  }
0x49: {  	_ =	shalt  }
0x4a: {  	_ =	shalt  }
0x4b: {  	_ =	shalt  }
0x4c: {  	_ =	shalt  }
0x4d: {  	_ =	shalt  }
0x4e: {  	_ =	shalt  }
0x4f: {  	_ =	shalt  }
0x50: {  	_ =	shalt  }
0x51: {  	_ =	shalt  }
0x52: {  	_ =	shalt  }
0x53: {  	_ =	shalt  }
0x54: {  	_ =	shalt  }
0x55: {  	_ =	shalt  }
0x56: {  	_ =	shalt  }
0x57: {  	_ =	shalt  }
0x58: {  	_ =	shalt  }
0x59: {  	_ =	shalt  }
0x5a: {  	_ =	shalt  }
0x5b: {  	_ =	shalt  }
0x5c: {  	_ =	shalt  }
0x5d: {  	_ =	shalt  }
0x5e: {  	_ =	shalt  }
0x5f: {  	_ =	shalt  }
0x60: {  	_ =	shalt  }
0x61: {  	_ =	shalt  }
0x62: {  	_ =	shalt  }
0x63: {  	_ =	shalt  }
0x64: {  	_ =	shalt  }
0x65: {  	_ =	shalt  }
0x66: {  	_ =	shalt  }
0x67: {  	_ =	shalt  }
0x68: {  	_ =	shalt  }
0x69: {  	_ =	shalt  }
0x6a: {  	_ =	shalt  }
0x6b: {  	_ =	shalt  }
0x6c: {  	_ =	shalt  }
0x6d: {  	_ =	shalt  }
0x6e: {  	_ =	shalt  }
0x6f: {  	_ =	shalt  }
0x70: {  	_ =	shalt  }
0x71: {  	_ =	shalt  }
0x72: {  	_ =	shalt  }
0x73: {  	_ =	shalt  }
0x74: {  	_ =	shalt  }
0x75: {  	_ =	shalt  }
0x76: {  	_ =	shalt  }
0x77: {  	_ =	shalt  }
0x78: {  	_ =	shalt  }
0x79: {  	_ =	shalt  }
0x7a: {  	_ =	shalt  }
0x7b: {  	_ =	shalt  }
0x7c: {  	_ =	shalt  }
0x7d: {  	_ =	shalt  }
0x7e: {  	_ =	shalt  }
0x7f: {  	_ =	shalt  }
0x80: {  	_ =	shalt  }
0x81: {  	_ =	shalt  }
0x82: {  	_ =	shalt  }
0x83: {  	_ =	shalt  }
0x84: {  	_ =	shalt  }
0x85: {  	_ =	shalt  }
0x86: {  	_ =	shalt  }
0x87: {  	_ =	shalt  }
.Lfunc_end0:
.L_simem_size_0:
called_computation.4_lowered:
.L_overlay_start_0:
0x88: {  	s2 =	sld [smem:$0x3FD9]  }
0x89: {  	s3 =	sld [smem:$0x3FFE];
	_ =	sdelay $0x1  }
0x8a: {  	s1 =	srdreg.scid  }
0x8b: {  	s0 =	sand.u32 $0x1, s1  }
0x8c: {  	s14 =	sshll.u32 s0, $0xA;
	s2 =	sadd.s32 s3, s2  }
0x8d: {  	s2 =	sadd.s32 s2, s14  }
0x8e: {  	[smem:$0x3FB5] =	sst s2  }
0x8f: {  	_ = 	snop  }
0x90: {  	s2 =	sld [smem:$0x3FD0];
	_ =	sdelay $0x2  }
0x91: {  	s15 =	simm.s32 $0xB;
	s4 =	simm.s32 $0x10  }
0x92: {  	[smem:s4], [sflag:s15] =	dma.local [hbm:s2], $0x1  }
0x93: {  	_ =	swait.eq [sflag:s15], $0x1  }
0x94: {  	[sflag:s15] =	ssyncset.done $0x0  }
0x95: {  	[sflag:s15] =	ssyncadd.s32 $0xFFFFFFFF  }
0x96: {  	s16 =	sld [smem:$0x11];
	(tm) =	ssettm $0x1  }
0x97: {  	s17 =	sld [smem:$0x3FFB];
	_ =	sdelay $0x3  }
0x98: {  	_ =	strace s17  }
0x99: {  	s3 =	sld [smem:$0x3FFC];
	_ =	sdelay $0x3  }
0x9a: {  	_ =	strace s3  }
0x9b: {  	s3 =	sld [smem:$0x3FFD];
	_ =	sdelay $0x3  }
0x9c: {  	_ =	strace s3  }
0x9d: {  	_ =	strace $0x8FFFFFFF  }
0x9e: {  	s18 =	sld [smem:$0x3FDB];
	_ =	sdelay $0x1  }
0x9f: {  	s19 =	simm.s32 $_scs_section_size  }
0xa0: {  	s5 =	simm.s32 $_size__tile_overlayer_lowered;
	s6 =	simm.s32 $_tile_overlayer_lowered  }
0xa1: {  	s22 =	simm.s32 $0x1BFF;
	s21 =	sshll.u32 s6, $0x1;
	s3 =	sadd.s32 s19, s18  }
0xa2: {  	s7 =	simm.s32 $0x0;
	s20 =	sshll.u32 s5, $0x1;
	s5 =	sadd.s32 s21, s3  }
0xa3: {  	[timem:s7], [sflag:s22] =	dma.local [hbm:s5], s20  }
0xa4: {  	_ =	swait.ge [sflag:s22], s20  }
0xa5: {  	s4 =	ssub.s32 $0x0, s20;
	[sflag:s22] =	ssyncset.done $0x0  }
0xa6: {  	[sflag:s22] =	ssyncadd.s32 s4;
	_ =	sdelay $0x1  }
0xa7: {  	s23 =	simm.s32 $0x1B8B  }
0xa8: {  	_ =	swait.ge [sflag:s23], $0x1  }
0xa9: {  	[sflag:s23] =	ssyncset.done $0x0  }
0xaa: {  	s25 =	simm.s32 $0x1B8E;
	s24 =	sld [smem:$0x3FFE];
	[sflag:s23] =	ssyncadd.s32 $0xFFFFFFFF  }
0xab: {  	s26 =	simm.s32 $execute0_lowered;
	[smem:$0x3FD2] =	sst s25  }
0xac: {  	s5 =	sshll.u32 s26, $0x1;
	_ =	strace $0x80000052;
	[dreg:$0x1] =	wrdreg $0xFFFFFFFF  }
0xad: {  	s28 =	simm.s32 $_size_execute0_lowered;
	s3 =	sadd.s32 s3, s5;
	[dreg:$0x0] =	wrdreg $0x0  }
0xae: {  	s5 =	sshll.u32 s28, $0x1;
	[dreg:$0x2] =	wrdreg s3  }
0xaf: {  	[dreg:$0x3] =	wrdreg s5  }
0xb0: {  	[dreg:$0x4] =	wrdreg $0xC0  }
0xb1: {  	_ =	task [dreg:s7], $0x5FFFF  }
0xb2: {  	[dreg:$0x1] =	wrdreg $0xFFFFFFFF  }
0xb3: {  	[dreg:$0x0] =	wrdreg $0x60  }
0xb4: {  	[dreg:$0x2] =	wrdreg s16  }
0xb5: {  	[dreg:$0x3] =	wrdreg s24  }
0xb6: {  	[dreg:$0x4] =	wrdreg $0xA  }
0xb7: {  	_ =	task.clear_ibuf [dreg:s7], $0x5FFFF;
	_ =	strace $0x90000052  }
0xb8: {  	s29 =	simm.s32 $0xA;
	_ =	strace $0x80000054  }
0xb9: {  	_ =	swait.ge [sflag:s29], $0x1  }
0xba: {  	[sflag:s29] =	ssyncadd.s32 $0xFFFFFFFF  }
0xbb: {  	_ =	strace $0x90000054  }
0xbc: {  	_ =	sfence  }
0xbd: {  	s30 =	sld [smem:$0x0];
	_ =	sdelay $0x2  }
0xbe: {  	s31 =	sshll.u32 s1, $0xD;
	s1 =	sshrl.u32 s1, $0x2  }
0xbf: {  	s3 =	sand.u32 $0x4000, s31;
	s1 =	sadd.s32 s1, s30  }
0xc0: {  	s0 =	sor.u32 s3, s0;
	s1 =	sshll.u32 s1, $0x11  }
0xc1: {  	s0 =	sor.u32 s1, s0  }
0xc2: {  	s0 =	sadd.s32 $0x8F2B, s0  }
0xc3: {  	[sflag:s0] =	ssyncadd.remote.s32 $0x1  }
0xc4: {  	_ =	sfence.sel $0xFFFF  }
0xc5: {  	[dreg:$0x0] =	wrdreg $0xFFFFFFFF;
	(pc) =	sbr.abs _section_cstart, $3  }
0xc6: {  	[dreg:$0x1] =	wrdreg $0xFFFFFFFF  }
0xc7: {  	_ =	task.clear_ibuf [dreg:s7], $0x2FFFF;
	_ =	strace $0x9FFFFFFF  }
0xc8: {  	(tm) =	ssettm $0x7FFFFFFF  }
0xc9: {  	_ =	shalt  }
tec
execute0_lowered:
.L_overlay_start_1:
0x0: {  	(tag) =	ssettag $0x1  }
0x1: {  	s1 =	srdreg.scid;
	s0 =	stileid.u32  }
0x2: {  	s2 =	rddreg [dreg:$0x0];
	s6 =	sand.u32 $0x1, s1;
	s30 =	sshll.u32 s0, $0x1  }
0x3: {  	s8 =	rddreg [dreg:$0x1];
	s7 =	sor.u32 s6, s30  }
0x4: {  	s3 =	simm.s32 $0x0;
	s1 =	rddreg [dreg:$0x2];
	s4 =	smul.u32 $0x13B, s7  }
0x5: {  	[smem:$0x7FF] =	sst s3  }
0x6: {  	_ =	strace $0x80000053;
	s10 =	ssub.s32 $0x2, s6;
	s4 =	sadd.s32 s4, s8  }
0x7: {  	s6 =	simm.s32 $0x9D8;
	s5 =	sadd.s32 $0x2FC00, s4;
	s4 =	simm.s32 $0x2  }
0x8: {  	[tilespmem:s3], [sflag:$0x2] =	stream.linear.gather [hbm4b:s5+s3], $0x9D8, $0x38;
	[tilespmem:$0x144D8] =	vst v63  }
0x9: {  	s9 =	smul.u32 $0x2760, s7;
	s11 =	sshrl.u32 s10, $0x1;
	_ =	swait.ge [sflag:s4], $0x9D8  }
0xa: {  	s7 =	simm.s32 $0x1;
	s31 =	ssub.s32 s10, s11;
	[sflag:s4] =	ssyncset.done $0x0  }
0xb: {  	s8 =	sadd.s32 s9, s8;
	s9 =	smax.u32 s31, $0x1;
	[sflag:s4] =	ssyncadd.s32 $0xFFFFF628  }
0xc: {  	[tilespmem:s6], [sflag:$0x1] =	stream.indirect.gather [hbm4b:s2+s6], $0x20, s3, s6, $0xb8;
	[tilespmem:$0x144D8] =	vst v63  }
0xd: {  	p0 =	sne.s32 s9, $0x1;
	_ =	swait.ge [sflag:s7], $0x13B00  }
.Ltmp0:
0xe: {  	[sflag:s7] =	ssyncset.done $0x0;
	(pc) =	sbr.rel @!p0 .LBB2_2-.Ltmp0, $4  }
0xf: {  	s8 =	sadd.s32 $0x3DAE00, s8;
	[sflag:s7] =	ssyncadd.s32 $0xFFFEC500  }
0x10: {  	[hbm4b:s8+s3] =	stream.linear.scatter [tilespmem:s6], [sflag:$0x2], $0x13B00, $0x38;
	[tilespmem:$0x144D8] =	vst v63  }
0x11: {  	_ =	swait.ge [sflag:s4], $0x13B00  }
0x12: {  	s9 =	sadd.s32 $0xFFFFFFFF, s9;
	[sflag:s4] =	ssyncset.done $0x0  }
.LBB2_1:
0x13: {  	p0 =	sne.s32 s9, $0x1;
	s9 =	sadd.s32 $0xFFFFFFFF, s9;
	[sflag:s4] =	ssyncadd.s32 $0xFFFEC500  }
0x14: {  	[tilespmem:s3], [sflag:$0x2] =	stream.linear.gather [hbm4b:s5+s3], $0x9D8, $0x38;
	[tilespmem:$0x144D8] =	vst v63  }
0x15: {  	_ =	swait.ge [sflag:s4], $0x9D8  }
0x16: {  	[sflag:s4] =	ssyncset.done $0x0  }
0x17: {  	[sflag:s4] =	ssyncadd.s32 $0xFFFFF628  }
0x18: {  	[tilespmem:s6], [sflag:$0x1] =	stream.indirect.gather [hbm4b:s2+s6], $0x20, s3, s6, $0xb8;
	[tilespmem:$0x144D8] =	vst v63  }
0x19: {  	_ =	swait.ge [sflag:s7], $0x13B00  }
.Ltmp1:
0x1a: {  	[sflag:s7] =	ssyncset.done $0x0;
	(pc) =	sbr.rel @p0 .LBB2_1-.Ltmp1, $4  }
0x1b: {  	[sflag:s7] =	ssyncadd.s32 $0xFFFEC500  }
0x1c: {  	[hbm4b:s8+s3] =	stream.linear.scatter [tilespmem:s6], [sflag:$0x2], $0x13B00, $0x38;
	[tilespmem:$0x144D8] =	vst v63  }
0x1d: {  	_ =	swait.ge [sflag:s4], $0x13B00  }
0x1e: {  	[sflag:s4] =	ssyncset.done $0x0  }
.LBB2_2:
0x1f: {  	[sflag:s4] =	ssyncadd.s32 $0xFFFEC500  }
0x20: {  	_ =	sfence.sel $0x180000  }
0x21: {  	[bflag:$0x0] =	sbarrier.arrive $0xFFFF  }
0x22: {  	p0 =	sne.s32 s0, $0x0;
	_ =	strace $0x90000053  }
0x23: {  	s0 =	sadd.s32 @!p0 $0x100000, s1;
	[bflag:$0x2] =	sbarrier.arrive $0xFFFF  }
0x24: {  	[sflag:s0] =	ssyncadd.tile.s32 @!p0 $0x1;
	_ =	shalt  }
.Lfunc_end2:
_tile_overlayer_lowered:
.L_overlay_start_2:
0x25: {  	(tag) =	ssettag $0x2  }
0x26: {  	s0 =	rddreg [dreg:$0x0];
	s2 =	stileid.u32  }
0x27: {  	s1 =	rddreg [dreg:$0x1];
	p0 =	sne.s32 s2, $0x0  }
0x28: {  	s3 =	rddreg [dreg:$0x2];
	[bflag:$0x3] =	sbarrier.arrive $0xFFFF;
	s2 =	simm.s32 @!p0 $0x1C02  }
0x29: {  	[timem:s3], [sflag:s2] =	dma.local @!p0 [hbm:s0], s1  }
0x2a: {  	s0 =	simm.s32 @!p0 $0x2  }
0x2b: {  	_ =	swait.ge @!p0 [sflag:s0], s1  }
0x2c: {  	s1 =	ssub.s32 @!p0 $0x0, s1;
	[sflag:s0] =	ssyncset.done @!p0 $0x0  }
0x2d: {  	[sflag:s0] =	ssyncadd.s32 @!p0 s1  }
0x2e: {  	[bflag:$0x3] =	sbarrier.arrive $0xFFFF  }
0x2f: {  	_ =	shalt  }

// kernel: kernel.40.cloned.1.call-start
scs
__scs_entry_jumppad:
0x0: {  	(pc) =	sbr.rel $0x88, $3  }
0x1: {  	(tag) =	ssettag $0x0;
	lr =	simm.s32 $0x1  }
0x2: {  	[smem:$0x3F8E] =	sst lr;
	_ =	strace $0xD0000000  }
0x3: {  	_ = 	snop  }
0x4: {  	_ = 	snop  }
0x5: {  	_ = 	snop  }
0x6: {  	_ = 	snop  }
0x7: {  	_ = 	snop  }
__scs_overlays_trampoline_lowered:
0x8: {  	[smem:$0x3F9D] =	sst s0  }
0x9: {  	[smem:$0x3F9E] =	sst s1  }
0xa: {  	[smem:$0x3F9F] =	sst s2  }
0xb: {  	[smem:$0x3FA0] =	sst s3  }
0xc: {  	[smem:$0x3FA1] =	sst s4  }
0xd: {  	[smem:$0x3FA2] =	sst s5  }
0xe: {  	[smem:$0x3FA3] =	sst s6  }
0xf: {  	[smem:$0x3FA4] =	sst s7  }
0x10: {  	[smem:$0x3FA5] =	sst s8  }
0x11: {  	[smem:$0x3FA6] =	sst s9;
	s0 =	simm.s32 @!p0 $0x0  }
0x12: {  	s1 =	sld [smem:$0x3F8C];
	s0 =	simm.s32 @p0 $0x1  }
0x13: {  	[smem:$0x3FA7] =	sst s0;
	s0 =	simm.s32 @!p1 $0x0  }
0x14: {  	s2 =	sld [smem:$0x3F8B];
	s0 =	simm.s32 @p1 $0x1  }
0x15: {  	[smem:$0x3FA8] =	sst s0;
	s0 =	simm.s32 @!p2 $0x0  }
0x16: {  	s3 =	sld [smem:$0x3FDB];
	s0 =	simm.s32 @p2 $0x1  }
0x17: {  	s4 =	simm.s32 $0x1BF5;
	[smem:$0x3FAA] =	sst s0  }
0x18: {  	s0 =	sld [smem:$0x3F8D];
	_ =	swait.ge [sflag:s4], $0x0  }
0x19: {  	s7 =	sld [smem:$0x3F8E]  }
0x1a: {  	s8 =	sadd.s32 $0xFFFFE003, lr  }
0x1b: {  	s9 =	sadd.s32 $0xFFFFFEF7, lr;
	s5 =	simm.s32 $0xFFFFFFFF;
	p2 =	slt.u32 s8, $0xFFFFF086  }
0x1c: {  	p1 =	slt.u32 s9, $0xF7A;
	s5 =	simm.s32 @!p2 $0x0  }
0x1d: {  	s5 =	simm.s32 @p1 $0x1;
	p0 =	seq.s32 s7, s2  }
0x1e: {  	s7 =	smul.u32 @!p0 $0xF7A, s2;
	p2 =	seq.s32 @!p0 s5, $0x0  }
0x1f: {  	s9 =	smul.u32 $0xF7A, s1;
	s8 =	simm.s32 @!p0 $0x1BF5;
	p2 =	por !p2, p0  }
0x20: {  	[sflag:s8] =	ssyncset.s32 @!p0 $0xFFFFF086;
	s6 =	sadd.s32 @!p0 s3, s7;
	s7 =	simm.s32 @!p0 $0x108  }
0x21: {  	s3 =	sadd.s32 s3, s9;
	s6 =	sadd.s32 @!p0 $0x88, s6;
	s7 =	simm.s32 @p2 $0x1082  }
0x22: {  	[simem:s7], [sflag:s8] =	dma.local @!p0 [hbm:s6], $0xF7A  }
0x23: {  	s9 =	sor.u32 $0xD0000000, s2;
	s6 =	simm.s32 $0x108;
	_ =	swait.ge @!p0 [sflag:s8], $0x0  }
0x24: {  	s3 =	sadd.s32 $0x88, s3;
	s6 =	simm.s32 @!p1 $0x1082;
	[sflag:s4] =	ssyncset.s32 $0xFFFFF086  }
0x25: {  	[simem:s6], [sflag:s4] =	dma.local [hbm:s3], $0xF7A  }
0x26: {  	[smem:$0x3F8E] =	sst s1;
	(tag) =	ssettag s2;
	_ =	strace s9  }
0x27: {  	s1 =	sld [smem:$0x3F9E]  }
0x28: {  	s2 =	sld [smem:$0x3F9F]  }
0x29: {  	s4 =	sld [smem:$0x3FA1]  }
0x2a: {  	p0 =	seq.s32 s5, $0x0;
	s5 =	sld [smem:$0x3FA2]  }
0x2b: {  	s6 =	sld [smem:$0x3FA3]  }
0x2c: {  	s7 =	sld [smem:$0x3FA4]  }
0x2d: {  	s3 =	simm.s32 $0x108;
	s8 =	sld [smem:$0x3FA5]  }
0x2e: {  	s3 =	simm.s32 @!p0 $0x1082;
	s9 =	sld [smem:$0x3FA6]  }
0x2f: {  	lr =	sadd.s32 s0, s3;
	s0 =	sld [smem:$0x3F9D]  }
0x30: {  	s3 =	sld [smem:$0x3FA0]  }
0x31: {  	[smem:$0x3FA9] =	sst s10  }
0x32: {  	s10 =	sld [smem:$0x3FA7];
	_ =	sdelay $0x3  }
0x33: {  	p0 =	seq.s32 s10, $0x1;
	s10 =	sld [smem:$0x3FA9];
	_ =	sdelay $0x3  }
0x34: {  	[smem:$0x3FA9] =	sst s10  }
0x35: {  	s10 =	sld [smem:$0x3FA8];
	_ =	sdelay $0x3  }
0x36: {  	p1 =	seq.s32 s10, $0x1;
	s10 =	sld [smem:$0x3FA9];
	_ =	sdelay $0x3  }
0x37: {  	[smem:$0x3FA9] =	sst s10  }
0x38: {  	s10 =	sld [smem:$0x3FAA]  }
0x39: {  	_ = 	snop;
	(pc) =	sbr.ind lr, $3  }
0x3a: {  	_ = 	snop  }
0x3b: {  	_ = 	snop  }
0x3c: {  	p2 =	seq.s32 s10, $0x1;
	s10 =	sld [smem:$0x3FA9]  }
0x3d: {  	_ =	shalt  }
0x3e: {  	_ =	shalt  }
0x3f: {  	_ =	shalt  }
0x40: {  	_ =	shalt  }
0x41: {  	_ =	shalt  }
0x42: {  	_ =	shalt  }
0x43: {  	_ =	shalt  }
0x44: {  	_ =	shalt  }
0x45: {  	_ =	shalt  }
0x46: {  	_ =	shalt  }
0x47: {  	_ =	shalt  }
0x48: {  	_ =	shalt  }
0x49: {  	_ =	shalt  }
0x4a: {  	_ =	shalt  }
0x4b: {  	_ =	shalt  }
0x4c: {  	_ =	shalt  }
0x4d: {  	_ =	shalt  }
0x4e: {  	_ =	shalt  }
0x4f: {  	_ =	shalt  }
0x50: {  	_ =	shalt  }
0x51: {  	_ =	shalt  }
0x52: {  	_ =	shalt  }
0x53: {  	_ =	shalt  }
0x54: {  	_ =	shalt  }
0x55: {  	_ =	shalt  }
0x56: {  	_ =	shalt  }
0x57: {  	_ =	shalt  }
0x58: {  	_ =	shalt  }
0x59: {  	_ =	shalt  }
0x5a: {  	_ =	shalt  }
0x5b: {  	_ =	shalt  }
0x5c: {  	_ =	shalt  }
0x5d: {  	_ =	shalt  }
0x5e: {  	_ =	shalt  }
0x5f: {  	_ =	shalt  }
0x60: {  	_ =	shalt  }
0x61: {  	_ =	shalt  }
0x62: {  	_ =	shalt  }
0x63: {  	_ =	shalt  }
0x64: {  	_ =	shalt  }
0x65: {  	_ =	shalt  }
0x66: {  	_ =	shalt  }
0x67: {  	_ =	shalt  }
0x68: {  	_ =	shalt  }
0x69: {  	_ =	shalt  }
0x6a: {  	_ =	shalt  }
0x6b: {  	_ =	shalt  }
0x6c: {  	_ =	shalt  }
0x6d: {  	_ =	shalt  }
0x6e: {  	_ =	shalt  }
0x6f: {  	_ =	shalt  }
0x70: {  	_ =	shalt  }
0x71: {  	_ =	shalt  }
0x72: {  	_ =	shalt  }
0x73: {  	_ =	shalt  }
0x74: {  	_ =	shalt  }
0x75: {  	_ =	shalt  }
0x76: {  	_ =	shalt  }
0x77: {  	_ =	shalt  }
0x78: {  	_ =	shalt  }
0x79: {  	_ =	shalt  }
0x7a: {  	_ =	shalt  }
0x7b: {  	_ =	shalt  }
0x7c: {  	_ =	shalt  }
0x7d: {  	_ =	shalt  }
0x7e: {  	_ =	shalt  }
0x7f: {  	_ =	shalt  }
0x80: {  	_ =	shalt  }
0x81: {  	_ =	shalt  }
0x82: {  	_ =	shalt  }
0x83: {  	_ =	shalt  }
0x84: {  	_ =	shalt  }
0x85: {  	_ =	shalt  }
0x86: {  	_ =	shalt  }
0x87: {  	_ =	shalt  }
.Lfunc_end0:
.L_simem_size_0:
called_computation.5_lowered:
.L_overlay_start_0:
0x88: {  	s2 =	sld [smem:$0x3FD9]  }
0x89: {  	s3 =	sld [smem:$0x3FFE];
	_ =	sdelay $0x1  }
0x8a: {  	s1 =	srdreg.scid  }
0x8b: {  	s0 =	sand.u32 $0x1, s1  }
0x8c: {  	s15 =	sshll.u32 s0, $0xA;
	s2 =	sadd.s32 s3, s2  }
0x8d: {  	s2 =	sadd.s32 s2, s15  }
0x8e: {  	[smem:$0x3FB5] =	sst s2  }
0x8f: {  	_ = 	snop  }
0x90: {  	s2 =	sld [smem:$0x3FD0];
	_ =	sdelay $0x2  }
0x91: {  	s16 =	simm.s32 $0xB;
	s4 =	simm.s32 $0x10  }
0x92: {  	[smem:s4], [sflag:s16] =	dma.local [hbm:s2], $0x1  }
0x93: {  	_ =	swait.eq [sflag:s16], $0x1  }
0x94: {  	[sflag:s16] =	ssyncset.done $0x0  }
0x95: {  	[sflag:s16] =	ssyncadd.s32 $0xFFFFFFFF  }
0x96: {  	s17 =	sld [smem:$0x11];
	(tm) =	ssettm $0x1  }
0x97: {  	s18 =	sld [smem:$0x3FFB];
	_ =	sdelay $0x3  }
0x98: {  	_ =	strace s18  }
0x99: {  	s2 =	sld [smem:$0x3FFC];
	_ =	sdelay $0x3  }
0x9a: {  	_ =	strace s2  }
0x9b: {  	s2 =	sld [smem:$0x3FFD];
	_ =	sdelay $0x3  }
0x9c: {  	_ =	strace s2  }
0x9d: {  	_ =	strace $0x8FFFFFFF  }
0x9e: {  	s19 =	sld [smem:$0x3FDB];
	_ =	sdelay $0x1  }
0x9f: {  	s20 =	simm.s32 $_scs_section_size  }
0xa0: {  	s5 =	simm.s32 $_size__tile_overlayer_lowered;
	s6 =	simm.s32 $_tile_overlayer_lowered  }
0xa1: {  	s7 =	simm.s32 $0x1BFF;
	s21 =	sshll.u32 s6, $0x1;
	s4 =	sadd.s32 s20, s19  }
0xa2: {  	s22 =	simm.s32 $0x0;
	s5 =	sshll.u32 s5, $0x1;
	s6 =	sadd.s32 s21, s4  }
0xa3: {  	[timem:s22], [sflag:s7] =	dma.local [hbm:s6], s5  }
0xa4: {  	_ =	swait.ge [sflag:s7], s5  }
0xa5: {  	s5 =	ssub.s32 $0x0, s5;
	[sflag:s7] =	ssyncset.done $0x0  }
0xa6: {  	[sflag:s7] =	ssyncadd.s32 s5;
	_ =	sdelay $0x1  }
0xa7: {  	s23 =	simm.s32 $0x1B8B  }
0xa8: {  	_ =	swait.ge [sflag:s23], $0x1  }
0xa9: {  	[sflag:s23] =	ssyncset.done $0x0  }
0xaa: {  	[sflag:s23] =	ssyncadd.s32 $0xFFFFFFFF  }
0xab: {  	s5 =	sld [smem:$0x0]  }
0xac: {  	s6 =	sand.u32 $0xFFFFFFFE, s1  }
0xad: {  	p0 =	sne.s32 s1, s6  }
0xae: {  	s6 =	sshll.u32 @p0 s6, $0xE  }
0xaf: {  	s6 =	sadd.s32 @p0 $0x11B8D, s6;
	s7 =	sshll.u32 @p0 s5, $0x11  }
0xb0: {  	s6 =	sor.u32 @p0 s7, s6  }
0xb1: {  	[sflag:s6] =	ssyncadd.remote.s32 @p0 $0x1;
	_ =	sdelay $0x1  }
0xb2: {  	s6 =	simm.s32 @p0 $0x1B8D  }
0xb3: {  	_ =	swait.eq @p0 [sflag:s6], $0x1  }
0xb4: {  	[sflag:s6] =	ssyncadd.s32 @p0 $0xFFFFFFFF  }
0xb5: {  	s7 =	sshll.u32 @!p0 s1, $0xE  }
0xb6: {  	s7 =	sor.u32 @!p0 $0x4000, s7;
	s6 =	simm.s32 @!p0 $0x1B8D  }
0xb7: {  	s5 =	sshll.u32 @!p0 s5, $0x11;
	s7 =	sadd.s32 @!p0 $0x11B8D, s7;
	_ =	swait.eq @!p0 [sflag:s6], $0x1  }
0xb8: {  	s5 =	sor.u32 @!p0 s5, s7;
	[sflag:s6] =	ssyncadd.s32 @!p0 $0xFFFFFFFF  }
0xb9: {  	s25 =	simm.s32 $0x1B8E;
	s24 =	sld [smem:$0x3FFE];
	[sflag:s5] =	ssyncadd.remote.s32 @!p0 $0x1  }
0xba: {  	s26 =	simm.s32 $execute0_lowered;
	[smem:$0x3FD2] =	sst s25  }
0xbb: {  	s6 =	sshll.u32 s26, $0x1;
	_ =	strace $0x80000055;
	[dreg:$0x1] =	wrdreg $0xFFFFFFFF  }
0xbc: {  	s28 =	simm.s32 $_size_execute0_lowered;
	s4 =	sadd.s32 s4, s6;
	[dreg:$0x0] =	wrdreg $0x0  }
0xbd: {  	s6 =	sshll.u32 s28, $0x1;
	[dreg:$0x2] =	wrdreg s4  }
0xbe: {  	[dreg:$0x3] =	wrdreg s6  }
0xbf: {  	[dreg:$0x4] =	wrdreg $0xC0  }
0xc0: {  	_ =	task [dreg:s22], $0x5FFFF  }
0xc1: {  	[dreg:$0x1] =	wrdreg $0xFFFFFFFF  }
0xc2: {  	[dreg:$0x0] =	wrdreg $0x60  }
0xc3: {  	[dreg:$0x2] =	wrdreg s17  }
0xc4: {  	[dreg:$0x3] =	wrdreg s24  }
0xc5: {  	[dreg:$0x4] =	wrdreg $0x9  }
0xc6: {  	_ =	task.clear_ibuf [dreg:s22], $0x5FFFF;
	_ =	strace $0x90000055  }
0xc7: {  	s29 =	simm.s32 $0x9;
	_ =	strace $0x80000057  }
0xc8: {  	_ =	swait.ge [sflag:s29], $0x1  }
0xc9: {  	[sflag:s29] =	ssyncadd.s32 $0xFFFFFFFF  }
0xca: {  	_ =	strace $0x90000057  }
0xcb: {  	_ =	sfence  }
0xcc: {  	s30 =	sld [smem:$0x0];
	_ =	sdelay $0x2  }
0xcd: {  	s31 =	sshll.u32 s1, $0xD;
	s1 =	sshrl.u32 s1, $0x2  }
0xce: {  	s4 =	sand.u32 $0x4000, s31;
	s1 =	sadd.s32 s1, s30  }
0xcf: {  	s0 =	sor.u32 s4, s0;
	s1 =	sshll.u32 s1, $0x11  }
0xd0: {  	s0 =	sor.u32 s1, s0  }
0xd1: {  	s0 =	sadd.s32 $0x8F2B, s0  }
0xd2: {  	[sflag:s0] =	ssyncadd.remote.s32 $0x1  }
0xd3: {  	_ =	sfence.sel $0xFFFF  }
0xd4: {  	[dreg:$0x0] =	wrdreg $0xFFFFFFFF;
	(pc) =	sbr.abs _section_cstart, $3  }
0xd5: {  	[dreg:$0x1] =	wrdreg $0xFFFFFFFF  }
0xd6: {  	_ =	task.clear_ibuf [dreg:s22], $0x2FFFF;
	_ =	strace $0x9FFFFFFF  }
0xd7: {  	(tm) =	ssettm $0x7FFFFFFF  }
tec
execute0_lowered:
.L_overlay_start_1:
0x0: {  	(tag) =	ssettag $0x1  }
0x1: {  	s1 =	srdreg.scid;
	s0 =	stileid.u32  }
0x2: {  	s6 =	sand.u32 $0x1, s1;
	s30 =	sshll.u32 s0, $0x1  }
0x3: {  	s2 =	rddreg [dreg:$0x0];
	s7 =	sor.u32 s6, s30  }
0x4: {  	s8 =	rddreg [dreg:$0x1];
	s4 =	smul.u32 $0x9B0, s7  }
0x5: {  	s3 =	simm.s32 $0x0;
	s1 =	rddreg [dreg:$0x2]  }
0x6: {  	[smem:$0x7FF] =	sst s3;
	s4 =	sshrl.u32 s4, $0x3  }
0x7: {  	_ =	strace $0x80000056;
	s10 =	ssub.s32 $0x2, s6;
	s4 =	sadd.s32 s8, s4  }
0x8: {  	s6 =	simm.s32 $0x9B0;
	s5 =	sadd.s32 $0x32360, s4;
	s4 =	simm.s32 $0x2  }
0x9: {  	[tilespmem:s3], [sflag:$0x2] =	stream.linear.gather [hbm4b:s5+s3], $0x9B0, $0x38;
	[tilespmem:$0x13FB0] =	vst v63  }
0xa: {  	s9 =	smul.u32 $0x26C0, s7;
	s11 =	sshrl.u32 s10, $0x1;
	_ =	swait.ge [sflag:s4], $0x9B0  }
0xb: {  	s7 =	simm.s32 $0x1;
	s31 =	ssub.s32 s10, s11;
	[sflag:s4] =	ssyncset.done $0x0  }
0xc: {  	s8 =	sadd.s32 s9, s8;
	s9 =	smax.u32 s31, $0x1;
	[sflag:s4] =	ssyncadd.s32 $0xFFFFF650  }
0xd: {  	[tilespmem:s6], [sflag:$0x1] =	stream.indirect.gather [hbm4b:s2+s6], $0x20, s3, s6, $0xb8;
	[tilespmem:$0x13FB0] =	vst v63  }
0xe: {  	p0 =	sne.s32 s9, $0x1;
	_ =	swait.ge [sflag:s7], $0x13600  }
.Ltmp0:
0xf: {  	[sflag:s7] =	ssyncset.done $0x0;
	(pc) =	sbr.rel @!p0 .LBB2_2-.Ltmp0, $4  }
0x10: {  	s8 =	sadd.s32 $0x39C00, s8;
	[sflag:s7] =	ssyncadd.s32 $0xFFFECA00  }
0x11: {  	[hbm4b:s8+s3] =	stream.linear.scatter [tilespmem:s6], [sflag:$0x2], $0x13600, $0x38;
	[tilespmem:$0x13FB0] =	vst v63  }
0x12: {  	_ =	swait.ge [sflag:s4], $0x13600  }
0x13: {  	s9 =	sadd.s32 $0xFFFFFFFF, s9;
	[sflag:s4] =	ssyncset.done $0x0  }
.LBB2_1:
0x14: {  	p0 =	sne.s32 s9, $0x1;
	s9 =	sadd.s32 $0xFFFFFFFF, s9;
	[sflag:s4] =	ssyncadd.s32 $0xFFFECA00  }
0x15: {  	[tilespmem:s3], [sflag:$0x2] =	stream.linear.gather [hbm4b:s5+s3], $0x9B0, $0x38;
	[tilespmem:$0x13FB0] =	vst v63  }
0x16: {  	_ =	swait.ge [sflag:s4], $0x9B0  }
0x17: {  	[sflag:s4] =	ssyncset.done $0x0  }
0x18: {  	[sflag:s4] =	ssyncadd.s32 $0xFFFFF650  }
0x19: {  	[tilespmem:s6], [sflag:$0x1] =	stream.indirect.gather [hbm4b:s2+s6], $0x20, s3, s6, $0xb8;
	[tilespmem:$0x13FB0] =	vst v63  }
0x1a: {  	_ =	swait.ge [sflag:s7], $0x13600  }
.Ltmp1:
0x1b: {  	[sflag:s7] =	ssyncset.done $0x0;
	(pc) =	sbr.rel @p0 .LBB2_1-.Ltmp1, $4  }
0x1c: {  	[sflag:s7] =	ssyncadd.s32 $0xFFFECA00  }
0x1d: {  	[hbm4b:s8+s3] =	stream.linear.scatter [tilespmem:s6], [sflag:$0x2], $0x13600, $0x38;
	[tilespmem:$0x13FB0] =	vst v63  }
0x1e: {  	_ =	swait.ge [sflag:s4], $0x13600  }
0x1f: {  	[sflag:s4] =	ssyncset.done $0x0  }
.LBB2_2:
0x20: {  	[sflag:s4] =	ssyncadd.s32 $0xFFFECA00  }
0x21: {  	_ =	sfence.sel $0x180000  }
0x22: {  	[bflag:$0x0] =	sbarrier.arrive $0xFFFF  }
0x23: {  	p0 =	sne.s32 s0, $0x0;
	_ =	strace $0x90000056  }
0x24: {  	s0 =	sadd.s32 @!p0 $0x100000, s1;
	[bflag:$0x2] =	sbarrier.arrive $0xFFFF  }
0x25: {  	[sflag:s0] =	ssyncadd.tile.s32 @!p0 $0x1;
	_ =	shalt  }
.Lfunc_end2:
_tile_overlayer_lowered:
.L_overlay_start_2:
0x26: {  	(tag) =	ssettag $0x2  }
0x27: {  	s0 =	rddreg [dreg:$0x0];
	s2 =	stileid.u32  }
0x28: {  	s1 =	rddreg [dreg:$0x1];
	p0 =	sne.s32 s2, $0x0  }
0x29: {  	s3 =	rddreg [dreg:$0x2];
	[bflag:$0x3] =	sbarrier.arrive $0xFFFF;
	s2 =	simm.s32 @!p0 $0x1C02  }
0x2a: {  	[timem:s3], [sflag:s2] =	dma.local @!p0 [hbm:s0], s1  }
0x2b: {  	s0 =	simm.s32 @!p0 $0x2  }
0x2c: {  	_ =	swait.ge @!p0 [sflag:s0], s1  }
0x2d: {  	s1 =	ssub.s32 @!p0 $0x0, s1;
	[sflag:s0] =	ssyncset.done @!p0 $0x0  }
0x2e: {  	[sflag:s0] =	ssyncadd.s32 @!p0 s1  }
0x2f: {  	[bflag:$0x3] =	sbarrier.arrive $0xFFFF  }
0x30: {  	_ =	shalt  }

// kernel: kernel.43.cloned.1.call-start
scs
__scs_entry_jumppad:
0x0: {  	(pc) =	sbr.rel $0x88, $3  }
0x1: {  	(tag) =	ssettag $0x0;
	lr =	simm.s32 $0x1  }
0x2: {  	[smem:$0x3F8E] =	sst lr;
	_ =	strace $0xD0000000  }
0x3: {  	_ = 	snop  }
0x4: {  	_ = 	snop  }
0x5: {  	_ = 	snop  }
0x6: {  	_ = 	snop  }
0x7: {  	_ = 	snop  }
__scs_overlays_trampoline_lowered:
0x8: {  	[smem:$0x3F9D] =	sst s0  }
0x9: {  	[smem:$0x3F9E] =	sst s1  }
0xa: {  	[smem:$0x3F9F] =	sst s2  }
0xb: {  	[smem:$0x3FA0] =	sst s3  }
0xc: {  	[smem:$0x3FA1] =	sst s4  }
0xd: {  	[smem:$0x3FA2] =	sst s5  }
0xe: {  	[smem:$0x3FA3] =	sst s6  }
0xf: {  	[smem:$0x3FA4] =	sst s7  }
0x10: {  	[smem:$0x3FA5] =	sst s8  }
0x11: {  	[smem:$0x3FA6] =	sst s9;
	s0 =	simm.s32 @!p0 $0x0  }
0x12: {  	s1 =	sld [smem:$0x3F8C];
	s0 =	simm.s32 @p0 $0x1  }
0x13: {  	[smem:$0x3FA7] =	sst s0;
	s0 =	simm.s32 @!p1 $0x0  }
0x14: {  	s2 =	sld [smem:$0x3F8B];
	s0 =	simm.s32 @p1 $0x1  }
0x15: {  	[smem:$0x3FA8] =	sst s0;
	s0 =	simm.s32 @!p2 $0x0  }
0x16: {  	s3 =	sld [smem:$0x3FDB];
	s0 =	simm.s32 @p2 $0x1  }
0x17: {  	s4 =	simm.s32 $0x1BF5;
	[smem:$0x3FAA] =	sst s0  }
0x18: {  	s0 =	sld [smem:$0x3F8D];
	_ =	swait.ge [sflag:s4], $0x0  }
0x19: {  	s7 =	sld [smem:$0x3F8E]  }
0x1a: {  	s8 =	sadd.s32 $0xFFFFE003, lr  }
0x1b: {  	s9 =	sadd.s32 $0xFFFFFEF7, lr;
	s5 =	simm.s32 $0xFFFFFFFF;
	p2 =	slt.u32 s8, $0xFFFFF086  }
0x1c: {  	p1 =	slt.u32 s9, $0xF7A;
	s5 =	simm.s32 @!p2 $0x0  }
0x1d: {  	s5 =	simm.s32 @p1 $0x1;
	p0 =	seq.s32 s7, s2  }
0x1e: {  	s7 =	smul.u32 @!p0 $0xF7A, s2;
	p2 =	seq.s32 @!p0 s5, $0x0  }
0x1f: {  	s9 =	smul.u32 $0xF7A, s1;
	s8 =	simm.s32 @!p0 $0x1BF5;
	p2 =	por !p2, p0  }
0x20: {  	[sflag:s8] =	ssyncset.s32 @!p0 $0xFFFFF086;
	s6 =	sadd.s32 @!p0 s3, s7;
	s7 =	simm.s32 @!p0 $0x108  }
0x21: {  	s3 =	sadd.s32 s3, s9;
	s6 =	sadd.s32 @!p0 $0x88, s6;
	s7 =	simm.s32 @p2 $0x1082  }
0x22: {  	[simem:s7], [sflag:s8] =	dma.local @!p0 [hbm:s6], $0xF7A  }
0x23: {  	s9 =	sor.u32 $0xD0000000, s2;
	s6 =	simm.s32 $0x108;
	_ =	swait.ge @!p0 [sflag:s8], $0x0  }
0x24: {  	s3 =	sadd.s32 $0x88, s3;
	s6 =	simm.s32 @!p1 $0x1082;
	[sflag:s4] =	ssyncset.s32 $0xFFFFF086  }
0x25: {  	[simem:s6], [sflag:s4] =	dma.local [hbm:s3], $0xF7A  }
0x26: {  	[smem:$0x3F8E] =	sst s1;
	(tag) =	ssettag s2;
	_ =	strace s9  }
0x27: {  	s1 =	sld [smem:$0x3F9E]  }
0x28: {  	s2 =	sld [smem:$0x3F9F]  }
0x29: {  	s4 =	sld [smem:$0x3FA1]  }
0x2a: {  	p0 =	seq.s32 s5, $0x0;
	s5 =	sld [smem:$0x3FA2]  }
0x2b: {  	s6 =	sld [smem:$0x3FA3]  }
0x2c: {  	s7 =	sld [smem:$0x3FA4]  }
0x2d: {  	s3 =	simm.s32 $0x108;
	s8 =	sld [smem:$0x3FA5]  }
0x2e: {  	s3 =	simm.s32 @!p0 $0x1082;
	s9 =	sld [smem:$0x3FA6]  }
0x2f: {  	lr =	sadd.s32 s0, s3;
	s0 =	sld [smem:$0x3F9D]  }
0x30: {  	s3 =	sld [smem:$0x3FA0]  }
0x31: {  	[smem:$0x3FA9] =	sst s10  }
0x32: {  	s10 =	sld [smem:$0x3FA7];
	_ =	sdelay $0x3  }
0x33: {  	p0 =	seq.s32 s10, $0x1;
	s10 =	sld [smem:$0x3FA9];
	_ =	sdelay $0x3  }
0x34: {  	[smem:$0x3FA9] =	sst s10  }
0x35: {  	s10 =	sld [smem:$0x3FA8];
	_ =	sdelay $0x3  }
0x36: {  	p1 =	seq.s32 s10, $0x1;
	s10 =	sld [smem:$0x3FA9];
	_ =	sdelay $0x3  }
0x37: {  	[smem:$0x3FA9] =	sst s10  }
0x38: {  	s10 =	sld [smem:$0x3FAA]  }
0x39: {  	_ = 	snop;
	(pc) =	sbr.ind lr, $3  }
0x3a: {  	_ = 	snop  }
0x3b: {  	_ = 	snop  }
0x3c: {  	p2 =	seq.s32 s10, $0x1;
	s10 =	sld [smem:$0x3FA9]  }
0x3d: {  	_ =	shalt  }
0x3e: {  	_ =	shalt  }
0x3f: {  	_ =	shalt  }
0x40: {  	_ =	shalt  }
0x41: {  	_ =	shalt  }
0x42: {  	_ =	shalt  }
0x43: {  	_ =	shalt  }
0x44: {  	_ =	shalt  }
0x45: {  	_ =	shalt  }
0x46: {  	_ =	shalt  }
0x47: {  	_ =	shalt  }
0x48: {  	_ =	shalt  }
0x49: {  	_ =	shalt  }
0x4a: {  	_ =	shalt  }
0x4b: {  	_ =	shalt  }
0x4c: {  	_ =	shalt  }
0x4d: {  	_ =	shalt  }
0x4e: {  	_ =	shalt  }
0x4f: {  	_ =	shalt  }
0x50: {  	_ =	shalt  }
0x51: {  	_ =	shalt  }
0x52: {  	_ =	shalt  }
0x53: {  	_ =	shalt  }
0x54: {  	_ =	shalt  }
0x55: {  	_ =	shalt  }
0x56: {  	_ =	shalt  }
0x57: {  	_ =	shalt  }
0x58: {  	_ =	shalt  }
0x59: {  	_ =	shalt  }
0x5a: {  	_ =	shalt  }
0x5b: {  	_ =	shalt  }
0x5c: {  	_ =	shalt  }
0x5d: {  	_ =	shalt  }
0x5e: {  	_ =	shalt  }
0x5f: {  	_ =	shalt  }
0x60: {  	_ =	shalt  }
0x61: {  	_ =	shalt  }
0x62: {  	_ =	shalt  }
0x63: {  	_ =	shalt  }
0x64: {  	_ =	shalt  }
0x65: {  	_ =	shalt  }
0x66: {  	_ =	shalt  }
0x67: {  	_ =	shalt  }
0x68: {  	_ =	shalt  }
0x69: {  	_ =	shalt  }
0x6a: {  	_ =	shalt  }
0x6b: {  	_ =	shalt  }
0x6c: {  	_ =	shalt  }
0x6d: {  	_ =	shalt  }
0x6e: {  	_ =	shalt  }
0x6f: {  	_ =	shalt  }
0x70: {  	_ =	shalt  }
0x71: {  	_ =	shalt  }
0x72: {  	_ =	shalt  }
0x73: {  	_ =	shalt  }
0x74: {  	_ =	shalt  }
0x75: {  	_ =	shalt  }
0x76: {  	_ =	shalt  }
0x77: {  	_ =	shalt  }
0x78: {  	_ =	shalt  }
0x79: {  	_ =	shalt  }
0x7a: {  	_ =	shalt  }
0x7b: {  	_ =	shalt  }
0x7c: {  	_ =	shalt  }
0x7d: {  	_ =	shalt  }
0x7e: {  	_ =	shalt  }
0x7f: {  	_ =	shalt  }
0x80: {  	_ =	shalt  }
0x81: {  	_ =	shalt  }
0x82: {  	_ =	shalt  }
0x83: {  	_ =	shalt  }
0x84: {  	_ =	shalt  }
0x85: {  	_ =	shalt  }
0x86: {  	_ =	shalt  }
0x87: {  	_ =	shalt  }
.Lfunc_end0:
.L_simem_size_0:
called_computation.6_lowered:
.L_overlay_start_0:
0x88: {  	s2 =	sld [smem:$0x3FD9]  }
0x89: {  	s3 =	sld [smem:$0x3FFE];
	_ =	sdelay $0x1  }
0x8a: {  	s1 =	srdreg.scid  }
0x8b: {  	s0 =	sand.u32 $0x1, s1  }
0x8c: {  	s17 =	sshll.u32 s0, $0xA;
	s2 =	sadd.s32 s3, s2  }
0x8d: {  	s2 =	sadd.s32 s2, s17  }
0x8e: {  	[smem:$0x3FB5] =	sst s2  }
0x8f: {  	_ = 	snop  }
0x90: {  	(tm) =	ssettm $0x1  }
0x91: {  	s18 =	sld [smem:$0x3FFB];
	_ =	sdelay $0x3  }
0x92: {  	_ =	strace s18  }
0x93: {  	s2 =	sld [smem:$0x3FFC];
	_ =	sdelay $0x3  }
0x94: {  	_ =	strace s2  }
0x95: {  	s2 =	sld [smem:$0x3FFD];
	_ =	sdelay $0x3  }
0x96: {  	_ =	strace s2  }
0x97: {  	_ =	strace $0x8FFFFFFF  }
0x98: {  	s19 =	sld [smem:$0x3FDB];
	_ =	sdelay $0x1  }
0x99: {  	s20 =	simm.s32 $_scs_section_size  }
0x9a: {  	s4 =	simm.s32 $_size__tile_overlayer_lowered;
	s5 =	simm.s32 $_tile_overlayer_lowered  }
0x9b: {  	s6 =	simm.s32 $0x1BFF;
	s21 =	sshll.u32 s5, $0x1;
	s3 =	sadd.s32 s20, s19  }
0x9c: {  	s22 =	simm.s32 $0x0;
	s4 =	sshll.u32 s4, $0x1;
	s5 =	sadd.s32 s21, s3  }
0x9d: {  	[timem:s22], [sflag:s6] =	dma.local [hbm:s5], s4  }
0x9e: {  	_ =	swait.ge [sflag:s6], s4  }
0x9f: {  	s4 =	ssub.s32 $0x0, s4;
	[sflag:s6] =	ssyncset.done $0x0  }
0xa0: {  	[sflag:s6] =	ssyncadd.s32 s4;
	_ =	sdelay $0x1  }
0xa1: {  	s23 =	simm.s32 $0x1B8B  }
0xa2: {  	_ =	swait.ge [sflag:s23], $0x1  }
0xa3: {  	[sflag:s23] =	ssyncset.done $0x0  }
0xa4: {  	[sflag:s23] =	ssyncadd.s32 $0xFFFFFFFF  }
0xa5: {  	s4 =	sld [smem:$0x0]  }
0xa6: {  	s5 =	sand.u32 $0xFFFFFFFE, s1  }
0xa7: {  	p0 =	sne.s32 s1, s5  }
0xa8: {  	s5 =	sshll.u32 @p0 s5, $0xE  }
0xa9: {  	s5 =	sadd.s32 @p0 $0x11B8D, s5;
	s6 =	sshll.u32 @p0 s4, $0x11  }
0xaa: {  	s5 =	sor.u32 @p0 s6, s5  }
0xab: {  	[sflag:s5] =	ssyncadd.remote.s32 @p0 $0x1;
	_ =	sdelay $0x1  }
0xac: {  	s5 =	simm.s32 @p0 $0x1B8D  }
0xad: {  	_ =	swait.eq @p0 [sflag:s5], $0x1  }
0xae: {  	[sflag:s5] =	ssyncadd.s32 @p0 $0xFFFFFFFF  }
0xaf: {  	s6 =	sshll.u32 @!p0 s1, $0xE  }
0xb0: {  	s6 =	sor.u32 @!p0 $0x4000, s6;
	s5 =	simm.s32 @!p0 $0x1B8D  }
0xb1: {  	s4 =	sshll.u32 @!p0 s4, $0x11;
	s6 =	sadd.s32 @!p0 $0x11B8D, s6;
	_ =	swait.eq @!p0 [sflag:s5], $0x1  }
0xb2: {  	s4 =	sor.u32 @!p0 s4, s6;
	[sflag:s5] =	ssyncadd.s32 @!p0 $0xFFFFFFFF  }
0xb3: {  	s25 =	simm.s32 $0x1B8E;
	s24 =	sld [smem:$0x3FFE];
	[sflag:s4] =	ssyncadd.remote.s32 @!p0 $0x1  }
0xb4: {  	s26 =	simm.s32 $execute0_lowered;
	[smem:$0x3FD2] =	sst s25  }
0xb5: {  	s5 =	sshll.u32 s26, $0x1;
	_ =	strace $0x80000058;
	[dreg:$0x1] =	wrdreg $0xFFFFFFFF  }
0xb6: {  	s28 =	simm.s32 $_size_execute0_lowered;
	s3 =	sadd.s32 s3, s5;
	[dreg:$0x0] =	wrdreg $0x0  }
0xb7: {  	s5 =	sshll.u32 s28, $0x1;
	[dreg:$0x2] =	wrdreg s3  }
0xb8: {  	[dreg:$0x3] =	wrdreg s5  }
0xb9: {  	[dreg:$0x4] =	wrdreg $0xC0  }
0xba: {  	_ =	task [dreg:s22], $0x5FFFF  }
0xbb: {  	[dreg:$0x1] =	wrdreg $0xFFFFFFFF  }
0xbc: {  	[dreg:$0x0] =	wrdreg $0x60  }
0xbd: {  	[dreg:$0x2] =	wrdreg s24  }
0xbe: {  	[dreg:$0x3] =	wrdreg $0x144D80  }
0xbf: {  	[dreg:$0x4] =	wrdreg $0xA  }
0xc0: {  	_ =	task.clear_ibuf [dreg:s22], $0x5FFFF;
	_ =	strace $0x90000058  }
0xc1: {  	s29 =	simm.s32 $0xA;
	_ =	strace $0x8000005A  }
0xc2: {  	_ =	swait.ge [sflag:s29], $0x1  }
0xc3: {  	[sflag:s29] =	ssyncadd.s32 $0xFFFFFFFF  }
0xc4: {  	_ =	strace $0x9000005A  }
0xc5: {  	_ =	sfence  }
0xc6: {  	s30 =	sld [smem:$0x0];
	_ =	sdelay $0x2  }
0xc7: {  	s31 =	sshll.u32 s1, $0xD;
	s1 =	sshrl.u32 s1, $0x2  }
0xc8: {  	s4 =	sand.u32 $0x4000, s31;
	s1 =	sadd.s32 s1, s30  }
0xc9: {  	s0 =	sor.u32 s4, s0;
	s1 =	sshll.u32 s1, $0x11  }
0xca: {  	s0 =	sor.u32 s1, s0  }
0xcb: {  	s0 =	sadd.s32 $0x8F2B, s0  }
0xcc: {  	[sflag:s0] =	ssyncadd.remote.s32 $0x1  }
0xcd: {  	_ =	sfence.sel $0xFFFF  }
0xce: {  	[dreg:$0x0] =	wrdreg $0xFFFFFFFF;
	(pc) =	sbr.abs _section_cstart, $3  }
0xcf: {  	[dreg:$0x1] =	wrdreg $0xFFFFFFFF  }
0xd0: {  	_ =	task.clear_ibuf [dreg:s22], $0x2FFFF;
	_ =	strace $0x9FFFFFFF  }
0xd1: {  	(tm) =	ssettm $0x7FFFFFFF  }
tec
execute0_lowered:
.L_overlay_start_1:
0x0: {  	(tag) =	ssettag $0x1  }
0x1: {  	s0 =	srdreg.scid;
	s4 =	stileid.u32  }
0x2: {  	s5 =	sand.u32 $0x1, s0;
	s30 =	sshll.u32 s4, $0x1  }
0x3: {  	s6 =	sor.u32 s5, s30;
	s8 =	smul.u32 $0x9C40, s5;
	s5 =	ssub.s32 $0x2, s5  }
0x4: {  	s31 =	sshrl.u32 s5, $0x1  }
0x5: {  	s3 =	rddreg [dreg:$0x0];
	s5 =	ssub.s32 s5, s31  }
0x6: {  	s1 =	rddreg [dreg:$0x1];
	s2 =	simm.s32 $0x0;
	s5 =	smax.u32 s5, $0x1  }
0x7: {  	p1 =	por $0x0, $0x0;
	s7 =	smul.u32 $0x2760, s6;
	s13 =	sadd.s32 $0xFFFFFFFF, s5  }
0x8: {  	s0 =	rddreg [dreg:$0x2];
	s6 =	smul.u32 $0x13B, s6;
	p2 =	sne.s32 s13, $0x0  }
.Ltmp0:
0x9: {  	[smem:$0x7FF] =	sst s2;
	s9 =	sadd.s32 $0x347000, s3;
	(pc) =	sbr.rel @!p2 .LBB2_3-.Ltmp0, $4  }
0xa: {  	p0 =	sne.s32 s4, $0x0;
	_ =	strace $0x80000059;
	s6 =	sadd.s32 s6, s3  }
0xb: {  	s10 =	sadd.s32 s7, s3;
	s3 =	sadd.s32 s8, s3;
	s7 =	sadd.s32 $0x34C00, s6  }
0xc: {  	s4 =	sshrl.u32 @!p0 s1, $0x3;
	s8 =	sadd.s32 $0x3DAE00, s10;
	s3 =	sadd.s32 $0x350E00, s3  }
0xd: {  	s5 =	simm.s32 $0x9D8;
	s10 =	simm.s32 $0x1;
	s6 =	simm.s32 $0x2  }
0xe: {  	s12 =	simm.s32 @!p0 $0x1C02;
	s11 =	simm.s32 @!p0 $0x2  }
0xf: {  	[spmem:s4], [sflag:s12] =	dma.local @!p0 [hbm:s9], $0x9C40  }
0x10: {  	_ =	swait.ge @!p0 [sflag:s11], $0x9C40  }
0x11: {  	[sflag:s11] =	ssyncset.done @!p0 $0x0  }
0x12: {  	[sflag:s11] =	ssyncadd.s32 @!p0 $0xFFFF63C0  }
0x13: {  	[tilespmem:s2], [sflag:$0x1] =	stream.linear.gather [hbm4b:s7+s2], $0x9D8, $0x38;
	[tilespmem:$0x192F8] =	vst v63  }
0x14: {  	_ = 	snop  }
0x15: {  	[tilespmem:s5], [sflag:$0x1] =	stream.linear.gather [hbm4b:s8+s2], $0x13B00, $0x38;
	[tilespmem:$0x192F8] =	vst v63  }
0x16: {  	[bflag:$0x0] =	sbarrier.arrive $0xFFFF  }
0x17: {  	_ =	swait.ge [sflag:s10], $0x9D8  }
0x18: {  	[sflag:s10] =	ssyncset.done $0x0  }
0x19: {  	[sflag:s10] =	ssyncadd.s32 $0xFFFFF628  }
0x1a: {  	_ =	swait.ge [sflag:s10], $0x13B00  }
0x1b: {  	[sflag:s10] =	ssyncset.done $0x0  }
0x1c: {  	[sflag:s10] =	ssyncadd.s32 $0xFFFEC500  }
0x1d: {  	[spmem:s1] =	stream.indirect.scatter.add.f32 [tilespmem:s5], [sflag:$0x2], $0x20, s2, s5, $0xb8;
	[tilespmem:$0x192F8] =	vst v63  }
0x1e: {  	s13 =	sadd.s32 $0xFFFFFFFF, s13;
	_ =	swait.ge [sflag:s6], $0x13B00  }
0x1f: {  	p2 =	sne.s32 s13, $0x0;
	[sflag:s6] =	ssyncset.done $0x0  }
.Ltmp1:
0x20: {  	[sflag:s6] =	ssyncadd.s32 $0xFFFEC500;
	(pc) =	sbr.rel @!p2 .LBB2_3-.Ltmp1, $4  }
0x21: {  	[bflag:$0x0] =	sbarrier.arrive $0xFFFF  }
0x22: {  	[hbm:s3], [sflag:s12] =	dma.local @!p0 [spmem:s4], $0x9C40  }
0x23: {  	_ =	swait.ge @!p0 [sflag:s11], $0x9C40  }
0x24: {  	p1 =	por $0x1, $0x1;
	[sflag:s11] =	ssyncset.done @!p0 $0x0  }
.LBB2_2:
0x25: {  	[sflag:s11] =	ssyncadd.s32 @!p0 $0xFFFF63C0  }
0x26: {  	[spmem:s4], [sflag:s12] =	dma.local @!p0 [hbm:s9], $0x9C40  }
0x27: {  	s13 =	sadd.s32 $0xFFFFFFFF, s13;
	_ =	swait.ge @!p0 [sflag:s11], $0x9C40  }
0x28: {  	p2 =	sne.s32 s13, $0x0;
	[sflag:s11] =	ssyncset.done @!p0 $0x0  }
0x29: {  	[sflag:s11] =	ssyncadd.s32 @!p0 $0xFFFF63C0  }
0x2a: {  	[tilespmem:s2], [sflag:$0x1] =	stream.linear.gather [hbm4b:s7+s2], $0x9D8, $0x38;
	[tilespmem:$0x192F8] =	vst v63  }
0x2b: {  	_ = 	snop  }
0x2c: {  	[tilespmem:s5], [sflag:$0x1] =	stream.linear.gather [hbm4b:s8+s2], $0x13B00, $0x38;
	[tilespmem:$0x192F8] =	vst v63  }
0x2d: {  	[bflag:$0x0] =	sbarrier.arrive $0xFFFF  }
0x2e: {  	_ =	swait.ge [sflag:s10], $0x9D8  }
0x2f: {  	[sflag:s10] =	ssyncset.done $0x0  }
0x30: {  	[sflag:s10] =	ssyncadd.s32 $0xFFFFF628  }
0x31: {  	_ =	swait.ge [sflag:s10], $0x13B00  }
0x32: {  	[sflag:s10] =	ssyncset.done $0x0  }
0x33: {  	[sflag:s10] =	ssyncadd.s32 $0xFFFEC500  }
0x34: {  	[spmem:s1] =	stream.indirect.scatter.add.f32 [tilespmem:s5], [sflag:$0x2], $0x20, s2, s5, $0xb8;
	[tilespmem:$0x192F8] =	vst v63  }
0x35: {  	_ =	swait.ge [sflag:s6], $0x13B00  }
0x36: {  	[sflag:s6] =	ssyncset.done $0x0  }
.Ltmp2:
0x37: {  	[sflag:s6] =	ssyncadd.s32 $0xFFFEC500;
	(pc) =	sbr.rel @p2 .LBB2_2-.Ltmp2, $4  }
0x38: {  	[bflag:$0x0] =	sbarrier.arrive $0xFFFF  }
0x39: {  	[hbm:s3], [sflag:s12] =	dma.local @!p0 [spmem:s4], $0x9C40  }
0x3a: {  	_ =	swait.ge @!p0 [sflag:s11], $0x9C40  }
0x3b: {  	[sflag:s11] =	ssyncset.done @!p0 $0x0  }
.LBB2_3:
0x3c: {  	p1 =	por p0, !p1  }
0x3d: {  	s12 =	simm.s32 @!p0 $0x1C02;
	s13 =	simm.s32 @!p0 $0x2;
	[sflag:s11] =	ssyncadd.s32 @!p1 $0xFFFF63C0  }
0x3e: {  	[spmem:s4], [sflag:s12] =	dma.local @!p0 [hbm:s9], $0x9C40  }
0x3f: {  	_ =	swait.ge @!p0 [sflag:s13], $0x9C40  }
0x40: {  	[sflag:s13] =	ssyncset.done @!p0 $0x0  }
0x41: {  	[sflag:s13] =	ssyncadd.s32 @!p0 $0xFFFF63C0  }
0x42: {  	[tilespmem:s2], [sflag:$0x1] =	stream.linear.gather [hbm4b:s7+s2], $0x9D8, $0x38;
	[tilespmem:$0x192F8] =	vst v63  }
0x43: {  	_ = 	snop  }
0x44: {  	[tilespmem:s5], [sflag:$0x1] =	stream.linear.gather [hbm4b:s8+s2], $0x13B00, $0x38;
	[tilespmem:$0x192F8] =	vst v63  }
0x45: {  	[bflag:$0x0] =	sbarrier.arrive $0xFFFF  }
0x46: {  	_ =	swait.ge [sflag:s10], $0x9D8  }
0x47: {  	[sflag:s10] =	ssyncset.done $0x0  }
0x48: {  	[sflag:s10] =	ssyncadd.s32 $0xFFFFF628  }
0x49: {  	_ =	swait.ge [sflag:s10], $0x13B00  }
0x4a: {  	[sflag:s10] =	ssyncset.done $0x0  }
0x4b: {  	[sflag:s10] =	ssyncadd.s32 $0xFFFEC500  }
0x4c: {  	[spmem:s1] =	stream.indirect.scatter.add.f32 [tilespmem:s5], [sflag:$0x2], $0x20, s2, s5, $0xb8;
	[tilespmem:$0x192F8] =	vst v63  }
0x4d: {  	_ =	swait.ge [sflag:s6], $0x13B00  }
0x4e: {  	[sflag:s6] =	ssyncset.done $0x0  }
0x4f: {  	[sflag:s6] =	ssyncadd.s32 $0xFFFEC500  }
0x50: {  	[bflag:$0x0] =	sbarrier.arrive $0xFFFF  }
0x51: {  	[hbm:s3], [sflag:s12] =	dma.local @!p0 [spmem:s4], $0x9C40  }
0x52: {  	_ =	swait.ge @!p0 [sflag:s13], $0x9C40  }
0x53: {  	[sflag:s13] =	ssyncset.done @!p0 $0x0  }
0x54: {  	[sflag:s13] =	ssyncadd.s32 @!p0 $0xFFFF63C0  }
0x55: {  	_ =	sfence.sel $0x180000  }
0x56: {  	[bflag:$0x0] =	sbarrier.arrive $0xFFFF  }
0x57: {  	_ =	strace $0x90000059  }
0x58: {  	s0 =	sadd.s32 @!p0 $0x100000, s0;
	[bflag:$0x2] =	sbarrier.arrive $0xFFFF  }
0x59: {  	[sflag:s0] =	ssyncadd.tile.s32 @!p0 $0x1;
	_ =	shalt  }
.Lfunc_end2:
_tile_overlayer_lowered:
.L_overlay_start_2:
0x5a: {  	(tag) =	ssettag $0x2  }
0x5b: {  	s0 =	rddreg [dreg:$0x0];
	s2 =	stileid.u32  }
0x5c: {  	s1 =	rddreg [dreg:$0x1];
	p0 =	sne.s32 s2, $0x0  }
0x5d: {  	s3 =	rddreg [dreg:$0x2];
	[bflag:$0x3] =	sbarrier.arrive $0xFFFF;
	s2 =	simm.s32 @!p0 $0x1C02  }
0x5e: {  	[timem:s3], [sflag:s2] =	dma.local @!p0 [hbm:s0], s1  }
0x5f: {  	s0 =	simm.s32 @!p0 $0x2  }
0x60: {  	_ =	swait.ge @!p0 [sflag:s0], s1  }
0x61: {  	s1 =	ssub.s32 @!p0 $0x0, s1;
	[sflag:s0] =	ssyncset.done @!p0 $0x0  }
0x62: {  	[sflag:s0] =	ssyncadd.s32 @!p0 s1  }
0x63: {  	[bflag:$0x3] =	sbarrier.arrive $0xFFFF  }
0x64: {  	_ =	shalt  }

// kernel: kernel.46.cloned.1.call-start
scs
__scs_entry_jumppad:
0x0: {  	(pc) =	sbr.rel $0x88, $3  }
0x1: {  	(tag) =	ssettag $0x0;
	lr =	simm.s32 $0x1  }
0x2: {  	[smem:$0x3F8E] =	sst lr;
	_ =	strace $0xD0000000  }
0x3: {  	_ = 	snop  }
0x4: {  	_ = 	snop  }
0x5: {  	_ = 	snop  }
0x6: {  	_ = 	snop  }
0x7: {  	_ = 	snop  }
__scs_overlays_trampoline_lowered:
0x8: {  	[smem:$0x3F9D] =	sst s0  }
0x9: {  	[smem:$0x3F9E] =	sst s1  }
0xa: {  	[smem:$0x3F9F] =	sst s2  }
0xb: {  	[smem:$0x3FA0] =	sst s3  }
0xc: {  	[smem:$0x3FA1] =	sst s4  }
0xd: {  	[smem:$0x3FA2] =	sst s5  }
0xe: {  	[smem:$0x3FA3] =	sst s6  }
0xf: {  	[smem:$0x3FA4] =	sst s7  }
0x10: {  	[smem:$0x3FA5] =	sst s8  }
0x11: {  	[smem:$0x3FA6] =	sst s9;
	s0 =	simm.s32 @!p0 $0x0  }
0x12: {  	s1 =	sld [smem:$0x3F8C];
	s0 =	simm.s32 @p0 $0x1  }
0x13: {  	[smem:$0x3FA7] =	sst s0;
	s0 =	simm.s32 @!p1 $0x0  }
0x14: {  	s2 =	sld [smem:$0x3F8B];
	s0 =	simm.s32 @p1 $0x1  }
0x15: {  	[smem:$0x3FA8] =	sst s0;
	s0 =	simm.s32 @!p2 $0x0  }
0x16: {  	s3 =	sld [smem:$0x3FDB];
	s0 =	simm.s32 @p2 $0x1  }
0x17: {  	s4 =	simm.s32 $0x1BF5;
	[smem:$0x3FAA] =	sst s0  }
0x18: {  	s0 =	sld [smem:$0x3F8D];
	_ =	swait.ge [sflag:s4], $0x0  }
0x19: {  	s7 =	sld [smem:$0x3F8E]  }
0x1a: {  	s8 =	sadd.s32 $0xFFFFE003, lr  }
0x1b: {  	s9 =	sadd.s32 $0xFFFFFEF7, lr;
	s5 =	simm.s32 $0xFFFFFFFF;
	p2 =	slt.u32 s8, $0xFFFFF086  }
0x1c: {  	p1 =	slt.u32 s9, $0xF7A;
	s5 =	simm.s32 @!p2 $0x0  }
0x1d: {  	s5 =	simm.s32 @p1 $0x1;
	p0 =	seq.s32 s7, s2  }
0x1e: {  	s7 =	smul.u32 @!p0 $0xF7A, s2;
	p2 =	seq.s32 @!p0 s5, $0x0  }
0x1f: {  	s9 =	smul.u32 $0xF7A, s1;
	s8 =	simm.s32 @!p0 $0x1BF5;
	p2 =	por !p2, p0  }
0x20: {  	[sflag:s8] =	ssyncset.s32 @!p0 $0xFFFFF086;
	s6 =	sadd.s32 @!p0 s3, s7;
	s7 =	simm.s32 @!p0 $0x108  }
0x21: {  	s3 =	sadd.s32 s3, s9;
	s6 =	sadd.s32 @!p0 $0x88, s6;
	s7 =	simm.s32 @p2 $0x1082  }
0x22: {  	[simem:s7], [sflag:s8] =	dma.local @!p0 [hbm:s6], $0xF7A  }
0x23: {  	s9 =	sor.u32 $0xD0000000, s2;
	s6 =	simm.s32 $0x108;
	_ =	swait.ge @!p0 [sflag:s8], $0x0  }
0x24: {  	s3 =	sadd.s32 $0x88, s3;
	s6 =	simm.s32 @!p1 $0x1082;
	[sflag:s4] =	ssyncset.s32 $0xFFFFF086  }
0x25: {  	[simem:s6], [sflag:s4] =	dma.local [hbm:s3], $0xF7A  }
0x26: {  	[smem:$0x3F8E] =	sst s1;
	(tag) =	ssettag s2;
	_ =	strace s9  }
0x27: {  	s1 =	sld [smem:$0x3F9E]  }
0x28: {  	s2 =	sld [smem:$0x3F9F]  }
0x29: {  	s4 =	sld [smem:$0x3FA1]  }
0x2a: {  	p0 =	seq.s32 s5, $0x0;
	s5 =	sld [smem:$0x3FA2]  }
0x2b: {  	s6 =	sld [smem:$0x3FA3]  }
0x2c: {  	s7 =	sld [smem:$0x3FA4]  }
0x2d: {  	s3 =	simm.s32 $0x108;
	s8 =	sld [smem:$0x3FA5]  }
0x2e: {  	s3 =	simm.s32 @!p0 $0x1082;
	s9 =	sld [smem:$0x3FA6]  }
0x2f: {  	lr =	sadd.s32 s0, s3;
	s0 =	sld [smem:$0x3F9D]  }
0x30: {  	s3 =	sld [smem:$0x3FA0]  }
0x31: {  	[smem:$0x3FA9] =	sst s10  }
0x32: {  	s10 =	sld [smem:$0x3FA7];
	_ =	sdelay $0x3  }
0x33: {  	p0 =	seq.s32 s10, $0x1;
	s10 =	sld [smem:$0x3FA9];
	_ =	sdelay $0x3  }
0x34: {  	[smem:$0x3FA9] =	sst s10  }
0x35: {  	s10 =	sld [smem:$0x3FA8];
	_ =	sdelay $0x3  }
0x36: {  	p1 =	seq.s32 s10, $0x1;
	s10 =	sld [smem:$0x3FA9];
	_ =	sdelay $0x3  }
0x37: {  	[smem:$0x3FA9] =	sst s10  }
0x38: {  	s10 =	sld [smem:$0x3FAA]  }
0x39: {  	_ = 	snop;
	(pc) =	sbr.ind lr, $3  }
0x3a: {  	_ = 	snop  }
0x3b: {  	_ = 	snop  }
0x3c: {  	p2 =	seq.s32 s10, $0x1;
	s10 =	sld [smem:$0x3FA9]  }
0x3d: {  	_ =	shalt  }
0x3e: {  	_ =	shalt  }
0x3f: {  	_ =	shalt  }
0x40: {  	_ =	shalt  }
0x41: {  	_ =	shalt  }
0x42: {  	_ =	shalt  }
0x43: {  	_ =	shalt  }
0x44: {  	_ =	shalt  }
0x45: {  	_ =	shalt  }
0x46: {  	_ =	shalt  }
0x47: {  	_ =	shalt  }
0x48: {  	_ =	shalt  }
0x49: {  	_ =	shalt  }
0x4a: {  	_ =	shalt  }
0x4b: {  	_ =	shalt  }
0x4c: {  	_ =	shalt  }
0x4d: {  	_ =	shalt  }
0x4e: {  	_ =	shalt  }
0x4f: {  	_ =	shalt  }
0x50: {  	_ =	shalt  }
0x51: {  	_ =	shalt  }
0x52: {  	_ =	shalt  }
0x53: {  	_ =	shalt  }
0x54: {  	_ =	shalt  }
0x55: {  	_ =	shalt  }
0x56: {  	_ =	shalt  }
0x57: {  	_ =	shalt  }
0x58: {  	_ =	shalt  }
0x59: {  	_ =	shalt  }
0x5a: {  	_ =	shalt  }
0x5b: {  	_ =	shalt  }
0x5c: {  	_ =	shalt  }
0x5d: {  	_ =	shalt  }
0x5e: {  	_ =	shalt  }
0x5f: {  	_ =	shalt  }
0x60: {  	_ =	shalt  }
0x61: {  	_ =	shalt  }
0x62: {  	_ =	shalt  }
0x63: {  	_ =	shalt  }
0x64: {  	_ =	shalt  }
0x65: {  	_ =	shalt  }
0x66: {  	_ =	shalt  }
0x67: {  	_ =	shalt  }
0x68: {  	_ =	shalt  }
0x69: {  	_ =	shalt  }
0x6a: {  	_ =	shalt  }
0x6b: {  	_ =	shalt  }
0x6c: {  	_ =	shalt  }
0x6d: {  	_ =	shalt  }
0x6e: {  	_ =	shalt  }
0x6f: {  	_ =	shalt  }
0x70: {  	_ =	shalt  }
0x71: {  	_ =	shalt  }
0x72: {  	_ =	shalt  }
0x73: {  	_ =	shalt  }
0x74: {  	_ =	shalt  }
0x75: {  	_ =	shalt  }
0x76: {  	_ =	shalt  }
0x77: {  	_ =	shalt  }
0x78: {  	_ =	shalt  }
0x79: {  	_ =	shalt  }
0x7a: {  	_ =	shalt  }
0x7b: {  	_ =	shalt  }
0x7c: {  	_ =	shalt  }
0x7d: {  	_ =	shalt  }
0x7e: {  	_ =	shalt  }
0x7f: {  	_ =	shalt  }
0x80: {  	_ =	shalt  }
0x81: {  	_ =	shalt  }
0x82: {  	_ =	shalt  }
0x83: {  	_ =	shalt  }
0x84: {  	_ =	shalt  }
0x85: {  	_ =	shalt  }
0x86: {  	_ =	shalt  }
0x87: {  	_ =	shalt  }
.Lfunc_end0:
.L_simem_size_0:
called_computation.7_lowered:
.L_overlay_start_0:
0x88: {  	s2 =	sld [smem:$0x3FD9]  }
0x89: {  	s3 =	sld [smem:$0x3FFE];
	_ =	sdelay $0x1  }
0x8a: {  	s1 =	srdreg.scid  }
0x8b: {  	s0 =	sand.u32 $0x1, s1  }
0x8c: {  	s17 =	sshll.u32 s0, $0xA;
	s2 =	sadd.s32 s3, s2  }
0x8d: {  	s2 =	sadd.s32 s2, s17  }
0x8e: {  	[smem:$0x3FB5] =	sst s2  }
0x8f: {  	_ = 	snop  }
0x90: {  	(tm) =	ssettm $0x1  }
0x91: {  	s18 =	sld [smem:$0x3FFB];
	_ =	sdelay $0x3  }
0x92: {  	_ =	strace s18  }
0x93: {  	s2 =	sld [smem:$0x3FFC];
	_ =	sdelay $0x3  }
0x94: {  	_ =	strace s2  }
0x95: {  	s2 =	sld [smem:$0x3FFD];
	_ =	sdelay $0x3  }
0x96: {  	_ =	strace s2  }
0x97: {  	_ =	strace $0x8FFFFFFF  }
0x98: {  	s19 =	sld [smem:$0x3FDB];
	_ =	sdelay $0x1  }
0x99: {  	s20 =	simm.s32 $_scs_section_size  }
0x9a: {  	s4 =	simm.s32 $_size__tile_overlayer_lowered;
	s5 =	simm.s32 $_tile_overlayer_lowered  }
0x9b: {  	s6 =	simm.s32 $0x1BFF;
	s21 =	sshll.u32 s5, $0x1;
	s3 =	sadd.s32 s20, s19  }
0x9c: {  	s22 =	simm.s32 $0x0;
	s4 =	sshll.u32 s4, $0x1;
	s5 =	sadd.s32 s21, s3  }
0x9d: {  	[timem:s22], [sflag:s6] =	dma.local [hbm:s5], s4  }
0x9e: {  	_ =	swait.ge [sflag:s6], s4  }
0x9f: {  	s4 =	ssub.s32 $0x0, s4;
	[sflag:s6] =	ssyncset.done $0x0  }
0xa0: {  	[sflag:s6] =	ssyncadd.s32 s4;
	_ =	sdelay $0x1  }
0xa1: {  	s23 =	simm.s32 $0x1B8B  }
0xa2: {  	_ =	swait.ge [sflag:s23], $0x1  }
0xa3: {  	[sflag:s23] =	ssyncset.done $0x0  }
0xa4: {  	[sflag:s23] =	ssyncadd.s32 $0xFFFFFFFF  }
0xa5: {  	s4 =	sld [smem:$0x0]  }
0xa6: {  	s5 =	sand.u32 $0xFFFFFFFE, s1  }
0xa7: {  	p0 =	sne.s32 s1, s5  }
0xa8: {  	s5 =	sshll.u32 @p0 s5, $0xE  }
0xa9: {  	s5 =	sadd.s32 @p0 $0x11B8D, s5;
	s6 =	sshll.u32 @p0 s4, $0x11  }
0xaa: {  	s5 =	sor.u32 @p0 s6, s5  }
0xab: {  	[sflag:s5] =	ssyncadd.remote.s32 @p0 $0x1;
	_ =	sdelay $0x1  }
0xac: {  	s5 =	simm.s32 @p0 $0x1B8D  }
0xad: {  	_ =	swait.eq @p0 [sflag:s5], $0x1  }
0xae: {  	[sflag:s5] =	ssyncadd.s32 @p0 $0xFFFFFFFF  }
0xaf: {  	s6 =	sshll.u32 @!p0 s1, $0xE  }
0xb0: {  	s6 =	sor.u32 @!p0 $0x4000, s6;
	s5 =	simm.s32 @!p0 $0x1B8D  }
0xb1: {  	s4 =	sshll.u32 @!p0 s4, $0x11;
	s6 =	sadd.s32 @!p0 $0x11B8D, s6;
	_ =	swait.eq @!p0 [sflag:s5], $0x1  }
0xb2: {  	s4 =	sor.u32 @!p0 s4, s6;
	[sflag:s5] =	ssyncadd.s32 @!p0 $0xFFFFFFFF  }
0xb3: {  	s25 =	simm.s32 $0x1B8E;
	s24 =	sld [smem:$0x3FFE];
	[sflag:s4] =	ssyncadd.remote.s32 @!p0 $0x1  }
0xb4: {  	s26 =	simm.s32 $execute0_lowered;
	[smem:$0x3FD2] =	sst s25  }
0xb5: {  	s5 =	sshll.u32 s26, $0x1;
	_ =	strace $0x8000005B;
	[dreg:$0x1] =	wrdreg $0xFFFFFFFF  }
0xb6: {  	s28 =	simm.s32 $_size_execute0_lowered;
	s3 =	sadd.s32 s3, s5;
	[dreg:$0x0] =	wrdreg $0x0  }
0xb7: {  	s5 =	sshll.u32 s28, $0x1;
	[dreg:$0x2] =	wrdreg s3  }
0xb8: {  	[dreg:$0x3] =	wrdreg s5  }
0xb9: {  	[dreg:$0x4] =	wrdreg $0xC0  }
0xba: {  	_ =	task [dreg:s22], $0x5FFFF  }
0xbb: {  	[dreg:$0x1] =	wrdreg $0xFFFFFFFF  }
0xbc: {  	[dreg:$0x0] =	wrdreg $0x60  }
0xbd: {  	[dreg:$0x2] =	wrdreg s24  }
0xbe: {  	[dreg:$0x3] =	wrdreg $0x13FB00  }
0xbf: {  	[dreg:$0x4] =	wrdreg $0x9  }
0xc0: {  	_ =	task.clear_ibuf [dreg:s22], $0x5FFFF;
	_ =	strace $0x9000005B  }
0xc1: {  	s29 =	simm.s32 $0x9;
	_ =	strace $0x8000005D  }
0xc2: {  	_ =	swait.ge [sflag:s29], $0x1  }
0xc3: {  	[sflag:s29] =	ssyncadd.s32 $0xFFFFFFFF  }
0xc4: {  	_ =	strace $0x9000005D  }
0xc5: {  	_ =	sfence  }
0xc6: {  	s30 =	sld [smem:$0x0];
	_ =	sdelay $0x2  }
0xc7: {  	s31 =	sshll.u32 s1, $0xD;
	s1 =	sshrl.u32 s1, $0x2  }
0xc8: {  	s4 =	sand.u32 $0x4000, s31;
	s1 =	sadd.s32 s1, s30  }
0xc9: {  	s0 =	sor.u32 s4, s0;
	s1 =	sshll.u32 s1, $0x11  }
0xca: {  	s0 =	sor.u32 s1, s0  }
0xcb: {  	s0 =	sadd.s32 $0x8F2B, s0  }
0xcc: {  	[sflag:s0] =	ssyncadd.remote.s32 $0x1  }
0xcd: {  	_ =	sfence.sel $0xFFFF  }
0xce: {  	[dreg:$0x0] =	wrdreg $0xFFFFFFFF;
	(pc) =	sbr.abs _section_cstart, $3  }
0xcf: {  	[dreg:$0x1] =	wrdreg $0xFFFFFFFF  }
0xd0: {  	_ =	task.clear_ibuf [dreg:s22], $0x2FFFF;
	_ =	strace $0x9FFFFFFF  }
0xd1: {  	(tm) =	ssettm $0x7FFFFFFF  }
tec
execute0_lowered:
.L_overlay_start_1:
0x0: {  	(tag) =	ssettag $0x1  }
0x1: {  	s0 =	srdreg.scid  }
0x2: {  	s5 =	sand.u32 $0x1, s0  }
0x3: {  	s3 =	rddreg [dreg:$0x0];
	s4 =	stileid.u32;
	s9 =	ssub.s32 $0x2, s5  }
0x4: {  	s1 =	rddreg [dreg:$0x1];
	s2 =	simm.s32 $0x0;
	s10 =	sshrl.u32 s9, $0x1  }
0x5: {  	p1 =	por $0x0, $0x0;
	s6 =	sshll.u32 s4, $0x1;
	s10 =	ssub.s32 s9, s10  }
0x6: {  	s6 =	sor.u32 s5, s6;
	s8 =	smul.u32 $0x9C40, s5;
	s31 =	smax.u32 s10, $0x1  }
0x7: {  	s0 =	rddreg [dreg:$0x2];
	s7 =	smul.u32 $0x26C0, s6;
	s13 =	sadd.s32 $0xFFFFFFFF, s31  }
0x8: {  	[smem:$0x7FF] =	sst s2;
	s6 =	smul.u32 $0x9B0, s6;
	p2 =	sne.s32 s13, $0x0  }
.Ltmp0:
0x9: {  	p0 =	sne.s32 s4, $0x0;
	_ =	strace $0x8000005C;
	(pc) =	sbr.rel @!p2 .LBB2_3-.Ltmp0, $4  }
0xa: {  	s5 =	sadd.s32 $0x347000, s3;
	s4 =	sshrl.u32 @!p0 s1, $0x3;
	s11 =	sadd.s32 s8, s3  }
0xb: {  	s7 =	sadd.s32 s7, s3;
	s6 =	sshrl.u32 s6, $0x3;
	s10 =	simm.s32 $0x1  }
0xc: {  	s3 =	sadd.s32 s3, s6;
	s9 =	sadd.s32 $0x39C00, s7;
	s6 =	simm.s32 $0x9B0  }
0xd: {  	s7 =	simm.s32 $0x2;
	s8 =	sadd.s32 $0x37360, s3;
	s3 =	sadd.s32 $0xAF000, s11  }
0xe: {  	s12 =	simm.s32 @!p0 $0x1C02;
	s11 =	simm.s32 @!p0 $0x2  }
0xf: {  	[spmem:s4], [sflag:s12] =	dma.local @!p0 [hbm:s5], $0x9C40  }
0x10: {  	_ =	swait.ge @!p0 [sflag:s11], $0x9C40  }
0x11: {  	[sflag:s11] =	ssyncset.done @!p0 $0x0  }
0x12: {  	[sflag:s11] =	ssyncadd.s32 @!p0 $0xFFFF63C0  }
0x13: {  	[tilespmem:s2], [sflag:$0x1] =	stream.linear.gather [hbm4b:s8+s2], $0x9B0, $0x38;
	[tilespmem:$0x18DD0] =	vst v63  }
0x14: {  	_ = 	snop  }
0x15: {  	[tilespmem:s6], [sflag:$0x1] =	stream.linear.gather [hbm4b:s9+s2], $0x13600, $0x38;
	[tilespmem:$0x18DD0] =	vst v63  }
0x16: {  	[bflag:$0x0] =	sbarrier.arrive $0xFFFF  }
0x17: {  	_ =	swait.ge [sflag:s10], $0x9B0  }
0x18: {  	[sflag:s10] =	ssyncset.done $0x0  }
0x19: {  	[sflag:s10] =	ssyncadd.s32 $0xFFFFF650  }
0x1a: {  	_ =	swait.ge [sflag:s10], $0x13600  }
0x1b: {  	[sflag:s10] =	ssyncset.done $0x0  }
0x1c: {  	[sflag:s10] =	ssyncadd.s32 $0xFFFECA00  }
0x1d: {  	[spmem:s1] =	stream.indirect.scatter.add.f32 [tilespmem:s6], [sflag:$0x2], $0x20, s2, s6, $0xb8;
	[tilespmem:$0x18DD0] =	vst v63  }
0x1e: {  	s13 =	sadd.s32 $0xFFFFFFFF, s13;
	_ =	swait.ge [sflag:s7], $0x13600  }
0x1f: {  	p2 =	sne.s32 s13, $0x0;
	[sflag:s7] =	ssyncset.done $0x0  }
.Ltmp1:
0x20: {  	[sflag:s7] =	ssyncadd.s32 $0xFFFECA00;
	(pc) =	sbr.rel @!p2 .LBB2_3-.Ltmp1, $4  }
0x21: {  	[bflag:$0x0] =	sbarrier.arrive $0xFFFF  }
0x22: {  	[hbm:s3], [sflag:s12] =	dma.local @!p0 [spmem:s4], $0x9C40  }
0x23: {  	_ =	swait.ge @!p0 [sflag:s11], $0x9C40  }
0x24: {  	p1 =	por $0x1, $0x1;
	[sflag:s11] =	ssyncset.done @!p0 $0x0  }
.LBB2_2:
0x25: {  	[sflag:s11] =	ssyncadd.s32 @!p0 $0xFFFF63C0  }
0x26: {  	[spmem:s4], [sflag:s12] =	dma.local @!p0 [hbm:s5], $0x9C40  }
0x27: {  	s13 =	sadd.s32 $0xFFFFFFFF, s13;
	_ =	swait.ge @!p0 [sflag:s11], $0x9C40  }
0x28: {  	p2 =	sne.s32 s13, $0x0;
	[sflag:s11] =	ssyncset.done @!p0 $0x0  }
0x29: {  	[sflag:s11] =	ssyncadd.s32 @!p0 $0xFFFF63C0  }
0x2a: {  	[tilespmem:s2], [sflag:$0x1] =	stream.linear.gather [hbm4b:s8+s2], $0x9B0, $0x38;
	[tilespmem:$0x18DD0] =	vst v63  }
0x2b: {  	_ = 	snop  }
0x2c: {  	[tilespmem:s6], [sflag:$0x1] =	stream.linear.gather [hbm4b:s9+s2], $0x13600, $0x38;
	[tilespmem:$0x18DD0] =	vst v63  }
0x2d: {  	[bflag:$0x0] =	sbarrier.arrive $0xFFFF  }
0x2e: {  	_ =	swait.ge [sflag:s10], $0x9B0  }
0x2f: {  	[sflag:s10] =	ssyncset.done $0x0  }
0x30: {  	[sflag:s10] =	ssyncadd.s32 $0xFFFFF650  }
0x31: {  	_ =	swait.ge [sflag:s10], $0x13600  }
0x32: {  	[sflag:s10] =	ssyncset.done $0x0  }
0x33: {  	[sflag:s10] =	ssyncadd.s32 $0xFFFECA00  }
0x34: {  	[spmem:s1] =	stream.indirect.scatter.add.f32 [tilespmem:s6], [sflag:$0x2], $0x20, s2, s6, $0xb8;
	[tilespmem:$0x18DD0] =	vst v63  }
0x35: {  	_ =	swait.ge [sflag:s7], $0x13600  }
0x36: {  	[sflag:s7] =	ssyncset.done $0x0  }
.Ltmp2:
0x37: {  	[sflag:s7] =	ssyncadd.s32 $0xFFFECA00;
	(pc) =	sbr.rel @p2 .LBB2_2-.Ltmp2, $4  }
0x38: {  	[bflag:$0x0] =	sbarrier.arrive $0xFFFF  }
0x39: {  	[hbm:s3], [sflag:s12] =	dma.local @!p0 [spmem:s4], $0x9C40  }
0x3a: {  	_ =	swait.ge @!p0 [sflag:s11], $0x9C40  }
0x3b: {  	[sflag:s11] =	ssyncset.done @!p0 $0x0  }
.LBB2_3:
0x3c: {  	p1 =	por p0, !p1  }
0x3d: {  	s12 =	simm.s32 @!p0 $0x1C02;
	s13 =	simm.s32 @!p0 $0x2;
	[sflag:s11] =	ssyncadd.s32 @!p1 $0xFFFF63C0  }
0x3e: {  	[spmem:s4], [sflag:s12] =	dma.local @!p0 [hbm:s5], $0x9C40  }
0x3f: {  	_ =	swait.ge @!p0 [sflag:s13], $0x9C40  }
0x40: {  	[sflag:s13] =	ssyncset.done @!p0 $0x0  }
0x41: {  	[sflag:s13] =	ssyncadd.s32 @!p0 $0xFFFF63C0  }
0x42: {  	[tilespmem:s2], [sflag:$0x1] =	stream.linear.gather [hbm4b:s8+s2], $0x9B0, $0x38;
	[tilespmem:$0x18DD0] =	vst v63  }
0x43: {  	_ = 	snop  }
0x44: {  	[tilespmem:s6], [sflag:$0x1] =	stream.linear.gather [hbm4b:s9+s2], $0x13600, $0x38;
	[tilespmem:$0x18DD0] =	vst v63  }
0x45: {  	[bflag:$0x0] =	sbarrier.arrive $0xFFFF  }
0x46: {  	_ =	swait.ge [sflag:s10], $0x9B0  }
0x47: {  	[sflag:s10] =	ssyncset.done $0x0  }
0x48: {  	[sflag:s10] =	ssyncadd.s32 $0xFFFFF650  }
0x49: {  	_ =	swait.ge [sflag:s10], $0x13600  }
0x4a: {  	[sflag:s10] =	ssyncset.done $0x0  }
0x4b: {  	[sflag:s10] =	ssyncadd.s32 $0xFFFECA00  }
0x4c: {  	[spmem:s1] =	stream.indirect.scatter.add.f32 [tilespmem:s6], [sflag:$0x2], $0x20, s2, s6, $0xb8;
	[tilespmem:$0x18DD0] =	vst v63  }
0x4d: {  	_ =	swait.ge [sflag:s7], $0x13600  }
0x4e: {  	[sflag:s7] =	ssyncset.done $0x0  }
0x4f: {  	[sflag:s7] =	ssyncadd.s32 $0xFFFECA00  }
0x50: {  	[bflag:$0x0] =	sbarrier.arrive $0xFFFF  }
0x51: {  	[hbm:s3], [sflag:s12] =	dma.local @!p0 [spmem:s4], $0x9C40  }
0x52: {  	_ =	swait.ge @!p0 [sflag:s13], $0x9C40  }
0x53: {  	[sflag:s13] =	ssyncset.done @!p0 $0x0  }
0x54: {  	[sflag:s13] =	ssyncadd.s32 @!p0 $0xFFFF63C0  }
0x55: {  	_ =	sfence.sel $0x180000  }
0x56: {  	[bflag:$0x0] =	sbarrier.arrive $0xFFFF  }
0x57: {  	_ =	strace $0x9000005C  }
0x58: {  	s0 =	sadd.s32 @!p0 $0x100000, s0;
	[bflag:$0x2] =	sbarrier.arrive $0xFFFF  }
0x59: {  	[sflag:s0] =	ssyncadd.tile.s32 @!p0 $0x1;
	_ =	shalt  }
.Lfunc_end2:
_tile_overlayer_lowered:
.L_overlay_start_2:
0x5a: {  	(tag) =	ssettag $0x2  }
0x5b: {  	s0 =	rddreg [dreg:$0x0];
	s2 =	stileid.u32  }
0x5c: {  	s1 =	rddreg [dreg:$0x1];
	p0 =	sne.s32 s2, $0x0  }
0x5d: {  	s3 =	rddreg [dreg:$0x2];
	[bflag:$0x3] =	sbarrier.arrive $0xFFFF;
	s2 =	simm.s32 @!p0 $0x1C02  }
0x5e: {  	[timem:s3], [sflag:s2] =	dma.local @!p0 [hbm:s0], s1  }
0x5f: {  	s0 =	simm.s32 @!p0 $0x2  }
0x60: {  	_ =	swait.ge @!p0 [sflag:s0], s1  }
0x61: {  	s1 =	ssub.s32 @!p0 $0x0, s1;
	[sflag:s0] =	ssyncset.done @!p0 $0x0  }
0x62: {  	[sflag:s0] =	ssyncadd.s32 @!p0 s1  }
0x63: {  	[bflag:$0x3] =	sbarrier.arrive $0xFFFF  }
0x64: {  	_ =	shalt  }

// kernel: kernel.49.cloned.1.call-start
scs
__scs_entry_jumppad:
0x0: {  	(pc) =	sbr.rel $0x88, $3  }
0x1: {  	(tag) =	ssettag $0x0;
	lr =	simm.s32 $0x1  }
0x2: {  	[smem:$0x3F8E] =	sst lr;
	_ =	strace $0xD0000000  }
0x3: {  	_ = 	snop  }
0x4: {  	_ = 	snop  }
0x5: {  	_ = 	snop  }
0x6: {  	_ = 	snop  }
0x7: {  	_ = 	snop  }
__scs_overlays_trampoline_lowered:
0x8: {  	[smem:$0x3F9D] =	sst s0  }
0x9: {  	[smem:$0x3F9E] =	sst s1  }
0xa: {  	[smem:$0x3F9F] =	sst s2  }
0xb: {  	[smem:$0x3FA0] =	sst s3  }
0xc: {  	[smem:$0x3FA1] =	sst s4  }
0xd: {  	[smem:$0x3FA2] =	sst s5  }
0xe: {  	[smem:$0x3FA3] =	sst s6  }
0xf: {  	[smem:$0x3FA4] =	sst s7  }
0x10: {  	[smem:$0x3FA5] =	sst s8  }
0x11: {  	[smem:$0x3FA6] =	sst s9;
	s0 =	simm.s32 @!p0 $0x0  }
0x12: {  	s1 =	sld [smem:$0x3F8C];
	s0 =	simm.s32 @p0 $0x1  }
0x13: {  	[smem:$0x3FA7] =	sst s0;
	s0 =	simm.s32 @!p1 $0x0  }
0x14: {  	s2 =	sld [smem:$0x3F8B];
	s0 =	simm.s32 @p1 $0x1  }
0x15: {  	[smem:$0x3FA8] =	sst s0;
	s0 =	simm.s32 @!p2 $0x0  }
0x16: {  	s3 =	sld [smem:$0x3FDB];
	s0 =	simm.s32 @p2 $0x1  }
0x17: {  	s4 =	simm.s32 $0x1BF5;
	[smem:$0x3FAA] =	sst s0  }
0x18: {  	s0 =	sld [smem:$0x3F8D];
	_ =	swait.ge [sflag:s4], $0x0  }
0x19: {  	s7 =	sld [smem:$0x3F8E]  }
0x1a: {  	s8 =	sadd.s32 $0xFFFFE003, lr  }
0x1b: {  	s9 =	sadd.s32 $0xFFFFFEF7, lr;
	s5 =	simm.s32 $0xFFFFFFFF;
	p2 =	slt.u32 s8, $0xFFFFF086  }
0x1c: {  	p1 =	slt.u32 s9, $0xF7A;
	s5 =	simm.s32 @!p2 $0x0  }
0x1d: {  	s5 =	simm.s32 @p1 $0x1;
	p0 =	seq.s32 s7, s2  }
0x1e: {  	s7 =	smul.u32 @!p0 $0xF7A, s2;
	p2 =	seq.s32 @!p0 s5, $0x0  }
0x1f: {  	s9 =	smul.u32 $0xF7A, s1;
	s8 =	simm.s32 @!p0 $0x1BF5;
	p2 =	por !p2, p0  }
0x20: {  	[sflag:s8] =	ssyncset.s32 @!p0 $0xFFFFF086;
	s6 =	sadd.s32 @!p0 s3, s7;
	s7 =	simm.s32 @!p0 $0x108  }
0x21: {  	s3 =	sadd.s32 s3, s9;
	s6 =	sadd.s32 @!p0 $0x88, s6;
	s7 =	simm.s32 @p2 $0x1082  }
0x22: {  	[simem:s7], [sflag:s8] =	dma.local @!p0 [hbm:s6], $0xF7A  }
0x23: {  	s9 =	sor.u32 $0xD0000000, s2;
	s6 =	simm.s32 $0x108;
	_ =	swait.ge @!p0 [sflag:s8], $0x0  }
0x24: {  	s3 =	sadd.s32 $0x88, s3;
	s6 =	simm.s32 @!p1 $0x1082;
	[sflag:s4] =	ssyncset.s32 $0xFFFFF086  }
0x25: {  	[simem:s6], [sflag:s4] =	dma.local [hbm:s3], $0xF7A  }
0x26: {  	[smem:$0x3F8E] =	sst s1;
	(tag) =	ssettag s2;
	_ =	strace s9  }
0x27: {  	s1 =	sld [smem:$0x3F9E]  }
0x28: {  	s2 =	sld [smem:$0x3F9F]  }
0x29: {  	s4 =	sld [smem:$0x3FA1]  }
0x2a: {  	p0 =	seq.s32 s5, $0x0;
	s5 =	sld [smem:$0x3FA2]  }
0x2b: {  	s6 =	sld [smem:$0x3FA3]  }
0x2c: {  	s7 =	sld [smem:$0x3FA4]  }
0x2d: {  	s3 =	simm.s32 $0x108;
	s8 =	sld [smem:$0x3FA5]  }
0x2e: {  	s3 =	simm.s32 @!p0 $0x1082;
	s9 =	sld [smem:$0x3FA6]  }
0x2f: {  	lr =	sadd.s32 s0, s3;
	s0 =	sld [smem:$0x3F9D]  }
0x30: {  	s3 =	sld [smem:$0x3FA0]  }
0x31: {  	[smem:$0x3FA9] =	sst s10  }
0x32: {  	s10 =	sld [smem:$0x3FA7];
	_ =	sdelay $0x3  }
0x33: {  	p0 =	seq.s32 s10, $0x1;
	s10 =	sld [smem:$0x3FA9];
	_ =	sdelay $0x3  }
0x34: {  	[smem:$0x3FA9] =	sst s10  }
0x35: {  	s10 =	sld [smem:$0x3FA8];
	_ =	sdelay $0x3  }
0x36: {  	p1 =	seq.s32 s10, $0x1;
	s10 =	sld [smem:$0x3FA9];
	_ =	sdelay $0x3  }
0x37: {  	[smem:$0x3FA9] =	sst s10  }
0x38: {  	s10 =	sld [smem:$0x3FAA]  }
0x39: {  	_ = 	snop;
	(pc) =	sbr.ind lr, $3  }
0x3a: {  	_ = 	snop  }
0x3b: {  	_ = 	snop  }
0x3c: {  	p2 =	seq.s32 s10, $0x1;
	s10 =	sld [smem:$0x3FA9]  }
0x3d: {  	_ =	shalt  }
0x3e: {  	_ =	shalt  }
0x3f: {  	_ =	shalt  }
0x40: {  	_ =	shalt  }
0x41: {  	_ =	shalt  }
0x42: {  	_ =	shalt  }
0x43: {  	_ =	shalt  }
0x44: {  	_ =	shalt  }
0x45: {  	_ =	shalt  }
0x46: {  	_ =	shalt  }
0x47: {  	_ =	shalt  }
0x48: {  	_ =	shalt  }
0x49: {  	_ =	shalt  }
0x4a: {  	_ =	shalt  }
0x4b: {  	_ =	shalt  }
0x4c: {  	_ =	shalt  }
0x4d: {  	_ =	shalt  }
0x4e: {  	_ =	shalt  }
0x4f: {  	_ =	shalt  }
0x50: {  	_ =	shalt  }
0x51: {  	_ =	shalt  }
0x52: {  	_ =	shalt  }
0x53: {  	_ =	shalt  }
0x54: {  	_ =	shalt  }
0x55: {  	_ =	shalt  }
0x56: {  	_ =	shalt  }
0x57: {  	_ =	shalt  }
0x58: {  	_ =	shalt  }
0x59: {  	_ =	shalt  }
0x5a: {  	_ =	shalt  }
0x5b: {  	_ =	shalt  }
0x5c: {  	_ =	shalt  }
0x5d: {  	_ =	shalt  }
0x5e: {  	_ =	shalt  }
0x5f: {  	_ =	shalt  }
0x60: {  	_ =	shalt  }
0x61: {  	_ =	shalt  }
0x62: {  	_ =	shalt  }
0x63: {  	_ =	shalt  }
0x64: {  	_ =	shalt  }
0x65: {  	_ =	shalt  }
0x66: {  	_ =	shalt  }
0x67: {  	_ =	shalt  }
0x68: {  	_ =	shalt  }
0x69: {  	_ =	shalt  }
0x6a: {  	_ =	shalt  }
0x6b: {  	_ =	shalt  }
0x6c: {  	_ =	shalt  }
0x6d: {  	_ =	shalt  }
0x6e: {  	_ =	shalt  }
0x6f: {  	_ =	shalt  }
0x70: {  	_ =	shalt  }
0x71: {  	_ =	shalt  }
0x72: {  	_ =	shalt  }
0x73: {  	_ =	shalt  }
0x74: {  	_ =	shalt  }
0x75: {  	_ =	shalt  }
0x76: {  	_ =	shalt  }
0x77: {  	_ =	shalt  }
0x78: {  	_ =	shalt  }
0x79: {  	_ =	shalt  }
0x7a: {  	_ =	shalt  }
0x7b: {  	_ =	shalt  }
0x7c: {  	_ =	shalt  }
0x7d: {  	_ =	shalt  }
0x7e: {  	_ =	shalt  }
0x7f: {  	_ =	shalt  }
0x80: {  	_ =	shalt  }
0x81: {  	_ =	shalt  }
0x82: {  	_ =	shalt  }
0x83: {  	_ =	shalt  }
0x84: {  	_ =	shalt  }
0x85: {  	_ =	shalt  }
0x86: {  	_ =	shalt  }
0x87: {  	_ =	shalt  }
.Lfunc_end0:
.L_simem_size_0:
called_computation.8_lowered:
.L_overlay_start_0:
0x88: {  	s2 =	sld [smem:$0x3FD9]  }
0x89: {  	s3 =	sld [smem:$0x3FFE];
	_ =	sdelay $0x1  }
0x8a: {  	s1 =	srdreg.scid  }
0x8b: {  	s0 =	sand.u32 $0x1, s1  }
0x8c: {  	s14 =	sshll.u32 s0, $0xA;
	s2 =	sadd.s32 s3, s2  }
0x8d: {  	s2 =	sadd.s32 s2, s14  }
0x8e: {  	[smem:$0x3FB5] =	sst s2  }
0x8f: {  	_ = 	snop  }
0x90: {  	s2 =	sld [smem:$0x3FD0];
	_ =	sdelay $0x2  }
0x91: {  	s15 =	simm.s32 $0xB;
	s4 =	simm.s32 $0x10  }
0x92: {  	[smem:s4], [sflag:s15] =	dma.local [hbm:s2], $0x1  }
0x93: {  	_ =	swait.eq [sflag:s15], $0x1  }
0x94: {  	[sflag:s15] =	ssyncset.done $0x0  }
0x95: {  	[sflag:s15] =	ssyncadd.s32 $0xFFFFFFFF  }
0x96: {  	s16 =	sld [smem:$0x11];
	(tm) =	ssettm $0x1  }
0x97: {  	s17 =	sld [smem:$0x3FFB];
	_ =	sdelay $0x3  }
0x98: {  	_ =	strace s17  }
0x99: {  	s3 =	sld [smem:$0x3FFC];
	_ =	sdelay $0x3  }
0x9a: {  	_ =	strace s3  }
0x9b: {  	s3 =	sld [smem:$0x3FFD];
	_ =	sdelay $0x3  }
0x9c: {  	_ =	strace s3  }
0x9d: {  	_ =	strace $0x8FFFFFFF  }
0x9e: {  	s18 =	sld [smem:$0x3FDB];
	_ =	sdelay $0x1  }
0x9f: {  	s19 =	simm.s32 $_scs_section_size  }
0xa0: {  	s5 =	simm.s32 $_size__tile_overlayer_lowered;
	s6 =	simm.s32 $_tile_overlayer_lowered  }
0xa1: {  	s22 =	simm.s32 $0x1BFF;
	s21 =	sshll.u32 s6, $0x1;
	s3 =	sadd.s32 s19, s18  }
0xa2: {  	s7 =	simm.s32 $0x0;
	s20 =	sshll.u32 s5, $0x1;
	s5 =	sadd.s32 s21, s3  }
0xa3: {  	[timem:s7], [sflag:s22] =	dma.local [hbm:s5], s20  }
0xa4: {  	_ =	swait.ge [sflag:s22], s20  }
0xa5: {  	s4 =	ssub.s32 $0x0, s20;
	[sflag:s22] =	ssyncset.done $0x0  }
0xa6: {  	[sflag:s22] =	ssyncadd.s32 s4;
	_ =	sdelay $0x1  }
0xa7: {  	s23 =	simm.s32 $0x1B8B  }
0xa8: {  	_ =	swait.ge [sflag:s23], $0x1  }
0xa9: {  	[sflag:s23] =	ssyncset.done $0x0  }
0xaa: {  	s25 =	simm.s32 $0x1B8E;
	s24 =	sld [smem:$0x3FFE];
	[sflag:s23] =	ssyncadd.s32 $0xFFFFFFFF  }
0xab: {  	s26 =	simm.s32 $execute0_lowered;
	[smem:$0x3FD2] =	sst s25  }
0xac: {  	s5 =	sshll.u32 s26, $0x1;
	_ =	strace $0x8000005E;
	[dreg:$0x1] =	wrdreg $0xFFFFFFFF  }
0xad: {  	s28 =	simm.s32 $_size_execute0_lowered;
	s3 =	sadd.s32 s3, s5;
	[dreg:$0x0] =	wrdreg $0x0  }
0xae: {  	s5 =	sshll.u32 s28, $0x1;
	[dreg:$0x2] =	wrdreg s3  }
0xaf: {  	[dreg:$0x3] =	wrdreg s5  }
0xb0: {  	[dreg:$0x4] =	wrdreg $0xC0  }
0xb1: {  	_ =	task [dreg:s7], $0x5FFFF  }
0xb2: {  	[dreg:$0x1] =	wrdreg $0xFFFFFFFF  }
0xb3: {  	[dreg:$0x0] =	wrdreg $0x60  }
0xb4: {  	[dreg:$0x2] =	wrdreg s16  }
0xb5: {  	[dreg:$0x3] =	wrdreg s24  }
0xb6: {  	[dreg:$0x4] =	wrdreg $0xA  }
0xb7: {  	_ =	task.clear_ibuf [dreg:s7], $0x5FFFF;
	_ =	strace $0x9000005E  }
0xb8: {  	s29 =	simm.s32 $0xA;
	_ =	strace $0x80000060  }
0xb9: {  	_ =	swait.ge [sflag:s29], $0x1  }
0xba: {  	[sflag:s29] =	ssyncadd.s32 $0xFFFFFFFF  }
0xbb: {  	_ =	strace $0x90000060  }
0xbc: {  	_ =	sfence  }
0xbd: {  	s30 =	sld [smem:$0x0];
	_ =	sdelay $0x2  }
0xbe: {  	s31 =	sshll.u32 s1, $0xD;
	s1 =	sshrl.u32 s1, $0x2  }
0xbf: {  	s3 =	sand.u32 $0x4000, s31;
	s1 =	sadd.s32 s1, s30  }
0xc0: {  	s0 =	sor.u32 s3, s0;
	s1 =	sshll.u32 s1, $0x11  }
0xc1: {  	s0 =	sor.u32 s1, s0  }
0xc2: {  	s0 =	sadd.s32 $0x8F2B, s0  }
0xc3: {  	[sflag:s0] =	ssyncadd.remote.s32 $0x1  }
0xc4: {  	_ =	sfence.sel $0xFFFF  }
0xc5: {  	[dreg:$0x0] =	wrdreg $0xFFFFFFFF;
	(pc) =	sbr.abs _section_cstart, $3  }
0xc6: {  	[dreg:$0x1] =	wrdreg $0xFFFFFFFF  }
0xc7: {  	_ =	task.clear_ibuf [dreg:s7], $0x2FFFF;
	_ =	strace $0x9FFFFFFF  }
0xc8: {  	(tm) =	ssettm $0x7FFFFFFF  }
0xc9: {  	_ =	shalt  }
tec
execute0_lowered:
.L_overlay_start_1:
0x0: {  	(tag) =	ssettag $0x1  }
0x1: {  	s1 =	srdreg.scid;
	s0 =	stileid.u32  }
0x2: {  	s2 =	rddreg [dreg:$0x0];
	s6 =	sand.u32 $0x1, s1;
	s30 =	sshll.u32 s0, $0x1  }
0x3: {  	s8 =	rddreg [dreg:$0x1];
	s7 =	sor.u32 s6, s30  }
0x4: {  	s3 =	simm.s32 $0x0;
	s1 =	rddreg [dreg:$0x2];
	s4 =	smul.u32 $0x13B, s7  }
0x5: {  	[smem:$0x7FF] =	sst s3  }
0x6: {  	_ =	strace $0x8000005F;
	s10 =	ssub.s32 $0x2, s6;
	s4 =	sadd.s32 s4, s8  }
0x7: {  	s6 =	simm.s32 $0x9D8;
	s5 =	sadd.s32 $0x2FC00, s4;
	s4 =	simm.s32 $0x2  }
0x8: {  	[tilespmem:s3], [sflag:$0x2] =	stream.linear.gather [hbm4b:s5+s3], $0x9D8, $0x38;
	[tilespmem:$0x144D8] =	vst v63  }
0x9: {  	s9 =	smul.u32 $0x2760, s7;
	s11 =	sshrl.u32 s10, $0x1;
	_ =	swait.ge [sflag:s4], $0x9D8  }
0xa: {  	s7 =	simm.s32 $0x1;
	s31 =	ssub.s32 s10, s11;
	[sflag:s4] =	ssyncset.done $0x0  }
0xb: {  	s8 =	sadd.s32 s9, s8;
	s9 =	smax.u32 s31, $0x1;
	[sflag:s4] =	ssyncadd.s32 $0xFFFFF628  }
0xc: {  	[tilespmem:s6], [sflag:$0x1] =	stream.indirect.gather [hbm4b:s2+s6], $0x20, s3, s6, $0xb8;
	[tilespmem:$0x144D8] =	vst v63  }
0xd: {  	p0 =	sne.s32 s9, $0x1;
	_ =	swait.ge [sflag:s7], $0x13B00  }
.Ltmp0:
0xe: {  	[sflag:s7] =	ssyncset.done $0x0;
	(pc) =	sbr.rel @!p0 .LBB2_2-.Ltmp0, $4  }
0xf: {  	s8 =	sadd.s32 $0x3DAE00, s8;
	[sflag:s7] =	ssyncadd.s32 $0xFFFEC500  }
0x10: {  	[hbm4b:s8+s3] =	stream.linear.scatter [tilespmem:s6], [sflag:$0x2], $0x13B00, $0x38;
	[tilespmem:$0x144D8] =	vst v63  }
0x11: {  	_ =	swait.ge [sflag:s4], $0x13B00  }
0x12: {  	s9 =	sadd.s32 $0xFFFFFFFF, s9;
	[sflag:s4] =	ssyncset.done $0x0  }
.LBB2_1:
0x13: {  	p0 =	sne.s32 s9, $0x1;
	s9 =	sadd.s32 $0xFFFFFFFF, s9;
	[sflag:s4] =	ssyncadd.s32 $0xFFFEC500  }
0x14: {  	[tilespmem:s3], [sflag:$0x2] =	stream.linear.gather [hbm4b:s5+s3], $0x9D8, $0x38;
	[tilespmem:$0x144D8] =	vst v63  }
0x15: {  	_ =	swait.ge [sflag:s4], $0x9D8  }
0x16: {  	[sflag:s4] =	ssyncset.done $0x0  }
0x17: {  	[sflag:s4] =	ssyncadd.s32 $0xFFFFF628  }
0x18: {  	[tilespmem:s6], [sflag:$0x1] =	stream.indirect.gather [hbm4b:s2+s6], $0x20, s3, s6, $0xb8;
	[tilespmem:$0x144D8] =	vst v63  }
0x19: {  	_ =	swait.ge [sflag:s7], $0x13B00  }
.Ltmp1:
0x1a: {  	[sflag:s7] =	ssyncset.done $0x0;
	(pc) =	sbr.rel @p0 .LBB2_1-.Ltmp1, $4  }
0x1b: {  	[sflag:s7] =	ssyncadd.s32 $0xFFFEC500  }
0x1c: {  	[hbm4b:s8+s3] =	stream.linear.scatter [tilespmem:s6], [sflag:$0x2], $0x13B00, $0x38;
	[tilespmem:$0x144D8] =	vst v63  }
0x1d: {  	_ =	swait.ge [sflag:s4], $0x13B00  }
0x1e: {  	[sflag:s4] =	ssyncset.done $0x0  }
.LBB2_2:
0x1f: {  	[sflag:s4] =	ssyncadd.s32 $0xFFFEC500  }
0x20: {  	_ =	sfence.sel $0x180000  }
0x21: {  	[bflag:$0x0] =	sbarrier.arrive $0xFFFF  }
0x22: {  	p0 =	sne.s32 s0, $0x0;
	_ =	strace $0x9000005F  }
0x23: {  	s0 =	sadd.s32 @!p0 $0x100000, s1;
	[bflag:$0x2] =	sbarrier.arrive $0xFFFF  }
0x24: {  	[sflag:s0] =	ssyncadd.tile.s32 @!p0 $0x1;
	_ =	shalt  }
.Lfunc_end2:
_tile_overlayer_lowered:
.L_overlay_start_2:
0x25: {  	(tag) =	ssettag $0x2  }
0x26: {  	s0 =	rddreg [dreg:$0x0];
	s2 =	stileid.u32  }
0x27: {  	s1 =	rddreg [dreg:$0x1];
	p0 =	sne.s32 s2, $0x0  }
0x28: {  	s3 =	rddreg [dreg:$0x2];
	[bflag:$0x3] =	sbarrier.arrive $0xFFFF;
	s2 =	simm.s32 @!p0 $0x1C02  }
0x29: {  	[timem:s3], [sflag:s2] =	dma.local @!p0 [hbm:s0], s1  }
0x2a: {  	s0 =	simm.s32 @!p0 $0x2  }
0x2b: {  	_ =	swait.ge @!p0 [sflag:s0], s1  }
0x2c: {  	s1 =	ssub.s32 @!p0 $0x0, s1;
	[sflag:s0] =	ssyncset.done @!p0 $0x0  }
0x2d: {  	[sflag:s0] =	ssyncadd.s32 @!p0 s1  }
0x2e: {  	[bflag:$0x3] =	sbarrier.arrive $0xFFFF  }
0x2f: {  	_ =	shalt  }

// kernel: kernel.52.cloned.1.call-start
scs
__scs_entry_jumppad:
0x0: {  	(pc) =	sbr.rel $0x88, $3  }
0x1: {  	(tag) =	ssettag $0x0;
	lr =	simm.s32 $0x1  }
0x2: {  	[smem:$0x3F8E] =	sst lr;
	_ =	strace $0xD0000000  }
0x3: {  	_ = 	snop  }
0x4: {  	_ = 	snop  }
0x5: {  	_ = 	snop  }
0x6: {  	_ = 	snop  }
0x7: {  	_ = 	snop  }
__scs_overlays_trampoline_lowered:
0x8: {  	[smem:$0x3F9D] =	sst s0  }
0x9: {  	[smem:$0x3F9E] =	sst s1  }
0xa: {  	[smem:$0x3F9F] =	sst s2  }
0xb: {  	[smem:$0x3FA0] =	sst s3  }
0xc: {  	[smem:$0x3FA1] =	sst s4  }
0xd: {  	[smem:$0x3FA2] =	sst s5  }
0xe: {  	[smem:$0x3FA3] =	sst s6  }
0xf: {  	[smem:$0x3FA4] =	sst s7  }
0x10: {  	[smem:$0x3FA5] =	sst s8  }
0x11: {  	[smem:$0x3FA6] =	sst s9;
	s0 =	simm.s32 @!p0 $0x0  }
0x12: {  	s1 =	sld [smem:$0x3F8C];
	s0 =	simm.s32 @p0 $0x1  }
0x13: {  	[smem:$0x3FA7] =	sst s0;
	s0 =	simm.s32 @!p1 $0x0  }
0x14: {  	s2 =	sld [smem:$0x3F8B];
	s0 =	simm.s32 @p1 $0x1  }
0x15: {  	[smem:$0x3FA8] =	sst s0;
	s0 =	simm.s32 @!p2 $0x0  }
0x16: {  	s3 =	sld [smem:$0x3FDB];
	s0 =	simm.s32 @p2 $0x1  }
0x17: {  	s4 =	simm.s32 $0x1BF5;
	[smem:$0x3FAA] =	sst s0  }
0x18: {  	s0 =	sld [smem:$0x3F8D];
	_ =	swait.ge [sflag:s4], $0x0  }
0x19: {  	s7 =	sld [smem:$0x3F8E]  }
0x1a: {  	s8 =	sadd.s32 $0xFFFFE003, lr  }
0x1b: {  	s9 =	sadd.s32 $0xFFFFFEF7, lr;
	s5 =	simm.s32 $0xFFFFFFFF;
	p2 =	slt.u32 s8, $0xFFFFF086  }
0x1c: {  	p1 =	slt.u32 s9, $0xF7A;
	s5 =	simm.s32 @!p2 $0x0  }
0x1d: {  	s5 =	simm.s32 @p1 $0x1;
	p0 =	seq.s32 s7, s2  }
0x1e: {  	s7 =	smul.u32 @!p0 $0xF7A, s2;
	p2 =	seq.s32 @!p0 s5, $0x0  }
0x1f: {  	s9 =	smul.u32 $0xF7A, s1;
	s8 =	simm.s32 @!p0 $0x1BF5;
	p2 =	por !p2, p0  }
0x20: {  	[sflag:s8] =	ssyncset.s32 @!p0 $0xFFFFF086;
	s6 =	sadd.s32 @!p0 s3, s7;
	s7 =	simm.s32 @!p0 $0x108  }
0x21: {  	s3 =	sadd.s32 s3, s9;
	s6 =	sadd.s32 @!p0 $0x88, s6;
	s7 =	simm.s32 @p2 $0x1082  }
0x22: {  	[simem:s7], [sflag:s8] =	dma.local @!p0 [hbm:s6], $0xF7A  }
0x23: {  	s9 =	sor.u32 $0xD0000000, s2;
	s6 =	simm.s32 $0x108;
	_ =	swait.ge @!p0 [sflag:s8], $0x0  }
0x24: {  	s3 =	sadd.s32 $0x88, s3;
	s6 =	simm.s32 @!p1 $0x1082;
	[sflag:s4] =	ssyncset.s32 $0xFFFFF086  }
0x25: {  	[simem:s6], [sflag:s4] =	dma.local [hbm:s3], $0xF7A  }
0x26: {  	[smem:$0x3F8E] =	sst s1;
	(tag) =	ssettag s2;
	_ =	strace s9  }
0x27: {  	s1 =	sld [smem:$0x3F9E]  }
0x28: {  	s2 =	sld [smem:$0x3F9F]  }
0x29: {  	s4 =	sld [smem:$0x3FA1]  }
0x2a: {  	p0 =	seq.s32 s5, $0x0;
	s5 =	sld [smem:$0x3FA2]  }
0x2b: {  	s6 =	sld [smem:$0x3FA3]  }
0x2c: {  	s7 =	sld [smem:$0x3FA4]  }
0x2d: {  	s3 =	simm.s32 $0x108;
	s8 =	sld [smem:$0x3FA5]  }
0x2e: {  	s3 =	simm.s32 @!p0 $0x1082;
	s9 =	sld [smem:$0x3FA6]  }
0x2f: {  	lr =	sadd.s32 s0, s3;
	s0 =	sld [smem:$0x3F9D]  }
0x30: {  	s3 =	sld [smem:$0x3FA0]  }
0x31: {  	[smem:$0x3FA9] =	sst s10  }
0x32: {  	s10 =	sld [smem:$0x3FA7];
	_ =	sdelay $0x3  }
0x33: {  	p0 =	seq.s32 s10, $0x1;
	s10 =	sld [smem:$0x3FA9];
	_ =	sdelay $0x3  }
0x34: {  	[smem:$0x3FA9] =	sst s10  }
0x35: {  	s10 =	sld [smem:$0x3FA8];
	_ =	sdelay $0x3  }
0x36: {  	p1 =	seq.s32 s10, $0x1;
	s10 =	sld [smem:$0x3FA9];
	_ =	sdelay $0x3  }
0x37: {  	[smem:$0x3FA9] =	sst s10  }
0x38: {  	s10 =	sld [smem:$0x3FAA]  }
0x39: {  	_ = 	snop;
	(pc) =	sbr.ind lr, $3  }
0x3a: {  	_ = 	snop  }
0x3b: {  	_ = 	snop  }
0x3c: {  	p2 =	seq.s32 s10, $0x1;
	s10 =	sld [smem:$0x3FA9]  }
0x3d: {  	_ =	shalt  }
0x3e: {  	_ =	shalt  }
0x3f: {  	_ =	shalt  }
0x40: {  	_ =	shalt  }
0x41: {  	_ =	shalt  }
0x42: {  	_ =	shalt  }
0x43: {  	_ =	shalt  }
0x44: {  	_ =	shalt  }
0x45: {  	_ =	shalt  }
0x46: {  	_ =	shalt  }
0x47: {  	_ =	shalt  }
0x48: {  	_ =	shalt  }
0x49: {  	_ =	shalt  }
0x4a: {  	_ =	shalt  }
0x4b: {  	_ =	shalt  }
0x4c: {  	_ =	shalt  }
0x4d: {  	_ =	shalt  }
0x4e: {  	_ =	shalt  }
0x4f: {  	_ =	shalt  }
0x50: {  	_ =	shalt  }
0x51: {  	_ =	shalt  }
0x52: {  	_ =	shalt  }
0x53: {  	_ =	shalt  }
0x54: {  	_ =	shalt  }
0x55: {  	_ =	shalt  }
0x56: {  	_ =	shalt  }
0x57: {  	_ =	shalt  }
0x58: {  	_ =	shalt  }
0x59: {  	_ =	shalt  }
0x5a: {  	_ =	shalt  }
0x5b: {  	_ =	shalt  }
0x5c: {  	_ =	shalt  }
0x5d: {  	_ =	shalt  }
0x5e: {  	_ =	shalt  }
0x5f: {  	_ =	shalt  }
0x60: {  	_ =	shalt  }
0x61: {  	_ =	shalt  }
0x62: {  	_ =	shalt  }
0x63: {  	_ =	shalt  }
0x64: {  	_ =	shalt  }
0x65: {  	_ =	shalt  }
0x66: {  	_ =	shalt  }
0x67: {  	_ =	shalt  }
0x68: {  	_ =	shalt  }
0x69: {  	_ =	shalt  }
0x6a: {  	_ =	shalt  }
0x6b: {  	_ =	shalt  }
0x6c: {  	_ =	shalt  }
0x6d: {  	_ =	shalt  }
0x6e: {  	_ =	shalt  }
0x6f: {  	_ =	shalt  }
0x70: {  	_ =	shalt  }
0x71: {  	_ =	shalt  }
0x72: {  	_ =	shalt  }
0x73: {  	_ =	shalt  }
0x74: {  	_ =	shalt  }
0x75: {  	_ =	shalt  }
0x76: {  	_ =	shalt  }
0x77: {  	_ =	shalt  }
0x78: {  	_ =	shalt  }
0x79: {  	_ =	shalt  }
0x7a: {  	_ =	shalt  }
0x7b: {  	_ =	shalt  }
0x7c: {  	_ =	shalt  }
0x7d: {  	_ =	shalt  }
0x7e: {  	_ =	shalt  }
0x7f: {  	_ =	shalt  }
0x80: {  	_ =	shalt  }
0x81: {  	_ =	shalt  }
0x82: {  	_ =	shalt  }
0x83: {  	_ =	shalt  }
0x84: {  	_ =	shalt  }
0x85: {  	_ =	shalt  }
0x86: {  	_ =	shalt  }
0x87: {  	_ =	shalt  }
.Lfunc_end0:
.L_simem_size_0:
called_computation.9_lowered:
.L_overlay_start_0:
0x88: {  	s2 =	sld [smem:$0x3FD9]  }
0x89: {  	s3 =	sld [smem:$0x3FFE];
	_ =	sdelay $0x1  }
0x8a: {  	s1 =	srdreg.scid  }
0x8b: {  	s0 =	sand.u32 $0x1, s1  }
0x8c: {  	s15 =	sshll.u32 s0, $0xA;
	s2 =	sadd.s32 s3, s2  }
0x8d: {  	s2 =	sadd.s32 s2, s15  }
0x8e: {  	[smem:$0x3FB5] =	sst s2  }
0x8f: {  	_ = 	snop  }
0x90: {  	s2 =	sld [smem:$0x3FD0];
	_ =	sdelay $0x2  }
0x91: {  	s16 =	simm.s32 $0xB;
	s4 =	simm.s32 $0x10  }
0x92: {  	[smem:s4], [sflag:s16] =	dma.local [hbm:s2], $0x1  }
0x93: {  	_ =	swait.eq [sflag:s16], $0x1  }
0x94: {  	[sflag:s16] =	ssyncset.done $0x0  }
0x95: {  	[sflag:s16] =	ssyncadd.s32 $0xFFFFFFFF  }
0x96: {  	s17 =	sld [smem:$0x11];
	(tm) =	ssettm $0x1  }
0x97: {  	s18 =	sld [smem:$0x3FFB];
	_ =	sdelay $0x3  }
0x98: {  	_ =	strace s18  }
0x99: {  	s2 =	sld [smem:$0x3FFC];
	_ =	sdelay $0x3  }
0x9a: {  	_ =	strace s2  }
0x9b: {  	s2 =	sld [smem:$0x3FFD];
	_ =	sdelay $0x3  }
0x9c: {  	_ =	strace s2  }
0x9d: {  	_ =	strace $0x8FFFFFFF  }
0x9e: {  	s19 =	sld [smem:$0x3FDB];
	_ =	sdelay $0x1  }
0x9f: {  	s20 =	simm.s32 $_scs_section_size  }
0xa0: {  	s5 =	simm.s32 $_size__tile_overlayer_lowered;
	s6 =	simm.s32 $_tile_overlayer_lowered  }
0xa1: {  	s7 =	simm.s32 $0x1BFF;
	s21 =	sshll.u32 s6, $0x1;
	s4 =	sadd.s32 s20, s19  }
0xa2: {  	s22 =	simm.s32 $0x0;
	s5 =	sshll.u32 s5, $0x1;
	s6 =	sadd.s32 s21, s4  }
0xa3: {  	[timem:s22], [sflag:s7] =	dma.local [hbm:s6], s5  }
0xa4: {  	_ =	swait.ge [sflag:s7], s5  }
0xa5: {  	s5 =	ssub.s32 $0x0, s5;
	[sflag:s7] =	ssyncset.done $0x0  }
0xa6: {  	[sflag:s7] =	ssyncadd.s32 s5;
	_ =	sdelay $0x1  }
0xa7: {  	s23 =	simm.s32 $0x1B8B  }
0xa8: {  	_ =	swait.ge [sflag:s23], $0x1  }
0xa9: {  	[sflag:s23] =	ssyncset.done $0x0  }
0xaa: {  	[sflag:s23] =	ssyncadd.s32 $0xFFFFFFFF  }
0xab: {  	s5 =	sld [smem:$0x0]  }
0xac: {  	s6 =	sand.u32 $0xFFFFFFFE, s1  }
0xad: {  	p0 =	sne.s32 s1, s6  }
0xae: {  	s6 =	sshll.u32 @p0 s6, $0xE  }
0xaf: {  	s6 =	sadd.s32 @p0 $0x11B8D, s6;
	s7 =	sshll.u32 @p0 s5, $0x11  }
0xb0: {  	s6 =	sor.u32 @p0 s7, s6  }
0xb1: {  	[sflag:s6] =	ssyncadd.remote.s32 @p0 $0x1;
	_ =	sdelay $0x1  }
0xb2: {  	s6 =	simm.s32 @p0 $0x1B8D  }
0xb3: {  	_ =	swait.eq @p0 [sflag:s6], $0x1  }
0xb4: {  	[sflag:s6] =	ssyncadd.s32 @p0 $0xFFFFFFFF  }
0xb5: {  	s7 =	sshll.u32 @!p0 s1, $0xE  }
0xb6: {  	s7 =	sor.u32 @!p0 $0x4000, s7;
	s6 =	simm.s32 @!p0 $0x1B8D  }
0xb7: {  	s5 =	sshll.u32 @!p0 s5, $0x11;
	s7 =	sadd.s32 @!p0 $0x11B8D, s7;
	_ =	swait.eq @!p0 [sflag:s6], $0x1  }
0xb8: {  	s5 =	sor.u32 @!p0 s5, s7;
	[sflag:s6] =	ssyncadd.s32 @!p0 $0xFFFFFFFF  }
0xb9: {  	s25 =	simm.s32 $0x1B8E;
	s24 =	sld [smem:$0x3FFE];
	[sflag:s5] =	ssyncadd.remote.s32 @!p0 $0x1  }
0xba: {  	s26 =	simm.s32 $execute0_lowered;
	[smem:$0x3FD2] =	sst s25  }
0xbb: {  	s6 =	sshll.u32 s26, $0x1;
	_ =	strace $0x80000061;
	[dreg:$0x1] =	wrdreg $0xFFFFFFFF  }
0xbc: {  	s28 =	simm.s32 $_size_execute0_lowered;
	s4 =	sadd.s32 s4, s6;
	[dreg:$0x0] =	wrdreg $0x0  }
0xbd: {  	s6 =	sshll.u32 s28, $0x1;
	[dreg:$0x2] =	wrdreg s4  }
0xbe: {  	[dreg:$0x3] =	wrdreg s6  }
0xbf: {  	[dreg:$0x4] =	wrdreg $0xC0  }
0xc0: {  	_ =	task [dreg:s22], $0x5FFFF  }
0xc1: {  	[dreg:$0x1] =	wrdreg $0xFFFFFFFF  }
0xc2: {  	[dreg:$0x0] =	wrdreg $0x60  }
0xc3: {  	[dreg:$0x2] =	wrdreg s17  }
0xc4: {  	[dreg:$0x3] =	wrdreg s24  }
0xc5: {  	[dreg:$0x4] =	wrdreg $0x9  }
0xc6: {  	_ =	task.clear_ibuf [dreg:s22], $0x5FFFF;
	_ =	strace $0x90000061  }
0xc7: {  	s29 =	simm.s32 $0x9;
	_ =	strace $0x80000063  }
0xc8: {  	_ =	swait.ge [sflag:s29], $0x1  }
0xc9: {  	[sflag:s29] =	ssyncadd.s32 $0xFFFFFFFF  }
0xca: {  	_ =	strace $0x90000063  }
0xcb: {  	_ =	sfence  }
0xcc: {  	s30 =	sld [smem:$0x0];
	_ =	sdelay $0x2  }
0xcd: {  	s31 =	sshll.u32 s1, $0xD;
	s1 =	sshrl.u32 s1, $0x2  }
0xce: {  	s4 =	sand.u32 $0x4000, s31;
	s1 =	sadd.s32 s1, s30  }
0xcf: {  	s0 =	sor.u32 s4, s0;
	s1 =	sshll.u32 s1, $0x11  }
0xd0: {  	s0 =	sor.u32 s1, s0  }
0xd1: {  	s0 =	sadd.s32 $0x8F2B, s0  }
0xd2: {  	[sflag:s0] =	ssyncadd.remote.s32 $0x1  }
0xd3: {  	_ =	sfence.sel $0xFFFF  }
0xd4: {  	[dreg:$0x0] =	wrdreg $0xFFFFFFFF;
	(pc) =	sbr.abs _section_cstart, $3  }
0xd5: {  	[dreg:$0x1] =	wrdreg $0xFFFFFFFF  }
0xd6: {  	_ =	task.clear_ibuf [dreg:s22], $0x2FFFF;
	_ =	strace $0x9FFFFFFF  }
0xd7: {  	(tm) =	ssettm $0x7FFFFFFF  }
tec
execute0_lowered:
.L_overlay_start_1:
0x0: {  	(tag) =	ssettag $0x1  }
0x1: {  	s1 =	srdreg.scid;
	s0 =	stileid.u32  }
0x2: {  	s6 =	sand.u32 $0x1, s1;
	s30 =	sshll.u32 s0, $0x1  }
0x3: {  	s2 =	rddreg [dreg:$0x0];
	s7 =	sor.u32 s6, s30  }
0x4: {  	s8 =	rddreg [dreg:$0x1];
	s4 =	smul.u32 $0x9B0, s7  }
0x5: {  	s3 =	simm.s32 $0x0;
	s1 =	rddreg [dreg:$0x2]  }
0x6: {  	[smem:$0x7FF] =	sst s3;
	s4 =	sshrl.u32 s4, $0x3  }
0x7: {  	_ =	strace $0x80000062;
	s10 =	ssub.s32 $0x2, s6;
	s4 =	sadd.s32 s8, s4  }
0x8: {  	s6 =	simm.s32 $0x9B0;
	s5 =	sadd.s32 $0x32360, s4;
	s4 =	simm.s32 $0x2  }
0x9: {  	[tilespmem:s3], [sflag:$0x2] =	stream.linear.gather [hbm4b:s5+s3], $0x9B0, $0x38;
	[tilespmem:$0x13FB0] =	vst v63  }
0xa: {  	s9 =	smul.u32 $0x26C0, s7;
	s11 =	sshrl.u32 s10, $0x1;
	_ =	swait.ge [sflag:s4], $0x9B0  }
0xb: {  	s7 =	simm.s32 $0x1;
	s31 =	ssub.s32 s10, s11;
	[sflag:s4] =	ssyncset.done $0x0  }
0xc: {  	s8 =	sadd.s32 s9, s8;
	s9 =	smax.u32 s31, $0x1;
	[sflag:s4] =	ssyncadd.s32 $0xFFFFF650  }
0xd: {  	[tilespmem:s6], [sflag:$0x1] =	stream.indirect.gather [hbm4b:s2+s6], $0x20, s3, s6, $0xb8;
	[tilespmem:$0x13FB0] =	vst v63  }
0xe: {  	p0 =	sne.s32 s9, $0x1;
	_ =	swait.ge [sflag:s7], $0x13600  }
.Ltmp0:
0xf: {  	[sflag:s7] =	ssyncset.done $0x0;
	(pc) =	sbr.rel @!p0 .LBB2_2-.Ltmp0, $4  }
0x10: {  	s8 =	sadd.s32 $0x39C00, s8;
	[sflag:s7] =	ssyncadd.s32 $0xFFFECA00  }
0x11: {  	[hbm4b:s8+s3] =	stream.linear.scatter [tilespmem:s6], [sflag:$0x2], $0x13600, $0x38;
	[tilespmem:$0x13FB0] =	vst v63  }
0x12: {  	_ =	swait.ge [sflag:s4], $0x13600  }
0x13: {  	s9 =	sadd.s32 $0xFFFFFFFF, s9;
	[sflag:s4] =	ssyncset.done $0x0  }
.LBB2_1:
0x14: {  	p0 =	sne.s32 s9, $0x1;
	s9 =	sadd.s32 $0xFFFFFFFF, s9;
	[sflag:s4] =	ssyncadd.s32 $0xFFFECA00  }
0x15: {  	[tilespmem:s3], [sflag:$0x2] =	stream.linear.gather [hbm4b:s5+s3], $0x9B0, $0x38;
	[tilespmem:$0x13FB0] =	vst v63  }
0x16: {  	_ =	swait.ge [sflag:s4], $0x9B0  }
0x17: {  	[sflag:s4] =	ssyncset.done $0x0  }
0x18: {  	[sflag:s4] =	ssyncadd.s32 $0xFFFFF650  }
0x19: {  	[tilespmem:s6], [sflag:$0x1] =	stream.indirect.gather [hbm4b:s2+s6], $0x20, s3, s6, $0xb8;
	[tilespmem:$0x13FB0] =	vst v63  }
0x1a: {  	_ =	swait.ge [sflag:s7], $0x13600  }
.Ltmp1:
0x1b: {  	[sflag:s7] =	ssyncset.done $0x0;
	(pc) =	sbr.rel @p0 .LBB2_1-.Ltmp1, $4  }
0x1c: {  	[sflag:s7] =	ssyncadd.s32 $0xFFFECA00  }
0x1d: {  	[hbm4b:s8+s3] =	stream.linear.scatter [tilespmem:s6], [sflag:$0x2], $0x13600, $0x38;
	[tilespmem:$0x13FB0] =	vst v63  }
0x1e: {  	_ =	swait.ge [sflag:s4], $0x13600  }
0x1f: {  	[sflag:s4] =	ssyncset.done $0x0  }
.LBB2_2:
0x20: {  	[sflag:s4] =	ssyncadd.s32 $0xFFFECA00  }
0x21: {  	_ =	sfence.sel $0x180000  }
0x22: {  	[bflag:$0x0] =	sbarrier.arrive $0xFFFF  }
0x23: {  	p0 =	sne.s32 s0, $0x0;
	_ =	strace $0x90000062  }
0x24: {  	s0 =	sadd.s32 @!p0 $0x100000, s1;
	[bflag:$0x2] =	sbarrier.arrive $0xFFFF  }
0x25: {  	[sflag:s0] =	ssyncadd.tile.s32 @!p0 $0x1;
	_ =	shalt  }
.Lfunc_end2:
_tile_overlayer_lowered:
.L_overlay_start_2:
0x26: {  	(tag) =	ssettag $0x2  }
0x27: {  	s0 =	rddreg [dreg:$0x0];
	s2 =	stileid.u32  }
0x28: {  	s1 =	rddreg [dreg:$0x1];
	p0 =	sne.s32 s2, $0x0  }
0x29: {  	s3 =	rddreg [dreg:$0x2];
	[bflag:$0x3] =	sbarrier.arrive $0xFFFF;
	s2 =	simm.s32 @!p0 $0x1C02  }
0x2a: {  	[timem:s3], [sflag:s2] =	dma.local @!p0 [hbm:s0], s1  }
0x2b: {  	s0 =	simm.s32 @!p0 $0x2  }
0x2c: {  	_ =	swait.ge @!p0 [sflag:s0], s1  }
0x2d: {  	s1 =	ssub.s32 @!p0 $0x0, s1;
	[sflag:s0] =	ssyncset.done @!p0 $0x0  }
0x2e: {  	[sflag:s0] =	ssyncadd.s32 @!p0 s1  }
0x2f: {  	[bflag:$0x3] =	sbarrier.arrive $0xFFFF  }
0x30: {  	_ =	shalt  }

// kernel: kernel.55.cloned.1.call-start
scs
__scs_entry_jumppad:
0x0: {  	(pc) =	sbr.rel $0x88, $3  }
0x1: {  	(tag) =	ssettag $0x0;
	lr =	simm.s32 $0x1  }
0x2: {  	[smem:$0x3F8E] =	sst lr;
	_ =	strace $0xD0000000  }
0x3: {  	_ = 	snop  }
0x4: {  	_ = 	snop  }
0x5: {  	_ = 	snop  }
0x6: {  	_ = 	snop  }
0x7: {  	_ = 	snop  }
__scs_overlays_trampoline_lowered:
0x8: {  	[smem:$0x3F9D] =	sst s0  }
0x9: {  	[smem:$0x3F9E] =	sst s1  }
0xa: {  	[smem:$0x3F9F] =	sst s2  }
0xb: {  	[smem:$0x3FA0] =	sst s3  }
0xc: {  	[smem:$0x3FA1] =	sst s4  }
0xd: {  	[smem:$0x3FA2] =	sst s5  }
0xe: {  	[smem:$0x3FA3] =	sst s6  }
0xf: {  	[smem:$0x3FA4] =	sst s7  }
0x10: {  	[smem:$0x3FA5] =	sst s8  }
0x11: {  	[smem:$0x3FA6] =	sst s9;
	s0 =	simm.s32 @!p0 $0x0  }
0x12: {  	s1 =	sld [smem:$0x3F8C];
	s0 =	simm.s32 @p0 $0x1  }
0x13: {  	[smem:$0x3FA7] =	sst s0;
	s0 =	simm.s32 @!p1 $0x0  }
0x14: {  	s2 =	sld [smem:$0x3F8B];
	s0 =	simm.s32 @p1 $0x1  }
0x15: {  	[smem:$0x3FA8] =	sst s0;
	s0 =	simm.s32 @!p2 $0x0  }
0x16: {  	s3 =	sld [smem:$0x3FDB];
	s0 =	simm.s32 @p2 $0x1  }
0x17: {  	s4 =	simm.s32 $0x1BF5;
	[smem:$0x3FAA] =	sst s0  }
0x18: {  	s0 =	sld [smem:$0x3F8D];
	_ =	swait.ge [sflag:s4], $0x0  }
0x19: {  	s7 =	sld [smem:$0x3F8E]  }
0x1a: {  	s8 =	sadd.s32 $0xFFFFE003, lr  }
0x1b: {  	s9 =	sadd.s32 $0xFFFFFEF7, lr;
	s5 =	simm.s32 $0xFFFFFFFF;
	p2 =	slt.u32 s8, $0xFFFFF086  }
0x1c: {  	p1 =	slt.u32 s9, $0xF7A;
	s5 =	simm.s32 @!p2 $0x0  }
0x1d: {  	s5 =	simm.s32 @p1 $0x1;
	p0 =	seq.s32 s7, s2  }
0x1e: {  	s7 =	smul.u32 @!p0 $0xF7A, s2;
	p2 =	seq.s32 @!p0 s5, $0x0  }
0x1f: {  	s9 =	smul.u32 $0xF7A, s1;
	s8 =	simm.s32 @!p0 $0x1BF5;
	p2 =	por !p2, p0  }
0x20: {  	[sflag:s8] =	ssyncset.s32 @!p0 $0xFFFFF086;
	s6 =	sadd.s32 @!p0 s3, s7;
	s7 =	simm.s32 @!p0 $0x108  }
0x21: {  	s3 =	sadd.s32 s3, s9;
	s6 =	sadd.s32 @!p0 $0x88, s6;
	s7 =	simm.s32 @p2 $0x1082  }
0x22: {  	[simem:s7], [sflag:s8] =	dma.local @!p0 [hbm:s6], $0xF7A  }
0x23: {  	s9 =	sor.u32 $0xD0000000, s2;
	s6 =	simm.s32 $0x108;
	_ =	swait.ge @!p0 [sflag:s8], $0x0  }
0x24: {  	s3 =	sadd.s32 $0x88, s3;
	s6 =	simm.s32 @!p1 $0x1082;
	[sflag:s4] =	ssyncset.s32 $0xFFFFF086  }
0x25: {  	[simem:s6], [sflag:s4] =	dma.local [hbm:s3], $0xF7A  }
0x26: {  	[smem:$0x3F8E] =	sst s1;
	(tag) =	ssettag s2;
	_ =	strace s9  }
0x27: {  	s1 =	sld [smem:$0x3F9E]  }
0x28: {  	s2 =	sld [smem:$0x3F9F]  }
0x29: {  	s4 =	sld [smem:$0x3FA1]  }
0x2a: {  	p0 =	seq.s32 s5, $0x0;
	s5 =	sld [smem:$0x3FA2]  }
0x2b: {  	s6 =	sld [smem:$0x3FA3]  }
0x2c: {  	s7 =	sld [smem:$0x3FA4]  }
0x2d: {  	s3 =	simm.s32 $0x108;
	s8 =	sld [smem:$0x3FA5]  }
0x2e: {  	s3 =	simm.s32 @!p0 $0x1082;
	s9 =	sld [smem:$0x3FA6]  }
0x2f: {  	lr =	sadd.s32 s0, s3;
	s0 =	sld [smem:$0x3F9D]  }
0x30: {  	s3 =	sld [smem:$0x3FA0]  }
0x31: {  	[smem:$0x3FA9] =	sst s10  }
0x32: {  	s10 =	sld [smem:$0x3FA7];
	_ =	sdelay $0x3  }
0x33: {  	p0 =	seq.s32 s10, $0x1;
	s10 =	sld [smem:$0x3FA9];
	_ =	sdelay $0x3  }
0x34: {  	[smem:$0x3FA9] =	sst s10  }
0x35: {  	s10 =	sld [smem:$0x3FA8];
	_ =	sdelay $0x3  }
0x36: {  	p1 =	seq.s32 s10, $0x1;
	s10 =	sld [smem:$0x3FA9];
	_ =	sdelay $0x3  }
0x37: {  	[smem:$0x3FA9] =	sst s10  }
0x38: {  	s10 =	sld [smem:$0x3FAA]  }
0x39: {  	_ = 	snop;
	(pc) =	sbr.ind lr, $3  }
0x3a: {  	_ = 	snop  }
0x3b: {  	_ = 	snop  }
0x3c: {  	p2 =	seq.s32 s10, $0x1;
	s10 =	sld [smem:$0x3FA9]  }
0x3d: {  	_ =	shalt  }
0x3e: {  	_ =	shalt  }
0x3f: {  	_ =	shalt  }
0x40: {  	_ =	shalt  }
0x41: {  	_ =	shalt  }
0x42: {  	_ =	shalt  }
0x43: {  	_ =	shalt  }
0x44: {  	_ =	shalt  }
0x45: {  	_ =	shalt  }
0x46: {  	_ =	shalt  }
0x47: {  	_ =	shalt  }
0x48: {  	_ =	shalt  }
0x49: {  	_ =	shalt  }
0x4a: {  	_ =	shalt  }
0x4b: {  	_ =	shalt  }
0x4c: {  	_ =	shalt  }
0x4d: {  	_ =	shalt  }
0x4e: {  	_ =	shalt  }
0x4f: {  	_ =	shalt  }
0x50: {  	_ =	shalt  }
0x51: {  	_ =	shalt  }
0x52: {  	_ =	shalt  }
0x53: {  	_ =	shalt  }
0x54: {  	_ =	shalt  }
0x55: {  	_ =	shalt  }
0x56: {  	_ =	shalt  }
0x57: {  	_ =	shalt  }
0x58: {  	_ =	shalt  }
0x59: {  	_ =	shalt  }
0x5a: {  	_ =	shalt  }
0x5b: {  	_ =	shalt  }
0x5c: {  	_ =	shalt  }
0x5d: {  	_ =	shalt  }
0x5e: {  	_ =	shalt  }
0x5f: {  	_ =	shalt  }
0x60: {  	_ =	shalt  }
0x61: {  	_ =	shalt  }
0x62: {  	_ =	shalt  }
0x63: {  	_ =	shalt  }
0x64: {  	_ =	shalt  }
0x65: {  	_ =	shalt  }
0x66: {  	_ =	shalt  }
0x67: {  	_ =	shalt  }
0x68: {  	_ =	shalt  }
0x69: {  	_ =	shalt  }
0x6a: {  	_ =	shalt  }
0x6b: {  	_ =	shalt  }
0x6c: {  	_ =	shalt  }
0x6d: {  	_ =	shalt  }
0x6e: {  	_ =	shalt  }
0x6f: {  	_ =	shalt  }
0x70: {  	_ =	shalt  }
0x71: {  	_ =	shalt  }
0x72: {  	_ =	shalt  }
0x73: {  	_ =	shalt  }
0x74: {  	_ =	shalt  }
0x75: {  	_ =	shalt  }
0x76: {  	_ =	shalt  }
0x77: {  	_ =	shalt  }
0x78: {  	_ =	shalt  }
0x79: {  	_ =	shalt  }
0x7a: {  	_ =	shalt  }
0x7b: {  	_ =	shalt  }
0x7c: {  	_ =	shalt  }
0x7d: {  	_ =	shalt  }
0x7e: {  	_ =	shalt  }
0x7f: {  	_ =	shalt  }
0x80: {  	_ =	shalt  }
0x81: {  	_ =	shalt  }
0x82: {  	_ =	shalt  }
0x83: {  	_ =	shalt  }
0x84: {  	_ =	shalt  }
0x85: {  	_ =	shalt  }
0x86: {  	_ =	shalt  }
0x87: {  	_ =	shalt  }
.Lfunc_end0:
.L_simem_size_0:
called_computation.10_lowered:
.L_overlay_start_0:
0x88: {  	s2 =	sld [smem:$0x3FD9]  }
0x89: {  	s3 =	sld [smem:$0x3FFE];
	_ =	sdelay $0x1  }
0x8a: {  	s1 =	srdreg.scid  }
0x8b: {  	s0 =	sand.u32 $0x1, s1  }
0x8c: {  	s17 =	sshll.u32 s0, $0xA;
	s2 =	sadd.s32 s3, s2  }
0x8d: {  	s2 =	sadd.s32 s2, s17  }
0x8e: {  	[smem:$0x3FB5] =	sst s2  }
0x8f: {  	_ = 	snop  }
0x90: {  	(tm) =	ssettm $0x1  }
0x91: {  	s18 =	sld [smem:$0x3FFB];
	_ =	sdelay $0x3  }
0x92: {  	_ =	strace s18  }
0x93: {  	s2 =	sld [smem:$0x3FFC];
	_ =	sdelay $0x3  }
0x94: {  	_ =	strace s2  }
0x95: {  	s2 =	sld [smem:$0x3FFD];
	_ =	sdelay $0x3  }
0x96: {  	_ =	strace s2  }
0x97: {  	_ =	strace $0x8FFFFFFF  }
0x98: {  	s19 =	sld [smem:$0x3FDB];
	_ =	sdelay $0x1  }
0x99: {  	s20 =	simm.s32 $_scs_section_size  }
0x9a: {  	s4 =	simm.s32 $_size__tile_overlayer_lowered;
	s5 =	simm.s32 $_tile_overlayer_lowered  }
0x9b: {  	s6 =	simm.s32 $0x1BFF;
	s21 =	sshll.u32 s5, $0x1;
	s3 =	sadd.s32 s20, s19  }
0x9c: {  	s22 =	simm.s32 $0x0;
	s4 =	sshll.u32 s4, $0x1;
	s5 =	sadd.s32 s21, s3  }
0x9d: {  	[timem:s22], [sflag:s6] =	dma.local [hbm:s5], s4  }
0x9e: {  	_ =	swait.ge [sflag:s6], s4  }
0x9f: {  	s4 =	ssub.s32 $0x0, s4;
	[sflag:s6] =	ssyncset.done $0x0  }
0xa0: {  	[sflag:s6] =	ssyncadd.s32 s4;
	_ =	sdelay $0x1  }
0xa1: {  	s23 =	simm.s32 $0x1B8B  }
0xa2: {  	_ =	swait.ge [sflag:s23], $0x1  }
0xa3: {  	[sflag:s23] =	ssyncset.done $0x0  }
0xa4: {  	[sflag:s23] =	ssyncadd.s32 $0xFFFFFFFF  }
0xa5: {  	s4 =	sld [smem:$0x0]  }
0xa6: {  	s5 =	sand.u32 $0xFFFFFFFE, s1  }
0xa7: {  	p0 =	sne.s32 s1, s5  }
0xa8: {  	s5 =	sshll.u32 @p0 s5, $0xE  }
0xa9: {  	s5 =	sadd.s32 @p0 $0x11B8D, s5;
	s6 =	sshll.u32 @p0 s4, $0x11  }
0xaa: {  	s5 =	sor.u32 @p0 s6, s5  }
0xab: {  	[sflag:s5] =	ssyncadd.remote.s32 @p0 $0x1;
	_ =	sdelay $0x1  }
0xac: {  	s5 =	simm.s32 @p0 $0x1B8D  }
0xad: {  	_ =	swait.eq @p0 [sflag:s5], $0x1  }
0xae: {  	[sflag:s5] =	ssyncadd.s32 @p0 $0xFFFFFFFF  }
0xaf: {  	s6 =	sshll.u32 @!p0 s1, $0xE  }
0xb0: {  	s6 =	sor.u32 @!p0 $0x4000, s6;
	s5 =	simm.s32 @!p0 $0x1B8D  }
0xb1: {  	s4 =	sshll.u32 @!p0 s4, $0x11;
	s6 =	sadd.s32 @!p0 $0x11B8D, s6;
	_ =	swait.eq @!p0 [sflag:s5], $0x1  }
0xb2: {  	s4 =	sor.u32 @!p0 s4, s6;
	[sflag:s5] =	ssyncadd.s32 @!p0 $0xFFFFFFFF  }
0xb3: {  	s25 =	simm.s32 $0x1B8E;
	s24 =	sld [smem:$0x3FFE];
	[sflag:s4] =	ssyncadd.remote.s32 @!p0 $0x1  }
0xb4: {  	s26 =	simm.s32 $execute0_lowered;
	[smem:$0x3FD2] =	sst s25  }
0xb5: {  	s5 =	sshll.u32 s26, $0x1;
	_ =	strace $0x80000064;
	[dreg:$0x1] =	wrdreg $0xFFFFFFFF  }
0xb6: {  	s28 =	simm.s32 $_size_execute0_lowered;
	s3 =	sadd.s32 s3, s5;
	[dreg:$0x0] =	wrdreg $0x0  }
0xb7: {  	s5 =	sshll.u32 s28, $0x1;
	[dreg:$0x2] =	wrdreg s3  }
0xb8: {  	[dreg:$0x3] =	wrdreg s5  }
0xb9: {  	[dreg:$0x4] =	wrdreg $0xC0  }
0xba: {  	_ =	task [dreg:s22], $0x5FFFF  }
0xbb: {  	[dreg:$0x1] =	wrdreg $0xFFFFFFFF  }
0xbc: {  	[dreg:$0x0] =	wrdreg $0x60  }
0xbd: {  	[dreg:$0x2] =	wrdreg s24  }
0xbe: {  	[dreg:$0x3] =	wrdreg $0x144D80  }
0xbf: {  	[dreg:$0x4] =	wrdreg $0xA  }
0xc0: {  	_ =	task.clear_ibuf [dreg:s22], $0x5FFFF;
	_ =	strace $0x90000064  }
0xc1: {  	s29 =	simm.s32 $0xA;
	_ =	strace $0x80000066  }
0xc2: {  	_ =	swait.ge [sflag:s29], $0x1  }
0xc3: {  	[sflag:s29] =	ssyncadd.s32 $0xFFFFFFFF  }
0xc4: {  	_ =	strace $0x90000066  }
0xc5: {  	_ =	sfence  }
0xc6: {  	s30 =	sld [smem:$0x0];
	_ =	sdelay $0x2  }
0xc7: {  	s31 =	sshll.u32 s1, $0xD;
	s1 =	sshrl.u32 s1, $0x2  }
0xc8: {  	s4 =	sand.u32 $0x4000, s31;
	s1 =	sadd.s32 s1, s30  }
0xc9: {  	s0 =	sor.u32 s4, s0;
	s1 =	sshll.u32 s1, $0x11  }
0xca: {  	s0 =	sor.u32 s1, s0  }
0xcb: {  	s0 =	sadd.s32 $0x8F2B, s0  }
0xcc: {  	[sflag:s0] =	ssyncadd.remote.s32 $0x1  }
0xcd: {  	_ =	sfence.sel $0xFFFF  }
0xce: {  	[dreg:$0x0] =	wrdreg $0xFFFFFFFF;
	(pc) =	sbr.abs _section_cstart, $3  }
0xcf: {  	[dreg:$0x1] =	wrdreg $0xFFFFFFFF  }
0xd0: {  	_ =	task.clear_ibuf [dreg:s22], $0x2FFFF;
	_ =	strace $0x9FFFFFFF  }
0xd1: {  	(tm) =	ssettm $0x7FFFFFFF  }
tec
execute0_lowered:
.L_overlay_start_1:
0x0: {  	(tag) =	ssettag $0x1  }
0x1: {  	s0 =	srdreg.scid;
	s4 =	stileid.u32  }
0x2: {  	s5 =	sand.u32 $0x1, s0;
	s30 =	sshll.u32 s4, $0x1  }
0x3: {  	s6 =	sor.u32 s5, s30;
	s8 =	smul.u32 $0x9C40, s5;
	s5 =	ssub.s32 $0x2, s5  }
0x4: {  	s31 =	sshrl.u32 s5, $0x1  }
0x5: {  	s3 =	rddreg [dreg:$0x0];
	s5 =	ssub.s32 s5, s31  }
0x6: {  	s1 =	rddreg [dreg:$0x1];
	s2 =	simm.s32 $0x0;
	s5 =	smax.u32 s5, $0x1  }
0x7: {  	p1 =	por $0x0, $0x0;
	s7 =	smul.u32 $0x2760, s6;
	s13 =	sadd.s32 $0xFFFFFFFF, s5  }
0x8: {  	s0 =	rddreg [dreg:$0x2];
	s6 =	smul.u32 $0x13B, s6;
	p2 =	sne.s32 s13, $0x0  }
.Ltmp0:
0x9: {  	[smem:$0x7FF] =	sst s2;
	s9 =	sadd.s32 $0x347000, s3;
	(pc) =	sbr.rel @!p2 .LBB2_3-.Ltmp0, $4  }
0xa: {  	p0 =	sne.s32 s4, $0x0;
	_ =	strace $0x80000065;
	s6 =	sadd.s32 s6, s3  }
0xb: {  	s10 =	sadd.s32 s7, s3;
	s3 =	sadd.s32 s8, s3;
	s7 =	sadd.s32 $0x34C00, s6  }
0xc: {  	s4 =	sshrl.u32 @!p0 s1, $0x3;
	s8 =	sadd.s32 $0x3DAE00, s10;
	s3 =	sadd.s32 $0x350E00, s3  }
0xd: {  	s5 =	simm.s32 $0x9D8;
	s10 =	simm.s32 $0x1;
	s6 =	simm.s32 $0x2  }
0xe: {  	s12 =	simm.s32 @!p0 $0x1C02;
	s11 =	simm.s32 @!p0 $0x2  }
0xf: {  	[spmem:s4], [sflag:s12] =	dma.local @!p0 [hbm:s9], $0x9C40  }
0x10: {  	_ =	swait.ge @!p0 [sflag:s11], $0x9C40  }
0x11: {  	[sflag:s11] =	ssyncset.done @!p0 $0x0  }
0x12: {  	[sflag:s11] =	ssyncadd.s32 @!p0 $0xFFFF63C0  }
0x13: {  	[tilespmem:s2], [sflag:$0x1] =	stream.linear.gather [hbm4b:s7+s2], $0x9D8, $0x38;
	[tilespmem:$0x192F8] =	vst v63  }
0x14: {  	_ = 	snop  }
0x15: {  	[tilespmem:s5], [sflag:$0x1] =	stream.linear.gather [hbm4b:s8+s2], $0x13B00, $0x38;
	[tilespmem:$0x192F8] =	vst v63  }
0x16: {  	[bflag:$0x0] =	sbarrier.arrive $0xFFFF  }
0x17: {  	_ =	swait.ge [sflag:s10], $0x9D8  }
0x18: {  	[sflag:s10] =	ssyncset.done $0x0  }
0x19: {  	[sflag:s10] =	ssyncadd.s32 $0xFFFFF628  }
0x1a: {  	_ =	swait.ge [sflag:s10], $0x13B00  }
0x1b: {  	[sflag:s10] =	ssyncset.done $0x0  }
0x1c: {  	[sflag:s10] =	ssyncadd.s32 $0xFFFEC500  }
0x1d: {  	[spmem:s1] =	stream.indirect.scatter.add.f32 [tilespmem:s5], [sflag:$0x2], $0x20, s2, s5, $0xb8;
	[tilespmem:$0x192F8] =	vst v63  }
0x1e: {  	s13 =	sadd.s32 $0xFFFFFFFF, s13;
	_ =	swait.ge [sflag:s6], $0x13B00  }
0x1f: {  	p2 =	sne.s32 s13, $0x0;
	[sflag:s6] =	ssyncset.done $0x0  }
.Ltmp1:
0x20: {  	[sflag:s6] =	ssyncadd.s32 $0xFFFEC500;
	(pc) =	sbr.rel @!p2 .LBB2_3-.Ltmp1, $4  }
0x21: {  	[bflag:$0x0] =	sbarrier.arrive $0xFFFF  }
0x22: {  	[hbm:s3], [sflag:s12] =	dma.local @!p0 [spmem:s4], $0x9C40  }
0x23: {  	_ =	swait.ge @!p0 [sflag:s11], $0x9C40  }
0x24: {  	p1 =	por $0x1, $0x1;
	[sflag:s11] =	ssyncset.done @!p0 $0x0  }
.LBB2_2:
0x25: {  	[sflag:s11] =	ssyncadd.s32 @!p0 $0xFFFF63C0  }
0x26: {  	[spmem:s4], [sflag:s12] =	dma.local @!p0 [hbm:s9], $0x9C40  }
0x27: {  	s13 =	sadd.s32 $0xFFFFFFFF, s13;
	_ =	swait.ge @!p0 [sflag:s11], $0x9C40  }
0x28: {  	p2 =	sne.s32 s13, $0x0;
	[sflag:s11] =	ssyncset.done @!p0 $0x0  }
0x29: {  	[sflag:s11] =	ssyncadd.s32 @!p0 $0xFFFF63C0  }
0x2a: {  	[tilespmem:s2], [sflag:$0x1] =	stream.linear.gather [hbm4b:s7+s2], $0x9D8, $0x38;
	[tilespmem:$0x192F8] =	vst v63  }
0x2b: {  	_ = 	snop  }
0x2c: {  	[tilespmem:s5], [sflag:$0x1] =	stream.linear.gather [hbm4b:s8+s2], $0x13B00, $0x38;
	[tilespmem:$0x192F8] =	vst v63  }
0x2d: {  	[bflag:$0x0] =	sbarrier.arrive $0xFFFF  }
0x2e: {  	_ =	swait.ge [sflag:s10], $0x9D8  }
0x2f: {  	[sflag:s10] =	ssyncset.done $0x0  }
0x30: {  	[sflag:s10] =	ssyncadd.s32 $0xFFFFF628  }
0x31: {  	_ =	swait.ge [sflag:s10], $0x13B00  }
0x32: {  	[sflag:s10] =	ssyncset.done $0x0  }
0x33: {  	[sflag:s10] =	ssyncadd.s32 $0xFFFEC500  }
0x34: {  	[spmem:s1] =	stream.indirect.scatter.add.f32 [tilespmem:s5], [sflag:$0x2], $0x20, s2, s5, $0xb8;
	[tilespmem:$0x192F8] =	vst v63  }
0x35: {  	_ =	swait.ge [sflag:s6], $0x13B00  }
0x36: {  	[sflag:s6] =	ssyncset.done $0x0  }
.Ltmp2:
0x37: {  	[sflag:s6] =	ssyncadd.s32 $0xFFFEC500;
	(pc) =	sbr.rel @p2 .LBB2_2-.Ltmp2, $4  }
0x38: {  	[bflag:$0x0] =	sbarrier.arrive $0xFFFF  }
0x39: {  	[hbm:s3], [sflag:s12] =	dma.local @!p0 [spmem:s4], $0x9C40  }
0x3a: {  	_ =	swait.ge @!p0 [sflag:s11], $0x9C40  }
0x3b: {  	[sflag:s11] =	ssyncset.done @!p0 $0x0  }
.LBB2_3:
0x3c: {  	p1 =	por p0, !p1  }
0x3d: {  	s12 =	simm.s32 @!p0 $0x1C02;
	s13 =	simm.s32 @!p0 $0x2;
	[sflag:s11] =	ssyncadd.s32 @!p1 $0xFFFF63C0  }
0x3e: {  	[spmem:s4], [sflag:s12] =	dma.local @!p0 [hbm:s9], $0x9C40  }
0x3f: {  	_ =	swait.ge @!p0 [sflag:s13], $0x9C40  }
0x40: {  	[sflag:s13] =	ssyncset.done @!p0 $0x0  }
0x41: {  	[sflag:s13] =	ssyncadd.s32 @!p0 $0xFFFF63C0  }
0x42: {  	[tilespmem:s2], [sflag:$0x1] =	stream.linear.gather [hbm4b:s7+s2], $0x9D8, $0x38;
	[tilespmem:$0x192F8] =	vst v63  }
0x43: {  	_ = 	snop  }
0x44: {  	[tilespmem:s5], [sflag:$0x1] =	stream.linear.gather [hbm4b:s8+s2], $0x13B00, $0x38;
	[tilespmem:$0x192F8] =	vst v63  }
0x45: {  	[bflag:$0x0] =	sbarrier.arrive $0xFFFF  }
0x46: {  	_ =	swait.ge [sflag:s10], $0x9D8  }
0x47: {  	[sflag:s10] =	ssyncset.done $0x0  }
0x48: {  	[sflag:s10] =	ssyncadd.s32 $0xFFFFF628  }
0x49: {  	_ =	swait.ge [sflag:s10], $0x13B00  }
0x4a: {  	[sflag:s10] =	ssyncset.done $0x0  }
0x4b: {  	[sflag:s10] =	ssyncadd.s32 $0xFFFEC500  }
0x4c: {  	[spmem:s1] =	stream.indirect.scatter.add.f32 [tilespmem:s5], [sflag:$0x2], $0x20, s2, s5, $0xb8;
	[tilespmem:$0x192F8] =	vst v63  }
0x4d: {  	_ =	swait.ge [sflag:s6], $0x13B00  }
0x4e: {  	[sflag:s6] =	ssyncset.done $0x0  }
0x4f: {  	[sflag:s6] =	ssyncadd.s32 $0xFFFEC500  }
0x50: {  	[bflag:$0x0] =	sbarrier.arrive $0xFFFF  }
0x51: {  	[hbm:s3], [sflag:s12] =	dma.local @!p0 [spmem:s4], $0x9C40  }
0x52: {  	_ =	swait.ge @!p0 [sflag:s13], $0x9C40  }
0x53: {  	[sflag:s13] =	ssyncset.done @!p0 $0x0  }
0x54: {  	[sflag:s13] =	ssyncadd.s32 @!p0 $0xFFFF63C0  }
0x55: {  	_ =	sfence.sel $0x180000  }
0x56: {  	[bflag:$0x0] =	sbarrier.arrive $0xFFFF  }
0x57: {  	_ =	strace $0x90000065  }
0x58: {  	s0 =	sadd.s32 @!p0 $0x100000, s0;
	[bflag:$0x2] =	sbarrier.arrive $0xFFFF  }
0x59: {  	[sflag:s0] =	ssyncadd.tile.s32 @!p0 $0x1;
	_ =	shalt  }
.Lfunc_end2:
_tile_overlayer_lowered:
.L_overlay_start_2:
0x5a: {  	(tag) =	ssettag $0x2  }
0x5b: {  	s0 =	rddreg [dreg:$0x0];
	s2 =	stileid.u32  }
0x5c: {  	s1 =	rddreg [dreg:$0x1];
	p0 =	sne.s32 s2, $0x0  }
0x5d: {  	s3 =	rddreg [dreg:$0x2];
	[bflag:$0x3] =	sbarrier.arrive $0xFFFF;
	s2 =	simm.s32 @!p0 $0x1C02  }
0x5e: {  	[timem:s3], [sflag:s2] =	dma.local @!p0 [hbm:s0], s1  }
0x5f: {  	s0 =	simm.s32 @!p0 $0x2  }
0x60: {  	_ =	swait.ge @!p0 [sflag:s0], s1  }
0x61: {  	s1 =	ssub.s32 @!p0 $0x0, s1;
	[sflag:s0] =	ssyncset.done @!p0 $0x0  }
0x62: {  	[sflag:s0] =	ssyncadd.s32 @!p0 s1  }
0x63: {  	[bflag:$0x3] =	sbarrier.arrive $0xFFFF  }
0x64: {  	_ =	shalt  }

// kernel: kernel.58.cloned.1.call-start
scs
__scs_entry_jumppad:
0x0: {  	(pc) =	sbr.rel $0x88, $3  }
0x1: {  	(tag) =	ssettag $0x0;
	lr =	simm.s32 $0x1  }
0x2: {  	[smem:$0x3F8E] =	sst lr;
	_ =	strace $0xD0000000  }
0x3: {  	_ = 	snop  }
0x4: {  	_ = 	snop  }
0x5: {  	_ = 	snop  }
0x6: {  	_ = 	snop  }
0x7: {  	_ = 	snop  }
__scs_overlays_trampoline_lowered:
0x8: {  	[smem:$0x3F9D] =	sst s0  }
0x9: {  	[smem:$0x3F9E] =	sst s1  }
0xa: {  	[smem:$0x3F9F] =	sst s2  }
0xb: {  	[smem:$0x3FA0] =	sst s3  }
0xc: {  	[smem:$0x3FA1] =	sst s4  }
0xd: {  	[smem:$0x3FA2] =	sst s5  }
0xe: {  	[smem:$0x3FA3] =	sst s6  }
0xf: {  	[smem:$0x3FA4] =	sst s7  }
0x10: {  	[smem:$0x3FA5] =	sst s8  }
0x11: {  	[smem:$0x3FA6] =	sst s9;
	s0 =	simm.s32 @!p0 $0x0  }
0x12: {  	s1 =	sld [smem:$0x3F8C];
	s0 =	simm.s32 @p0 $0x1  }
0x13: {  	[smem:$0x3FA7] =	sst s0;
	s0 =	simm.s32 @!p1 $0x0  }
0x14: {  	s2 =	sld [smem:$0x3F8B];
	s0 =	simm.s32 @p1 $0x1  }
0x15: {  	[smem:$0x3FA8] =	sst s0;
	s0 =	simm.s32 @!p2 $0x0  }
0x16: {  	s3 =	sld [smem:$0x3FDB];
	s0 =	simm.s32 @p2 $0x1  }
0x17: {  	s4 =	simm.s32 $0x1BF5;
	[smem:$0x3FAA] =	sst s0  }
0x18: {  	s0 =	sld [smem:$0x3F8D];
	_ =	swait.ge [sflag:s4], $0x0  }
0x19: {  	s7 =	sld [smem:$0x3F8E]  }
0x1a: {  	s8 =	sadd.s32 $0xFFFFE003, lr  }
0x1b: {  	s9 =	sadd.s32 $0xFFFFFEF7, lr;
	s5 =	simm.s32 $0xFFFFFFFF;
	p2 =	slt.u32 s8, $0xFFFFF086  }
0x1c: {  	p1 =	slt.u32 s9, $0xF7A;
	s5 =	simm.s32 @!p2 $0x0  }
0x1d: {  	s5 =	simm.s32 @p1 $0x1;
	p0 =	seq.s32 s7, s2  }
0x1e: {  	s7 =	smul.u32 @!p0 $0xF7A, s2;
	p2 =	seq.s32 @!p0 s5, $0x0  }
0x1f: {  	s9 =	smul.u32 $0xF7A, s1;
	s8 =	simm.s32 @!p0 $0x1BF5;
	p2 =	por !p2, p0  }
0x20: {  	[sflag:s8] =	ssyncset.s32 @!p0 $0xFFFFF086;
	s6 =	sadd.s32 @!p0 s3, s7;
	s7 =	simm.s32 @!p0 $0x108  }
0x21: {  	s3 =	sadd.s32 s3, s9;
	s6 =	sadd.s32 @!p0 $0x88, s6;
	s7 =	simm.s32 @p2 $0x1082  }
0x22: {  	[simem:s7], [sflag:s8] =	dma.local @!p0 [hbm:s6], $0xF7A  }
0x23: {  	s9 =	sor.u32 $0xD0000000, s2;
	s6 =	simm.s32 $0x108;
	_ =	swait.ge @!p0 [sflag:s8], $0x0  }
0x24: {  	s3 =	sadd.s32 $0x88, s3;
	s6 =	simm.s32 @!p1 $0x1082;
	[sflag:s4] =	ssyncset.s32 $0xFFFFF086  }
0x25: {  	[simem:s6], [sflag:s4] =	dma.local [hbm:s3], $0xF7A  }
0x26: {  	[smem:$0x3F8E] =	sst s1;
	(tag) =	ssettag s2;
	_ =	strace s9  }
0x27: {  	s1 =	sld [smem:$0x3F9E]  }
0x28: {  	s2 =	sld [smem:$0x3F9F]  }
0x29: {  	s4 =	sld [smem:$0x3FA1]  }
0x2a: {  	p0 =	seq.s32 s5, $0x0;
	s5 =	sld [smem:$0x3FA2]  }
0x2b: {  	s6 =	sld [smem:$0x3FA3]  }
0x2c: {  	s7 =	sld [smem:$0x3FA4]  }
0x2d: {  	s3 =	simm.s32 $0x108;
	s8 =	sld [smem:$0x3FA5]  }
0x2e: {  	s3 =	simm.s32 @!p0 $0x1082;
	s9 =	sld [smem:$0x3FA6]  }
0x2f: {  	lr =	sadd.s32 s0, s3;
	s0 =	sld [smem:$0x3F9D]  }
0x30: {  	s3 =	sld [smem:$0x3FA0]  }
0x31: {  	[smem:$0x3FA9] =	sst s10  }
0x32: {  	s10 =	sld [smem:$0x3FA7];
	_ =	sdelay $0x3  }
0x33: {  	p0 =	seq.s32 s10, $0x1;
	s10 =	sld [smem:$0x3FA9];
	_ =	sdelay $0x3  }
0x34: {  	[smem:$0x3FA9] =	sst s10  }
0x35: {  	s10 =	sld [smem:$0x3FA8];
	_ =	sdelay $0x3  }
0x36: {  	p1 =	seq.s32 s10, $0x1;
	s10 =	sld [smem:$0x3FA9];
	_ =	sdelay $0x3  }
0x37: {  	[smem:$0x3FA9] =	sst s10  }
0x38: {  	s10 =	sld [smem:$0x3FAA]  }
0x39: {  	_ = 	snop;
	(pc) =	sbr.ind lr, $3  }
0x3a: {  	_ = 	snop  }
0x3b: {  	_ = 	snop  }
0x3c: {  	p2 =	seq.s32 s10, $0x1;
	s10 =	sld [smem:$0x3FA9]  }
0x3d: {  	_ =	shalt  }
0x3e: {  	_ =	shalt  }
0x3f: {  	_ =	shalt  }
0x40: {  	_ =	shalt  }
0x41: {  	_ =	shalt  }
0x42: {  	_ =	shalt  }
0x43: {  	_ =	shalt  }
0x44: {  	_ =	shalt  }
0x45: {  	_ =	shalt  }
0x46: {  	_ =	shalt  }
0x47: {  	_ =	shalt  }
0x48: {  	_ =	shalt  }
0x49: {  	_ =	shalt  }
0x4a: {  	_ =	shalt  }
0x4b: {  	_ =	shalt  }
0x4c: {  	_ =	shalt  }
0x4d: {  	_ =	shalt  }
0x4e: {  	_ =	shalt  }
0x4f: {  	_ =	shalt  }
0x50: {  	_ =	shalt  }
0x51: {  	_ =	shalt  }
0x52: {  	_ =	shalt  }
0x53: {  	_ =	shalt  }
0x54: {  	_ =	shalt  }
0x55: {  	_ =	shalt  }
0x56: {  	_ =	shalt  }
0x57: {  	_ =	shalt  }
0x58: {  	_ =	shalt  }
0x59: {  	_ =	shalt  }
0x5a: {  	_ =	shalt  }
0x5b: {  	_ =	shalt  }
0x5c: {  	_ =	shalt  }
0x5d: {  	_ =	shalt  }
0x5e: {  	_ =	shalt  }
0x5f: {  	_ =	shalt  }
0x60: {  	_ =	shalt  }
0x61: {  	_ =	shalt  }
0x62: {  	_ =	shalt  }
0x63: {  	_ =	shalt  }
0x64: {  	_ =	shalt  }
0x65: {  	_ =	shalt  }
0x66: {  	_ =	shalt  }
0x67: {  	_ =	shalt  }
0x68: {  	_ =	shalt  }
0x69: {  	_ =	shalt  }
0x6a: {  	_ =	shalt  }
0x6b: {  	_ =	shalt  }
0x6c: {  	_ =	shalt  }
0x6d: {  	_ =	shalt  }
0x6e: {  	_ =	shalt  }
0x6f: {  	_ =	shalt  }
0x70: {  	_ =	shalt  }
0x71: {  	_ =	shalt  }
0x72: {  	_ =	shalt  }
0x73: {  	_ =	shalt  }
0x74: {  	_ =	shalt  }
0x75: {  	_ =	shalt  }
0x76: {  	_ =	shalt  }
0x77: {  	_ =	shalt  }
0x78: {  	_ =	shalt  }
0x79: {  	_ =	shalt  }
0x7a: {  	_ =	shalt  }
0x7b: {  	_ =	shalt  }
0x7c: {  	_ =	shalt  }
0x7d: {  	_ =	shalt  }
0x7e: {  	_ =	shalt  }
0x7f: {  	_ =	shalt  }
0x80: {  	_ =	shalt  }
0x81: {  	_ =	shalt  }
0x82: {  	_ =	shalt  }
0x83: {  	_ =	shalt  }
0x84: {  	_ =	shalt  }
0x85: {  	_ =	shalt  }
0x86: {  	_ =	shalt  }
0x87: {  	_ =	shalt  }
.Lfunc_end0:
.L_simem_size_0:
called_computation.11_lowered:
.L_overlay_start_0:
0x88: {  	s2 =	sld [smem:$0x3FD9]  }
0x89: {  	s3 =	sld [smem:$0x3FFE];
	_ =	sdelay $0x1  }
0x8a: {  	s1 =	srdreg.scid  }
0x8b: {  	s0 =	sand.u32 $0x1, s1  }
0x8c: {  	s17 =	sshll.u32 s0, $0xA;
	s2 =	sadd.s32 s3, s2  }
0x8d: {  	s2 =	sadd.s32 s2, s17  }
0x8e: {  	[smem:$0x3FB5] =	sst s2  }
0x8f: {  	_ = 	snop  }
0x90: {  	(tm) =	ssettm $0x1  }
0x91: {  	s18 =	sld [smem:$0x3FFB];
	_ =	sdelay $0x3  }
0x92: {  	_ =	strace s18  }
0x93: {  	s2 =	sld [smem:$0x3FFC];
	_ =	sdelay $0x3  }
0x94: {  	_ =	strace s2  }
0x95: {  	s2 =	sld [smem:$0x3FFD];
	_ =	sdelay $0x3  }
0x96: {  	_ =	strace s2  }
0x97: {  	_ =	strace $0x8FFFFFFF  }
0x98: {  	s19 =	sld [smem:$0x3FDB];
	_ =	sdelay $0x1  }
0x99: {  	s20 =	simm.s32 $_scs_section_size  }
0x9a: {  	s4 =	simm.s32 $_size__tile_overlayer_lowered;
	s5 =	simm.s32 $_tile_overlayer_lowered  }
0x9b: {  	s6 =	simm.s32 $0x1BFF;
	s21 =	sshll.u32 s5, $0x1;
	s3 =	sadd.s32 s20, s19  }
0x9c: {  	s22 =	simm.s32 $0x0;
	s4 =	sshll.u32 s4, $0x1;
	s5 =	sadd.s32 s21, s3  }
0x9d: {  	[timem:s22], [sflag:s6] =	dma.local [hbm:s5], s4  }
0x9e: {  	_ =	swait.ge [sflag:s6], s4  }
0x9f: {  	s4 =	ssub.s32 $0x0, s4;
	[sflag:s6] =	ssyncset.done $0x0  }
0xa0: {  	[sflag:s6] =	ssyncadd.s32 s4;
	_ =	sdelay $0x1  }
0xa1: {  	s23 =	simm.s32 $0x1B8B  }
0xa2: {  	_ =	swait.ge [sflag:s23], $0x1  }
0xa3: {  	[sflag:s23] =	ssyncset.done $0x0  }
0xa4: {  	[sflag:s23] =	ssyncadd.s32 $0xFFFFFFFF  }
0xa5: {  	s4 =	sld [smem:$0x0]  }
0xa6: {  	s5 =	sand.u32 $0xFFFFFFFE, s1  }
0xa7: {  	p0 =	sne.s32 s1, s5  }
0xa8: {  	s5 =	sshll.u32 @p0 s5, $0xE  }
0xa9: {  	s5 =	sadd.s32 @p0 $0x11B8D, s5;
	s6 =	sshll.u32 @p0 s4, $0x11  }
0xaa: {  	s5 =	sor.u32 @p0 s6, s5  }
0xab: {  	[sflag:s5] =	ssyncadd.remote.s32 @p0 $0x1;
	_ =	sdelay $0x1  }
0xac: {  	s5 =	simm.s32 @p0 $0x1B8D  }
0xad: {  	_ =	swait.eq @p0 [sflag:s5], $0x1  }
0xae: {  	[sflag:s5] =	ssyncadd.s32 @p0 $0xFFFFFFFF  }
0xaf: {  	s6 =	sshll.u32 @!p0 s1, $0xE  }
0xb0: {  	s6 =	sor.u32 @!p0 $0x4000, s6;
	s5 =	simm.s32 @!p0 $0x1B8D  }
0xb1: {  	s4 =	sshll.u32 @!p0 s4, $0x11;
	s6 =	sadd.s32 @!p0 $0x11B8D, s6;
	_ =	swait.eq @!p0 [sflag:s5], $0x1  }
0xb2: {  	s4 =	sor.u32 @!p0 s4, s6;
	[sflag:s5] =	ssyncadd.s32 @!p0 $0xFFFFFFFF  }
0xb3: {  	s25 =	simm.s32 $0x1B8E;
	s24 =	sld [smem:$0x3FFE];
	[sflag:s4] =	ssyncadd.remote.s32 @!p0 $0x1  }
0xb4: {  	s26 =	simm.s32 $execute0_lowered;
	[smem:$0x3FD2] =	sst s25  }
0xb5: {  	s5 =	sshll.u32 s26, $0x1;
	_ =	strace $0x80000067;
	[dreg:$0x1] =	wrdreg $0xFFFFFFFF  }
0xb6: {  	s28 =	simm.s32 $_size_execute0_lowered;
	s3 =	sadd.s32 s3, s5;
	[dreg:$0x0] =	wrdreg $0x0  }
0xb7: {  	s5 =	sshll.u32 s28, $0x1;
	[dreg:$0x2] =	wrdreg s3  }
0xb8: {  	[dreg:$0x3] =	wrdreg s5  }
0xb9: {  	[dreg:$0x4] =	wrdreg $0xC0  }
0xba: {  	_ =	task [dreg:s22], $0x5FFFF  }
0xbb: {  	[dreg:$0x1] =	wrdreg $0xFFFFFFFF  }
0xbc: {  	[dreg:$0x0] =	wrdreg $0x60  }
0xbd: {  	[dreg:$0x2] =	wrdreg s24  }
0xbe: {  	[dreg:$0x3] =	wrdreg $0x13FB00  }
0xbf: {  	[dreg:$0x4] =	wrdreg $0x9  }
0xc0: {  	_ =	task.clear_ibuf [dreg:s22], $0x5FFFF;
	_ =	strace $0x90000067  }
0xc1: {  	s29 =	simm.s32 $0x9;
	_ =	strace $0x80000069  }
0xc2: {  	_ =	swait.ge [sflag:s29], $0x1  }
0xc3: {  	[sflag:s29] =	ssyncadd.s32 $0xFFFFFFFF  }
0xc4: {  	_ =	strace $0x90000069  }
0xc5: {  	_ =	sfence  }
0xc6: {  	s30 =	sld [smem:$0x0];
	_ =	sdelay $0x2  }
0xc7: {  	s31 =	sshll.u32 s1, $0xD;
	s1 =	sshrl.u32 s1, $0x2  }
0xc8: {  	s4 =	sand.u32 $0x4000, s31;
	s1 =	sadd.s32 s1, s30  }
0xc9: {  	s0 =	sor.u32 s4, s0;
	s1 =	sshll.u32 s1, $0x11  }
0xca: {  	s0 =	sor.u32 s1, s0  }
0xcb: {  	s0 =	sadd.s32 $0x8F2B, s0  }
0xcc: {  	[sflag:s0] =	ssyncadd.remote.s32 $0x1  }
0xcd: {  	_ =	sfence.sel $0xFFFF  }
0xce: {  	[dreg:$0x0] =	wrdreg $0xFFFFFFFF;
	(pc) =	sbr.abs _section_cstart, $3  }
0xcf: {  	[dreg:$0x1] =	wrdreg $0xFFFFFFFF  }
0xd0: {  	_ =	task.clear_ibuf [dreg:s22], $0x2FFFF;
	_ =	strace $0x9FFFFFFF  }
0xd1: {  	(tm) =	ssettm $0x7FFFFFFF  }
tec
execute0_lowered:
.L_overlay_start_1:
0x0: {  	(tag) =	ssettag $0x1  }
0x1: {  	s0 =	srdreg.scid  }
0x2: {  	s5 =	sand.u32 $0x1, s0  }
0x3: {  	s3 =	rddreg [dreg:$0x0];
	s4 =	stileid.u32;
	s9 =	ssub.s32 $0x2, s5  }
0x4: {  	s1 =	rddreg [dreg:$0x1];
	s2 =	simm.s32 $0x0;
	s10 =	sshrl.u32 s9, $0x1  }
0x5: {  	p1 =	por $0x0, $0x0;
	s6 =	sshll.u32 s4, $0x1;
	s10 =	ssub.s32 s9, s10  }
0x6: {  	s6 =	sor.u32 s5, s6;
	s8 =	smul.u32 $0x9C40, s5;
	s31 =	smax.u32 s10, $0x1  }
0x7: {  	s0 =	rddreg [dreg:$0x2];
	s7 =	smul.u32 $0x26C0, s6;
	s13 =	sadd.s32 $0xFFFFFFFF, s31  }
0x8: {  	[smem:$0x7FF] =	sst s2;
	s6 =	smul.u32 $0x9B0, s6;
	p2 =	sne.s32 s13, $0x0  }
.Ltmp0:
0x9: {  	p0 =	sne.s32 s4, $0x0;
	_ =	strace $0x80000068;
	(pc) =	sbr.rel @!p2 .LBB2_3-.Ltmp0, $4  }
0xa: {  	s5 =	sadd.s32 $0x347000, s3;
	s4 =	sshrl.u32 @!p0 s1, $0x3;
	s11 =	sadd.s32 s8, s3  }
0xb: {  	s7 =	sadd.s32 s7, s3;
	s6 =	sshrl.u32 s6, $0x3;
	s10 =	simm.s32 $0x1  }
0xc: {  	s3 =	sadd.s32 s3, s6;
	s9 =	sadd.s32 $0x39C00, s7;
	s6 =	simm.s32 $0x9B0  }
0xd: {  	s7 =	simm.s32 $0x2;
	s8 =	sadd.s32 $0x37360, s3;
	s3 =	sadd.s32 $0xAF000, s11  }
0xe: {  	s12 =	simm.s32 @!p0 $0x1C02;
	s11 =	simm.s32 @!p0 $0x2  }
0xf: {  	[spmem:s4], [sflag:s12] =	dma.local @!p0 [hbm:s5], $0x9C40  }
0x10: {  	_ =	swait.ge @!p0 [sflag:s11], $0x9C40  }
0x11: {  	[sflag:s11] =	ssyncset.done @!p0 $0x0  }
0x12: {  	[sflag:s11] =	ssyncadd.s32 @!p0 $0xFFFF63C0  }
0x13: {  	[tilespmem:s2], [sflag:$0x1] =	stream.linear.gather [hbm4b:s8+s2], $0x9B0, $0x38;
	[tilespmem:$0x18DD0] =	vst v63  }
0x14: {  	_ = 	snop  }
0x15: {  	[tilespmem:s6], [sflag:$0x1] =	stream.linear.gather [hbm4b:s9+s2], $0x13600, $0x38;
	[tilespmem:$0x18DD0] =	vst v63  }
0x16: {  	[bflag:$0x0] =	sbarrier.arrive $0xFFFF  }
0x17: {  	_ =	swait.ge [sflag:s10], $0x9B0  }
0x18: {  	[sflag:s10] =	ssyncset.done $0x0  }
0x19: {  	[sflag:s10] =	ssyncadd.s32 $0xFFFFF650  }
0x1a: {  	_ =	swait.ge [sflag:s10], $0x13600  }
0x1b: {  	[sflag:s10] =	ssyncset.done $0x0  }
0x1c: {  	[sflag:s10] =	ssyncadd.s32 $0xFFFECA00  }
0x1d: {  	[spmem:s1] =	stream.indirect.scatter.add.f32 [tilespmem:s6], [sflag:$0x2], $0x20, s2, s6, $0xb8;
	[tilespmem:$0x18DD0] =	vst v63  }
0x1e: {  	s13 =	sadd.s32 $0xFFFFFFFF, s13;
	_ =	swait.ge [sflag:s7], $0x13600  }
0x1f: {  	p2 =	sne.s32 s13, $0x0;
	[sflag:s7] =	ssyncset.done $0x0  }
.Ltmp1:
0x20: {  	[sflag:s7] =	ssyncadd.s32 $0xFFFECA00;
	(pc) =	sbr.rel @!p2 .LBB2_3-.Ltmp1, $4  }
0x21: {  	[bflag:$0x0] =	sbarrier.arrive $0xFFFF  }
0x22: {  	[hbm:s3], [sflag:s12] =	dma.local @!p0 [spmem:s4], $0x9C40  }
0x23: {  	_ =	swait.ge @!p0 [sflag:s11], $0x9C40  }
0x24: {  	p1 =	por $0x1, $0x1;
	[sflag:s11] =	ssyncset.done @!p0 $0x0  }
.LBB2_2:
0x25: {  	[sflag:s11] =	ssyncadd.s32 @!p0 $0xFFFF63C0  }
0x26: {  	[spmem:s4], [sflag:s12] =	dma.local @!p0 [hbm:s5], $0x9C40  }
0x27: {  	s13 =	sadd.s32 $0xFFFFFFFF, s13;
	_ =	swait.ge @!p0 [sflag:s11], $0x9C40  }
0x28: {  	p2 =	sne.s32 s13, $0x0;
	[sflag:s11] =	ssyncset.done @!p0 $0x0  }
0x29: {  	[sflag:s11] =	ssyncadd.s32 @!p0 $0xFFFF63C0  }
0x2a: {  	[tilespmem:s2], [sflag:$0x1] =	stream.linear.gather [hbm4b:s8+s2], $0x9B0, $0x38;
	[tilespmem:$0x18DD0] =	vst v63  }
0x2b: {  	_ = 	snop  }
0x2c: {  	[tilespmem:s6], [sflag:$0x1] =	stream.linear.gather [hbm4b:s9+s2], $0x13600, $0x38;
	[tilespmem:$0x18DD0] =	vst v63  }
0x2d: {  	[bflag:$0x0] =	sbarrier.arrive $0xFFFF  }
0x2e: {  	_ =	swait.ge [sflag:s10], $0x9B0  }
0x2f: {  	[sflag:s10] =	ssyncset.done $0x0  }
0x30: {  	[sflag:s10] =	ssyncadd.s32 $0xFFFFF650  }
0x31: {  	_ =	swait.ge [sflag:s10], $0x13600  }
0x32: {  	[sflag:s10] =	ssyncset.done $0x0  }
0x33: {  	[sflag:s10] =	ssyncadd.s32 $0xFFFECA00  }
0x34: {  	[spmem:s1] =	stream.indirect.scatter.add.f32 [tilespmem:s6], [sflag:$0x2], $0x20, s2, s6, $0xb8;
	[tilespmem:$0x18DD0] =	vst v63  }
0x35: {  	_ =	swait.ge [sflag:s7], $0x13600  }
0x36: {  	[sflag:s7] =	ssyncset.done $0x0  }
.Ltmp2:
0x37: {  	[sflag:s7] =	ssyncadd.s32 $0xFFFECA00;
	(pc) =	sbr.rel @p2 .LBB2_2-.Ltmp2, $4  }
0x38: {  	[bflag:$0x0] =	sbarrier.arrive $0xFFFF  }
0x39: {  	[hbm:s3], [sflag:s12] =	dma.local @!p0 [spmem:s4], $0x9C40  }
0x3a: {  	_ =	swait.ge @!p0 [sflag:s11], $0x9C40  }
0x3b: {  	[sflag:s11] =	ssyncset.done @!p0 $0x0  }
.LBB2_3:
0x3c: {  	p1 =	por p0, !p1  }
0x3d: {  	s12 =	simm.s32 @!p0 $0x1C02;
	s13 =	simm.s32 @!p0 $0x2;
	[sflag:s11] =	ssyncadd.s32 @!p1 $0xFFFF63C0  }
0x3e: {  	[spmem:s4], [sflag:s12] =	dma.local @!p0 [hbm:s5], $0x9C40  }
0x3f: {  	_ =	swait.ge @!p0 [sflag:s13], $0x9C40  }
0x40: {  	[sflag:s13] =	ssyncset.done @!p0 $0x0  }
0x41: {  	[sflag:s13] =	ssyncadd.s32 @!p0 $0xFFFF63C0  }
0x42: {  	[tilespmem:s2], [sflag:$0x1] =	stream.linear.gather [hbm4b:s8+s2], $0x9B0, $0x38;
	[tilespmem:$0x18DD0] =	vst v63  }
0x43: {  	_ = 	snop  }
0x44: {  	[tilespmem:s6], [sflag:$0x1] =	stream.linear.gather [hbm4b:s9+s2], $0x13600, $0x38;
	[tilespmem:$0x18DD0] =	vst v63  }
0x45: {  	[bflag:$0x0] =	sbarrier.arrive $0xFFFF  }
0x46: {  	_ =	swait.ge [sflag:s10], $0x9B0  }
0x47: {  	[sflag:s10] =	ssyncset.done $0x0  }
0x48: {  	[sflag:s10] =	ssyncadd.s32 $0xFFFFF650  }
0x49: {  	_ =	swait.ge [sflag:s10], $0x13600  }
0x4a: {  	[sflag:s10] =	ssyncset.done $0x0  }
0x4b: {  	[sflag:s10] =	ssyncadd.s32 $0xFFFECA00  }
0x4c: {  	[spmem:s1] =	stream.indirect.scatter.add.f32 [tilespmem:s6], [sflag:$0x2], $0x20, s2, s6, $0xb8;
	[tilespmem:$0x18DD0] =	vst v63  }
0x4d: {  	_ =	swait.ge [sflag:s7], $0x13600  }
0x4e: {  	[sflag:s7] =	ssyncset.done $0x0  }
0x4f: {  	[sflag:s7] =	ssyncadd.s32 $0xFFFECA00  }
0x50: {  	[bflag:$0x0] =	sbarrier.arrive $0xFFFF  }
0x51: {  	[hbm:s3], [sflag:s12] =	dma.local @!p0 [spmem:s4], $0x9C40  }
0x52: {  	_ =	swait.ge @!p0 [sflag:s13], $0x9C40  }
0x53: {  	[sflag:s13] =	ssyncset.done @!p0 $0x0  }
0x54: {  	[sflag:s13] =	ssyncadd.s32 @!p0 $0xFFFF63C0  }
0x55: {  	_ =	sfence.sel $0x180000  }
0x56: {  	[bflag:$0x0] =	sbarrier.arrive $0xFFFF  }
0x57: {  	_ =	strace $0x90000068  }
0x58: {  	s0 =	sadd.s32 @!p0 $0x100000, s0;
	[bflag:$0x2] =	sbarrier.arrive $0xFFFF  }
0x59: {  	[sflag:s0] =	ssyncadd.tile.s32 @!p0 $0x1;
	_ =	shalt  }
.Lfunc_end2:
_tile_overlayer_lowered:
.L_overlay_start_2:
0x5a: {  	(tag) =	ssettag $0x2  }
0x5b: {  	s0 =	rddreg [dreg:$0x0];
	s2 =	stileid.u32  }
0x5c: {  	s1 =	rddreg [dreg:$0x1];
	p0 =	sne.s32 s2, $0x0  }
0x5d: {  	s3 =	rddreg [dreg:$0x2];
	[bflag:$0x3] =	sbarrier.arrive $0xFFFF;
	s2 =	simm.s32 @!p0 $0x1C02  }
0x5e: {  	[timem:s3], [sflag:s2] =	dma.local @!p0 [hbm:s0], s1  }
0x5f: {  	s0 =	simm.s32 @!p0 $0x2  }
0x60: {  	_ =	swait.ge @!p0 [sflag:s0], s1  }
0x61: {  	s1 =	ssub.s32 @!p0 $0x0, s1;
	[sflag:s0] =	ssyncset.done @!p0 $0x0  }
0x62: {  	[sflag:s0] =	ssyncadd.s32 @!p0 s1  }
0x63: {  	[bflag:$0x3] =	sbarrier.arrive $0xFFFF  }
0x64: {  	_ =	shalt  }

</sc_bundles>
